<compile_context>
chip_gen: v7x
topology: tpu7x:2x2x1
jax: 0.10.2.dev20260603
libtpu: 0.0.44.dev20260713+nightly
codegen_flags: <defaults>
</compile_context>

<pallas_src>
import jax
import jax.numpy as jnp
from jax import lax
from jax.experimental import pallas as pl
from jax.experimental.pallas import tpu as pltpu
from jax.experimental.pallas import tpu_sc as plsc

N_NODES = 24576
N_EDGES = 393216
D_NODE = 128
D_EDGE_IN = 4
D_EDGE = 16
D_ATT = 64
NUM_PAIRS = 256
NODES_PER_GRAPH = 48
MAX_SET = 64
STEPS = 3
TEMP = 0.1

NC = 2
NS = 16
HALF = D_NODE // NC
EXP_ROWS = N_NODES // NS
CHUNK = 128
EDGE_ROWS = N_EDGES // CHUNK
ROWS_PER_TILE = EDGE_ROWS // NS
P0_ROWS = EDGE_ROWS // (NC * NS)
NBUF = 3
IDX_G = 24
OUTER = ROWS_PER_TILE // IDX_G

BLK = 512
N_BLKS = N_NODES // BLK


def _prep_body(wmsg_ref, wupd_ref, m8_ref, bm8_ref, wcat_ref, wtp_ref, we8_ref):
    wub = wupd_ref[D_NODE:, :]
    wcat_ref[:D_NODE, :] = wupd_ref[:D_NODE, :]
    wcat_ref[D_NODE:, :] = jnp.dot(wmsg_ref[:D_NODE, :], wub,
                                   preferred_element_type=jnp.float32)
    wtp_ref[...] = jnp.dot(wmsg_ref[D_NODE:2 * D_NODE, :], wub,
                           preferred_element_type=jnp.float32)
    tmp = jnp.dot(m8_ref[...], wmsg_ref[2 * D_NODE:, :],
                  preferred_element_type=jnp.float32) + bm8_ref[...]
    we8_ref[...] = jnp.dot(tmp, wub, preferred_element_type=jnp.float32)


def _prep_weights(W_msg, W_upd, M8, bm8):
    return pl.pallas_call(
        _prep_body,
        out_shape=(
            jax.ShapeDtypeStruct((2 * D_NODE, D_NODE), jnp.float32),
            jax.ShapeDtypeStruct((D_NODE, D_NODE), jnp.float32),
            jax.ShapeDtypeStruct((8, D_NODE), jnp.float32),
        ),
    )(W_msg, W_upd, M8, bm8)


NP = N_NODES // 2
BLK2 = 256


def _expand128(W):
    M = jnp.zeros((256, 256), jnp.float32)
    for a in range(2):
        for ib in range(2):
            for jb in range(2):
                M = M.at[ib * 128 + a * 64:ib * 128 + a * 64 + 64,
                         jb * 128 + a * 64:jb * 128 + a * 64 + 64].set(
                             W[ib * 64:(ib + 1) * 64, jb * 64:(jb + 1) * 64])
    return M


def _expand128_seq(W):
    M = jnp.zeros((256, 256), jnp.float32)
    for a in range(2):
        for jb in range(2):
            M = M.at[a * 128:(a + 1) * 128,
                     jb * 128 + a * 64:jb * 128 + a * 64 + 64].set(
                         W[:, jb * 64:(jb + 1) * 64])
    return M


def _tile_bias(b):
    return jnp.concatenate([b[:64], b[:64], b[64:], b[64:]]).reshape(1, 256)


def _enc_body(x_ref, w_ref, b_ref, out_ref):
    y = jnp.dot(x_ref[...], w_ref[...], preferred_element_type=jnp.float32)
    y = y + b_ref[...]
    out_ref[0] = y[:, :D_NODE]
    out_ref[1] = y[:, D_NODE:]


def _encoder(xp, Mne, bneI):
    return pl.pallas_call(
        _enc_body,
        grid=(NP // BLK2,),
        in_specs=[
            pl.BlockSpec((BLK2, 2 * D_NODE), lambda i: (i, 0)),
            pl.BlockSpec((2 * D_NODE, 2 * D_NODE), lambda i: (0, 0)),
            pl.BlockSpec((1, 2 * D_NODE), lambda i: (0, 0)),
        ],
        out_specs=pl.BlockSpec((NC, BLK2, D_NODE), lambda i: (0, i, 0)),
        out_shape=jax.ShapeDtypeStruct((NC, NP, D_NODE), jnp.float32),
    )(xp, Mne, bneI)


def _esum_body(e_ref, out_ref):
    out_ref[...] = e_ref[0] + e_ref[1]


def _esum(e2):
    return pl.pallas_call(
        _esum_body,
        grid=(N_BLKS,),
        in_specs=[pl.BlockSpec((NC, BLK, 8), lambda i: (0, i, 0))],
        out_specs=pl.BlockSpec((BLK, 8), lambda i: (i, 0)),
        out_shape=jax.ShapeDtypeStruct((N_NODES, 8), jnp.float32),
    )(e2)


def _pass0_body(e2d, to2d, zrows, zacc, out, tbuf, ev, rows8, acc8):
    c = lax.axis_index("c")
    s = lax.axis_index("s")
    pltpu.sync_copy(zacc, acc8.at[pl.ds(s * EXP_ROWS, EXP_ROWS)])
    pltpu.sync_copy(zrows, rows8)
    lane = jnp.arange(16, dtype=jnp.int32)
    ones = jnp.ones((16,), jnp.float32)
    col4 = jnp.full((16,), 4, jnp.int32)
    for k in range(8):
        plsc.store_scatter(rows8, [k * 16 + lane, col4], ones)
    base = c * (NS * P0_ROWS) + s * P0_ROWS
    pltpu.sync_copy(to2d.at[pl.ds(base, P0_ROWS)], tbuf)
    pltpu.sync_copy(e2d.at[pl.ds(base * 4, P0_ROWS * 4)], ev)
    plsc.subcore_barrier()

    def chunk(r, carry):
        for j in range(4):
            colj = jnp.full((16,), j, jnp.int32)
            for g in range(8):
                v = ev[r * 4 + j, pl.ds(g * 16, 16)]
                plsc.store_scatter(rows8, [g * 16 + lane, colj], v)
        pltpu.sync_copy(rows8, acc8.at[tbuf.at[r]], add=True)
        return carry

    lax.fori_loop(0, P0_ROWS, chunk, 0)
    plsc.subcore_barrier()
    sl = pl.ds(s * EXP_ROWS, EXP_ROWS)
    pltpu.sync_copy(acc8.at[sl], out.at[c].at[sl])


def _pass0(edge_features, to2d):
    e2d = (jnp.swapaxes(edge_features, 0, 1)
           .reshape(D_EDGE_IN, EDGE_ROWS, CHUNK)
           .transpose(1, 0, 2)
           .reshape(EDGE_ROWS * D_EDGE_IN, CHUNK))
    mesh = plsc.VectorSubcoreMesh(core_axis_name="c", subcore_axis_name="s",
                                  num_cores=NC, num_subcores=NS)
    zrows = jnp.zeros((CHUNK, 8), jnp.float32)
    zacc = jnp.zeros((EXP_ROWS, 8), jnp.float32)
    f = pl.kernel(
        _pass0_body,
        out_type=jax.ShapeDtypeStruct((NC, N_NODES, 8), jnp.float32),
        mesh=mesh,
        compiler_params=pltpu.CompilerParams(use_tc_tiling_on_sc=False,
                                             needs_layout_passes=False),
        scratch_types=[
            pltpu.VMEM((P0_ROWS, CHUNK), jnp.int32),
            pltpu.VMEM((P0_ROWS * 4, CHUNK), jnp.float32),
            pltpu.VMEM((CHUNK, 8), jnp.float32),
            pltpu.VMEM_SHARED((N_NODES, 8), jnp.float32),
        ],
    )
    return f(e2d, to2d, zrows, zacc)


def _spmm_body(h3, from2d, to2d, zeros, out, fbuf, tbuf, rows, acc, sems):
    c = lax.axis_index("c")
    s = lax.axis_index("s")
    pltpu.sync_copy(zeros, acc.at[pl.ds(s * EXP_ROWS, EXP_ROWS)])
    plsc.subcore_barrier()

    def outer(o, carry):
        base = s * ROWS_PER_TILE + o * IDX_G
        pltpu.sync_copy(from2d.at[pl.ds(base, IDX_G)], fbuf)
        pltpu.sync_copy(to2d.at[pl.ds(base, IDX_G)], tbuf)
        for b in range(NBUF):
            pltpu.async_copy(h3.at[c].at[fbuf.at[b]], rows.at[b], sems.at[b])

        def chunk(r, carry2):
            b = lax.rem(r, NBUF)
            pltpu.make_async_copy(h3.at[c].at[fbuf.at[r]], rows.at[b],
                                  sems.at[b]).wait()
            pltpu.sync_copy(rows.at[b], acc.at[tbuf.at[r]], add=True)

            @pl.when(r + NBUF < IDX_G)
            def _():
                pltpu.async_copy(h3.at[c].at[fbuf.at[r + NBUF]], rows.at[b],
                                 sems.at[b])

            return carry2

        lax.fori_loop(0, IDX_G, chunk, 0)
        return carry

    lax.fori_loop(0, OUTER, outer, 0)
    plsc.subcore_barrier()
    sl = pl.ds(s * EXP_ROWS, EXP_ROWS)
    pltpu.sync_copy(acc.at[sl], out.at[c].at[sl])


def _spmm(h3, from2d, to2d, zeros):
    mesh = plsc.VectorSubcoreMesh(core_axis_name="c", subcore_axis_name="s",
                                  num_cores=NC, num_subcores=NS)
    f = pl.kernel(
        _spmm_body,
        out_type=jax.ShapeDtypeStruct((NC, N_NODES, HALF), jnp.float32),
        mesh=mesh,
        compiler_params=pltpu.CompilerParams(use_tc_tiling_on_sc=False),
        scratch_types=[
            pltpu.VMEM((IDX_G, CHUNK), jnp.int32),
            pltpu.VMEM((IDX_G, CHUNK), jnp.int32),
            pltpu.VMEM((NBUF, CHUNK, HALF), jnp.float32),
            pltpu.VMEM_SHARED((N_NODES, HALF), jnp.float32),
            pltpu.SemaphoreType.DMA((NBUF,)),
        ],
    )
    return f(h3, from2d, to2d, zeros)


def _step_body(h_ref, a_ref, e_ref, mcat_ref, u_ref, we16_ref, b_ref, out_ref):
    xh = jnp.concatenate([h_ref[0], h_ref[1]], axis=1)
    x = jnp.concatenate([xh, a_ref[0], a_ref[1]], axis=1)
    e16 = e_ref[...]
    cp = e16[:, 4:5]
    cq = e16[:, 12:13]
    ones64 = jnp.ones((1, 64), jnp.float32)
    cnt_i = jnp.concatenate([cp * ones64, cq * ones64,
                             cp * ones64, cq * ones64], axis=1)
    y = jnp.dot(x, mcat_ref[...], preferred_element_type=jnp.float32)
    y = y + jnp.dot(cnt_i * xh, u_ref[...], preferred_element_type=jnp.float32)
    y = y + jnp.dot(e16, we16_ref[...], preferred_element_type=jnp.float32)
    y = y + b_ref[...]
    out_ref[0] = y[:, :D_NODE]
    out_ref[1] = y[:, D_NODE:]


def _step(P, aP, e16, Mcat, U, We16, bI):
    return pl.pallas_call(
        _step_body,
        grid=(NP // BLK2,),
        in_specs=[
            pl.BlockSpec((NC, BLK2, D_NODE), lambda i: (0, i, 0)),
            pl.BlockSpec((NC, BLK2, D_NODE), lambda i: (0, i, 0)),
            pl.BlockSpec((BLK2, 16), lambda i: (i, 0)),
            pl.BlockSpec((4 * D_NODE, 2 * D_NODE), lambda i: (0, 0)),
            pl.BlockSpec((2 * D_NODE, 2 * D_NODE), lambda i: (0, 0)),
            pl.BlockSpec((16, 2 * D_NODE), lambda i: (0, 0)),
            pl.BlockSpec((1, 2 * D_NODE), lambda i: (0, 0)),
        ],
        out_specs=pl.BlockSpec((NC, BLK2, D_NODE), lambda i: (0, i, 0)),
        out_shape=jax.ShapeDtypeStruct((NC, NP, D_NODE), jnp.float32),
    )(P, aP, e16, Mcat, U, We16, bI)


PAIRS_PER_PROG = 8


def _attn_body(x_ref, qs_ref, cs_ref,
               wa1_ref, ba1_ref, wa2_ref, ba2_ref, out_ref):
    p0 = pl.program_id(0) * PAIRS_PER_PROG
    zpad = jnp.zeros((MAX_SET - NODES_PER_GRAPH, D_NODE), jnp.float32)
    rows = lax.broadcasted_iota(jnp.int32, (MAX_SET, 1), 0)

    def att_feat(x):
        t = jnp.dot(x, wa1_ref[...], preferred_element_type=jnp.float32)
        t = jnp.maximum(t + ba1_ref[...], 0.0)
        t = jnp.dot(t, wa2_ref[...], preferred_element_type=jnp.float32)
        return t + ba2_ref[...]

    for g in range(PAIRS_PER_PROG):
        q = jnp.concatenate(
            [x_ref[g * 96:g * 96 + NODES_PER_GRAPH, :], zpad], axis=0)
        c = jnp.concatenate(
            [x_ref[g * 96 + NODES_PER_GRAPH:(g + 1) * 96, :], zpad], axis=0)
        qs = qs_ref[p0 + g]
        cs = cs_ref[p0 + g]
        qm = (rows < qs).astype(jnp.float32)
        cm = (rows < cs).astype(jnp.float32)
        mq = att_feat(q) * qm
        mc = att_feat(c) * cm
        la = lax.dot_general(mq, mc, (((1,), (1,)), ((), ())),
                             preferred_element_type=jnp.float32)
        pm = qm * cm.reshape(1, MAX_SET)
        masked = jnp.where(pm > 0.0, la * (1.0 / TEMP), -1e10)
        mx1 = jnp.max(masked, axis=1, keepdims=True)
        e1 = jnp.exp(masked - mx1)
        q_to_c = e1 / jnp.sum(e1, axis=1, keepdims=True)
        mx0 = jnp.max(masked, axis=0, keepdims=True)
        e0 = jnp.exp(masked - mx0)
        c_to_q = e0 / jnp.sum(e0, axis=0, keepdims=True)
        qd = q - jnp.dot(q_to_c, c, preferred_element_type=jnp.float32)
        q_score = -jnp.sum(jnp.sqrt(jnp.sum(qd * qd, axis=1) + 1e-12))
        cd = c - lax.dot_general(c_to_q, q, (((0,), (0,)), ((), ())),
                                 preferred_element_type=jnp.float32)
        c_score = -jnp.sum(jnp.sqrt(jnp.sum(cd * cd, axis=1) + 1e-12))
        out_ref[g, 0, :] = jnp.full((D_NODE,), jnp.maximum(q_score, c_score),
                                    jnp.float32)


def _attention(hF, query_sizes, corpus_sizes, W_a1, b_a1, W_a2, b_a2):
    return pl.pallas_call(
        _attn_body,
        grid=(NUM_PAIRS // PAIRS_PER_PROG,),
        in_specs=[
            pl.BlockSpec((PAIRS_PER_PROG * 96, D_NODE), lambda i: (i, 0)),
            pl.BlockSpec(memory_space=pltpu.MemorySpace.SMEM),
            pl.BlockSpec(memory_space=pltpu.MemorySpace.SMEM),
            pl.BlockSpec((D_NODE, D_ATT), lambda i: (0, 0)),
            pl.BlockSpec((1, D_ATT), lambda i: (0, 0)),
            pl.BlockSpec((D_ATT, D_ATT), lambda i: (0, 0)),
            pl.BlockSpec((1, D_ATT), lambda i: (0, 0)),
        ],
        out_specs=pl.BlockSpec((PAIRS_PER_PROG, 1, D_NODE), lambda i: (i, 0, 0)),
        out_shape=jax.ShapeDtypeStruct((NUM_PAIRS, 1, D_NODE), jnp.float32),
    )(hF, query_sizes, corpus_sizes, W_a1, b_a1, W_a2, b_a2)


def kernel(node_features, edge_features, from_idx, to_idx, query_sizes,
           corpus_sizes, W_ne, b_ne, W_ee, b_ee, W_msg, b_msg, W_upd, b_upd,
           W_a1, b_a1, W_a2, b_a2):
    from2d = from_idx.astype(jnp.int32).reshape(EDGE_ROWS, CHUNK)
    to2d = to_idx.astype(jnp.int32).reshape(EDGE_ROWS, CHUNK)

    M8 = jnp.zeros((8, D_EDGE), jnp.float32)
    M8 = M8.at[:D_EDGE_IN].set(W_ee)
    M8 = M8.at[4].set(b_ee)
    bm8 = jnp.zeros((8, D_NODE), jnp.float32)
    bm8 = bm8.at[4].set(b_msg)

    Wcat, Wtp, We8 = _prep_weights(W_msg, W_upd, M8, bm8)

    Mne = _expand128_seq(W_ne)
    bneI = _tile_bias(b_ne)
    Mcat = jnp.concatenate([_expand128(Wcat[:D_NODE]),
                            _expand128(Wcat[D_NODE:])], axis=0)
    U = _expand128(Wtp)
    We16 = jnp.zeros((16, 256), jnp.float32)
    for a in range(2):
        for jb in range(2):
            We16 = We16.at[a * 8:(a + 1) * 8,
                           jb * 128 + a * 64:jb * 128 + a * 64 + 64].set(
                               We8[:, jb * 64:(jb + 1) * 64])
    bI = _tile_bias(b_upd)

    xp = node_features.reshape(NP, 2 * D_NODE)
    P = _encoder(xp, Mne, bneI)
    e2 = _pass0(edge_features, to2d)
    e16 = _esum(e2).reshape(NP, 16)

    zeros = jnp.zeros((EXP_ROWS, HALF), jnp.float32)
    for _ in range(STEPS):
        a3 = _spmm(P.reshape(NC, N_NODES, HALF), from2d, to2d, zeros)
        P = _step(P, a3.reshape(NC, NP, D_NODE), e16, Mcat, U, We16, bI)

    hF = (P.reshape(2, NP, 2, HALF).transpose(1, 2, 0, 3)
          .reshape(N_NODES, D_NODE))
    scores = _attention(hF, query_sizes.astype(jnp.int32),
                        corpus_sizes.astype(jnp.int32),
                        W_a1, b_a1.reshape(1, D_ATT), W_a2,
                        b_a2.reshape(1, D_ATT))
    return scores[:, 0, 0]

# --- scband reference (transcript-rebuilt; emitter-appended) ---
"""Pipeline reference for scband-node-align-node-loss-attention-28501402976840 (READ-ONLY COPY).

The authoritative reference and input builder live on the scoring server;
editing this copy changes nothing except your own understanding.
"""

import jax, jax.numpy as jnp
import numpy as np

N_NODES = 24576
N_EDGES = 393216
D_NODE = 128
D_EDGE_IN = 4
D_EDGE = 16
D_ATT = 64
NUM_PAIRS = 256
NODES_PER_GRAPH = 48
MAX_SET = 64
STEPS = 3
TEMP = 0.1

def setup_inputs(seed: int = 0) -> dict:
    key = jax.random.key(seed)
    ks = jax.random.split(key, 20)
    s = 0.05
    return {
        "node_features": jax.random.normal(ks[0], (N_NODES, D_NODE), dtype=jnp.float32),
        "edge_features": jax.random.normal(ks[1], (N_EDGES, D_EDGE_IN), dtype=jnp.float32),
        "from_idx": jax.random.randint(ks[2], (N_EDGES,), 0, N_NODES),
        "to_idx": jax.random.randint(ks[3], (N_EDGES,), 0, N_NODES),
        "query_sizes": jax.random.randint(ks[4], (NUM_PAIRS,), 0, NODES_PER_GRAPH),
        "corpus_sizes": jax.random.randint(ks[5], (NUM_PAIRS,), 0, NODES_PER_GRAPH),
        "W_ne": jax.random.normal(ks[6], (D_NODE, D_NODE), dtype=jnp.float32) * s,
        "b_ne": jnp.zeros((D_NODE,), dtype=jnp.float32),
        "W_ee": jax.random.normal(ks[7], (D_EDGE_IN, D_EDGE), dtype=jnp.float32) * s,
        "b_ee": jnp.zeros((D_EDGE,), dtype=jnp.float32),
        "W_msg": jax.random.normal(ks[8], (2 * D_NODE + D_EDGE, D_NODE), dtype=jnp.float32) * s,
        "b_msg": jnp.zeros((D_NODE,), dtype=jnp.float32),
        "W_upd": jax.random.normal(ks[9], (2 * D_NODE, D_NODE), dtype=jnp.float32) * s,
        "b_upd": jnp.zeros((D_NODE,), dtype=jnp.float32),
        "W_a1": jax.random.normal(ks[10], (D_NODE, D_ATT), dtype=jnp.float32) * s,
        "b_a1": jnp.zeros((D_ATT,), dtype=jnp.float32),
        "W_a2": jax.random.normal(ks[11], (D_ATT, D_ATT), dtype=jnp.float32) * s,
        "b_a2": jnp.zeros((D_ATT,), dtype=jnp.float32),
    }

def reference(node_features, edge_features, from_idx, to_idx, query_sizes, corpus_sizes, W_ne, b_ne, W_ee, b_ee, W_msg, b_msg, W_upd, b_upd, W_a1, b_a1, W_a2, b_a2):
    # Encoder (single-layer MLPs on node and edge features)
    h = node_features @ W_ne + b_ne
    e = edge_features @ W_ee + b_ee
    # Shared propagation layer applied for STEPS rounds
    for _ in range(STEPS):
        msg_in = jnp.concatenate([h[from_idx], h[to_idx], e], axis=-1)
        msgs = msg_in @ W_msg + b_msg
        agg = jax.ops.segment_sum(msgs, to_idx, num_segments=N_NODES)
        h = jnp.concatenate([h, agg], axis=-1) @ W_upd + b_upd
    # split_and_stack: graphs are interleaved (query, corpus) pairs, padded to MAX_SET
    stacked = h.reshape(2 * NUM_PAIRS, NODES_PER_GRAPH, D_NODE)
    pad = ((0, 0), (0, MAX_SET - NODES_PER_GRAPH), (0, 0))
    q = jnp.pad(stacked[0::2], pad)
    c = jnp.pad(stacked[1::2], pad)
    def att_feat(x):
        return jax.nn.relu(x @ W_a1 + b_a1) @ W_a2 + b_a2
    qmask = (jnp.arange(MAX_SET)[None, :] < query_sizes[:, None]).astype(jnp.float32)
    cmask = (jnp.arange(MAX_SET)[None, :] < corpus_sizes[:, None]).astype(jnp.float32)
    mq = att_feat(q) * qmask[:, :, None]
    mc = att_feat(c) * cmask[:, :, None]
    log_alpha = mq @ jnp.swapaxes(mc, 1, 2)
    pair_mask = qmask[:, :, None] * cmask[:, None, :]
    masked = jnp.where(pair_mask > 0, log_alpha, -1e9)
    q_to_c = jax.nn.softmax(masked / TEMP, axis=-1)
    c_to_q = jax.nn.softmax(masked / TEMP, axis=1)
    q_score = -jnp.sum(jnp.sqrt(jnp.sum((q - q_to_c @ c) ** 2, axis=-1) + 1e-12), axis=-1)
    c_score = -jnp.sum(jnp.sqrt(jnp.sum((c - jnp.swapaxes(c_to_q, 1, 2) @ q) ** 2, axis=-1) + 1e-12), axis=-1)
    return jnp.maximum(q_score, c_score)

if __name__ == "__main__":
    import jax
    _d = setup_inputs()
    print(jax.jit(kernel)(*tuple(_d.values())))

</pallas_src>

<mosaic_0001>
#map = affine_map<(d0, d1) -> (0, 0)>
#map1 = affine_map<(d0, d1) -> (0, 0, 0)>
module attributes {stable_mosaic.version = 14 : i64} {
  func.func @_pass0_body(%arg0: i32, %arg1: i32, %arg2: memref<12288x128xf32, #tpu.memory_space<hbm>>, %arg3: memref<3072x128xi32, #tpu.memory_space<hbm>>, %arg4: memref<128x8xf32, #tpu.memory_space<hbm>>, %arg5: memref<1536x8xf32, #tpu.memory_space<hbm>>, %arg6: memref<2x24576x8xf32, #tpu.memory_space<hbm>>, %arg7: memref<96x128xi32, #tpu.memory_space<vmem>>, %arg8: memref<384x128xf32, #tpu.memory_space<vmem>>, %arg9: memref<128x8xf32, #tpu.memory_space<vmem>>, %arg10: memref<24576x8xf32, #tpu.memory_space<vmem_shared>>) attributes {dimension_semantics = [#tpu.dimension_semantics<core_parallel>, #tpu.dimension_semantics<subcore_parallel>], iteration_bounds = array<i64: 2, 16>, scalar_prefetch = 0 : i64, scratch_operands = 4 : i64, tpu.core_type = #tpu.core_type<sc_vector_subcore>, window_params = [{transform_indices = #map}, {transform_indices = #map}, {transform_indices = #map}, {transform_indices = #map}, {transform_indices = #map1}]} {
    %mul3A = arith.constant 1536 : i32
    %mul3A_0 = arith.muli %arg1, %mul3A : i32
    "tpu.region"() ({
      %run_scoped3A = tpu.sem_alloc : memref<!tpu.dma_semaphore, #tpu.memory_space<semaphore_mem>>
      %dma_start3A = arith.constant 0 : i32
      %dma_start3A_42 = tpu.memref_slice %arg10[%mul3A_0, %dma_start3A] : memref<24576x8xf32, #tpu.memory_space<vmem_shared>> -> memref<1536x8xf32, #tpu.memory_space<vmem_shared>>
      tpu.enqueue_dma source(%arg5 : memref<1536x8xf32, #tpu.memory_space<hbm>>) target(%dma_start3A_42 : memref<1536x8xf32, #tpu.memory_space<vmem_shared>>) target_semaphore(%run_scoped3A : memref<!tpu.dma_semaphore, #tpu.memory_space<semaphore_mem>>)
      %dma_wait3A = arith.constant 0 : i32
      %dma_wait3A_43 = tpu.memref_slice %arg10[%mul3A_0, %dma_wait3A] : memref<24576x8xf32, #tpu.memory_space<vmem_shared>> -> memref<1536x8xf32, #tpu.memory_space<vmem_shared>>
      tpu.wait_dma2 semaphore(%run_scoped3A : memref<!tpu.dma_semaphore, #tpu.memory_space<semaphore_mem>>) src(%arg5 : memref<1536x8xf32, #tpu.memory_space<hbm>>) dst(%dma_wait3A_43 : memref<1536x8xf32, #tpu.memory_space<vmem_shared>>)
      tpu.yield
    }) : () -> ()
    "tpu.region"() ({
      %run_scoped3A = tpu.sem_alloc : memref<!tpu.dma_semaphore, #tpu.memory_space<semaphore_mem>>
      tpu.enqueue_dma source(%arg4 : memref<128x8xf32, #tpu.memory_space<hbm>>) target(%arg9 : memref<128x8xf32, #tpu.memory_space<vmem>>) target_semaphore(%run_scoped3A : memref<!tpu.dma_semaphore, #tpu.memory_space<semaphore_mem>>)
      tpu.wait_dma2 semaphore(%run_scoped3A : memref<!tpu.dma_semaphore, #tpu.memory_space<semaphore_mem>>) src(%arg4 : memref<128x8xf32, #tpu.memory_space<hbm>>) dst(%arg9 : memref<128x8xf32, #tpu.memory_space<vmem>>)
      tpu.yield
    }) : () -> ()
    %iota3A = tpu.iota {dimensions = array<i32: 0>} : vector<16xi32>
    %broadcast_in_dim3A = arith.constant 1.000000e+00 : f32
    %broadcast_in_dim3A_1 = vector.broadcast %broadcast_in_dim3A : f32 to vector<16xf32>
    %broadcast_in_dim3A_2 = arith.constant 4 : i32
    %broadcast_in_dim3A_3 = vector.broadcast %broadcast_in_dim3A_2 : i32 to vector<16xi32>
    %add3A = arith.constant 0 : i32
    %add3A_4 = vector.broadcast %add3A : i32 to vector<16xi32>
    %add3A_5 = arith.addi %add3A_4, %iota3A : vector<16xi32>
    tpu.vector_store_idx %arg9[%add3A_5, %broadcast_in_dim3A_3], %broadcast_in_dim3A_1 : memref<128x8xf32, #tpu.memory_space<vmem>>[vector<16xi32>, vector<16xi32>], vector<16xf32>,
    %add3A_6 = arith.constant 16 : i32
    %add3A_7 = vector.broadcast %add3A_6 : i32 to vector<16xi32>
    %add3A_8 = arith.addi %add3A_7, %iota3A : vector<16xi32>
    tpu.vector_store_idx %arg9[%add3A_8, %broadcast_in_dim3A_3], %broadcast_in_dim3A_1 : memref<128x8xf32, #tpu.memory_space<vmem>>[vector<16xi32>, vector<16xi32>], vector<16xf32>,
    %add3A_9 = arith.constant 32 : i32
    %add3A_10 = vector.broadcast %add3A_9 : i32 to vector<16xi32>
    %add3A_11 = arith.addi %add3A_10, %iota3A : vector<16xi32>
    tpu.vector_store_idx %arg9[%add3A_11, %broadcast_in_dim3A_3], %broadcast_in_dim3A_1 : memref<128x8xf32, #tpu.memory_space<vmem>>[vector<16xi32>, vector<16xi32>], vector<16xf32>,
    %add3A_12 = arith.constant 48 : i32
    %add3A_13 = vector.broadcast %add3A_12 : i32 to vector<16xi32>
    %add3A_14 = arith.addi %add3A_13, %iota3A : vector<16xi32>
    tpu.vector_store_idx %arg9[%add3A_14, %broadcast_in_dim3A_3], %broadcast_in_dim3A_1 : memref<128x8xf32, #tpu.memory_space<vmem>>[vector<16xi32>, vector<16xi32>], vector<16xf32>,
    %add3A_15 = arith.constant 64 : i32
    %add3A_16 = vector.broadcast %add3A_15 : i32 to vector<16xi32>
    %add3A_17 = arith.addi %add3A_16, %iota3A : vector<16xi32>
    tpu.vector_store_idx %arg9[%add3A_17, %broadcast_in_dim3A_3], %broadcast_in_dim3A_1 : memref<128x8xf32, #tpu.memory_space<vmem>>[vector<16xi32>, vector<16xi32>], vector<16xf32>,
    %add3A_18 = arith.constant 80 : i32
    %add3A_19 = vector.broadcast %add3A_18 : i32 to vector<16xi32>
    %add3A_20 = arith.addi %add3A_19, %iota3A : vector<16xi32>
    tpu.vector_store_idx %arg9[%add3A_20, %broadcast_in_dim3A_3], %broadcast_in_dim3A_1 : memref<128x8xf32, #tpu.memory_space<vmem>>[vector<16xi32>, vector<16xi32>], vector<16xf32>,
    %add3A_21 = arith.constant 96 : i32
    %add3A_22 = vector.broadcast %add3A_21 : i32 to vector<16xi32>
    %add3A_23 = arith.addi %add3A_22, %iota3A : vector<16xi32>
    tpu.vector_store_idx %arg9[%add3A_23, %broadcast_in_dim3A_3], %broadcast_in_dim3A_1 : memref<128x8xf32, #tpu.memory_space<vmem>>[vector<16xi32>, vector<16xi32>], vector<16xf32>,
    %add3A_24 = arith.constant 112 : i32
    %add3A_25 = vector.broadcast %add3A_24 : i32 to vector<16xi32>
    %add3A_26 = arith.addi %add3A_25, %iota3A : vector<16xi32>
    tpu.vector_store_idx %arg9[%add3A_26, %broadcast_in_dim3A_3], %broadcast_in_dim3A_1 : memref<128x8xf32, #tpu.memory_space<vmem>>[vector<16xi32>, vector<16xi32>], vector<16xf32>,
    %mul3A_27 = arith.constant 1536 : i32
    %mul3A_28 = arith.muli %arg0, %mul3A_27 : i32
    %mul3A_29 = arith.constant 96 : i32
    %mul3A_30 = arith.muli %arg1, %mul3A_29 : i32
    %add3A_31 = arith.addi %mul3A_28, %mul3A_30 : i32
    "tpu.region"() ({
      %run_scoped3A = tpu.sem_alloc : memref<!tpu.dma_semaphore, #tpu.memory_space<semaphore_mem>>
      %dma_start3A = arith.constant 0 : i32
      %dma_start3A_42 = tpu.memref_slice %arg3[%add3A_31, %dma_start3A] : memref<3072x128xi32, #tpu.memory_space<hbm>> -> memref<96x128xi32, #tpu.memory_space<hbm>>
      %dma_start3A_43 = arith.constant 0 : i32
      %dma_start3A_44 = tpu.memref_slice %arg3[%add3A_31, %dma_start3A_43] : memref<3072x128xi32, #tpu.memory_space<hbm>> -> memref<96x128xi32, #tpu.memory_space<hbm>>
      tpu.enqueue_dma source(%dma_start3A_44 : memref<96x128xi32, #tpu.memory_space<hbm>>) target(%arg7 : memref<96x128xi32, #tpu.memory_space<vmem>>) target_semaphore(%run_scoped3A : memref<!tpu.dma_semaphore, #tpu.memory_space<semaphore_mem>>)
      %dma_wait3A = arith.constant 0 : i32
      %dma_wait3A_45 = tpu.memref_slice %arg3[%add3A_31, %dma_wait3A] : memref<3072x128xi32, #tpu.memory_space<hbm>> -> memref<96x128xi32, #tpu.memory_space<hbm>>
      %dma_wait3A_46 = arith.constant 0 : i32
      %dma_wait3A_47 = tpu.memref_slice %arg3[%add3A_31, %dma_wait3A_46] : memref<3072x128xi32, #tpu.memory_space<hbm>> -> memref<96x128xi32, #tpu.memory_space<hbm>>
      tpu.wait_dma2 semaphore(%run_scoped3A : memref<!tpu.dma_semaphore, #tpu.memory_space<semaphore_mem>>) src(%dma_wait3A_47 : memref<96x128xi32, #tpu.memory_space<hbm>>) dst(%arg7 : memref<96x128xi32, #tpu.memory_space<vmem>>)
      tpu.yield
    }) : () -> ()
    %mul3A_32 = arith.constant 4 : i32
    %mul3A_33 = arith.muli %add3A_31, %mul3A_32 : i32
    "tpu.region"() ({
      %run_scoped3A = tpu.sem_alloc : memref<!tpu.dma_semaphore, #tpu.memory_space<semaphore_mem>>
      %dma_start3A = arith.constant 0 : i32
      %dma_start3A_42 = tpu.memref_slice %arg2[%mul3A_33, %dma_start3A] : memref<12288x128xf32, #tpu.memory_space<hbm>> -> memref<384x128xf32, #tpu.memory_space<hbm>>
      %dma_start3A_43 = arith.constant 0 : i32
      %dma_start3A_44 = tpu.memref_slice %arg2[%mul3A_33, %dma_start3A_43] : memref<12288x128xf32, #tpu.memory_space<hbm>> -> memref<384x128xf32, #tpu.memory_space<hbm>>
      tpu.enqueue_dma source(%dma_start3A_44 : memref<384x128xf32, #tpu.memory_space<hbm>>) target(%arg8 : memref<384x128xf32, #tpu.memory_space<vmem>>) target_semaphore(%run_scoped3A : memref<!tpu.dma_semaphore, #tpu.memory_space<semaphore_mem>>)
      %dma_wait3A = arith.constant 0 : i32
      %dma_wait3A_45 = tpu.memref_slice %arg2[%mul3A_33, %dma_wait3A] : memref<12288x128xf32, #tpu.memory_space<hbm>> -> memref<384x128xf32, #tpu.memory_space<hbm>>
      %dma_wait3A_46 = arith.constant 0 : i32
      %dma_wait3A_47 = tpu.memref_slice %arg2[%mul3A_33, %dma_wait3A_46] : memref<12288x128xf32, #tpu.memory_space<hbm>> -> memref<384x128xf32, #tpu.memory_space<hbm>>
      tpu.wait_dma2 semaphore(%run_scoped3A : memref<!tpu.dma_semaphore, #tpu.memory_space<semaphore_mem>>) src(%dma_wait3A_47 : memref<384x128xf32, #tpu.memory_space<hbm>>) dst(%arg8 : memref<384x128xf32, #tpu.memory_space<vmem>>)
      tpu.yield
    }) : () -> ()
    %barrier3A = arith.constant 0 : index
    tpu.barrier barrier_id(%barrier3A)
    %scan3A = arith.constant 0 : i32
    %scan3A_34 = arith.constant 0 : i32
    %scan3A_35 = arith.constant 96 : i32
    %scan3A_36 = arith.addi %scan3A_34, %scan3A_35 : i32
    %scan3A_37 = arith.constant 1 : i32
    scf.for %scan3A_42 = %scan3A_34 to %scan3A_36 step %scan3A_37  : i32 {
      %broadcast_in_dim3A_43 = arith.constant 0 : i32
      %broadcast_in_dim3A_44 = vector.broadcast %broadcast_in_dim3A_43 : i32 to vector<16xi32>
      %mul3A_45 = arith.constant 4 : i32
      %mul3A_46 = arith.muli %scan3A_42, %mul3A_45 : i32
      %add3A_47 = arith.constant 0 : i32
      %add3A_48 = arith.addi %mul3A_46, %add3A_47 : i32
      %get3A = arith.index_cast %add3A_48 : i32 to index
      %get3A_49 = arith.constant 0 : index
      %get3A_50 = tpu.vector_load %arg8[%get3A, %get3A_49] {strides = array<i32>} : memref<384x128xf32, #tpu.memory_space<vmem>>, vector<16xf32>,
      %add3A_51 = arith.constant 0 : i32
      %add3A_52 = vector.broadcast %add3A_51 : i32 to vector<16xi32>
      %add3A_53 = arith.addi %add3A_52, %iota3A : vector<16xi32>
      tpu.vector_store_idx %arg9[%add3A_53, %broadcast_in_dim3A_44], %get3A_50 : memref<128x8xf32, #tpu.memory_space<vmem>>[vector<16xi32>, vector<16xi32>], vector<16xf32>,
      %mul3A_54 = arith.constant 4 : i32
      %mul3A_55 = arith.muli %scan3A_42, %mul3A_54 : i32
      %add3A_56 = arith.constant 0 : i32
      %add3A_57 = arith.addi %mul3A_55, %add3A_56 : i32
      %get3A_58 = arith.index_cast %add3A_57 : i32 to index
      %get3A_59 = arith.constant 16 : index
      %get3A_60 = tpu.vector_load %arg8[%get3A_58, %get3A_59] {strides = array<i32>} : memref<384x128xf32, #tpu.memory_space<vmem>>, vector<16xf32>,
      %add3A_61 = arith.constant 16 : i32
      %add3A_62 = vector.broadcast %add3A_61 : i32 to vector<16xi32>
      %add3A_63 = arith.addi %add3A_62, %iota3A : vector<16xi32>
      tpu.vector_store_idx %arg9[%add3A_63, %broadcast_in_dim3A_44], %get3A_60 : memref<128x8xf32, #tpu.memory_space<vmem>>[vector<16xi32>, vector<16xi32>], vector<16xf32>,
      %mul3A_64 = arith.constant 4 : i32
      %mul3A_65 = arith.muli %scan3A_42, %mul3A_64 : i32
      %add3A_66 = arith.constant 0 : i32
      %add3A_67 = arith.addi %mul3A_65, %add3A_66 : i32
      %get3A_68 = arith.index_cast %add3A_67 : i32 to index
      %get3A_69 = arith.constant 32 : index
      %get3A_70 = tpu.vector_load %arg8[%get3A_68, %get3A_69] {strides = array<i32>} : memref<384x128xf32, #tpu.memory_space<vmem>>, vector<16xf32>,
      %add3A_71 = arith.constant 32 : i32
      %add3A_72 = vector.broadcast %add3A_71 : i32 to vector<16xi32>
      %add3A_73 = arith.addi %add3A_72, %iota3A : vector<16xi32>
      tpu.vector_store_idx %arg9[%add3A_73, %broadcast_in_dim3A_44], %get3A_70 : memref<128x8xf32, #tpu.memory_space<vmem>>[vector<16xi32>, vector<16xi32>], vector<16xf32>,
      %mul3A_74 = arith.constant 4 : i32
      %mul3A_75 = arith.muli %scan3A_42, %mul3A_74 : i32
      %add3A_76 = arith.constant 0 : i32
      %add3A_77 = arith.addi %mul3A_75, %add3A_76 : i32
      %get3A_78 = arith.index_cast %add3A_77 : i32 to index
      %get3A_79 = arith.constant 48 : index
      %get3A_80 = tpu.vector_load %arg8[%get3A_78, %get3A_79] {strides = array<i32>} : memref<384x128xf32, #tpu.memory_space<vmem>>, vector<16xf32>,
      %add3A_81 = arith.constant 48 : i32
      %add3A_82 = vector.broadcast %add3A_81 : i32 to vector<16xi32>
      %add3A_83 = arith.addi %add3A_82, %iota3A : vector<16xi32>
      tpu.vector_store_idx %arg9[%add3A_83, %broadcast_in_dim3A_44], %get3A_80 : memref<128x8xf32, #tpu.memory_space<vmem>>[vector<16xi32>, vector<16xi32>], vector<16xf32>,
      %mul3A_84 = arith.constant 4 : i32
      %mul3A_85 = arith.muli %scan3A_42, %mul3A_84 : i32
      %add3A_86 = arith.constant 0 : i32
      %add3A_87 = arith.addi %mul3A_85, %add3A_86 : i32
      %get3A_88 = arith.index_cast %add3A_87 : i32 to index
      %get3A_89 = arith.constant 64 : index
      %get3A_90 = tpu.vector_load %arg8[%get3A_88, %get3A_89] {strides = array<i32>} : memref<384x128xf32, #tpu.memory_space<vmem>>, vector<16xf32>,
      %add3A_91 = arith.constant 64 : i32
      %add3A_92 = vector.broadcast %add3A_91 : i32 to vector<16xi32>
      %add3A_93 = arith.addi %add3A_92, %iota3A : vector<16xi32>
      tpu.vector_store_idx %arg9[%add3A_93, %broadcast_in_dim3A_44], %get3A_90 : memref<128x8xf32, #tpu.memory_space<vmem>>[vector<16xi32>, vector<16xi32>], vector<16xf32>,
      %mul3A_94 = arith.constant 4 : i32
      %mul3A_95 = arith.muli %scan3A_42, %mul3A_94 : i32
      %add3A_96 = arith.constant 0 : i32
      %add3A_97 = arith.addi %mul3A_95, %add3A_96 : i32
      %get3A_98 = arith.index_cast %add3A_97 : i32 to index
      %get3A_99 = arith.constant 80 : index
      %get3A_100 = tpu.vector_load %arg8[%get3A_98, %get3A_99] {strides = array<i32>} : memref<384x128xf32, #tpu.memory_space<vmem>>, vector<16xf32>,
      %add3A_101 = arith.constant 80 : i32
      %add3A_102 = vector.broadcast %add3A_101 : i32 to vector<16xi32>
      %add3A_103 = arith.addi %add3A_102, %iota3A : vector<16xi32>
      tpu.vector_store_idx %arg9[%add3A_103, %broadcast_in_dim3A_44], %get3A_100 : memref<128x8xf32, #tpu.memory_space<vmem>>[vector<16xi32>, vector<16xi32>], vector<16xf32>,
      %mul3A_104 = arith.constant 4 : i32
      %mul3A_105 = arith.muli %scan3A_42, %mul3A_104 : i32
      %add3A_106 = arith.constant 0 : i32
      %add3A_107 = arith.addi %mul3A_105, %add3A_106 : i32
      %get3A_108 = arith.index_cast %add3A_107 : i32 to index
      %get3A_109 = arith.constant 96 : index
      %get3A_110 = tpu.vector_load %arg8[%get3A_108, %get3A_109] {strides = array<i32>} : memref<384x128xf32, #tpu.memory_space<vmem>>, vector<16xf32>,
      %add3A_111 = arith.constant 96 : i32
      %add3A_112 = vector.broadcast %add3A_111 : i32 to vector<16xi32>
      %add3A_113 = arith.addi %add3A_112, %iota3A : vector<16xi32>
      tpu.vector_store_idx %arg9[%add3A_113, %broadcast_in_dim3A_44], %get3A_110 : memref<128x8xf32, #tpu.memory_space<vmem>>[vector<16xi32>, vector<16xi32>], vector<16xf32>,
      %mul3A_114 = arith.constant 4 : i32
      %mul3A_115 = arith.muli %scan3A_42, %mul3A_114 : i32
      %add3A_116 = arith.constant 0 : i32
      %add3A_117 = arith.addi %mul3A_115, %add3A_116 : i32
      %get3A_118 = arith.index_cast %add3A_117 : i32 to index
      %get3A_119 = arith.constant 112 : index
      %get3A_120 = tpu.vector_load %arg8[%get3A_118, %get3A_119] {strides = array<i32>} : memref<384x128xf32, #tpu.memory_space<vmem>>, vector<16xf32>,
      %add3A_121 = arith.constant 112 : i32
      %add3A_122 = vector.broadcast %add3A_121 : i32 to vector<16xi32>
      %add3A_123 = arith.addi %add3A_122, %iota3A : vector<16xi32>
      tpu.vector_store_idx %arg9[%add3A_123, %broadcast_in_dim3A_44], %get3A_120 : memref<128x8xf32, #tpu.memory_space<vmem>>[vector<16xi32>, vector<16xi32>], vector<16xf32>,
      %broadcast_in_dim3A_124 = arith.constant 1 : i32
      %broadcast_in_dim3A_125 = vector.broadcast %broadcast_in_dim3A_124 : i32 to vector<16xi32>
      %mul3A_126 = arith.constant 4 : i32
      %mul3A_127 = arith.muli %scan3A_42, %mul3A_126 : i32
      %add3A_128 = arith.constant 1 : i32
      %add3A_129 = arith.addi %mul3A_127, %add3A_128 : i32
      %get3A_130 = arith.index_cast %add3A_129 : i32 to index
      %get3A_131 = arith.constant 0 : index
      %get3A_132 = tpu.vector_load %arg8[%get3A_130, %get3A_131] {strides = array<i32>} : memref<384x128xf32, #tpu.memory_space<vmem>>, vector<16xf32>,
      %add3A_133 = arith.constant 0 : i32
      %add3A_134 = vector.broadcast %add3A_133 : i32 to vector<16xi32>
      %add3A_135 = arith.addi %add3A_134, %iota3A : vector<16xi32>
      tpu.vector_store_idx %arg9[%add3A_135, %broadcast_in_dim3A_125], %get3A_132 : memref<128x8xf32, #tpu.memory_space<vmem>>[vector<16xi32>, vector<16xi32>], vector<16xf32>,
      %mul3A_136 = arith.constant 4 : i32
      %mul3A_137 = arith.muli %scan3A_42, %mul3A_136 : i32
      %add3A_138 = arith.constant 1 : i32
      %add3A_139 = arith.addi %mul3A_137, %add3A_138 : i32
      %get3A_140 = arith.index_cast %add3A_139 : i32 to index
      %get3A_141 = arith.constant 16 : index
      %get3A_142 = tpu.vector_load %arg8[%get3A_140, %get3A_141] {strides = array<i32>} : memref<384x128xf32, #tpu.memory_space<vmem>>, vector<16xf32>,
      %add3A_143 = arith.constant 16 : i32
      %add3A_144 = vector.broadcast %add3A_143 : i32 to vector<16xi32>
      %add3A_145 = arith.addi %add3A_144, %iota3A : vector<16xi32>
      tpu.vector_store_idx %arg9[%add3A_145, %broadcast_in_dim3A_125], %get3A_142 : memref<128x8xf32, #tpu.memory_space<vmem>>[vector<16xi32>, vector<16xi32>], vector<16xf32>,
      %mul3A_146 = arith.constant 4 : i32
      %mul3A_147 = arith.muli %scan3A_42, %mul3A_146 : i32
      %add3A_148 = arith.constant 1 : i32
      %add3A_149 = arith.addi %mul3A_147, %add3A_148 : i32
      %get3A_150 = arith.index_cast %add3A_149 : i32 to index
      %get3A_151 = arith.constant 32 : index
      %get3A_152 = tpu.vector_load %arg8[%get3A_150, %get3A_151] {strides = array<i32>} : memref<384x128xf32, #tpu.memory_space<vmem>>, vector<16xf32>,
      %add3A_153 = arith.constant 32 : i32
      %add3A_154 = vector.broadcast %add3A_153 : i32 to vector<16xi32>
      %add3A_155 = arith.addi %add3A_154, %iota3A : vector<16xi32>
      tpu.vector_store_idx %arg9[%add3A_155, %broadcast_in_dim3A_125], %get3A_152 : memref<128x8xf32, #tpu.memory_space<vmem>>[vector<16xi32>, vector<16xi32>], vector<16xf32>,
      %mul3A_156 = arith.constant 4 : i32
      %mul3A_157 = arith.muli %scan3A_42, %mul3A_156 : i32
      %add3A_158 = arith.constant 1 : i32
      %add3A_159 = arith.addi %mul3A_157, %add3A_158 : i32
      %get3A_160 = arith.index_cast %add3A_159 : i32 to index
      %get3A_161 = arith.constant 48 : index
      %get3A_162 = tpu.vector_load %arg8[%get3A_160, %get3A_161] {strides = array<i32>} : memref<384x128xf32, #tpu.memory_space<vmem>>, vector<16xf32>,
      %add3A_163 = arith.constant 48 : i32
      %add3A_164 = vector.broadcast %add3A_163 : i32 to vector<16xi32>
      %add3A_165 = arith.addi %add3A_164, %iota3A : vector<16xi32>
      tpu.vector_store_idx %arg9[%add3A_165, %broadcast_in_dim3A_125], %get3A_162 : memref<128x8xf32, #tpu.memory_space<vmem>>[vector<16xi32>, vector<16xi32>], vector<16xf32>,
      %mul3A_166 = arith.constant 4 : i32
      %mul3A_167 = arith.muli %scan3A_42, %mul3A_166 : i32
      %add3A_168 = arith.constant 1 : i32
      %add3A_169 = arith.addi %mul3A_167, %add3A_168 : i32
      %get3A_170 = arith.index_cast %add3A_169 : i32 to index
      %get3A_171 = arith.constant 64 : index
      %get3A_172 = tpu.vector_load %arg8[%get3A_170, %get3A_171] {strides = array<i32>} : memref<384x128xf32, #tpu.memory_space<vmem>>, vector<16xf32>,
      %add3A_173 = arith.constant 64 : i32
      %add3A_174 = vector.broadcast %add3A_173 : i32 to vector<16xi32>
      %add3A_175 = arith.addi %add3A_174, %iota3A : vector<16xi32>
      tpu.vector_store_idx %arg9[%add3A_175, %broadcast_in_dim3A_125], %get3A_172 : memref<128x8xf32, #tpu.memory_space<vmem>>[vector<16xi32>, vector<16xi32>], vector<16xf32>,
      %mul3A_176 = arith.constant 4 : i32
      %mul3A_177 = arith.muli %scan3A_42, %mul3A_176 : i32
      %add3A_178 = arith.constant 1 : i32
      %add3A_179 = arith.addi %mul3A_177, %add3A_178 : i32
      %get3A_180 = arith.index_cast %add3A_179 : i32 to index
      %get3A_181 = arith.constant 80 : index
      %get3A_182 = tpu.vector_load %arg8[%get3A_180, %get3A_181] {strides = array<i32>} : memref<384x128xf32, #tpu.memory_space<vmem>>, vector<16xf32>,
      %add3A_183 = arith.constant 80 : i32
      %add3A_184 = vector.broadcast %add3A_183 : i32 to vector<16xi32>
      %add3A_185 = arith.addi %add3A_184, %iota3A : vector<16xi32>
      tpu.vector_store_idx %arg9[%add3A_185, %broadcast_in_dim3A_125], %get3A_182 : memref<128x8xf32, #tpu.memory_space<vmem>>[vector<16xi32>, vector<16xi32>], vector<16xf32>,
      %mul3A_186 = arith.constant 4 : i32
      %mul3A_187 = arith.muli %scan3A_42, %mul3A_186 : i32
      %add3A_188 = arith.constant 1 : i32
      %add3A_189 = arith.addi %mul3A_187, %add3A_188 : i32
      %get3A_190 = arith.index_cast %add3A_189 : i32 to index
      %get3A_191 = arith.constant 96 : index
      %get3A_192 = tpu.vector_load %arg8[%get3A_190, %get3A_191] {strides = array<i32>} : memref<384x128xf32, #tpu.memory_space<vmem>>, vector<16xf32>,
      %add3A_193 = arith.constant 96 : i32
      %add3A_194 = vector.broadcast %add3A_193 : i32 to vector<16xi32>
      %add3A_195 = arith.addi %add3A_194, %iota3A : vector<16xi32>
      tpu.vector_store_idx %arg9[%add3A_195, %broadcast_in_dim3A_125], %get3A_192 : memref<128x8xf32, #tpu.memory_space<vmem>>[vector<16xi32>, vector<16xi32>], vector<16xf32>,
      %mul3A_196 = arith.constant 4 : i32
      %mul3A_197 = arith.muli %scan3A_42, %mul3A_196 : i32
      %add3A_198 = arith.constant 1 : i32
      %add3A_199 = arith.addi %mul3A_197, %add3A_198 : i32
      %get3A_200 = arith.index_cast %add3A_199 : i32 to index
      %get3A_201 = arith.constant 112 : index
      %get3A_202 = tpu.vector_load %arg8[%get3A_200, %get3A_201] {strides = array<i32>} : memref<384x128xf32, #tpu.memory_space<vmem>>, vector<16xf32>,
      %add3A_203 = arith.constant 112 : i32
      %add3A_204 = vector.broadcast %add3A_203 : i32 to vector<16xi32>
      %add3A_205 = arith.addi %add3A_204, %iota3A : vector<16xi32>
      tpu.vector_store_idx %arg9[%add3A_205, %broadcast_in_dim3A_125], %get3A_202 : memref<128x8xf32, #tpu.memory_space<vmem>>[vector<16xi32>, vector<16xi32>], vector<16xf32>,
      %broadcast_in_dim3A_206 = arith.constant 2 : i32
      %broadcast_in_dim3A_207 = vector.broadcast %broadcast_in_dim3A_206 : i32 to vector<16xi32>
      %mul3A_208 = arith.constant 4 : i32
      %mul3A_209 = arith.muli %scan3A_42, %mul3A_208 : i32
      %add3A_210 = arith.constant 2 : i32
      %add3A_211 = arith.addi %mul3A_209, %add3A_210 : i32
      %get3A_212 = arith.index_cast %add3A_211 : i32 to index
      %get3A_213 = arith.constant 0 : index
      %get3A_214 = tpu.vector_load %arg8[%get3A_212, %get3A_213] {strides = array<i32>} : memref<384x128xf32, #tpu.memory_space<vmem>>, vector<16xf32>,
      %add3A_215 = arith.constant 0 : i32
      %add3A_216 = vector.broadcast %add3A_215 : i32 to vector<16xi32>
      %add3A_217 = arith.addi %add3A_216, %iota3A : vector<16xi32>
      tpu.vector_store_idx %arg9[%add3A_217, %broadcast_in_dim3A_207], %get3A_214 : memref<128x8xf32, #tpu.memory_space<vmem>>[vector<16xi32>, vector<16xi32>], vector<16xf32>,
      %mul3A_218 = arith.constant 4 : i32
      %mul3A_219 = arith.muli %scan3A_42, %mul3A_218 : i32
      %add3A_220 = arith.constant 2 : i32
      %add3A_221 = arith.addi %mul3A_219, %add3A_220 : i32
      %get3A_222 = arith.index_cast %add3A_221 : i32 to index
      %get3A_223 = arith.constant 16 : index
      %get3A_224 = tpu.vector_load %arg8[%get3A_222, %get3A_223] {strides = array<i32>} : memref<384x128xf32, #tpu.memory_space<vmem>>, vector<16xf32>,
      %add3A_225 = arith.constant 16 : i32
      %add3A_226 = vector.broadcast %add3A_225 : i32 to vector<16xi32>
      %add3A_227 = arith.addi %add3A_226, %iota3A : vector<16xi32>
      tpu.vector_store_idx %arg9[%add3A_227, %broadcast_in_dim3A_207], %get3A_224 : memref<128x8xf32, #tpu.memory_space<vmem>>[vector<16xi32>, vector<16xi32>], vector<16xf32>,
      %mul3A_228 = arith.constant 4 : i32
      %mul3A_229 = arith.muli %scan3A_42, %mul3A_228 : i32
      %add3A_230 = arith.constant 2 : i32
      %add3A_231 = arith.addi %mul3A_229, %add3A_230 : i32
      %get3A_232 = arith.index_cast %add3A_231 : i32 to index
      %get3A_233 = arith.constant 32 : index
      %get3A_234 = tpu.vector_load %arg8[%get3A_232, %get3A_233] {strides = array<i32>} : memref<384x128xf32, #tpu.memory_space<vmem>>, vector<16xf32>,
      %add3A_235 = arith.constant 32 : i32
      %add3A_236 = vector.broadcast %add3A_235 : i32 to vector<16xi32>
      %add3A_237 = arith.addi %add3A_236, %iota3A : vector<16xi32>
      tpu.vector_store_idx %arg9[%add3A_237, %broadcast_in_dim3A_207], %get3A_234 : memref<128x8xf32, #tpu.memory_space<vmem>>[vector<16xi32>, vector<16xi32>], vector<16xf32>,
      %mul3A_238 = arith.constant 4 : i32
      %mul3A_239 = arith.muli %scan3A_42, %mul3A_238 : i32
      %add3A_240 = arith.constant 2 : i32
      %add3A_241 = arith.addi %mul3A_239, %add3A_240 : i32
      %get3A_242 = arith.index_cast %add3A_241 : i32 to index
      %get3A_243 = arith.constant 48 : index
      %get3A_244 = tpu.vector_load %arg8[%get3A_242, %get3A_243] {strides = array<i32>} : memref<384x128xf32, #tpu.memory_space<vmem>>, vector<16xf32>,
      %add3A_245 = arith.constant 48 : i32
      %add3A_246 = vector.broadcast %add3A_245 : i32 to vector<16xi32>
      %add3A_247 = arith.addi %add3A_246, %iota3A : vector<16xi32>
      tpu.vector_store_idx %arg9[%add3A_247, %broadcast_in_dim3A_207], %get3A_244 : memref<128x8xf32, #tpu.memory_space<vmem>>[vector<16xi32>, vector<16xi32>], vector<16xf32>,
      %mul3A_248 = arith.constant 4 : i32
      %mul3A_249 = arith.muli %scan3A_42, %mul3A_248 : i32
      %add3A_250 = arith.constant 2 : i32
      %add3A_251 = arith.addi %mul3A_249, %add3A_250 : i32
      %get3A_252 = arith.index_cast %add3A_251 : i32 to index
      %get3A_253 = arith.constant 64 : index
      %get3A_254 = tpu.vector_load %arg8[%get3A_252, %get3A_253] {strides = array<i32>} : memref<384x128xf32, #tpu.memory_space<vmem>>, vector<16xf32>,
      %add3A_255 = arith.constant 64 : i32
      %add3A_256 = vector.broadcast %add3A_255 : i32 to vector<16xi32>
      %add3A_257 = arith.addi %add3A_256, %iota3A : vector<16xi32>
      tpu.vector_store_idx %arg9[%add3A_257, %broadcast_in_dim3A_207], %get3A_254 : memref<128x8xf32, #tpu.memory_space<vmem>>[vector<16xi32>, vector<16xi32>], vector<16xf32>,
      %mul3A_258 = arith.constant 4 : i32
      %mul3A_259 = arith.muli %scan3A_42, %mul3A_258 : i32
      %add3A_260 = arith.constant 2 : i32
      %add3A_261 = arith.addi %mul3A_259, %add3A_260 : i32
      %get3A_262 = arith.index_cast %add3A_261 : i32 to index
      %get3A_263 = arith.constant 80 : index
      %get3A_264 = tpu.vector_load %arg8[%get3A_262, %get3A_263] {strides = array<i32>} : memref<384x128xf32, #tpu.memory_space<vmem>>, vector<16xf32>,
      %add3A_265 = arith.constant 80 : i32
      %add3A_266 = vector.broadcast %add3A_265 : i32 to vector<16xi32>
      %add3A_267 = arith.addi %add3A_266, %iota3A : vector<16xi32>
      tpu.vector_store_idx %arg9[%add3A_267, %broadcast_in_dim3A_207], %get3A_264 : memref<128x8xf32, #tpu.memory_space<vmem>>[vector<16xi32>, vector<16xi32>], vector<16xf32>,
      %mul3A_268 = arith.constant 4 : i32
      %mul3A_269 = arith.muli %scan3A_42, %mul3A_268 : i32
      %add3A_270 = arith.constant 2 : i32
      %add3A_271 = arith.addi %mul3A_269, %add3A_270 : i32
      %get3A_272 = arith.index_cast %add3A_271 : i32 to index
      %get3A_273 = arith.constant 96 : index
      %get3A_274 = tpu.vector_load %arg8[%get3A_272, %get3A_273] {strides = array<i32>} : memref<384x128xf32, #tpu.memory_space<vmem>>, vector<16xf32>,
      %add3A_275 = arith.constant 96 : i32
      %add3A_276 = vector.broadcast %add3A_275 : i32 to vector<16xi32>
      %add3A_277 = arith.addi %add3A_276, %iota3A : vector<16xi32>
      tpu.vector_store_idx %arg9[%add3A_277, %broadcast_in_dim3A_207], %get3A_274 : memref<128x8xf32, #tpu.memory_space<vmem>>[vector<16xi32>, vector<16xi32>], vector<16xf32>,
      %mul3A_278 = arith.constant 4 : i32
      %mul3A_279 = arith.muli %scan3A_42, %mul3A_278 : i32
      %add3A_280 = arith.constant 2 : i32
      %add3A_281 = arith.addi %mul3A_279, %add3A_280 : i32
      %get3A_282 = arith.index_cast %add3A_281 : i32 to index
      %get3A_283 = arith.constant 112 : index
      %get3A_284 = tpu.vector_load %arg8[%get3A_282, %get3A_283] {strides = array<i32>} : memref<384x128xf32, #tpu.memory_space<vmem>>, vector<16xf32>,
      %add3A_285 = arith.constant 112 : i32
      %add3A_286 = vector.broadcast %add3A_285 : i32 to vector<16xi32>
      %add3A_287 = arith.addi %add3A_286, %iota3A : vector<16xi32>
      tpu.vector_store_idx %arg9[%add3A_287, %broadcast_in_dim3A_207], %get3A_284 : memref<128x8xf32, #tpu.memory_space<vmem>>[vector<16xi32>, vector<16xi32>], vector<16xf32>,
      %broadcast_in_dim3A_288 = arith.constant 3 : i32
      %broadcast_in_dim3A_289 = vector.broadcast %broadcast_in_dim3A_288 : i32 to vector<16xi32>
      %mul3A_290 = arith.constant 4 : i32
      %mul3A_291 = arith.muli %scan3A_42, %mul3A_290 : i32
      %add3A_292 = arith.constant 3 : i32
      %add3A_293 = arith.addi %mul3A_291, %add3A_292 : i32
      %get3A_294 = arith.index_cast %add3A_293 : i32 to index
      %get3A_295 = arith.constant 0 : index
      %get3A_296 = tpu.vector_load %arg8[%get3A_294, %get3A_295] {strides = array<i32>} : memref<384x128xf32, #tpu.memory_space<vmem>>, vector<16xf32>,
      %add3A_297 = arith.constant 0 : i32
      %add3A_298 = vector.broadcast %add3A_297 : i32 to vector<16xi32>
      %add3A_299 = arith.addi %add3A_298, %iota3A : vector<16xi32>
      tpu.vector_store_idx %arg9[%add3A_299, %broadcast_in_dim3A_289], %get3A_296 : memref<128x8xf32, #tpu.memory_space<vmem>>[vector<16xi32>, vector<16xi32>], vector<16xf32>,
      %mul3A_300 = arith.constant 4 : i32
      %mul3A_301 = arith.muli %scan3A_42, %mul3A_300 : i32
      %add3A_302 = arith.constant 3 : i32
      %add3A_303 = arith.addi %mul3A_301, %add3A_302 : i32
      %get3A_304 = arith.index_cast %add3A_303 : i32 to index
      %get3A_305 = arith.constant 16 : index
      %get3A_306 = tpu.vector_load %arg8[%get3A_304, %get3A_305] {strides = array<i32>} : memref<384x128xf32, #tpu.memory_space<vmem>>, vector<16xf32>,
      %add3A_307 = arith.constant 16 : i32
      %add3A_308 = vector.broadcast %add3A_307 : i32 to vector<16xi32>
      %add3A_309 = arith.addi %add3A_308, %iota3A : vector<16xi32>
      tpu.vector_store_idx %arg9[%add3A_309, %broadcast_in_dim3A_289], %get3A_306 : memref<128x8xf32, #tpu.memory_space<vmem>>[vector<16xi32>, vector<16xi32>], vector<16xf32>,
      %mul3A_310 = arith.constant 4 : i32
      %mul3A_311 = arith.muli %scan3A_42, %mul3A_310 : i32
      %add3A_312 = arith.constant 3 : i32
      %add3A_313 = arith.addi %mul3A_311, %add3A_312 : i32
      %get3A_314 = arith.index_cast %add3A_313 : i32 to index
      %get3A_315 = arith.constant 32 : index
      %get3A_316 = tpu.vector_load %arg8[%get3A_314, %get3A_315] {strides = array<i32>} : memref<384x128xf32, #tpu.memory_space<vmem>>, vector<16xf32>,
      %add3A_317 = arith.constant 32 : i32
      %add3A_318 = vector.broadcast %add3A_317 : i32 to vector<16xi32>
      %add3A_319 = arith.addi %add3A_318, %iota3A : vector<16xi32>
      tpu.vector_store_idx %arg9[%add3A_319, %broadcast_in_dim3A_289], %get3A_316 : memref<128x8xf32, #tpu.memory_space<vmem>>[vector<16xi32>, vector<16xi32>], vector<16xf32>,
      %mul3A_320 = arith.constant 4 : i32
      %mul3A_321 = arith.muli %scan3A_42, %mul3A_320 : i32
      %add3A_322 = arith.constant 3 : i32
      %add3A_323 = arith.addi %mul3A_321, %add3A_322 : i32
      %get3A_324 = arith.index_cast %add3A_323 : i32 to index
      %get3A_325 = arith.constant 48 : index
      %get3A_326 = tpu.vector_load %arg8[%get3A_324, %get3A_325] {strides = array<i32>} : memref<384x128xf32, #tpu.memory_space<vmem>>, vector<16xf32>,
      %add3A_327 = arith.constant 48 : i32
      %add3A_328 = vector.broadcast %add3A_327 : i32 to vector<16xi32>
      %add3A_329 = arith.addi %add3A_328, %iota3A : vector<16xi32>
      tpu.vector_store_idx %arg9[%add3A_329, %broadcast_in_dim3A_289], %get3A_326 : memref<128x8xf32, #tpu.memory_space<vmem>>[vector<16xi32>, vector<16xi32>], vector<16xf32>,
      %mul3A_330 = arith.constant 4 : i32
      %mul3A_331 = arith.muli %scan3A_42, %mul3A_330 : i32
      %add3A_332 = arith.constant 3 : i32
      %add3A_333 = arith.addi %mul3A_331, %add3A_332 : i32
      %get3A_334 = arith.index_cast %add3A_333 : i32 to index
      %get3A_335 = arith.constant 64 : index
      %get3A_336 = tpu.vector_load %arg8[%get3A_334, %get3A_335] {strides = array<i32>} : memref<384x128xf32, #tpu.memory_space<vmem>>, vector<16xf32>,
      %add3A_337 = arith.constant 64 : i32
      %add3A_338 = vector.broadcast %add3A_337 : i32 to vector<16xi32>
      %add3A_339 = arith.addi %add3A_338, %iota3A : vector<16xi32>
      tpu.vector_store_idx %arg9[%add3A_339, %broadcast_in_dim3A_289], %get3A_336 : memref<128x8xf32, #tpu.memory_space<vmem>>[vector<16xi32>, vector<16xi32>], vector<16xf32>,
      %mul3A_340 = arith.constant 4 : i32
      %mul3A_341 = arith.muli %scan3A_42, %mul3A_340 : i32
      %add3A_342 = arith.constant 3 : i32
      %add3A_343 = arith.addi %mul3A_341, %add3A_342 : i32
      %get3A_344 = arith.index_cast %add3A_343 : i32 to index
      %get3A_345 = arith.constant 80 : index
      %get3A_346 = tpu.vector_load %arg8[%get3A_344, %get3A_345] {strides = array<i32>} : memref<384x128xf32, #tpu.memory_space<vmem>>, vector<16xf32>,
      %add3A_347 = arith.constant 80 : i32
      %add3A_348 = vector.broadcast %add3A_347 : i32 to vector<16xi32>
      %add3A_349 = arith.addi %add3A_348, %iota3A : vector<16xi32>
      tpu.vector_store_idx %arg9[%add3A_349, %broadcast_in_dim3A_289], %get3A_346 : memref<128x8xf32, #tpu.memory_space<vmem>>[vector<16xi32>, vector<16xi32>], vector<16xf32>,
      %mul3A_350 = arith.constant 4 : i32
      %mul3A_351 = arith.muli %scan3A_42, %mul3A_350 : i32
      %add3A_352 = arith.constant 3 : i32
      %add3A_353 = arith.addi %mul3A_351, %add3A_352 : i32
      %get3A_354 = arith.index_cast %add3A_353 : i32 to index
      %get3A_355 = arith.constant 96 : index
      %get3A_356 = tpu.vector_load %arg8[%get3A_354, %get3A_355] {strides = array<i32>} : memref<384x128xf32, #tpu.memory_space<vmem>>, vector<16xf32>,
      %add3A_357 = arith.constant 96 : i32
      %add3A_358 = vector.broadcast %add3A_357 : i32 to vector<16xi32>
      %add3A_359 = arith.addi %add3A_358, %iota3A : vector<16xi32>
      tpu.vector_store_idx %arg9[%add3A_359, %broadcast_in_dim3A_289], %get3A_356 : memref<128x8xf32, #tpu.memory_space<vmem>>[vector<16xi32>, vector<16xi32>], vector<16xf32>,
      %mul3A_360 = arith.constant 4 : i32
      %mul3A_361 = arith.muli %scan3A_42, %mul3A_360 : i32
      %add3A_362 = arith.constant 3 : i32
      %add3A_363 = arith.addi %mul3A_361, %add3A_362 : i32
      %get3A_364 = arith.index_cast %add3A_363 : i32 to index
      %get3A_365 = arith.constant 112 : index
      %get3A_366 = tpu.vector_load %arg8[%get3A_364, %get3A_365] {strides = array<i32>} : memref<384x128xf32, #tpu.memory_space<vmem>>, vector<16xf32>,
      %add3A_367 = arith.constant 112 : i32
      %add3A_368 = vector.broadcast %add3A_367 : i32 to vector<16xi32>
      %add3A_369 = arith.addi %add3A_368, %iota3A : vector<16xi32>
      tpu.vector_store_idx %arg9[%add3A_369, %broadcast_in_dim3A_289], %get3A_366 : memref<128x8xf32, #tpu.memory_space<vmem>>[vector<16xi32>, vector<16xi32>], vector<16xf32>,
      "tpu.region"() ({
        %run_scoped3A = tpu.sem_alloc : memref<!tpu.dma_semaphore, #tpu.memory_space<semaphore_mem>>
        %dma_start3A = arith.constant 0 : i32
        %dma_start3A_370 = tpu.memref_slice %arg7[%scan3A_42, %dma_start3A] : memref<96x128xi32, #tpu.memory_space<vmem>> -> memref<1x128xi32, #tpu.memory_space<vmem>>
        %dma_start3A_371 = tpu.memref_squeeze %dma_start3A_370 : memref<1x128xi32, #tpu.memory_space<vmem>> -> memref<128xi32, #tpu.memory_space<vmem>>
        %dma_start3A_372 = arith.constant 0 : i32
        %dma_start3A_373 = arith.constant 0 : i32
        %dma_start3A_374 = tpu.memref_slice %arg10[%dma_start3A_372, %dma_start3A_373] : memref<24576x8xf32, #tpu.memory_space<vmem_shared>> -> memref<24576x8xf32, #tpu.memory_space<vmem_shared>>
        tpu.enqueue_indirect_dma source(%arg9 : memref<128x8xf32, #tpu.memory_space<vmem>>) target(%dma_start3A_374 : memref<24576x8xf32, #tpu.memory_space<vmem_shared>>) offsets(%dma_start3A_371 : memref<128xi32, #tpu.memory_space<vmem>>) semaphore(%run_scoped3A : memref<!tpu.dma_semaphore, #tpu.memory_space<semaphore_mem>>) {add = true}
        %dma_wait3A = arith.constant 0 : i32
        %dma_wait3A_375 = tpu.memref_slice %arg7[%scan3A_42, %dma_wait3A] : memref<96x128xi32, #tpu.memory_space<vmem>> -> memref<1x128xi32, #tpu.memory_space<vmem>>
        %dma_wait3A_376 = tpu.memref_squeeze %dma_wait3A_375 : memref<1x128xi32, #tpu.memory_space<vmem>> -> memref<128xi32, #tpu.memory_space<vmem>>
        %dma_wait3A_377 = arith.constant 0 : i32
        %dma_wait3A_378 = arith.constant 0 : i32
        %dma_wait3A_379 = tpu.memref_slice %arg10[%dma_wait3A_377, %dma_wait3A_378] : memref<24576x8xf32, #tpu.memory_space<vmem_shared>> -> memref<24576x8xf32, #tpu.memory_space<vmem_shared>>
        tpu.wait_indirect_dma semaphore(%run_scoped3A : memref<!tpu.dma_semaphore, #tpu.memory_space<semaphore_mem>>) src(%arg9 : memref<128x8xf32, #tpu.memory_space<vmem>>) dst(%dma_wait3A_379 : memref<24576x8xf32, #tpu.memory_space<vmem_shared>>)
        tpu.yield
      }) : () -> ()
    }
    %scan3A_38 = arith.constant 96 : i32
    %barrier3A_39 = arith.constant 0 : index
    tpu.barrier barrier_id(%barrier3A_39)
    %mul3A_40 = arith.constant 1536 : i32
    %mul3A_41 = arith.muli %arg1, %mul3A_40 : i32
    "tpu.region"() ({
      %run_scoped3A = tpu.sem_alloc : memref<!tpu.dma_semaphore, #tpu.memory_space<semaphore_mem>>
      %dma_start3A = arith.constant 0 : i32
      %dma_start3A_42 = arith.constant 0 : i32
      %dma_start3A_43 = tpu.memref_slice %arg6[%arg0, %dma_start3A, %dma_start3A_42] : memref<2x24576x8xf32, #tpu.memory_space<hbm>> -> memref<1x24576x8xf32, #tpu.memory_space<hbm>>
      %dma_start3A_44 = tpu.memref_squeeze %dma_start3A_43 : memref<1x24576x8xf32, #tpu.memory_space<hbm>> -> memref<24576x8xf32, #tpu.memory_space<hbm>>
      %dma_start3A_45 = arith.constant 0 : i32
      %dma_start3A_46 = tpu.memref_slice %dma_start3A_44[%mul3A_41, %dma_start3A_45] : memref<24576x8xf32, #tpu.memory_space<hbm>> -> memref<1536x8xf32, #tpu.memory_space<hbm>>
      %dma_start3A_47 = arith.constant 0 : i32
      %dma_start3A_48 = tpu.memref_slice %arg10[%mul3A_41, %dma_start3A_47] : memref<24576x8xf32, #tpu.memory_space<vmem_shared>> -> memref<1536x8xf32, #tpu.memory_space<vmem_shared>>
      tpu.enqueue_dma source(%dma_start3A_48 : memref<1536x8xf32, #tpu.memory_space<vmem_shared>>) target(%dma_start3A_46 : memref<1536x8xf32, #tpu.memory_space<hbm>>) target_semaphore(%run_scoped3A : memref<!tpu.dma_semaphore, #tpu.memory_space<semaphore_mem>>)
      %dma_wait3A = arith.constant 0 : i32
      %dma_wait3A_49 = arith.constant 0 : i32
      %dma_wait3A_50 = tpu.memref_slice %arg6[%arg0, %dma_wait3A, %dma_wait3A_49] : memref<2x24576x8xf32, #tpu.memory_space<hbm>> -> memref<1x24576x8xf32, #tpu.memory_space<hbm>>
      %dma_wait3A_51 = tpu.memref_squeeze %dma_wait3A_50 : memref<1x24576x8xf32, #tpu.memory_space<hbm>> -> memref<24576x8xf32, #tpu.memory_space<hbm>>
      %dma_wait3A_52 = arith.constant 0 : i32
      %dma_wait3A_53 = tpu.memref_slice %dma_wait3A_51[%mul3A_41, %dma_wait3A_52] : memref<24576x8xf32, #tpu.memory_space<hbm>> -> memref<1536x8xf32, #tpu.memory_space<hbm>>
      %dma_wait3A_54 = arith.constant 0 : i32
      %dma_wait3A_55 = tpu.memref_slice %arg10[%mul3A_41, %dma_wait3A_54] : memref<24576x8xf32, #tpu.memory_space<vmem_shared>> -> memref<1536x8xf32, #tpu.memory_space<vmem_shared>>
      tpu.wait_dma2 semaphore(%run_scoped3A : memref<!tpu.dma_semaphore, #tpu.memory_space<semaphore_mem>>) src(%dma_wait3A_55 : memref<1536x8xf32, #tpu.memory_space<vmem_shared>>) dst(%dma_wait3A_53 : memref<1536x8xf32, #tpu.memory_space<hbm>>)
      tpu.yield
    }) : () -> ()
    return
  }
}

#map = affine_map<(d0, d1) -> (0, 0, 0)>
#map1 = affine_map<(d0, d1) -> (0, 0)>
module attributes {stable_mosaic.version = 14 : i64} {
  func.func @_spmm_body(%arg0: i32, %arg1: i32, %arg2: memref<2x24576x64xf32, #tpu.memory_space<hbm>>, %arg3: memref<3072x128xi32, #tpu.memory_space<hbm>>, %arg4: memref<3072x128xi32, #tpu.memory_space<hbm>>, %arg5: memref<1536x64xf32, #tpu.memory_space<hbm>>, %arg6: memref<2x24576x64xf32, #tpu.memory_space<hbm>>, %arg7: memref<24x128xi32, #tpu.memory_space<vmem>>, %arg8: memref<24x128xi32, #tpu.memory_space<vmem>>, %arg9: memref<3x128x64xf32, #tpu.memory_space<vmem>>, %arg10: memref<24576x64xf32, #tpu.memory_space<vmem_shared>>, %arg11: memref<3x!tpu.dma_semaphore, #tpu.memory_space<semaphore_mem>>) attributes {dimension_semantics = [#tpu.dimension_semantics<core_parallel>, #tpu.dimension_semantics<subcore_parallel>], iteration_bounds = array<i64: 2, 16>, scalar_prefetch = 0 : i64, scratch_operands = 5 : i64, tpu.core_type = #tpu.core_type<sc_vector_subcore>, window_params = [{transform_indices = #map}, {transform_indices = #map1}, {transform_indices = #map1}, {transform_indices = #map1}, {transform_indices = #map}]} {
    %mul3A = arith.constant 1536 : i32
    %mul3A_0 = arith.muli %arg1, %mul3A : i32
    "tpu.region"() ({
      %run_scoped3A = tpu.sem_alloc : memref<!tpu.dma_semaphore, #tpu.memory_space<semaphore_mem>>
      %dma_start3A = arith.constant 0 : i32
      %dma_start3A_9 = tpu.memref_slice %arg10[%mul3A_0, %dma_start3A] : memref<24576x64xf32, #tpu.memory_space<vmem_shared>> -> memref<1536x64xf32, #tpu.memory_space<vmem_shared>>
      tpu.enqueue_dma source(%arg5 : memref<1536x64xf32, #tpu.memory_space<hbm>>) target(%dma_start3A_9 : memref<1536x64xf32, #tpu.memory_space<vmem_shared>>) target_semaphore(%run_scoped3A : memref<!tpu.dma_semaphore, #tpu.memory_space<semaphore_mem>>)
      %dma_wait3A = arith.constant 0 : i32
      %dma_wait3A_10 = tpu.memref_slice %arg10[%mul3A_0, %dma_wait3A] : memref<24576x64xf32, #tpu.memory_space<vmem_shared>> -> memref<1536x64xf32, #tpu.memory_space<vmem_shared>>
      tpu.wait_dma2 semaphore(%run_scoped3A : memref<!tpu.dma_semaphore, #tpu.memory_space<semaphore_mem>>) src(%arg5 : memref<1536x64xf32, #tpu.memory_space<hbm>>) dst(%dma_wait3A_10 : memref<1536x64xf32, #tpu.memory_space<vmem_shared>>)
      tpu.yield
    }) : () -> ()
    %barrier3A = arith.constant 0 : index
    tpu.barrier barrier_id(%barrier3A)
    %scan3A = arith.constant 0 : i32
    %scan3A_1 = arith.constant 0 : i32
    %scan3A_2 = arith.constant 8 : i32
    %scan3A_3 = arith.addi %scan3A_1, %scan3A_2 : i32
    %scan3A_4 = arith.constant 1 : i32
    scf.for %scan3A_9 = %scan3A_1 to %scan3A_3 step %scan3A_4  : i32 {
      %mul3A_10 = arith.constant 192 : i32
      %mul3A_11 = arith.muli %arg1, %mul3A_10 : i32
      %mul3A_12 = arith.constant 24 : i32
      %mul3A_13 = arith.muli %scan3A_9, %mul3A_12 : i32
      %add3A = arith.addi %mul3A_11, %mul3A_13 : i32
      "tpu.region"() ({
        %run_scoped3A = tpu.sem_alloc : memref<!tpu.dma_semaphore, #tpu.memory_space<semaphore_mem>>
        %dma_start3A_76 = arith.constant 0 : i32
        %dma_start3A_77 = tpu.memref_slice %arg3[%add3A, %dma_start3A_76] : memref<3072x128xi32, #tpu.memory_space<hbm>> -> memref<24x128xi32, #tpu.memory_space<hbm>>
        %dma_start3A_78 = arith.constant 0 : i32
        %dma_start3A_79 = tpu.memref_slice %arg3[%add3A, %dma_start3A_78] : memref<3072x128xi32, #tpu.memory_space<hbm>> -> memref<24x128xi32, #tpu.memory_space<hbm>>
        tpu.enqueue_dma source(%dma_start3A_79 : memref<24x128xi32, #tpu.memory_space<hbm>>) target(%arg7 : memref<24x128xi32, #tpu.memory_space<vmem>>) target_semaphore(%run_scoped3A : memref<!tpu.dma_semaphore, #tpu.memory_space<semaphore_mem>>)
        %dma_wait3A = arith.constant 0 : i32
        %dma_wait3A_80 = tpu.memref_slice %arg3[%add3A, %dma_wait3A] : memref<3072x128xi32, #tpu.memory_space<hbm>> -> memref<24x128xi32, #tpu.memory_space<hbm>>
        %dma_wait3A_81 = arith.constant 0 : i32
        %dma_wait3A_82 = tpu.memref_slice %arg3[%add3A, %dma_wait3A_81] : memref<3072x128xi32, #tpu.memory_space<hbm>> -> memref<24x128xi32, #tpu.memory_space<hbm>>
        tpu.wait_dma2 semaphore(%run_scoped3A : memref<!tpu.dma_semaphore, #tpu.memory_space<semaphore_mem>>) src(%dma_wait3A_82 : memref<24x128xi32, #tpu.memory_space<hbm>>) dst(%arg7 : memref<24x128xi32, #tpu.memory_space<vmem>>)
        tpu.yield
      }) : () -> ()
      "tpu.region"() ({
        %run_scoped3A = tpu.sem_alloc : memref<!tpu.dma_semaphore, #tpu.memory_space<semaphore_mem>>
        %dma_start3A_76 = arith.constant 0 : i32
        %dma_start3A_77 = tpu.memref_slice %arg4[%add3A, %dma_start3A_76] : memref<3072x128xi32, #tpu.memory_space<hbm>> -> memref<24x128xi32, #tpu.memory_space<hbm>>
        %dma_start3A_78 = arith.constant 0 : i32
        %dma_start3A_79 = tpu.memref_slice %arg4[%add3A, %dma_start3A_78] : memref<3072x128xi32, #tpu.memory_space<hbm>> -> memref<24x128xi32, #tpu.memory_space<hbm>>
        tpu.enqueue_dma source(%dma_start3A_79 : memref<24x128xi32, #tpu.memory_space<hbm>>) target(%arg8 : memref<24x128xi32, #tpu.memory_space<vmem>>) target_semaphore(%run_scoped3A : memref<!tpu.dma_semaphore, #tpu.memory_space<semaphore_mem>>)
        %dma_wait3A = arith.constant 0 : i32
        %dma_wait3A_80 = tpu.memref_slice %arg4[%add3A, %dma_wait3A] : memref<3072x128xi32, #tpu.memory_space<hbm>> -> memref<24x128xi32, #tpu.memory_space<hbm>>
        %dma_wait3A_81 = arith.constant 0 : i32
        %dma_wait3A_82 = tpu.memref_slice %arg4[%add3A, %dma_wait3A_81] : memref<3072x128xi32, #tpu.memory_space<hbm>> -> memref<24x128xi32, #tpu.memory_space<hbm>>
        tpu.wait_dma2 semaphore(%run_scoped3A : memref<!tpu.dma_semaphore, #tpu.memory_space<semaphore_mem>>) src(%dma_wait3A_82 : memref<24x128xi32, #tpu.memory_space<hbm>>) dst(%arg8 : memref<24x128xi32, #tpu.memory_space<vmem>>)
        tpu.yield
      }) : () -> ()
      %dma_start3A = arith.constant 0 : i32
      %dma_start3A_14 = arith.constant 0 : i32
      %dma_start3A_15 = arith.constant 0 : i32
      %dma_start3A_16 = arith.constant 0 : i32
      %dma_start3A_17 = arith.constant 0 : i32
      %dma_start3A_18 = tpu.memref_slice %arg9[%dma_start3A_14, %dma_start3A_16, %dma_start3A_17] : memref<3x128x64xf32, #tpu.memory_space<vmem>> -> memref<1x128x64xf32, #tpu.memory_space<vmem>>
      %dma_start3A_19 = tpu.memref_squeeze %dma_start3A_18 : memref<1x128x64xf32, #tpu.memory_space<vmem>> -> memref<128x64xf32, #tpu.memory_space<vmem>>
      %dma_start3A_20 = arith.constant 0 : i32
      %dma_start3A_21 = tpu.memref_slice %arg7[%dma_start3A, %dma_start3A_20] : memref<24x128xi32, #tpu.memory_space<vmem>> -> memref<1x128xi32, #tpu.memory_space<vmem>>
      %dma_start3A_22 = tpu.memref_squeeze %dma_start3A_21 : memref<1x128xi32, #tpu.memory_space<vmem>> -> memref<128xi32, #tpu.memory_space<vmem>>
      %dma_start3A_23 = arith.constant 0 : i32
      %dma_start3A_24 = arith.constant 0 : i32
      %dma_start3A_25 = tpu.memref_slice %arg2[%arg0, %dma_start3A_23, %dma_start3A_24] : memref<2x24576x64xf32, #tpu.memory_space<hbm>> -> memref<1x24576x64xf32, #tpu.memory_space<hbm>>
      %dma_start3A_26 = tpu.memref_squeeze %dma_start3A_25 : memref<1x24576x64xf32, #tpu.memory_space<hbm>> -> memref<24576x64xf32, #tpu.memory_space<hbm>>
      %dma_start3A_27 = arith.constant 0 : i32
      %dma_start3A_28 = arith.constant 0 : i32
      %dma_start3A_29 = tpu.memref_slice %dma_start3A_26[%dma_start3A_27, %dma_start3A_28] : memref<24576x64xf32, #tpu.memory_space<hbm>> -> memref<24576x64xf32, #tpu.memory_space<hbm>>
      %dma_start3A_30 = tpu.memref_slice %arg11[%dma_start3A_15] : memref<3x!tpu.dma_semaphore, #tpu.memory_space<semaphore_mem>> -> memref<1x!tpu.dma_semaphore, #tpu.memory_space<semaphore_mem>>
      %dma_start3A_31 = tpu.memref_squeeze %dma_start3A_30 : memref<1x!tpu.dma_semaphore, #tpu.memory_space<semaphore_mem>> -> memref<!tpu.dma_semaphore, #tpu.memory_space<semaphore_mem>>
      tpu.enqueue_indirect_dma source(%dma_start3A_29 : memref<24576x64xf32, #tpu.memory_space<hbm>>) target(%dma_start3A_19 : memref<128x64xf32, #tpu.memory_space<vmem>>) offsets(%dma_start3A_22 : memref<128xi32, #tpu.memory_space<vmem>>) semaphore(%dma_start3A_31 : memref<!tpu.dma_semaphore, #tpu.memory_space<semaphore_mem>>)
      %dma_start3A_32 = arith.constant 1 : i32
      %dma_start3A_33 = arith.constant 1 : i32
      %dma_start3A_34 = arith.constant 1 : i32
      %dma_start3A_35 = arith.constant 0 : i32
      %dma_start3A_36 = arith.constant 0 : i32
      %dma_start3A_37 = tpu.memref_slice %arg9[%dma_start3A_33, %dma_start3A_35, %dma_start3A_36] : memref<3x128x64xf32, #tpu.memory_space<vmem>> -> memref<1x128x64xf32, #tpu.memory_space<vmem>>
      %dma_start3A_38 = tpu.memref_squeeze %dma_start3A_37 : memref<1x128x64xf32, #tpu.memory_space<vmem>> -> memref<128x64xf32, #tpu.memory_space<vmem>>
      %dma_start3A_39 = arith.constant 0 : i32
      %dma_start3A_40 = tpu.memref_slice %arg7[%dma_start3A_32, %dma_start3A_39] : memref<24x128xi32, #tpu.memory_space<vmem>> -> memref<1x128xi32, #tpu.memory_space<vmem>>
      %dma_start3A_41 = tpu.memref_squeeze %dma_start3A_40 : memref<1x128xi32, #tpu.memory_space<vmem>> -> memref<128xi32, #tpu.memory_space<vmem>>
      %dma_start3A_42 = arith.constant 0 : i32
      %dma_start3A_43 = arith.constant 0 : i32
      %dma_start3A_44 = tpu.memref_slice %arg2[%arg0, %dma_start3A_42, %dma_start3A_43] : memref<2x24576x64xf32, #tpu.memory_space<hbm>> -> memref<1x24576x64xf32, #tpu.memory_space<hbm>>
      %dma_start3A_45 = tpu.memref_squeeze %dma_start3A_44 : memref<1x24576x64xf32, #tpu.memory_space<hbm>> -> memref<24576x64xf32, #tpu.memory_space<hbm>>
      %dma_start3A_46 = arith.constant 0 : i32
      %dma_start3A_47 = arith.constant 0 : i32
      %dma_start3A_48 = tpu.memref_slice %dma_start3A_45[%dma_start3A_46, %dma_start3A_47] : memref<24576x64xf32, #tpu.memory_space<hbm>> -> memref<24576x64xf32, #tpu.memory_space<hbm>>
      %dma_start3A_49 = tpu.memref_slice %arg11[%dma_start3A_34] : memref<3x!tpu.dma_semaphore, #tpu.memory_space<semaphore_mem>> -> memref<1x!tpu.dma_semaphore, #tpu.memory_space<semaphore_mem>>
      %dma_start3A_50 = tpu.memref_squeeze %dma_start3A_49 : memref<1x!tpu.dma_semaphore, #tpu.memory_space<semaphore_mem>> -> memref<!tpu.dma_semaphore, #tpu.memory_space<semaphore_mem>>
      tpu.enqueue_indirect_dma source(%dma_start3A_48 : memref<24576x64xf32, #tpu.memory_space<hbm>>) target(%dma_start3A_38 : memref<128x64xf32, #tpu.memory_space<vmem>>) offsets(%dma_start3A_41 : memref<128xi32, #tpu.memory_space<vmem>>) semaphore(%dma_start3A_50 : memref<!tpu.dma_semaphore, #tpu.memory_space<semaphore_mem>>)
      %dma_start3A_51 = arith.constant 2 : i32
      %dma_start3A_52 = arith.constant 2 : i32
      %dma_start3A_53 = arith.constant 2 : i32
      %dma_start3A_54 = arith.constant 0 : i32
      %dma_start3A_55 = arith.constant 0 : i32
      %dma_start3A_56 = tpu.memref_slice %arg9[%dma_start3A_52, %dma_start3A_54, %dma_start3A_55] : memref<3x128x64xf32, #tpu.memory_space<vmem>> -> memref<1x128x64xf32, #tpu.memory_space<vmem>>
      %dma_start3A_57 = tpu.memref_squeeze %dma_start3A_56 : memref<1x128x64xf32, #tpu.memory_space<vmem>> -> memref<128x64xf32, #tpu.memory_space<vmem>>
      %dma_start3A_58 = arith.constant 0 : i32
      %dma_start3A_59 = tpu.memref_slice %arg7[%dma_start3A_51, %dma_start3A_58] : memref<24x128xi32, #tpu.memory_space<vmem>> -> memref<1x128xi32, #tpu.memory_space<vmem>>
      %dma_start3A_60 = tpu.memref_squeeze %dma_start3A_59 : memref<1x128xi32, #tpu.memory_space<vmem>> -> memref<128xi32, #tpu.memory_space<vmem>>
      %dma_start3A_61 = arith.constant 0 : i32
      %dma_start3A_62 = arith.constant 0 : i32
      %dma_start3A_63 = tpu.memref_slice %arg2[%arg0, %dma_start3A_61, %dma_start3A_62] : memref<2x24576x64xf32, #tpu.memory_space<hbm>> -> memref<1x24576x64xf32, #tpu.memory_space<hbm>>
      %dma_start3A_64 = tpu.memref_squeeze %dma_start3A_63 : memref<1x24576x64xf32, #tpu.memory_space<hbm>> -> memref<24576x64xf32, #tpu.memory_space<hbm>>
      %dma_start3A_65 = arith.constant 0 : i32
      %dma_start3A_66 = arith.constant 0 : i32
      %dma_start3A_67 = tpu.memref_slice %dma_start3A_64[%dma_start3A_65, %dma_start3A_66] : memref<24576x64xf32, #tpu.memory_space<hbm>> -> memref<24576x64xf32, #tpu.memory_space<hbm>>
      %dma_start3A_68 = tpu.memref_slice %arg11[%dma_start3A_53] : memref<3x!tpu.dma_semaphore, #tpu.memory_space<semaphore_mem>> -> memref<1x!tpu.dma_semaphore, #tpu.memory_space<semaphore_mem>>
      %dma_start3A_69 = tpu.memref_squeeze %dma_start3A_68 : memref<1x!tpu.dma_semaphore, #tpu.memory_space<semaphore_mem>> -> memref<!tpu.dma_semaphore, #tpu.memory_space<semaphore_mem>>
      tpu.enqueue_indirect_dma source(%dma_start3A_67 : memref<24576x64xf32, #tpu.memory_space<hbm>>) target(%dma_start3A_57 : memref<128x64xf32, #tpu.memory_space<vmem>>) offsets(%dma_start3A_60 : memref<128xi32, #tpu.memory_space<vmem>>) semaphore(%dma_start3A_69 : memref<!tpu.dma_semaphore, #tpu.memory_space<semaphore_mem>>)
      %scan3A_70 = arith.constant 0 : i32
      %scan3A_71 = arith.constant 0 : i32
      %scan3A_72 = arith.constant 24 : i32
      %scan3A_73 = arith.addi %scan3A_71, %scan3A_72 : i32
      %scan3A_74 = arith.constant 1 : i32
      scf.for %scan3A_76 = %scan3A_71 to %scan3A_73 step %scan3A_74  : i32 {
        %rem3A = arith.constant 3 : i32
        %rem3A_77 = arith.remsi %scan3A_76, %rem3A : i32
        %dma_wait3A = arith.constant 0 : i32
        %dma_wait3A_78 = arith.constant 0 : i32
        %dma_wait3A_79 = tpu.memref_slice %arg9[%rem3A_77, %dma_wait3A, %dma_wait3A_78] : memref<3x128x64xf32, #tpu.memory_space<vmem>> -> memref<1x128x64xf32, #tpu.memory_space<vmem>>
        %dma_wait3A_80 = tpu.memref_squeeze %dma_wait3A_79 : memref<1x128x64xf32, #tpu.memory_space<vmem>> -> memref<128x64xf32, #tpu.memory_space<vmem>>
        %dma_wait3A_81 = arith.constant 0 : i32
        %dma_wait3A_82 = tpu.memref_slice %arg7[%scan3A_76, %dma_wait3A_81] : memref<24x128xi32, #tpu.memory_space<vmem>> -> memref<1x128xi32, #tpu.memory_space<vmem>>
        %dma_wait3A_83 = tpu.memref_squeeze %dma_wait3A_82 : memref<1x128xi32, #tpu.memory_space<vmem>> -> memref<128xi32, #tpu.memory_space<vmem>>
        %dma_wait3A_84 = arith.constant 0 : i32
        %dma_wait3A_85 = arith.constant 0 : i32
        %dma_wait3A_86 = tpu.memref_slice %arg2[%arg0, %dma_wait3A_84, %dma_wait3A_85] : memref<2x24576x64xf32, #tpu.memory_space<hbm>> -> memref<1x24576x64xf32, #tpu.memory_space<hbm>>
        %dma_wait3A_87 = tpu.memref_squeeze %dma_wait3A_86 : memref<1x24576x64xf32, #tpu.memory_space<hbm>> -> memref<24576x64xf32, #tpu.memory_space<hbm>>
        %dma_wait3A_88 = arith.constant 0 : i32
        %dma_wait3A_89 = arith.constant 0 : i32
        %dma_wait3A_90 = tpu.memref_slice %dma_wait3A_87[%dma_wait3A_88, %dma_wait3A_89] : memref<24576x64xf32, #tpu.memory_space<hbm>> -> memref<24576x64xf32, #tpu.memory_space<hbm>>
        %dma_wait3A_91 = tpu.memref_slice %arg11[%rem3A_77] : memref<3x!tpu.dma_semaphore, #tpu.memory_space<semaphore_mem>> -> memref<1x!tpu.dma_semaphore, #tpu.memory_space<semaphore_mem>>
        %dma_wait3A_92 = tpu.memref_squeeze %dma_wait3A_91 : memref<1x!tpu.dma_semaphore, #tpu.memory_space<semaphore_mem>> -> memref<!tpu.dma_semaphore, #tpu.memory_space<semaphore_mem>>
        tpu.wait_indirect_dma semaphore(%dma_wait3A_92 : memref<!tpu.dma_semaphore, #tpu.memory_space<semaphore_mem>>) src(%dma_wait3A_90 : memref<24576x64xf32, #tpu.memory_space<hbm>>) dst(%dma_wait3A_80 : memref<128x64xf32, #tpu.memory_space<vmem>>)
        "tpu.region"() ({
          %run_scoped3A = tpu.sem_alloc : memref<!tpu.dma_semaphore, #tpu.memory_space<semaphore_mem>>
          %dma_start3A_97 = arith.constant 0 : i32
          %dma_start3A_98 = arith.constant 0 : i32
          %dma_start3A_99 = tpu.memref_slice %arg9[%rem3A_77, %dma_start3A_97, %dma_start3A_98] : memref<3x128x64xf32, #tpu.memory_space<vmem>> -> memref<1x128x64xf32, #tpu.memory_space<vmem>>
          %dma_start3A_100 = tpu.memref_squeeze %dma_start3A_99 : memref<1x128x64xf32, #tpu.memory_space<vmem>> -> memref<128x64xf32, #tpu.memory_space<vmem>>
          %dma_start3A_101 = arith.constant 0 : i32
          %dma_start3A_102 = tpu.memref_slice %arg8[%scan3A_76, %dma_start3A_101] : memref<24x128xi32, #tpu.memory_space<vmem>> -> memref<1x128xi32, #tpu.memory_space<vmem>>
          %dma_start3A_103 = tpu.memref_squeeze %dma_start3A_102 : memref<1x128xi32, #tpu.memory_space<vmem>> -> memref<128xi32, #tpu.memory_space<vmem>>
          %dma_start3A_104 = arith.constant 0 : i32
          %dma_start3A_105 = arith.constant 0 : i32
          %dma_start3A_106 = tpu.memref_slice %arg10[%dma_start3A_104, %dma_start3A_105] : memref<24576x64xf32, #tpu.memory_space<vmem_shared>> -> memref<24576x64xf32, #tpu.memory_space<vmem_shared>>
          tpu.enqueue_indirect_dma source(%dma_start3A_100 : memref<128x64xf32, #tpu.memory_space<vmem>>) target(%dma_start3A_106 : memref<24576x64xf32, #tpu.memory_space<vmem_shared>>) offsets(%dma_start3A_103 : memref<128xi32, #tpu.memory_space<vmem>>) semaphore(%run_scoped3A : memref<!tpu.dma_semaphore, #tpu.memory_space<semaphore_mem>>) {add = true}
          %dma_wait3A_107 = arith.constant 0 : i32
          %dma_wait3A_108 = arith.constant 0 : i32
          %dma_wait3A_109 = tpu.memref_slice %arg9[%rem3A_77, %dma_wait3A_107, %dma_wait3A_108] : memref<3x128x64xf32, #tpu.memory_space<vmem>> -> memref<1x128x64xf32, #tpu.memory_space<vmem>>
          %dma_wait3A_110 = tpu.memref_squeeze %dma_wait3A_109 : memref<1x128x64xf32, #tpu.memory_space<vmem>> -> memref<128x64xf32, #tpu.memory_space<vmem>>
          %dma_wait3A_111 = arith.constant 0 : i32
          %dma_wait3A_112 = tpu.memref_slice %arg8[%scan3A_76, %dma_wait3A_111] : memref<24x128xi32, #tpu.memory_space<vmem>> -> memref<1x128xi32, #tpu.memory_space<vmem>>
          %dma_wait3A_113 = tpu.memref_squeeze %dma_wait3A_112 : memref<1x128xi32, #tpu.memory_space<vmem>> -> memref<128xi32, #tpu.memory_space<vmem>>
          %dma_wait3A_114 = arith.constant 0 : i32
          %dma_wait3A_115 = arith.constant 0 : i32
          %dma_wait3A_116 = tpu.memref_slice %arg10[%dma_wait3A_114, %dma_wait3A_115] : memref<24576x64xf32, #tpu.memory_space<vmem_shared>> -> memref<24576x64xf32, #tpu.memory_space<vmem_shared>>
          tpu.wait_indirect_dma semaphore(%run_scoped3A : memref<!tpu.dma_semaphore, #tpu.memory_space<semaphore_mem>>) src(%dma_wait3A_110 : memref<128x64xf32, #tpu.memory_space<vmem>>) dst(%dma_wait3A_116 : memref<24576x64xf32, #tpu.memory_space<vmem_shared>>)
          tpu.yield
        }) : () -> ()
        %add3A_93 = arith.constant 3 : i32
        %add3A_94 = arith.addi %scan3A_76, %add3A_93 : i32
        %lt3A = arith.constant 24 : i32
        %lt3A_95 = arith.cmpi slt, %add3A_94, %lt3A : i32
        %convert_element_type3A = arith.extui %lt3A_95 : i1 to i32
        %cond3A = arith.constant 0 : i32
        %cond3A_96 = arith.cmpi ne, %convert_element_type3A, %cond3A : i32
        scf.if %cond3A_96 {
          %add3A_97 = arith.constant 3 : i32
          %add3A_98 = arith.addi %scan3A_76, %add3A_97 : i32
          %dma_start3A_99 = arith.constant 0 : i32
          %dma_start3A_100 = arith.constant 0 : i32
          %dma_start3A_101 = tpu.memref_slice %arg9[%rem3A_77, %dma_start3A_99, %dma_start3A_100] : memref<3x128x64xf32, #tpu.memory_space<vmem>> -> memref<1x128x64xf32, #tpu.memory_space<vmem>>
          %dma_start3A_102 = tpu.memref_squeeze %dma_start3A_101 : memref<1x128x64xf32, #tpu.memory_space<vmem>> -> memref<128x64xf32, #tpu.memory_space<vmem>>
          %dma_start3A_103 = arith.constant 0 : i32
          %dma_start3A_104 = tpu.memref_slice %arg7[%add3A_98, %dma_start3A_103] : memref<24x128xi32, #tpu.memory_space<vmem>> -> memref<1x128xi32, #tpu.memory_space<vmem>>
          %dma_start3A_105 = tpu.memref_squeeze %dma_start3A_104 : memref<1x128xi32, #tpu.memory_space<vmem>> -> memref<128xi32, #tpu.memory_space<vmem>>
          %dma_start3A_106 = arith.constant 0 : i32
          %dma_start3A_107 = arith.constant 0 : i32
          %dma_start3A_108 = tpu.memref_slice %arg2[%arg0, %dma_start3A_106, %dma_start3A_107] : memref<2x24576x64xf32, #tpu.memory_space<hbm>> -> memref<1x24576x64xf32, #tpu.memory_space<hbm>>
          %dma_start3A_109 = tpu.memref_squeeze %dma_start3A_108 : memref<1x24576x64xf32, #tpu.memory_space<hbm>> -> memref<24576x64xf32, #tpu.memory_space<hbm>>
          %dma_start3A_110 = arith.constant 0 : i32
          %dma_start3A_111 = arith.constant 0 : i32
          %dma_start3A_112 = tpu.memref_slice %dma_start3A_109[%dma_start3A_110, %dma_start3A_111] : memref<24576x64xf32, #tpu.memory_space<hbm>> -> memref<24576x64xf32, #tpu.memory_space<hbm>>
          %dma_start3A_113 = tpu.memref_slice %arg11[%rem3A_77] : memref<3x!tpu.dma_semaphore, #tpu.memory_space<semaphore_mem>> -> memref<1x!tpu.dma_semaphore, #tpu.memory_space<semaphore_mem>>
          %dma_start3A_114 = tpu.memref_squeeze %dma_start3A_113 : memref<1x!tpu.dma_semaphore, #tpu.memory_space<semaphore_mem>> -> memref<!tpu.dma_semaphore, #tpu.memory_space<semaphore_mem>>
          tpu.enqueue_indirect_dma source(%dma_start3A_112 : memref<24576x64xf32, #tpu.memory_space<hbm>>) target(%dma_start3A_102 : memref<128x64xf32, #tpu.memory_space<vmem>>) offsets(%dma_start3A_105 : memref<128xi32, #tpu.memory_space<vmem>>) semaphore(%dma_start3A_114 : memref<!tpu.dma_semaphore, #tpu.memory_space<semaphore_mem>>)
        } else {
        }
      }
      %scan3A_75 = arith.constant 24 : i32
    }
    %scan3A_5 = arith.constant 8 : i32
    %barrier3A_6 = arith.constant 0 : index
    tpu.barrier barrier_id(%barrier3A_6)
    %mul3A_7 = arith.constant 1536 : i32
    %mul3A_8 = arith.muli %arg1, %mul3A_7 : i32
    "tpu.region"() ({
      %run_scoped3A = tpu.sem_alloc : memref<!tpu.dma_semaphore, #tpu.memory_space<semaphore_mem>>
      %dma_start3A = arith.constant 0 : i32
      %dma_start3A_9 = arith.constant 0 : i32
      %dma_start3A_10 = tpu.memref_slice %arg6[%arg0, %dma_start3A, %dma_start3A_9] : memref<2x24576x64xf32, #tpu.memory_space<hbm>> -> memref<1x24576x64xf32, #tpu.memory_space<hbm>>
      %dma_start3A_11 = tpu.memref_squeeze %dma_start3A_10 : memref<1x24576x64xf32, #tpu.memory_space<hbm>> -> memref<24576x64xf32, #tpu.memory_space<hbm>>
      %dma_start3A_12 = arith.constant 0 : i32
      %dma_start3A_13 = tpu.memref_slice %dma_start3A_11[%mul3A_8, %dma_start3A_12] : memref<24576x64xf32, #tpu.memory_space<hbm>> -> memref<1536x64xf32, #tpu.memory_space<hbm>>
      %dma_start3A_14 = arith.constant 0 : i32
      %dma_start3A_15 = tpu.memref_slice %arg10[%mul3A_8, %dma_start3A_14] : memref<24576x64xf32, #tpu.memory_space<vmem_shared>> -> memref<1536x64xf32, #tpu.memory_space<vmem_shared>>
      tpu.enqueue_dma source(%dma_start3A_15 : memref<1536x64xf32, #tpu.memory_space<vmem_shared>>) target(%dma_start3A_13 : memref<1536x64xf32, #tpu.memory_space<hbm>>) target_semaphore(%run_scoped3A : memref<!tpu.dma_semaphore, #tpu.memory_space<semaphore_mem>>)
      %dma_wait3A = arith.constant 0 : i32
      %dma_wait3A_16 = arith.constant 0 : i32
      %dma_wait3A_17 = tpu.memref_slice %arg6[%arg0, %dma_wait3A, %dma_wait3A_16] : memref<2x24576x64xf32, #tpu.memory_space<hbm>> -> memref<1x24576x64xf32, #tpu.memory_space<hbm>>
      %dma_wait3A_18 = tpu.memref_squeeze %dma_wait3A_17 : memref<1x24576x64xf32, #tpu.memory_space<hbm>> -> memref<24576x64xf32, #tpu.memory_space<hbm>>
      %dma_wait3A_19 = arith.constant 0 : i32
      %dma_wait3A_20 = tpu.memref_slice %dma_wait3A_18[%mul3A_8, %dma_wait3A_19] : memref<24576x64xf32, #tpu.memory_space<hbm>> -> memref<1536x64xf32, #tpu.memory_space<hbm>>
      %dma_wait3A_21 = arith.constant 0 : i32
      %dma_wait3A_22 = tpu.memref_slice %arg10[%mul3A_8, %dma_wait3A_21] : memref<24576x64xf32, #tpu.memory_space<vmem_shared>> -> memref<1536x64xf32, #tpu.memory_space<vmem_shared>>
      tpu.wait_dma2 semaphore(%run_scoped3A : memref<!tpu.dma_semaphore, #tpu.memory_space<semaphore_mem>>) src(%dma_wait3A_22 : memref<1536x64xf32, #tpu.memory_space<vmem_shared>>) dst(%dma_wait3A_20 : memref<1536x64xf32, #tpu.memory_space<hbm>>)
      tpu.yield
    }) : () -> ()
    return
  }
}

#map = affine_map<(d0, d1) -> (0, 0, 0)>
#map1 = affine_map<(d0, d1) -> (0, 0)>
module attributes {stable_mosaic.version = 14 : i64} {
  func.func @_spmm_body(%arg0: i32, %arg1: i32, %arg2: memref<2x24576x64xf32, #tpu.memory_space<hbm>>, %arg3: memref<3072x128xi32, #tpu.memory_space<hbm>>, %arg4: memref<3072x128xi32, #tpu.memory_space<hbm>>, %arg5: memref<1536x64xf32, #tpu.memory_space<hbm>>, %arg6: memref<2x24576x64xf32, #tpu.memory_space<hbm>>, %arg7: memref<24x128xi32, #tpu.memory_space<vmem>>, %arg8: memref<24x128xi32, #tpu.memory_space<vmem>>, %arg9: memref<3x128x64xf32, #tpu.memory_space<vmem>>, %arg10: memref<24576x64xf32, #tpu.memory_space<vmem_shared>>, %arg11: memref<3x!tpu.dma_semaphore, #tpu.memory_space<semaphore_mem>>) attributes {dimension_semantics = [#tpu.dimension_semantics<core_parallel>, #tpu.dimension_semantics<subcore_parallel>], iteration_bounds = array<i64: 2, 16>, scalar_prefetch = 0 : i64, scratch_operands = 5 : i64, tpu.core_type = #tpu.core_type<sc_vector_subcore>, window_params = [{transform_indices = #map}, {transform_indices = #map1}, {transform_indices = #map1}, {transform_indices = #map1}, {transform_indices = #map}]} {
    %mul3A = arith.constant 1536 : i32
    %mul3A_0 = arith.muli %arg1, %mul3A : i32
    "tpu.region"() ({
      %run_scoped3A = tpu.sem_alloc : memref<!tpu.dma_semaphore, #tpu.memory_space<semaphore_mem>>
      %dma_start3A = arith.constant 0 : i32
      %dma_start3A_9 = tpu.memref_slice %arg10[%mul3A_0, %dma_start3A] : memref<24576x64xf32, #tpu.memory_space<vmem_shared>> -> memref<1536x64xf32, #tpu.memory_space<vmem_shared>>
      tpu.enqueue_dma source(%arg5 : memref<1536x64xf32, #tpu.memory_space<hbm>>) target(%dma_start3A_9 : memref<1536x64xf32, #tpu.memory_space<vmem_shared>>) target_semaphore(%run_scoped3A : memref<!tpu.dma_semaphore, #tpu.memory_space<semaphore_mem>>)
      %dma_wait3A = arith.constant 0 : i32
      %dma_wait3A_10 = tpu.memref_slice %arg10[%mul3A_0, %dma_wait3A] : memref<24576x64xf32, #tpu.memory_space<vmem_shared>> -> memref<1536x64xf32, #tpu.memory_space<vmem_shared>>
      tpu.wait_dma2 semaphore(%run_scoped3A : memref<!tpu.dma_semaphore, #tpu.memory_space<semaphore_mem>>) src(%arg5 : memref<1536x64xf32, #tpu.memory_space<hbm>>) dst(%dma_wait3A_10 : memref<1536x64xf32, #tpu.memory_space<vmem_shared>>)
      tpu.yield
    }) : () -> ()
    %barrier3A = arith.constant 0 : index
    tpu.barrier barrier_id(%barrier3A)
    %scan3A = arith.constant 0 : i32
    %scan3A_1 = arith.constant 0 : i32
    %scan3A_2 = arith.constant 8 : i32
    %scan3A_3 = arith.addi %scan3A_1, %scan3A_2 : i32
    %scan3A_4 = arith.constant 1 : i32
    scf.for %scan3A_9 = %scan3A_1 to %scan3A_3 step %scan3A_4  : i32 {
      %mul3A_10 = arith.constant 192 : i32
      %mul3A_11 = arith.muli %arg1, %mul3A_10 : i32
      %mul3A_12 = arith.constant 24 : i32
      %mul3A_13 = arith.muli %scan3A_9, %mul3A_12 : i32
      %add3A = arith.addi %mul3A_11, %mul3A_13 : i32
      "tpu.region"() ({
        %run_scoped3A = tpu.sem_alloc : memref<!tpu.dma_semaphore, #tpu.memory_space<semaphore_mem>>
        %dma_start3A_76 = arith.constant 0 : i32
        %dma_start3A_77 = tpu.memref_slice %arg3[%add3A, %dma_start3A_76] : memref<3072x128xi32, #tpu.memory_space<hbm>> -> memref<24x128xi32, #tpu.memory_space<hbm>>
        %dma_start3A_78 = arith.constant 0 : i32
        %dma_start3A_79 = tpu.memref_slice %arg3[%add3A, %dma_start3A_78] : memref<3072x128xi32, #tpu.memory_space<hbm>> -> memref<24x128xi32, #tpu.memory_space<hbm>>
        tpu.enqueue_dma source(%dma_start3A_79 : memref<24x128xi32, #tpu.memory_space<hbm>>) target(%arg7 : memref<24x128xi32, #tpu.memory_space<vmem>>) target_semaphore(%run_scoped3A : memref<!tpu.dma_semaphore, #tpu.memory_space<semaphore_mem>>)
        %dma_wait3A = arith.constant 0 : i32
        %dma_wait3A_80 = tpu.memref_slice %arg3[%add3A, %dma_wait3A] : memref<3072x128xi32, #tpu.memory_space<hbm>> -> memref<24x128xi32, #tpu.memory_space<hbm>>
        %dma_wait3A_81 = arith.constant 0 : i32
        %dma_wait3A_82 = tpu.memref_slice %arg3[%add3A, %dma_wait3A_81] : memref<3072x128xi32, #tpu.memory_space<hbm>> -> memref<24x128xi32, #tpu.memory_space<hbm>>
        tpu.wait_dma2 semaphore(%run_scoped3A : memref<!tpu.dma_semaphore, #tpu.memory_space<semaphore_mem>>) src(%dma_wait3A_82 : memref<24x128xi32, #tpu.memory_space<hbm>>) dst(%arg7 : memref<24x128xi32, #tpu.memory_space<vmem>>)
        tpu.yield
      }) : () -> ()
      "tpu.region"() ({
        %run_scoped3A = tpu.sem_alloc : memref<!tpu.dma_semaphore, #tpu.memory_space<semaphore_mem>>
        %dma_start3A_76 = arith.constant 0 : i32
        %dma_start3A_77 = tpu.memref_slice %arg4[%add3A, %dma_start3A_76] : memref<3072x128xi32, #tpu.memory_space<hbm>> -> memref<24x128xi32, #tpu.memory_space<hbm>>
        %dma_start3A_78 = arith.constant 0 : i32
        %dma_start3A_79 = tpu.memref_slice %arg4[%add3A, %dma_start3A_78] : memref<3072x128xi32, #tpu.memory_space<hbm>> -> memref<24x128xi32, #tpu.memory_space<hbm>>
        tpu.enqueue_dma source(%dma_start3A_79 : memref<24x128xi32, #tpu.memory_space<hbm>>) target(%arg8 : memref<24x128xi32, #tpu.memory_space<vmem>>) target_semaphore(%run_scoped3A : memref<!tpu.dma_semaphore, #tpu.memory_space<semaphore_mem>>)
        %dma_wait3A = arith.constant 0 : i32
        %dma_wait3A_80 = tpu.memref_slice %arg4[%add3A, %dma_wait3A] : memref<3072x128xi32, #tpu.memory_space<hbm>> -> memref<24x128xi32, #tpu.memory_space<hbm>>
        %dma_wait3A_81 = arith.constant 0 : i32
        %dma_wait3A_82 = tpu.memref_slice %arg4[%add3A, %dma_wait3A_81] : memref<3072x128xi32, #tpu.memory_space<hbm>> -> memref<24x128xi32, #tpu.memory_space<hbm>>
        tpu.wait_dma2 semaphore(%run_scoped3A : memref<!tpu.dma_semaphore, #tpu.memory_space<semaphore_mem>>) src(%dma_wait3A_82 : memref<24x128xi32, #tpu.memory_space<hbm>>) dst(%arg8 : memref<24x128xi32, #tpu.memory_space<vmem>>)
        tpu.yield
      }) : () -> ()
      %dma_start3A = arith.constant 0 : i32
      %dma_start3A_14 = arith.constant 0 : i32
      %dma_start3A_15 = arith.constant 0 : i32
      %dma_start3A_16 = arith.constant 0 : i32
      %dma_start3A_17 = arith.constant 0 : i32
      %dma_start3A_18 = tpu.memref_slice %arg9[%dma_start3A_14, %dma_start3A_16, %dma_start3A_17] : memref<3x128x64xf32, #tpu.memory_space<vmem>> -> memref<1x128x64xf32, #tpu.memory_space<vmem>>
      %dma_start3A_19 = tpu.memref_squeeze %dma_start3A_18 : memref<1x128x64xf32, #tpu.memory_space<vmem>> -> memref<128x64xf32, #tpu.memory_space<vmem>>
      %dma_start3A_20 = arith.constant 0 : i32
      %dma_start3A_21 = tpu.memref_slice %arg7[%dma_start3A, %dma_start3A_20] : memref<24x128xi32, #tpu.memory_space<vmem>> -> memref<1x128xi32, #tpu.memory_space<vmem>>
      %dma_start3A_22 = tpu.memref_squeeze %dma_start3A_21 : memref<1x128xi32, #tpu.memory_space<vmem>> -> memref<128xi32, #tpu.memory_space<vmem>>
      %dma_start3A_23 = arith.constant 0 : i32
      %dma_start3A_24 = arith.constant 0 : i32
      %dma_start3A_25 = tpu.memref_slice %arg2[%arg0, %dma_start3A_23, %dma_start3A_24] : memref<2x24576x64xf32, #tpu.memory_space<hbm>> -> memref<1x24576x64xf32, #tpu.memory_space<hbm>>
      %dma_start3A_26 = tpu.memref_squeeze %dma_start3A_25 : memref<1x24576x64xf32, #tpu.memory_space<hbm>> -> memref<24576x64xf32, #tpu.memory_space<hbm>>
      %dma_start3A_27 = arith.constant 0 : i32
      %dma_start3A_28 = arith.constant 0 : i32
      %dma_start3A_29 = tpu.memref_slice %dma_start3A_26[%dma_start3A_27, %dma_start3A_28] : memref<24576x64xf32, #tpu.memory_space<hbm>> -> memref<24576x64xf32, #tpu.memory_space<hbm>>
      %dma_start3A_30 = tpu.memref_slice %arg11[%dma_start3A_15] : memref<3x!tpu.dma_semaphore, #tpu.memory_space<semaphore_mem>> -> memref<1x!tpu.dma_semaphore, #tpu.memory_space<semaphore_mem>>
      %dma_start3A_31 = tpu.memref_squeeze %dma_start3A_30 : memref<1x!tpu.dma_semaphore, #tpu.memory_space<semaphore_mem>> -> memref<!tpu.dma_semaphore, #tpu.memory_space<semaphore_mem>>
      tpu.enqueue_indirect_dma source(%dma_start3A_29 : memref<24576x64xf32, #tpu.memory_space<hbm>>) target(%dma_start3A_19 : memref<128x64xf32, #tpu.memory_space<vmem>>) offsets(%dma_start3A_22 : memref<128xi32, #tpu.memory_space<vmem>>) semaphore(%dma_start3A_31 : memref<!tpu.dma_semaphore, #tpu.memory_space<semaphore_mem>>)
      %dma_start3A_32 = arith.constant 1 : i32
      %dma_start3A_33 = arith.constant 1 : i32
      %dma_start3A_34 = arith.constant 1 : i32
      %dma_start3A_35 = arith.constant 0 : i32
      %dma_start3A_36 = arith.constant 0 : i32
      %dma_start3A_37 = tpu.memref_slice %arg9[%dma_start3A_33, %dma_start3A_35, %dma_start3A_36] : memref<3x128x64xf32, #tpu.memory_space<vmem>> -> memref<1x128x64xf32, #tpu.memory_space<vmem>>
      %dma_start3A_38 = tpu.memref_squeeze %dma_start3A_37 : memref<1x128x64xf32, #tpu.memory_space<vmem>> -> memref<128x64xf32, #tpu.memory_space<vmem>>
      %dma_start3A_39 = arith.constant 0 : i32
      %dma_start3A_40 = tpu.memref_slice %arg7[%dma_start3A_32, %dma_start3A_39] : memref<24x128xi32, #tpu.memory_space<vmem>> -> memref<1x128xi32, #tpu.memory_space<vmem>>
      %dma_start3A_41 = tpu.memref_squeeze %dma_start3A_40 : memref<1x128xi32, #tpu.memory_space<vmem>> -> memref<128xi32, #tpu.memory_space<vmem>>
      %dma_start3A_42 = arith.constant 0 : i32
      %dma_start3A_43 = arith.constant 0 : i32
      %dma_start3A_44 = tpu.memref_slice %arg2[%arg0, %dma_start3A_42, %dma_start3A_43] : memref<2x24576x64xf32, #tpu.memory_space<hbm>> -> memref<1x24576x64xf32, #tpu.memory_space<hbm>>
      %dma_start3A_45 = tpu.memref_squeeze %dma_start3A_44 : memref<1x24576x64xf32, #tpu.memory_space<hbm>> -> memref<24576x64xf32, #tpu.memory_space<hbm>>
      %dma_start3A_46 = arith.constant 0 : i32
      %dma_start3A_47 = arith.constant 0 : i32
      %dma_start3A_48 = tpu.memref_slice %dma_start3A_45[%dma_start3A_46, %dma_start3A_47] : memref<24576x64xf32, #tpu.memory_space<hbm>> -> memref<24576x64xf32, #tpu.memory_space<hbm>>
      %dma_start3A_49 = tpu.memref_slice %arg11[%dma_start3A_34] : memref<3x!tpu.dma_semaphore, #tpu.memory_space<semaphore_mem>> -> memref<1x!tpu.dma_semaphore, #tpu.memory_space<semaphore_mem>>
      %dma_start3A_50 = tpu.memref_squeeze %dma_start3A_49 : memref<1x!tpu.dma_semaphore, #tpu.memory_space<semaphore_mem>> -> memref<!tpu.dma_semaphore, #tpu.memory_space<semaphore_mem>>
      tpu.enqueue_indirect_dma source(%dma_start3A_48 : memref<24576x64xf32, #tpu.memory_space<hbm>>) target(%dma_start3A_38 : memref<128x64xf32, #tpu.memory_space<vmem>>) offsets(%dma_start3A_41 : memref<128xi32, #tpu.memory_space<vmem>>) semaphore(%dma_start3A_50 : memref<!tpu.dma_semaphore, #tpu.memory_space<semaphore_mem>>)
      %dma_start3A_51 = arith.constant 2 : i32
      %dma_start3A_52 = arith.constant 2 : i32
      %dma_start3A_53 = arith.constant 2 : i32
      %dma_start3A_54 = arith.constant 0 : i32
      %dma_start3A_55 = arith.constant 0 : i32
      %dma_start3A_56 = tpu.memref_slice %arg9[%dma_start3A_52, %dma_start3A_54, %dma_start3A_55] : memref<3x128x64xf32, #tpu.memory_space<vmem>> -> memref<1x128x64xf32, #tpu.memory_space<vmem>>
      %dma_start3A_57 = tpu.memref_squeeze %dma_start3A_56 : memref<1x128x64xf32, #tpu.memory_space<vmem>> -> memref<128x64xf32, #tpu.memory_space<vmem>>
      %dma_start3A_58 = arith.constant 0 : i32
      %dma_start3A_59 = tpu.memref_slice %arg7[%dma_start3A_51, %dma_start3A_58] : memref<24x128xi32, #tpu.memory_space<vmem>> -> memref<1x128xi32, #tpu.memory_space<vmem>>
      %dma_start3A_60 = tpu.memref_squeeze %dma_start3A_59 : memref<1x128xi32, #tpu.memory_space<vmem>> -> memref<128xi32, #tpu.memory_space<vmem>>
      %dma_start3A_61 = arith.constant 0 : i32
      %dma_start3A_62 = arith.constant 0 : i32
      %dma_start3A_63 = tpu.memref_slice %arg2[%arg0, %dma_start3A_61, %dma_start3A_62] : memref<2x24576x64xf32, #tpu.memory_space<hbm>> -> memref<1x24576x64xf32, #tpu.memory_space<hbm>>
      %dma_start3A_64 = tpu.memref_squeeze %dma_start3A_63 : memref<1x24576x64xf32, #tpu.memory_space<hbm>> -> memref<24576x64xf32, #tpu.memory_space<hbm>>
      %dma_start3A_65 = arith.constant 0 : i32
      %dma_start3A_66 = arith.constant 0 : i32
      %dma_start3A_67 = tpu.memref_slice %dma_start3A_64[%dma_start3A_65, %dma_start3A_66] : memref<24576x64xf32, #tpu.memory_space<hbm>> -> memref<24576x64xf32, #tpu.memory_space<hbm>>
      %dma_start3A_68 = tpu.memref_slice %arg11[%dma_start3A_53] : memref<3x!tpu.dma_semaphore, #tpu.memory_space<semaphore_mem>> -> memref<1x!tpu.dma_semaphore, #tpu.memory_space<semaphore_mem>>
      %dma_start3A_69 = tpu.memref_squeeze %dma_start3A_68 : memref<1x!tpu.dma_semaphore, #tpu.memory_space<semaphore_mem>> -> memref<!tpu.dma_semaphore, #tpu.memory_space<semaphore_mem>>
      tpu.enqueue_indirect_dma source(%dma_start3A_67 : memref<24576x64xf32, #tpu.memory_space<hbm>>) target(%dma_start3A_57 : memref<128x64xf32, #tpu.memory_space<vmem>>) offsets(%dma_start3A_60 : memref<128xi32, #tpu.memory_space<vmem>>) semaphore(%dma_start3A_69 : memref<!tpu.dma_semaphore, #tpu.memory_space<semaphore_mem>>)
      %scan3A_70 = arith.constant 0 : i32
      %scan3A_71 = arith.constant 0 : i32
      %scan3A_72 = arith.constant 24 : i32
      %scan3A_73 = arith.addi %scan3A_71, %scan3A_72 : i32
      %scan3A_74 = arith.constant 1 : i32
      scf.for %scan3A_76 = %scan3A_71 to %scan3A_73 step %scan3A_74  : i32 {
        %rem3A = arith.constant 3 : i32
        %rem3A_77 = arith.remsi %scan3A_76, %rem3A : i32
        %dma_wait3A = arith.constant 0 : i32
        %dma_wait3A_78 = arith.constant 0 : i32
        %dma_wait3A_79 = tpu.memref_slice %arg9[%rem3A_77, %dma_wait3A, %dma_wait3A_78] : memref<3x128x64xf32, #tpu.memory_space<vmem>> -> memref<1x128x64xf32, #tpu.memory_space<vmem>>
        %dma_wait3A_80 = tpu.memref_squeeze %dma_wait3A_79 : memref<1x128x64xf32, #tpu.memory_space<vmem>> -> memref<128x64xf32, #tpu.memory_space<vmem>>
        %dma_wait3A_81 = arith.constant 0 : i32
        %dma_wait3A_82 = tpu.memref_slice %arg7[%scan3A_76, %dma_wait3A_81] : memref<24x128xi32, #tpu.memory_space<vmem>> -> memref<1x128xi32, #tpu.memory_space<vmem>>
        %dma_wait3A_83 = tpu.memref_squeeze %dma_wait3A_82 : memref<1x128xi32, #tpu.memory_space<vmem>> -> memref<128xi32, #tpu.memory_space<vmem>>
        %dma_wait3A_84 = arith.constant 0 : i32
        %dma_wait3A_85 = arith.constant 0 : i32
        %dma_wait3A_86 = tpu.memref_slice %arg2[%arg0, %dma_wait3A_84, %dma_wait3A_85] : memref<2x24576x64xf32, #tpu.memory_space<hbm>> -> memref<1x24576x64xf32, #tpu.memory_space<hbm>>
        %dma_wait3A_87 = tpu.memref_squeeze %dma_wait3A_86 : memref<1x24576x64xf32, #tpu.memory_space<hbm>> -> memref<24576x64xf32, #tpu.memory_space<hbm>>
        %dma_wait3A_88 = arith.constant 0 : i32
        %dma_wait3A_89 = arith.constant 0 : i32
        %dma_wait3A_90 = tpu.memref_slice %dma_wait3A_87[%dma_wait3A_88, %dma_wait3A_89] : memref<24576x64xf32, #tpu.memory_space<hbm>> -> memref<24576x64xf32, #tpu.memory_space<hbm>>
        %dma_wait3A_91 = tpu.memref_slice %arg11[%rem3A_77] : memref<3x!tpu.dma_semaphore, #tpu.memory_space<semaphore_mem>> -> memref<1x!tpu.dma_semaphore, #tpu.memory_space<semaphore_mem>>
        %dma_wait3A_92 = tpu.memref_squeeze %dma_wait3A_91 : memref<1x!tpu.dma_semaphore, #tpu.memory_space<semaphore_mem>> -> memref<!tpu.dma_semaphore, #tpu.memory_space<semaphore_mem>>
        tpu.wait_indirect_dma semaphore(%dma_wait3A_92 : memref<!tpu.dma_semaphore, #tpu.memory_space<semaphore_mem>>) src(%dma_wait3A_90 : memref<24576x64xf32, #tpu.memory_space<hbm>>) dst(%dma_wait3A_80 : memref<128x64xf32, #tpu.memory_space<vmem>>)
        "tpu.region"() ({
          %run_scoped3A = tpu.sem_alloc : memref<!tpu.dma_semaphore, #tpu.memory_space<semaphore_mem>>
          %dma_start3A_97 = arith.constant 0 : i32
          %dma_start3A_98 = arith.constant 0 : i32
          %dma_start3A_99 = tpu.memref_slice %arg9[%rem3A_77, %dma_start3A_97, %dma_start3A_98] : memref<3x128x64xf32, #tpu.memory_space<vmem>> -> memref<1x128x64xf32, #tpu.memory_space<vmem>>
          %dma_start3A_100 = tpu.memref_squeeze %dma_start3A_99 : memref<1x128x64xf32, #tpu.memory_space<vmem>> -> memref<128x64xf32, #tpu.memory_space<vmem>>
          %dma_start3A_101 = arith.constant 0 : i32
          %dma_start3A_102 = tpu.memref_slice %arg8[%scan3A_76, %dma_start3A_101] : memref<24x128xi32, #tpu.memory_space<vmem>> -> memref<1x128xi32, #tpu.memory_space<vmem>>
          %dma_start3A_103 = tpu.memref_squeeze %dma_start3A_102 : memref<1x128xi32, #tpu.memory_space<vmem>> -> memref<128xi32, #tpu.memory_space<vmem>>
          %dma_start3A_104 = arith.constant 0 : i32
          %dma_start3A_105 = arith.constant 0 : i32
          %dma_start3A_106 = tpu.memref_slice %arg10[%dma_start3A_104, %dma_start3A_105] : memref<24576x64xf32, #tpu.memory_space<vmem_shared>> -> memref<24576x64xf32, #tpu.memory_space<vmem_shared>>
          tpu.enqueue_indirect_dma source(%dma_start3A_100 : memref<128x64xf32, #tpu.memory_space<vmem>>) target(%dma_start3A_106 : memref<24576x64xf32, #tpu.memory_space<vmem_shared>>) offsets(%dma_start3A_103 : memref<128xi32, #tpu.memory_space<vmem>>) semaphore(%run_scoped3A : memref<!tpu.dma_semaphore, #tpu.memory_space<semaphore_mem>>) {add = true}
          %dma_wait3A_107 = arith.constant 0 : i32
          %dma_wait3A_108 = arith.constant 0 : i32
          %dma_wait3A_109 = tpu.memref_slice %arg9[%rem3A_77, %dma_wait3A_107, %dma_wait3A_108] : memref<3x128x64xf32, #tpu.memory_space<vmem>> -> memref<1x128x64xf32, #tpu.memory_space<vmem>>
          %dma_wait3A_110 = tpu.memref_squeeze %dma_wait3A_109 : memref<1x128x64xf32, #tpu.memory_space<vmem>> -> memref<128x64xf32, #tpu.memory_space<vmem>>
          %dma_wait3A_111 = arith.constant 0 : i32
          %dma_wait3A_112 = tpu.memref_slice %arg8[%scan3A_76, %dma_wait3A_111] : memref<24x128xi32, #tpu.memory_space<vmem>> -> memref<1x128xi32, #tpu.memory_space<vmem>>
          %dma_wait3A_113 = tpu.memref_squeeze %dma_wait3A_112 : memref<1x128xi32, #tpu.memory_space<vmem>> -> memref<128xi32, #tpu.memory_space<vmem>>
          %dma_wait3A_114 = arith.constant 0 : i32
          %dma_wait3A_115 = arith.constant 0 : i32
          %dma_wait3A_116 = tpu.memref_slice %arg10[%dma_wait3A_114, %dma_wait3A_115] : memref<24576x64xf32, #tpu.memory_space<vmem_shared>> -> memref<24576x64xf32, #tpu.memory_space<vmem_shared>>
          tpu.wait_indirect_dma semaphore(%run_scoped3A : memref<!tpu.dma_semaphore, #tpu.memory_space<semaphore_mem>>) src(%dma_wait3A_110 : memref<128x64xf32, #tpu.memory_space<vmem>>) dst(%dma_wait3A_116 : memref<24576x64xf32, #tpu.memory_space<vmem_shared>>)
          tpu.yield
        }) : () -> ()
        %add3A_93 = arith.constant 3 : i32
        %add3A_94 = arith.addi %scan3A_76, %add3A_93 : i32
        %lt3A = arith.constant 24 : i32
        %lt3A_95 = arith.cmpi slt, %add3A_94, %lt3A : i32
        %convert_element_type3A = arith.extui %lt3A_95 : i1 to i32
        %cond3A = arith.constant 0 : i32
        %cond3A_96 = arith.cmpi ne, %convert_element_type3A, %cond3A : i32
        scf.if %cond3A_96 {
          %add3A_97 = arith.constant 3 : i32
          %add3A_98 = arith.addi %scan3A_76, %add3A_97 : i32
          %dma_start3A_99 = arith.constant 0 : i32
          %dma_start3A_100 = arith.constant 0 : i32
          %dma_start3A_101 = tpu.memref_slice %arg9[%rem3A_77, %dma_start3A_99, %dma_start3A_100] : memref<3x128x64xf32, #tpu.memory_space<vmem>> -> memref<1x128x64xf32, #tpu.memory_space<vmem>>
          %dma_start3A_102 = tpu.memref_squeeze %dma_start3A_101 : memref<1x128x64xf32, #tpu.memory_space<vmem>> -> memref<128x64xf32, #tpu.memory_space<vmem>>
          %dma_start3A_103 = arith.constant 0 : i32
          %dma_start3A_104 = tpu.memref_slice %arg7[%add3A_98, %dma_start3A_103] : memref<24x128xi32, #tpu.memory_space<vmem>> -> memref<1x128xi32, #tpu.memory_space<vmem>>
          %dma_start3A_105 = tpu.memref_squeeze %dma_start3A_104 : memref<1x128xi32, #tpu.memory_space<vmem>> -> memref<128xi32, #tpu.memory_space<vmem>>
          %dma_start3A_106 = arith.constant 0 : i32
          %dma_start3A_107 = arith.constant 0 : i32
          %dma_start3A_108 = tpu.memref_slice %arg2[%arg0, %dma_start3A_106, %dma_start3A_107] : memref<2x24576x64xf32, #tpu.memory_space<hbm>> -> memref<1x24576x64xf32, #tpu.memory_space<hbm>>
          %dma_start3A_109 = tpu.memref_squeeze %dma_start3A_108 : memref<1x24576x64xf32, #tpu.memory_space<hbm>> -> memref<24576x64xf32, #tpu.memory_space<hbm>>
          %dma_start3A_110 = arith.constant 0 : i32
          %dma_start3A_111 = arith.constant 0 : i32
          %dma_start3A_112 = tpu.memref_slice %dma_start3A_109[%dma_start3A_110, %dma_start3A_111] : memref<24576x64xf32, #tpu.memory_space<hbm>> -> memref<24576x64xf32, #tpu.memory_space<hbm>>
          %dma_start3A_113 = tpu.memref_slice %arg11[%rem3A_77] : memref<3x!tpu.dma_semaphore, #tpu.memory_space<semaphore_mem>> -> memref<1x!tpu.dma_semaphore, #tpu.memory_space<semaphore_mem>>
          %dma_start3A_114 = tpu.memref_squeeze %dma_start3A_113 : memref<1x!tpu.dma_semaphore, #tpu.memory_space<semaphore_mem>> -> memref<!tpu.dma_semaphore, #tpu.memory_space<semaphore_mem>>
          tpu.enqueue_indirect_dma source(%dma_start3A_112 : memref<24576x64xf32, #tpu.memory_space<hbm>>) target(%dma_start3A_102 : memref<128x64xf32, #tpu.memory_space<vmem>>) offsets(%dma_start3A_105 : memref<128xi32, #tpu.memory_space<vmem>>) semaphore(%dma_start3A_114 : memref<!tpu.dma_semaphore, #tpu.memory_space<semaphore_mem>>)
        } else {
        }
      }
      %scan3A_75 = arith.constant 24 : i32
    }
    %scan3A_5 = arith.constant 8 : i32
    %barrier3A_6 = arith.constant 0 : index
    tpu.barrier barrier_id(%barrier3A_6)
    %mul3A_7 = arith.constant 1536 : i32
    %mul3A_8 = arith.muli %arg1, %mul3A_7 : i32
    "tpu.region"() ({
      %run_scoped3A = tpu.sem_alloc : memref<!tpu.dma_semaphore, #tpu.memory_space<semaphore_mem>>
      %dma_start3A = arith.constant 0 : i32
      %dma_start3A_9 = arith.constant 0 : i32
      %dma_start3A_10 = tpu.memref_slice %arg6[%arg0, %dma_start3A, %dma_start3A_9] : memref<2x24576x64xf32, #tpu.memory_space<hbm>> -> memref<1x24576x64xf32, #tpu.memory_space<hbm>>
      %dma_start3A_11 = tpu.memref_squeeze %dma_start3A_10 : memref<1x24576x64xf32, #tpu.memory_space<hbm>> -> memref<24576x64xf32, #tpu.memory_space<hbm>>
      %dma_start3A_12 = arith.constant 0 : i32
      %dma_start3A_13 = tpu.memref_slice %dma_start3A_11[%mul3A_8, %dma_start3A_12] : memref<24576x64xf32, #tpu.memory_space<hbm>> -> memref<1536x64xf32, #tpu.memory_space<hbm>>
      %dma_start3A_14 = arith.constant 0 : i32
      %dma_start3A_15 = tpu.memref_slice %arg10[%mul3A_8, %dma_start3A_14] : memref<24576x64xf32, #tpu.memory_space<vmem_shared>> -> memref<1536x64xf32, #tpu.memory_space<vmem_shared>>
      tpu.enqueue_dma source(%dma_start3A_15 : memref<1536x64xf32, #tpu.memory_space<vmem_shared>>) target(%dma_start3A_13 : memref<1536x64xf32, #tpu.memory_space<hbm>>) target_semaphore(%run_scoped3A : memref<!tpu.dma_semaphore, #tpu.memory_space<semaphore_mem>>)
      %dma_wait3A = arith.constant 0 : i32
      %dma_wait3A_16 = arith.constant 0 : i32
      %dma_wait3A_17 = tpu.memref_slice %arg6[%arg0, %dma_wait3A, %dma_wait3A_16] : memref<2x24576x64xf32, #tpu.memory_space<hbm>> -> memref<1x24576x64xf32, #tpu.memory_space<hbm>>
      %dma_wait3A_18 = tpu.memref_squeeze %dma_wait3A_17 : memref<1x24576x64xf32, #tpu.memory_space<hbm>> -> memref<24576x64xf32, #tpu.memory_space<hbm>>
      %dma_wait3A_19 = arith.constant 0 : i32
      %dma_wait3A_20 = tpu.memref_slice %dma_wait3A_18[%mul3A_8, %dma_wait3A_19] : memref<24576x64xf32, #tpu.memory_space<hbm>> -> memref<1536x64xf32, #tpu.memory_space<hbm>>
      %dma_wait3A_21 = arith.constant 0 : i32
      %dma_wait3A_22 = tpu.memref_slice %arg10[%mul3A_8, %dma_wait3A_21] : memref<24576x64xf32, #tpu.memory_space<vmem_shared>> -> memref<1536x64xf32, #tpu.memory_space<vmem_shared>>
      tpu.wait_dma2 semaphore(%run_scoped3A : memref<!tpu.dma_semaphore, #tpu.memory_space<semaphore_mem>>) src(%dma_wait3A_22 : memref<1536x64xf32, #tpu.memory_space<vmem_shared>>) dst(%dma_wait3A_20 : memref<1536x64xf32, #tpu.memory_space<hbm>>)
      tpu.yield
    }) : () -> ()
    return
  }
}

#map = affine_map<(d0, d1) -> (0, 0, 0)>
#map1 = affine_map<(d0, d1) -> (0, 0)>
module attributes {stable_mosaic.version = 14 : i64} {
  func.func @_spmm_body(%arg0: i32, %arg1: i32, %arg2: memref<2x24576x64xf32, #tpu.memory_space<hbm>>, %arg3: memref<3072x128xi32, #tpu.memory_space<hbm>>, %arg4: memref<3072x128xi32, #tpu.memory_space<hbm>>, %arg5: memref<1536x64xf32, #tpu.memory_space<hbm>>, %arg6: memref<2x24576x64xf32, #tpu.memory_space<hbm>>, %arg7: memref<24x128xi32, #tpu.memory_space<vmem>>, %arg8: memref<24x128xi32, #tpu.memory_space<vmem>>, %arg9: memref<3x128x64xf32, #tpu.memory_space<vmem>>, %arg10: memref<24576x64xf32, #tpu.memory_space<vmem_shared>>, %arg11: memref<3x!tpu.dma_semaphore, #tpu.memory_space<semaphore_mem>>) attributes {dimension_semantics = [#tpu.dimension_semantics<core_parallel>, #tpu.dimension_semantics<subcore_parallel>], iteration_bounds = array<i64: 2, 16>, scalar_prefetch = 0 : i64, scratch_operands = 5 : i64, tpu.core_type = #tpu.core_type<sc_vector_subcore>, window_params = [{transform_indices = #map}, {transform_indices = #map1}, {transform_indices = #map1}, {transform_indices = #map1}, {transform_indices = #map}]} {
    %mul3A = arith.constant 1536 : i32
    %mul3A_0 = arith.muli %arg1, %mul3A : i32
    "tpu.region"() ({
      %run_scoped3A = tpu.sem_alloc : memref<!tpu.dma_semaphore, #tpu.memory_space<semaphore_mem>>
      %dma_start3A = arith.constant 0 : i32
      %dma_start3A_9 = tpu.memref_slice %arg10[%mul3A_0, %dma_start3A] : memref<24576x64xf32, #tpu.memory_space<vmem_shared>> -> memref<1536x64xf32, #tpu.memory_space<vmem_shared>>
      tpu.enqueue_dma source(%arg5 : memref<1536x64xf32, #tpu.memory_space<hbm>>) target(%dma_start3A_9 : memref<1536x64xf32, #tpu.memory_space<vmem_shared>>) target_semaphore(%run_scoped3A : memref<!tpu.dma_semaphore, #tpu.memory_space<semaphore_mem>>)
      %dma_wait3A = arith.constant 0 : i32
      %dma_wait3A_10 = tpu.memref_slice %arg10[%mul3A_0, %dma_wait3A] : memref<24576x64xf32, #tpu.memory_space<vmem_shared>> -> memref<1536x64xf32, #tpu.memory_space<vmem_shared>>
      tpu.wait_dma2 semaphore(%run_scoped3A : memref<!tpu.dma_semaphore, #tpu.memory_space<semaphore_mem>>) src(%arg5 : memref<1536x64xf32, #tpu.memory_space<hbm>>) dst(%dma_wait3A_10 : memref<1536x64xf32, #tpu.memory_space<vmem_shared>>)
      tpu.yield
    }) : () -> ()
    %barrier3A = arith.constant 0 : index
    tpu.barrier barrier_id(%barrier3A)
    %scan3A = arith.constant 0 : i32
    %scan3A_1 = arith.constant 0 : i32
    %scan3A_2 = arith.constant 8 : i32
    %scan3A_3 = arith.addi %scan3A_1, %scan3A_2 : i32
    %scan3A_4 = arith.constant 1 : i32
    scf.for %scan3A_9 = %scan3A_1 to %scan3A_3 step %scan3A_4  : i32 {
      %mul3A_10 = arith.constant 192 : i32
      %mul3A_11 = arith.muli %arg1, %mul3A_10 : i32
      %mul3A_12 = arith.constant 24 : i32
      %mul3A_13 = arith.muli %scan3A_9, %mul3A_12 : i32
      %add3A = arith.addi %mul3A_11, %mul3A_13 : i32
      "tpu.region"() ({
        %run_scoped3A = tpu.sem_alloc : memref<!tpu.dma_semaphore, #tpu.memory_space<semaphore_mem>>
        %dma_start3A_76 = arith.constant 0 : i32
        %dma_start3A_77 = tpu.memref_slice %arg3[%add3A, %dma_start3A_76] : memref<3072x128xi32, #tpu.memory_space<hbm>> -> memref<24x128xi32, #tpu.memory_space<hbm>>
        %dma_start3A_78 = arith.constant 0 : i32
        %dma_start3A_79 = tpu.memref_slice %arg3[%add3A, %dma_start3A_78] : memref<3072x128xi32, #tpu.memory_space<hbm>> -> memref<24x128xi32, #tpu.memory_space<hbm>>
        tpu.enqueue_dma source(%dma_start3A_79 : memref<24x128xi32, #tpu.memory_space<hbm>>) target(%arg7 : memref<24x128xi32, #tpu.memory_space<vmem>>) target_semaphore(%run_scoped3A : memref<!tpu.dma_semaphore, #tpu.memory_space<semaphore_mem>>)
        %dma_wait3A = arith.constant 0 : i32
        %dma_wait3A_80 = tpu.memref_slice %arg3[%add3A, %dma_wait3A] : memref<3072x128xi32, #tpu.memory_space<hbm>> -> memref<24x128xi32, #tpu.memory_space<hbm>>
        %dma_wait3A_81 = arith.constant 0 : i32
        %dma_wait3A_82 = tpu.memref_slice %arg3[%add3A, %dma_wait3A_81] : memref<3072x128xi32, #tpu.memory_space<hbm>> -> memref<24x128xi32, #tpu.memory_space<hbm>>
        tpu.wait_dma2 semaphore(%run_scoped3A : memref<!tpu.dma_semaphore, #tpu.memory_space<semaphore_mem>>) src(%dma_wait3A_82 : memref<24x128xi32, #tpu.memory_space<hbm>>) dst(%arg7 : memref<24x128xi32, #tpu.memory_space<vmem>>)
        tpu.yield
      }) : () -> ()
      "tpu.region"() ({
        %run_scoped3A = tpu.sem_alloc : memref<!tpu.dma_semaphore, #tpu.memory_space<semaphore_mem>>
        %dma_start3A_76 = arith.constant 0 : i32
        %dma_start3A_77 = tpu.memref_slice %arg4[%add3A, %dma_start3A_76] : memref<3072x128xi32, #tpu.memory_space<hbm>> -> memref<24x128xi32, #tpu.memory_space<hbm>>
        %dma_start3A_78 = arith.constant 0 : i32
        %dma_start3A_79 = tpu.memref_slice %arg4[%add3A, %dma_start3A_78] : memref<3072x128xi32, #tpu.memory_space<hbm>> -> memref<24x128xi32, #tpu.memory_space<hbm>>
        tpu.enqueue_dma source(%dma_start3A_79 : memref<24x128xi32, #tpu.memory_space<hbm>>) target(%arg8 : memref<24x128xi32, #tpu.memory_space<vmem>>) target_semaphore(%run_scoped3A : memref<!tpu.dma_semaphore, #tpu.memory_space<semaphore_mem>>)
        %dma_wait3A = arith.constant 0 : i32
        %dma_wait3A_80 = tpu.memref_slice %arg4[%add3A, %dma_wait3A] : memref<3072x128xi32, #tpu.memory_space<hbm>> -> memref<24x128xi32, #tpu.memory_space<hbm>>
        %dma_wait3A_81 = arith.constant 0 : i32
        %dma_wait3A_82 = tpu.memref_slice %arg4[%add3A, %dma_wait3A_81] : memref<3072x128xi32, #tpu.memory_space<hbm>> -> memref<24x128xi32, #tpu.memory_space<hbm>>
        tpu.wait_dma2 semaphore(%run_scoped3A : memref<!tpu.dma_semaphore, #tpu.memory_space<semaphore_mem>>) src(%dma_wait3A_82 : memref<24x128xi32, #tpu.memory_space<hbm>>) dst(%arg8 : memref<24x128xi32, #tpu.memory_space<vmem>>)
        tpu.yield
      }) : () -> ()
      %dma_start3A = arith.constant 0 : i32
      %dma_start3A_14 = arith.constant 0 : i32
      %dma_start3A_15 = arith.constant 0 : i32
      %dma_start3A_16 = arith.constant 0 : i32
      %dma_start3A_17 = arith.constant 0 : i32
      %dma_start3A_18 = tpu.memref_slice %arg9[%dma_start3A_14, %dma_start3A_16, %dma_start3A_17] : memref<3x128x64xf32, #tpu.memory_space<vmem>> -> memref<1x128x64xf32, #tpu.memory_space<vmem>>
      %dma_start3A_19 = tpu.memref_squeeze %dma_start3A_18 : memref<1x128x64xf32, #tpu.memory_space<vmem>> -> memref<128x64xf32, #tpu.memory_space<vmem>>
      %dma_start3A_20 = arith.constant 0 : i32
      %dma_start3A_21 = tpu.memref_slice %arg7[%dma_start3A, %dma_start3A_20] : memref<24x128xi32, #tpu.memory_space<vmem>> -> memref<1x128xi32, #tpu.memory_space<vmem>>
      %dma_start3A_22 = tpu.memref_squeeze %dma_start3A_21 : memref<1x128xi32, #tpu.memory_space<vmem>> -> memref<128xi32, #tpu.memory_space<vmem>>
      %dma_start3A_23 = arith.constant 0 : i32
      %dma_start3A_24 = arith.constant 0 : i32
      %dma_start3A_25 = tpu.memref_slice %arg2[%arg0, %dma_start3A_23, %dma_start3A_24] : memref<2x24576x64xf32, #tpu.memory_space<hbm>> -> memref<1x24576x64xf32, #tpu.memory_space<hbm>>
      %dma_start3A_26 = tpu.memref_squeeze %dma_start3A_25 : memref<1x24576x64xf32, #tpu.memory_space<hbm>> -> memref<24576x64xf32, #tpu.memory_space<hbm>>
      %dma_start3A_27 = arith.constant 0 : i32
      %dma_start3A_28 = arith.constant 0 : i32
      %dma_start3A_29 = tpu.memref_slice %dma_start3A_26[%dma_start3A_27, %dma_start3A_28] : memref<24576x64xf32, #tpu.memory_space<hbm>> -> memref<24576x64xf32, #tpu.memory_space<hbm>>
      %dma_start3A_30 = tpu.memref_slice %arg11[%dma_start3A_15] : memref<3x!tpu.dma_semaphore, #tpu.memory_space<semaphore_mem>> -> memref<1x!tpu.dma_semaphore, #tpu.memory_space<semaphore_mem>>
      %dma_start3A_31 = tpu.memref_squeeze %dma_start3A_30 : memref<1x!tpu.dma_semaphore, #tpu.memory_space<semaphore_mem>> -> memref<!tpu.dma_semaphore, #tpu.memory_space<semaphore_mem>>
      tpu.enqueue_indirect_dma source(%dma_start3A_29 : memref<24576x64xf32, #tpu.memory_space<hbm>>) target(%dma_start3A_19 : memref<128x64xf32, #tpu.memory_space<vmem>>) offsets(%dma_start3A_22 : memref<128xi32, #tpu.memory_space<vmem>>) semaphore(%dma_start3A_31 : memref<!tpu.dma_semaphore, #tpu.memory_space<semaphore_mem>>)
      %dma_start3A_32 = arith.constant 1 : i32
      %dma_start3A_33 = arith.constant 1 : i32
      %dma_start3A_34 = arith.constant 1 : i32
      %dma_start3A_35 = arith.constant 0 : i32
      %dma_start3A_36 = arith.constant 0 : i32
      %dma_start3A_37 = tpu.memref_slice %arg9[%dma_start3A_33, %dma_start3A_35, %dma_start3A_36] : memref<3x128x64xf32, #tpu.memory_space<vmem>> -> memref<1x128x64xf32, #tpu.memory_space<vmem>>
      %dma_start3A_38 = tpu.memref_squeeze %dma_start3A_37 : memref<1x128x64xf32, #tpu.memory_space<vmem>> -> memref<128x64xf32, #tpu.memory_space<vmem>>
      %dma_start3A_39 = arith.constant 0 : i32
      %dma_start3A_40 = tpu.memref_slice %arg7[%dma_start3A_32, %dma_start3A_39] : memref<24x128xi32, #tpu.memory_space<vmem>> -> memref<1x128xi32, #tpu.memory_space<vmem>>
      %dma_start3A_41 = tpu.memref_squeeze %dma_start3A_40 : memref<1x128xi32, #tpu.memory_space<vmem>> -> memref<128xi32, #tpu.memory_space<vmem>>
      %dma_start3A_42 = arith.constant 0 : i32
      %dma_start3A_43 = arith.constant 0 : i32
      %dma_start3A_44 = tpu.memref_slice %arg2[%arg0, %dma_start3A_42, %dma_start3A_43] : memref<2x24576x64xf32, #tpu.memory_space<hbm>> -> memref<1x24576x64xf32, #tpu.memory_space<hbm>>
      %dma_start3A_45 = tpu.memref_squeeze %dma_start3A_44 : memref<1x24576x64xf32, #tpu.memory_space<hbm>> -> memref<24576x64xf32, #tpu.memory_space<hbm>>
      %dma_start3A_46 = arith.constant 0 : i32
      %dma_start3A_47 = arith.constant 0 : i32
      %dma_start3A_48 = tpu.memref_slice %dma_start3A_45[%dma_start3A_46, %dma_start3A_47] : memref<24576x64xf32, #tpu.memory_space<hbm>> -> memref<24576x64xf32, #tpu.memory_space<hbm>>
      %dma_start3A_49 = tpu.memref_slice %arg11[%dma_start3A_34] : memref<3x!tpu.dma_semaphore, #tpu.memory_space<semaphore_mem>> -> memref<1x!tpu.dma_semaphore, #tpu.memory_space<semaphore_mem>>
      %dma_start3A_50 = tpu.memref_squeeze %dma_start3A_49 : memref<1x!tpu.dma_semaphore, #tpu.memory_space<semaphore_mem>> -> memref<!tpu.dma_semaphore, #tpu.memory_space<semaphore_mem>>
      tpu.enqueue_indirect_dma source(%dma_start3A_48 : memref<24576x64xf32, #tpu.memory_space<hbm>>) target(%dma_start3A_38 : memref<128x64xf32, #tpu.memory_space<vmem>>) offsets(%dma_start3A_41 : memref<128xi32, #tpu.memory_space<vmem>>) semaphore(%dma_start3A_50 : memref<!tpu.dma_semaphore, #tpu.memory_space<semaphore_mem>>)
      %dma_start3A_51 = arith.constant 2 : i32
      %dma_start3A_52 = arith.constant 2 : i32
      %dma_start3A_53 = arith.constant 2 : i32
      %dma_start3A_54 = arith.constant 0 : i32
      %dma_start3A_55 = arith.constant 0 : i32
      %dma_start3A_56 = tpu.memref_slice %arg9[%dma_start3A_52, %dma_start3A_54, %dma_start3A_55] : memref<3x128x64xf32, #tpu.memory_space<vmem>> -> memref<1x128x64xf32, #tpu.memory_space<vmem>>
      %dma_start3A_57 = tpu.memref_squeeze %dma_start3A_56 : memref<1x128x64xf32, #tpu.memory_space<vmem>> -> memref<128x64xf32, #tpu.memory_space<vmem>>
      %dma_start3A_58 = arith.constant 0 : i32
      %dma_start3A_59 = tpu.memref_slice %arg7[%dma_start3A_51, %dma_start3A_58] : memref<24x128xi32, #tpu.memory_space<vmem>> -> memref<1x128xi32, #tpu.memory_space<vmem>>
      %dma_start3A_60 = tpu.memref_squeeze %dma_start3A_59 : memref<1x128xi32, #tpu.memory_space<vmem>> -> memref<128xi32, #tpu.memory_space<vmem>>
      %dma_start3A_61 = arith.constant 0 : i32
      %dma_start3A_62 = arith.constant 0 : i32
      %dma_start3A_63 = tpu.memref_slice %arg2[%arg0, %dma_start3A_61, %dma_start3A_62] : memref<2x24576x64xf32, #tpu.memory_space<hbm>> -> memref<1x24576x64xf32, #tpu.memory_space<hbm>>
      %dma_start3A_64 = tpu.memref_squeeze %dma_start3A_63 : memref<1x24576x64xf32, #tpu.memory_space<hbm>> -> memref<24576x64xf32, #tpu.memory_space<hbm>>
      %dma_start3A_65 = arith.constant 0 : i32
      %dma_start3A_66 = arith.constant 0 : i32
      %dma_start3A_67 = tpu.memref_slice %dma_start3A_64[%dma_start3A_65, %dma_start3A_66] : memref<24576x64xf32, #tpu.memory_space<hbm>> -> memref<24576x64xf32, #tpu.memory_space<hbm>>
      %dma_start3A_68 = tpu.memref_slice %arg11[%dma_start3A_53] : memref<3x!tpu.dma_semaphore, #tpu.memory_space<semaphore_mem>> -> memref<1x!tpu.dma_semaphore, #tpu.memory_space<semaphore_mem>>
      %dma_start3A_69 = tpu.memref_squeeze %dma_start3A_68 : memref<1x!tpu.dma_semaphore, #tpu.memory_space<semaphore_mem>> -> memref<!tpu.dma_semaphore, #tpu.memory_space<semaphore_mem>>
      tpu.enqueue_indirect_dma source(%dma_start3A_67 : memref<24576x64xf32, #tpu.memory_space<hbm>>) target(%dma_start3A_57 : memref<128x64xf32, #tpu.memory_space<vmem>>) offsets(%dma_start3A_60 : memref<128xi32, #tpu.memory_space<vmem>>) semaphore(%dma_start3A_69 : memref<!tpu.dma_semaphore, #tpu.memory_space<semaphore_mem>>)
      %scan3A_70 = arith.constant 0 : i32
      %scan3A_71 = arith.constant 0 : i32
      %scan3A_72 = arith.constant 24 : i32
      %scan3A_73 = arith.addi %scan3A_71, %scan3A_72 : i32
      %scan3A_74 = arith.constant 1 : i32
      scf.for %scan3A_76 = %scan3A_71 to %scan3A_73 step %scan3A_74  : i32 {
        %rem3A = arith.constant 3 : i32
        %rem3A_77 = arith.remsi %scan3A_76, %rem3A : i32
        %dma_wait3A = arith.constant 0 : i32
        %dma_wait3A_78 = arith.constant 0 : i32
        %dma_wait3A_79 = tpu.memref_slice %arg9[%rem3A_77, %dma_wait3A, %dma_wait3A_78] : memref<3x128x64xf32, #tpu.memory_space<vmem>> -> memref<1x128x64xf32, #tpu.memory_space<vmem>>
        %dma_wait3A_80 = tpu.memref_squeeze %dma_wait3A_79 : memref<1x128x64xf32, #tpu.memory_space<vmem>> -> memref<128x64xf32, #tpu.memory_space<vmem>>
        %dma_wait3A_81 = arith.constant 0 : i32
        %dma_wait3A_82 = tpu.memref_slice %arg7[%scan3A_76, %dma_wait3A_81] : memref<24x128xi32, #tpu.memory_space<vmem>> -> memref<1x128xi32, #tpu.memory_space<vmem>>
        %dma_wait3A_83 = tpu.memref_squeeze %dma_wait3A_82 : memref<1x128xi32, #tpu.memory_space<vmem>> -> memref<128xi32, #tpu.memory_space<vmem>>
        %dma_wait3A_84 = arith.constant 0 : i32
        %dma_wait3A_85 = arith.constant 0 : i32
        %dma_wait3A_86 = tpu.memref_slice %arg2[%arg0, %dma_wait3A_84, %dma_wait3A_85] : memref<2x24576x64xf32, #tpu.memory_space<hbm>> -> memref<1x24576x64xf32, #tpu.memory_space<hbm>>
        %dma_wait3A_87 = tpu.memref_squeeze %dma_wait3A_86 : memref<1x24576x64xf32, #tpu.memory_space<hbm>> -> memref<24576x64xf32, #tpu.memory_space<hbm>>
        %dma_wait3A_88 = arith.constant 0 : i32
        %dma_wait3A_89 = arith.constant 0 : i32
        %dma_wait3A_90 = tpu.memref_slice %dma_wait3A_87[%dma_wait3A_88, %dma_wait3A_89] : memref<24576x64xf32, #tpu.memory_space<hbm>> -> memref<24576x64xf32, #tpu.memory_space<hbm>>
        %dma_wait3A_91 = tpu.memref_slice %arg11[%rem3A_77] : memref<3x!tpu.dma_semaphore, #tpu.memory_space<semaphore_mem>> -> memref<1x!tpu.dma_semaphore, #tpu.memory_space<semaphore_mem>>
        %dma_wait3A_92 = tpu.memref_squeeze %dma_wait3A_91 : memref<1x!tpu.dma_semaphore, #tpu.memory_space<semaphore_mem>> -> memref<!tpu.dma_semaphore, #tpu.memory_space<semaphore_mem>>
        tpu.wait_indirect_dma semaphore(%dma_wait3A_92 : memref<!tpu.dma_semaphore, #tpu.memory_space<semaphore_mem>>) src(%dma_wait3A_90 : memref<24576x64xf32, #tpu.memory_space<hbm>>) dst(%dma_wait3A_80 : memref<128x64xf32, #tpu.memory_space<vmem>>)
        "tpu.region"() ({
          %run_scoped3A = tpu.sem_alloc : memref<!tpu.dma_semaphore, #tpu.memory_space<semaphore_mem>>
          %dma_start3A_97 = arith.constant 0 : i32
          %dma_start3A_98 = arith.constant 0 : i32
          %dma_start3A_99 = tpu.memref_slice %arg9[%rem3A_77, %dma_start3A_97, %dma_start3A_98] : memref<3x128x64xf32, #tpu.memory_space<vmem>> -> memref<1x128x64xf32, #tpu.memory_space<vmem>>
          %dma_start3A_100 = tpu.memref_squeeze %dma_start3A_99 : memref<1x128x64xf32, #tpu.memory_space<vmem>> -> memref<128x64xf32, #tpu.memory_space<vmem>>
          %dma_start3A_101 = arith.constant 0 : i32
          %dma_start3A_102 = tpu.memref_slice %arg8[%scan3A_76, %dma_start3A_101] : memref<24x128xi32, #tpu.memory_space<vmem>> -> memref<1x128xi32, #tpu.memory_space<vmem>>
          %dma_start3A_103 = tpu.memref_squeeze %dma_start3A_102 : memref<1x128xi32, #tpu.memory_space<vmem>> -> memref<128xi32, #tpu.memory_space<vmem>>
          %dma_start3A_104 = arith.constant 0 : i32
          %dma_start3A_105 = arith.constant 0 : i32
          %dma_start3A_106 = tpu.memref_slice %arg10[%dma_start3A_104, %dma_start3A_105] : memref<24576x64xf32, #tpu.memory_space<vmem_shared>> -> memref<24576x64xf32, #tpu.memory_space<vmem_shared>>
          tpu.enqueue_indirect_dma source(%dma_start3A_100 : memref<128x64xf32, #tpu.memory_space<vmem>>) target(%dma_start3A_106 : memref<24576x64xf32, #tpu.memory_space<vmem_shared>>) offsets(%dma_start3A_103 : memref<128xi32, #tpu.memory_space<vmem>>) semaphore(%run_scoped3A : memref<!tpu.dma_semaphore, #tpu.memory_space<semaphore_mem>>) {add = true}
          %dma_wait3A_107 = arith.constant 0 : i32
          %dma_wait3A_108 = arith.constant 0 : i32
          %dma_wait3A_109 = tpu.memref_slice %arg9[%rem3A_77, %dma_wait3A_107, %dma_wait3A_108] : memref<3x128x64xf32, #tpu.memory_space<vmem>> -> memref<1x128x64xf32, #tpu.memory_space<vmem>>
          %dma_wait3A_110 = tpu.memref_squeeze %dma_wait3A_109 : memref<1x128x64xf32, #tpu.memory_space<vmem>> -> memref<128x64xf32, #tpu.memory_space<vmem>>
          %dma_wait3A_111 = arith.constant 0 : i32
          %dma_wait3A_112 = tpu.memref_slice %arg8[%scan3A_76, %dma_wait3A_111] : memref<24x128xi32, #tpu.memory_space<vmem>> -> memref<1x128xi32, #tpu.memory_space<vmem>>
          %dma_wait3A_113 = tpu.memref_squeeze %dma_wait3A_112 : memref<1x128xi32, #tpu.memory_space<vmem>> -> memref<128xi32, #tpu.memory_space<vmem>>
          %dma_wait3A_114 = arith.constant 0 : i32
          %dma_wait3A_115 = arith.constant 0 : i32
          %dma_wait3A_116 = tpu.memref_slice %arg10[%dma_wait3A_114, %dma_wait3A_115] : memref<24576x64xf32, #tpu.memory_space<vmem_shared>> -> memref<24576x64xf32, #tpu.memory_space<vmem_shared>>
          tpu.wait_indirect_dma semaphore(%run_scoped3A : memref<!tpu.dma_semaphore, #tpu.memory_space<semaphore_mem>>) src(%dma_wait3A_110 : memref<128x64xf32, #tpu.memory_space<vmem>>) dst(%dma_wait3A_116 : memref<24576x64xf32, #tpu.memory_space<vmem_shared>>)
          tpu.yield
        }) : () -> ()
        %add3A_93 = arith.constant 3 : i32
        %add3A_94 = arith.addi %scan3A_76, %add3A_93 : i32
        %lt3A = arith.constant 24 : i32
        %lt3A_95 = arith.cmpi slt, %add3A_94, %lt3A : i32
        %convert_element_type3A = arith.extui %lt3A_95 : i1 to i32
        %cond3A = arith.constant 0 : i32
        %cond3A_96 = arith.cmpi ne, %convert_element_type3A, %cond3A : i32
        scf.if %cond3A_96 {
          %add3A_97 = arith.constant 3 : i32
          %add3A_98 = arith.addi %scan3A_76, %add3A_97 : i32
          %dma_start3A_99 = arith.constant 0 : i32
          %dma_start3A_100 = arith.constant 0 : i32
          %dma_start3A_101 = tpu.memref_slice %arg9[%rem3A_77, %dma_start3A_99, %dma_start3A_100] : memref<3x128x64xf32, #tpu.memory_space<vmem>> -> memref<1x128x64xf32, #tpu.memory_space<vmem>>
          %dma_start3A_102 = tpu.memref_squeeze %dma_start3A_101 : memref<1x128x64xf32, #tpu.memory_space<vmem>> -> memref<128x64xf32, #tpu.memory_space<vmem>>
          %dma_start3A_103 = arith.constant 0 : i32
          %dma_start3A_104 = tpu.memref_slice %arg7[%add3A_98, %dma_start3A_103] : memref<24x128xi32, #tpu.memory_space<vmem>> -> memref<1x128xi32, #tpu.memory_space<vmem>>
          %dma_start3A_105 = tpu.memref_squeeze %dma_start3A_104 : memref<1x128xi32, #tpu.memory_space<vmem>> -> memref<128xi32, #tpu.memory_space<vmem>>
          %dma_start3A_106 = arith.constant 0 : i32
          %dma_start3A_107 = arith.constant 0 : i32
          %dma_start3A_108 = tpu.memref_slice %arg2[%arg0, %dma_start3A_106, %dma_start3A_107] : memref<2x24576x64xf32, #tpu.memory_space<hbm>> -> memref<1x24576x64xf32, #tpu.memory_space<hbm>>
          %dma_start3A_109 = tpu.memref_squeeze %dma_start3A_108 : memref<1x24576x64xf32, #tpu.memory_space<hbm>> -> memref<24576x64xf32, #tpu.memory_space<hbm>>
          %dma_start3A_110 = arith.constant 0 : i32
          %dma_start3A_111 = arith.constant 0 : i32
          %dma_start3A_112 = tpu.memref_slice %dma_start3A_109[%dma_start3A_110, %dma_start3A_111] : memref<24576x64xf32, #tpu.memory_space<hbm>> -> memref<24576x64xf32, #tpu.memory_space<hbm>>
          %dma_start3A_113 = tpu.memref_slice %arg11[%rem3A_77] : memref<3x!tpu.dma_semaphore, #tpu.memory_space<semaphore_mem>> -> memref<1x!tpu.dma_semaphore, #tpu.memory_space<semaphore_mem>>
          %dma_start3A_114 = tpu.memref_squeeze %dma_start3A_113 : memref<1x!tpu.dma_semaphore, #tpu.memory_space<semaphore_mem>> -> memref<!tpu.dma_semaphore, #tpu.memory_space<semaphore_mem>>
          tpu.enqueue_indirect_dma source(%dma_start3A_112 : memref<24576x64xf32, #tpu.memory_space<hbm>>) target(%dma_start3A_102 : memref<128x64xf32, #tpu.memory_space<vmem>>) offsets(%dma_start3A_105 : memref<128xi32, #tpu.memory_space<vmem>>) semaphore(%dma_start3A_114 : memref<!tpu.dma_semaphore, #tpu.memory_space<semaphore_mem>>)
        } else {
        }
      }
      %scan3A_75 = arith.constant 24 : i32
    }
    %scan3A_5 = arith.constant 8 : i32
    %barrier3A_6 = arith.constant 0 : index
    tpu.barrier barrier_id(%barrier3A_6)
    %mul3A_7 = arith.constant 1536 : i32
    %mul3A_8 = arith.muli %arg1, %mul3A_7 : i32
    "tpu.region"() ({
      %run_scoped3A = tpu.sem_alloc : memref<!tpu.dma_semaphore, #tpu.memory_space<semaphore_mem>>
      %dma_start3A = arith.constant 0 : i32
      %dma_start3A_9 = arith.constant 0 : i32
      %dma_start3A_10 = tpu.memref_slice %arg6[%arg0, %dma_start3A, %dma_start3A_9] : memref<2x24576x64xf32, #tpu.memory_space<hbm>> -> memref<1x24576x64xf32, #tpu.memory_space<hbm>>
      %dma_start3A_11 = tpu.memref_squeeze %dma_start3A_10 : memref<1x24576x64xf32, #tpu.memory_space<hbm>> -> memref<24576x64xf32, #tpu.memory_space<hbm>>
      %dma_start3A_12 = arith.constant 0 : i32
      %dma_start3A_13 = tpu.memref_slice %dma_start3A_11[%mul3A_8, %dma_start3A_12] : memref<24576x64xf32, #tpu.memory_space<hbm>> -> memref<1536x64xf32, #tpu.memory_space<hbm>>
      %dma_start3A_14 = arith.constant 0 : i32
      %dma_start3A_15 = tpu.memref_slice %arg10[%mul3A_8, %dma_start3A_14] : memref<24576x64xf32, #tpu.memory_space<vmem_shared>> -> memref<1536x64xf32, #tpu.memory_space<vmem_shared>>
      tpu.enqueue_dma source(%dma_start3A_15 : memref<1536x64xf32, #tpu.memory_space<vmem_shared>>) target(%dma_start3A_13 : memref<1536x64xf32, #tpu.memory_space<hbm>>) target_semaphore(%run_scoped3A : memref<!tpu.dma_semaphore, #tpu.memory_space<semaphore_mem>>)
      %dma_wait3A = arith.constant 0 : i32
      %dma_wait3A_16 = arith.constant 0 : i32
      %dma_wait3A_17 = tpu.memref_slice %arg6[%arg0, %dma_wait3A, %dma_wait3A_16] : memref<2x24576x64xf32, #tpu.memory_space<hbm>> -> memref<1x24576x64xf32, #tpu.memory_space<hbm>>
      %dma_wait3A_18 = tpu.memref_squeeze %dma_wait3A_17 : memref<1x24576x64xf32, #tpu.memory_space<hbm>> -> memref<24576x64xf32, #tpu.memory_space<hbm>>
      %dma_wait3A_19 = arith.constant 0 : i32
      %dma_wait3A_20 = tpu.memref_slice %dma_wait3A_18[%mul3A_8, %dma_wait3A_19] : memref<24576x64xf32, #tpu.memory_space<hbm>> -> memref<1536x64xf32, #tpu.memory_space<hbm>>
      %dma_wait3A_21 = arith.constant 0 : i32
      %dma_wait3A_22 = tpu.memref_slice %arg10[%mul3A_8, %dma_wait3A_21] : memref<24576x64xf32, #tpu.memory_space<vmem_shared>> -> memref<1536x64xf32, #tpu.memory_space<vmem_shared>>
      tpu.wait_dma2 semaphore(%run_scoped3A : memref<!tpu.dma_semaphore, #tpu.memory_space<semaphore_mem>>) src(%dma_wait3A_22 : memref<1536x64xf32, #tpu.memory_space<vmem_shared>>) dst(%dma_wait3A_20 : memref<1536x64xf32, #tpu.memory_space<hbm>>)
      tpu.yield
    }) : () -> ()
    return
  }
}

module attributes {stable_mosaic.version = 14 : i64} {
  func.func @_enc_body(%arg0: i32, %arg1: memref<256x256xf32, #tpu.memory_space<vmem>>, %arg2: memref<256x256xf32, #tpu.memory_space<vmem>>, %arg3: memref<1x256xf32, #tpu.memory_space<vmem>>, %arg4: memref<2x256x128xf32, #tpu.memory_space<vmem>>) attributes {dimension_semantics = [#tpu.dimension_semantics<arbitrary>], iteration_bounds = array<i64: 48>, scalar_prefetch = 0 : i64, scratch_operands = 0 : i64, tpu.core_type = #tpu.core_type<tc>, window_params = [{transform_indices = @transform_0, window_bounds = array<i64: 256, 256>}, {pipeline_mode = #tpu.pipeline_mode<synchronous>, transform_indices = @transform_1, window_bounds = array<i64: 256, 256>}, {pipeline_mode = #tpu.pipeline_mode<synchronous>, transform_indices = @transform_2, window_bounds = array<i64: 1, 256>}, {transform_indices = @transform_3, window_bounds = array<i64: 2, 256, 128>}]} {
    %get3A = arith.constant 0 : index
    %get3A_0 = arith.constant 0 : index
    %get3A_1 = vector.load %arg1[%get3A, %get3A_0] : memref<256x256xf32, #tpu.memory_space<vmem>>, vector<256x256xf32>
    %get3A_2 = arith.constant 0 : index
    %get3A_3 = arith.constant 0 : index
    %get3A_4 = vector.load %arg2[%get3A_2, %get3A_3] : memref<256x256xf32, #tpu.memory_space<vmem>>, vector<256x256xf32>
    %dot_general3A = arith.constant dense<0.000000e+00> : vector<256x256xf32>
    %dot_general3A_5 = tpu.matmul %get3A_1, %get3A_4, %dot_general3A {dimension_numbers = #tpu.dot_dimension_numbers<[1], [0], [0], [1], [0, 0, 1, 1], [], []>, transpose_lhs_hint = false} : vector<256x256xf32>, vector<256x256xf32>, vector<256x256xf32> -> vector<256x256xf32>
    %get3A_6 = arith.constant 0 : index
    %get3A_7 = arith.constant 0 : index
    %get3A_8 = vector.load %arg3[%get3A_6, %get3A_7] : memref<1x256xf32, #tpu.memory_space<vmem>>, vector<1x256xf32>
    %add3A = vector.broadcast %get3A_8 : vector<1x256xf32> to vector<256x256xf32>
    %add3A_9 = arith.addf %dot_general3A_5, %add3A : vector<256x256xf32>
    %slice3A = vector.extract_strided_slice %add3A_9 {offsets = [0, 0], sizes = [256, 128], strides = [1, 1]} : vector<256x256xf32> to vector<256x128xf32>
    %swap3A = arith.constant 0 : index
    %swap3A_10 = arith.constant 0 : index
    %swap3A_11 = arith.constant 0 : index
    %swap3A_12 = vector.load %arg4[%swap3A, %swap3A_10, %swap3A_11] : memref<2x256x128xf32, #tpu.memory_space<vmem>>, vector<1x256x128xf32>
    %swap3A_13 = vector.shape_cast %swap3A_12 : vector<1x256x128xf32> to vector<256x128xf32>
    %swap3A_14 = vector.shape_cast %slice3A : vector<256x128xf32> to vector<1x256x128xf32>
    tpu.vector_store %arg4[%swap3A, %swap3A_10, %swap3A_11], %swap3A_14 {strides = array<i32>} : memref<2x256x128xf32, #tpu.memory_space<vmem>>, vector<1x256x128xf32>,
    %slice3A_15 = vector.extract_strided_slice %add3A_9 {offsets = [0, 128], sizes = [256, 128], strides = [1, 1]} : vector<256x256xf32> to vector<256x128xf32>
    %swap3A_16 = arith.constant 1 : index
    %swap3A_17 = arith.constant 0 : index
    %swap3A_18 = arith.constant 0 : index
    %swap3A_19 = vector.load %arg4[%swap3A_16, %swap3A_17, %swap3A_18] : memref<2x256x128xf32, #tpu.memory_space<vmem>>, vector<1x256x128xf32>
    %swap3A_20 = vector.shape_cast %swap3A_19 : vector<1x256x128xf32> to vector<256x128xf32>
    %swap3A_21 = vector.shape_cast %slice3A_15 : vector<256x128xf32> to vector<1x256x128xf32>
    tpu.vector_store %arg4[%swap3A_16, %swap3A_17, %swap3A_18], %swap3A_21 {strides = array<i32>} : memref<2x256x128xf32, #tpu.memory_space<vmem>>, vector<1x256x128xf32>,
    return
  }
  func.func @transform_0(%arg0: i32) -> (i32, i32) {
    %c0_i32 = arith.constant 0 : i32
    %c0_i32_0 = arith.constant 0 : i32
    return %arg0, %c0_i32 : i32, i32
  }
  func.func @transform_1(%arg0: i32) -> (i32, i32) {
    %c0_i32 = arith.constant 0 : i32
    %c0_i32_0 = arith.constant 0 : i32
    %c0_i32_1 = arith.constant 0 : i32
    return %c0_i32, %c0_i32_0 : i32, i32
  }
  func.func @transform_2(%arg0: i32) -> (i32, i32) {
    %c0_i32 = arith.constant 0 : i32
    %c0_i32_0 = arith.constant 0 : i32
    %c0_i32_1 = arith.constant 0 : i32
    return %c0_i32, %c0_i32_0 : i32, i32
  }
  func.func @transform_3(%arg0: i32) -> (i32, i32, i32) {
    %c0_i32 = arith.constant 0 : i32
    %c0_i32_0 = arith.constant 0 : i32
    %c0_i32_1 = arith.constant 0 : i32
    return %c0_i32, %arg0, %c0_i32_0 : i32, i32, i32
  }
}

module attributes {stable_mosaic.version = 14 : i64} {
  func.func @_prep_body(%arg0: memref<272x128xf32, #tpu.memory_space<vmem>>, %arg1: memref<256x128xf32, #tpu.memory_space<vmem>>, %arg2: memref<8x16xf32, #tpu.memory_space<vmem>>, %arg3: memref<8x128xf32, #tpu.memory_space<vmem>>, %arg4: memref<256x128xf32, #tpu.memory_space<vmem>>, %arg5: memref<128x128xf32, #tpu.memory_space<vmem>>, %arg6: memref<8x128xf32, #tpu.memory_space<vmem>>) attributes {dimension_semantics = [], scalar_prefetch = 0 : i64, scratch_operands = 0 : i64, tpu.core_type = #tpu.core_type<tc>} {
    %get3A = arith.constant 128 : index
    %get3A_0 = arith.constant 0 : index
    %get3A_1 = vector.load %arg1[%get3A, %get3A_0] : memref<256x128xf32, #tpu.memory_space<vmem>>, vector<128x128xf32>
    %get3A_2 = arith.constant 0 : index
    %get3A_3 = arith.constant 0 : index
    %get3A_4 = vector.load %arg1[%get3A_2, %get3A_3] : memref<256x128xf32, #tpu.memory_space<vmem>>, vector<128x128xf32>
    %swap3A = arith.constant 0 : index
    %swap3A_5 = arith.constant 0 : index
    %swap3A_6 = vector.load %arg4[%swap3A, %swap3A_5] : memref<256x128xf32, #tpu.memory_space<vmem>>, vector<128x128xf32>
    tpu.vector_store %arg4[%swap3A, %swap3A_5], %get3A_4 {strides = array<i32>} : memref<256x128xf32, #tpu.memory_space<vmem>>, vector<128x128xf32>,
    %get3A_7 = arith.constant 0 : index
    %get3A_8 = arith.constant 0 : index
    %get3A_9 = vector.load %arg0[%get3A_7, %get3A_8] : memref<272x128xf32, #tpu.memory_space<vmem>>, vector<128x128xf32>
    %dot_general3A = arith.constant dense<0.000000e+00> : vector<128x128xf32>
    %dot_general3A_10 = tpu.matmul %get3A_9, %get3A_1, %dot_general3A {dimension_numbers = #tpu.dot_dimension_numbers<[1], [0], [0], [1], [0, 0, 1, 1], [], []>, transpose_lhs_hint = false} : vector<128x128xf32>, vector<128x128xf32>, vector<128x128xf32> -> vector<128x128xf32>
    %swap3A_11 = arith.constant 128 : index
    %swap3A_12 = arith.constant 0 : index
    %swap3A_13 = vector.load %arg4[%swap3A_11, %swap3A_12] : memref<256x128xf32, #tpu.memory_space<vmem>>, vector<128x128xf32>
    tpu.vector_store %arg4[%swap3A_11, %swap3A_12], %dot_general3A_10 {strides = array<i32>} : memref<256x128xf32, #tpu.memory_space<vmem>>, vector<128x128xf32>,
    %get3A_14 = arith.constant 128 : index
    %get3A_15 = arith.constant 0 : index
    %get3A_16 = vector.load %arg0[%get3A_14, %get3A_15] : memref<272x128xf32, #tpu.memory_space<vmem>>, vector<128x128xf32>
    %dot_general3A_17 = arith.constant dense<0.000000e+00> : vector<128x128xf32>
    %dot_general3A_18 = tpu.matmul %get3A_16, %get3A_1, %dot_general3A_17 {dimension_numbers = #tpu.dot_dimension_numbers<[1], [0], [0], [1], [0, 0, 1, 1], [], []>, transpose_lhs_hint = false} : vector<128x128xf32>, vector<128x128xf32>, vector<128x128xf32> -> vector<128x128xf32>
    %swap3A_19 = arith.constant 0 : index
    %swap3A_20 = arith.constant 0 : index
    %swap3A_21 = vector.load %arg5[%swap3A_19, %swap3A_20] : memref<128x128xf32, #tpu.memory_space<vmem>>, vector<128x128xf32>
    tpu.vector_store %arg5[%swap3A_19, %swap3A_20], %dot_general3A_18 {strides = array<i32>} : memref<128x128xf32, #tpu.memory_space<vmem>>, vector<128x128xf32>,
    %get3A_22 = arith.constant 0 : index
    %get3A_23 = arith.constant 0 : index
    %get3A_24 = vector.load %arg2[%get3A_22, %get3A_23] : memref<8x16xf32, #tpu.memory_space<vmem>>, vector<8x16xf32>
    %get3A_25 = arith.constant 256 : index
    %get3A_26 = arith.constant 0 : index
    %get3A_27 = vector.load %arg0[%get3A_25, %get3A_26] : memref<272x128xf32, #tpu.memory_space<vmem>>, vector<16x128xf32>
    %dot_general3A_28 = arith.constant dense<0.000000e+00> : vector<8x128xf32>
    %dot_general3A_29 = tpu.matmul %get3A_24, %get3A_27, %dot_general3A_28 {dimension_numbers = #tpu.dot_dimension_numbers<[1], [0], [0], [1], [0, 0, 1, 1], [], []>, transpose_lhs_hint = false} : vector<8x16xf32>, vector<16x128xf32>, vector<8x128xf32> -> vector<8x128xf32>
    %get3A_30 = arith.constant 0 : index
    %get3A_31 = arith.constant 0 : index
    %get3A_32 = vector.load %arg3[%get3A_30, %get3A_31] : memref<8x128xf32, #tpu.memory_space<vmem>>, vector<8x128xf32>
    %add3A = arith.addf %dot_general3A_29, %get3A_32 : vector<8x128xf32>
    %dot_general3A_33 = arith.constant dense<0.000000e+00> : vector<8x128xf32>
    %dot_general3A_34 = tpu.matmul %add3A, %get3A_1, %dot_general3A_33 {dimension_numbers = #tpu.dot_dimension_numbers<[1], [0], [0], [1], [0, 0, 1, 1], [], []>, transpose_lhs_hint = false} : vector<8x128xf32>, vector<128x128xf32>, vector<8x128xf32> -> vector<8x128xf32>
    %swap3A_35 = arith.constant 0 : index
    %swap3A_36 = arith.constant 0 : index
    %swap3A_37 = vector.load %arg6[%swap3A_35, %swap3A_36] : memref<8x128xf32, #tpu.memory_space<vmem>>, vector<8x128xf32>
    tpu.vector_store %arg6[%swap3A_35, %swap3A_36], %dot_general3A_34 {strides = array<i32>} : memref<8x128xf32, #tpu.memory_space<vmem>>, vector<8x128xf32>,
    return
  }
}

module attributes {stable_mosaic.version = 14 : i64} {
  func.func @_esum_body(%arg0: i32, %arg1: memref<2x512x8xf32, #tpu.memory_space<vmem>>, %arg2: memref<512x8xf32, #tpu.memory_space<vmem>>) attributes {dimension_semantics = [#tpu.dimension_semantics<arbitrary>], iteration_bounds = array<i64: 48>, scalar_prefetch = 0 : i64, scratch_operands = 0 : i64, tpu.core_type = #tpu.core_type<tc>, window_params = [{transform_indices = @transform_0, window_bounds = array<i64: 2, 512, 8>}, {transform_indices = @transform_1, window_bounds = array<i64: 512, 8>}]} {
    %get3A = arith.constant 0 : index
    %get3A_0 = arith.constant 0 : index
    %get3A_1 = arith.constant 0 : index
    %get3A_2 = vector.load %arg1[%get3A, %get3A_0, %get3A_1] : memref<2x512x8xf32, #tpu.memory_space<vmem>>, vector<1x512x8xf32>
    %get3A_3 = vector.shape_cast %get3A_2 : vector<1x512x8xf32> to vector<512x8xf32>
    %get3A_4 = arith.constant 1 : index
    %get3A_5 = arith.constant 0 : index
    %get3A_6 = arith.constant 0 : index
    %get3A_7 = vector.load %arg1[%get3A_4, %get3A_5, %get3A_6] : memref<2x512x8xf32, #tpu.memory_space<vmem>>, vector<1x512x8xf32>
    %get3A_8 = vector.shape_cast %get3A_7 : vector<1x512x8xf32> to vector<512x8xf32>
    %add3A = arith.addf %get3A_3, %get3A_8 : vector<512x8xf32>
    %swap3A = arith.constant 0 : index
    %swap3A_9 = arith.constant 0 : index
    %swap3A_10 = vector.load %arg2[%swap3A, %swap3A_9] : memref<512x8xf32, #tpu.memory_space<vmem>>, vector<512x8xf32>
    tpu.vector_store %arg2[%swap3A, %swap3A_9], %add3A {strides = array<i32>} : memref<512x8xf32, #tpu.memory_space<vmem>>, vector<512x8xf32>,
    return
  }
  func.func @transform_0(%arg0: i32) -> (i32, i32, i32) {
    %c0_i32 = arith.constant 0 : i32
    %c0_i32_0 = arith.constant 0 : i32
    %c0_i32_1 = arith.constant 0 : i32
    return %c0_i32, %arg0, %c0_i32_0 : i32, i32, i32
  }
  func.func @transform_1(%arg0: i32) -> (i32, i32) {
    %c0_i32 = arith.constant 0 : i32
    %c0_i32_0 = arith.constant 0 : i32
    return %arg0, %c0_i32 : i32, i32
  }
}

module attributes {stable_mosaic.version = 14 : i64} {
  func.func @_step_body(%arg0: i32, %arg1: memref<2x256x128xf32, #tpu.memory_space<vmem>>, %arg2: memref<2x256x128xf32, #tpu.memory_space<vmem>>, %arg3: memref<256x16xf32, #tpu.memory_space<vmem>>, %arg4: memref<512x256xf32, #tpu.memory_space<vmem>>, %arg5: memref<256x256xf32, #tpu.memory_space<vmem>>, %arg6: memref<16x256xf32, #tpu.memory_space<vmem>>, %arg7: memref<1x256xf32, #tpu.memory_space<vmem>>, %arg8: memref<2x256x128xf32, #tpu.memory_space<vmem>>) attributes {dimension_semantics = [#tpu.dimension_semantics<arbitrary>], iteration_bounds = array<i64: 48>, scalar_prefetch = 0 : i64, scratch_operands = 0 : i64, tpu.core_type = #tpu.core_type<tc>, window_params = [{transform_indices = @transform_0, window_bounds = array<i64: 2, 256, 128>}, {transform_indices = @transform_1, window_bounds = array<i64: 2, 256, 128>}, {transform_indices = @transform_2, window_bounds = array<i64: 256, 16>}, {pipeline_mode = #tpu.pipeline_mode<synchronous>, transform_indices = @transform_3, window_bounds = array<i64: 512, 256>}, {pipeline_mode = #tpu.pipeline_mode<synchronous>, transform_indices = @transform_4, window_bounds = array<i64: 256, 256>}, {pipeline_mode = #tpu.pipeline_mode<synchronous>, transform_indices = @transform_5, window_bounds = array<i64: 16, 256>}, {pipeline_mode = #tpu.pipeline_mode<synchronous>, transform_indices = @transform_6, window_bounds = array<i64: 1, 256>}, {transform_indices = @transform_7, window_bounds = array<i64: 2, 256, 128>}]} {
    %get3A = arith.constant 0 : index
    %get3A_0 = arith.constant 0 : index
    %get3A_1 = arith.constant 0 : index
    %get3A_2 = vector.load %arg1[%get3A, %get3A_0, %get3A_1] : memref<2x256x128xf32, #tpu.memory_space<vmem>>, vector<1x256x128xf32>
    %get3A_3 = vector.shape_cast %get3A_2 : vector<1x256x128xf32> to vector<256x128xf32>
    %get3A_4 = arith.constant 1 : index
    %get3A_5 = arith.constant 0 : index
    %get3A_6 = arith.constant 0 : index
    %get3A_7 = vector.load %arg1[%get3A_4, %get3A_5, %get3A_6] : memref<2x256x128xf32, #tpu.memory_space<vmem>>, vector<1x256x128xf32>
    %get3A_8 = vector.shape_cast %get3A_7 : vector<1x256x128xf32> to vector<256x128xf32>
    %concatenate3A = tpu.concatenate %get3A_3, %get3A_8 in 1 : vector<256x128xf32>, vector<256x128xf32> -> vector<256x256xf32>
    %get3A_9 = arith.constant 0 : index
    %get3A_10 = arith.constant 0 : index
    %get3A_11 = arith.constant 0 : index
    %get3A_12 = vector.load %arg2[%get3A_9, %get3A_10, %get3A_11] : memref<2x256x128xf32, #tpu.memory_space<vmem>>, vector<1x256x128xf32>
    %get3A_13 = vector.shape_cast %get3A_12 : vector<1x256x128xf32> to vector<256x128xf32>
    %get3A_14 = arith.constant 1 : index
    %get3A_15 = arith.constant 0 : index
    %get3A_16 = arith.constant 0 : index
    %get3A_17 = vector.load %arg2[%get3A_14, %get3A_15, %get3A_16] : memref<2x256x128xf32, #tpu.memory_space<vmem>>, vector<1x256x128xf32>
    %get3A_18 = vector.shape_cast %get3A_17 : vector<1x256x128xf32> to vector<256x128xf32>
    %concatenate3A_19 = tpu.concatenate %concatenate3A, %get3A_13, %get3A_18 in 1 : vector<256x256xf32>, vector<256x128xf32>, vector<256x128xf32> -> vector<256x512xf32>
    %get3A_20 = arith.constant 0 : index
    %get3A_21 = arith.constant 0 : index
    %get3A_22 = vector.load %arg3[%get3A_20, %get3A_21] : memref<256x16xf32, #tpu.memory_space<vmem>>, vector<256x16xf32>
    %slice3A = vector.extract_strided_slice %get3A_22 {offsets = [0, 4], sizes = [256, 1], strides = [1, 1]} : vector<256x16xf32> to vector<256x1xf32>
    %slice3A_23 = vector.extract_strided_slice %get3A_22 {offsets = [0, 12], sizes = [256, 1], strides = [1, 1]} : vector<256x16xf32> to vector<256x1xf32>
    %broadcast_in_dim3A = arith.constant 1.000000e+00 : f32
    %broadcast_in_dim3A_24 = vector.broadcast %broadcast_in_dim3A : f32 to vector<1x64xf32>
    %mul3A = vector.broadcast %slice3A : vector<256x1xf32> to vector<256x64xf32>
    %mul3A_25 = vector.broadcast %broadcast_in_dim3A_24 : vector<1x64xf32> to vector<256x64xf32>
    %mul3A_26 = arith.mulf %mul3A, %mul3A_25 : vector<256x64xf32>
    %mul3A_27 = vector.broadcast %slice3A_23 : vector<256x1xf32> to vector<256x64xf32>
    %mul3A_28 = vector.broadcast %broadcast_in_dim3A_24 : vector<1x64xf32> to vector<256x64xf32>
    %mul3A_29 = arith.mulf %mul3A_27, %mul3A_28 : vector<256x64xf32>
    %mul3A_30 = vector.broadcast %slice3A : vector<256x1xf32> to vector<256x64xf32>
    %mul3A_31 = vector.broadcast %broadcast_in_dim3A_24 : vector<1x64xf32> to vector<256x64xf32>
    %mul3A_32 = arith.mulf %mul3A_30, %mul3A_31 : vector<256x64xf32>
    %mul3A_33 = vector.broadcast %slice3A_23 : vector<256x1xf32> to vector<256x64xf32>
    %mul3A_34 = vector.broadcast %broadcast_in_dim3A_24 : vector<1x64xf32> to vector<256x64xf32>
    %mul3A_35 = arith.mulf %mul3A_33, %mul3A_34 : vector<256x64xf32>
    %concatenate3A_36 = tpu.concatenate %mul3A_26, %mul3A_29, %mul3A_32, %mul3A_35 in 1 : vector<256x64xf32>, vector<256x64xf32>, vector<256x64xf32>, vector<256x64xf32> -> vector<256x256xf32>
    %get3A_37 = arith.constant 0 : index
    %get3A_38 = arith.constant 0 : index
    %get3A_39 = vector.load %arg4[%get3A_37, %get3A_38] : memref<512x256xf32, #tpu.memory_space<vmem>>, vector<512x256xf32>
    %dot_general3A = arith.constant dense<0.000000e+00> : vector<256x256xf32>
    %dot_general3A_40 = tpu.matmul %concatenate3A_19, %get3A_39, %dot_general3A {dimension_numbers = #tpu.dot_dimension_numbers<[1], [0], [0], [1], [0, 0, 1, 1], [], []>, transpose_lhs_hint = false} : vector<256x512xf32>, vector<512x256xf32>, vector<256x256xf32> -> vector<256x256xf32>
    %mul3A_41 = arith.mulf %concatenate3A_36, %concatenate3A : vector<256x256xf32>
    %get3A_42 = arith.constant 0 : index
    %get3A_43 = arith.constant 0 : index
    %get3A_44 = vector.load %arg5[%get3A_42, %get3A_43] : memref<256x256xf32, #tpu.memory_space<vmem>>, vector<256x256xf32>
    %dot_general3A_45 = arith.constant dense<0.000000e+00> : vector<256x256xf32>
    %dot_general3A_46 = tpu.matmul %mul3A_41, %get3A_44, %dot_general3A_45 {dimension_numbers = #tpu.dot_dimension_numbers<[1], [0], [0], [1], [0, 0, 1, 1], [], []>, transpose_lhs_hint = false} : vector<256x256xf32>, vector<256x256xf32>, vector<256x256xf32> -> vector<256x256xf32>
    %add3A = arith.addf %dot_general3A_40, %dot_general3A_46 : vector<256x256xf32>
    %get3A_47 = arith.constant 0 : index
    %get3A_48 = arith.constant 0 : index
    %get3A_49 = vector.load %arg6[%get3A_47, %get3A_48] : memref<16x256xf32, #tpu.memory_space<vmem>>, vector<16x256xf32>
    %dot_general3A_50 = arith.constant dense<0.000000e+00> : vector<256x256xf32>
    %dot_general3A_51 = tpu.matmul %get3A_22, %get3A_49, %dot_general3A_50 {dimension_numbers = #tpu.dot_dimension_numbers<[1], [0], [0], [1], [0, 0, 1, 1], [], []>, transpose_lhs_hint = false} : vector<256x16xf32>, vector<16x256xf32>, vector<256x256xf32> -> vector<256x256xf32>
    %add3A_52 = arith.addf %add3A, %dot_general3A_51 : vector<256x256xf32>
    %get3A_53 = arith.constant 0 : index
    %get3A_54 = arith.constant 0 : index
    %get3A_55 = vector.load %arg7[%get3A_53, %get3A_54] : memref<1x256xf32, #tpu.memory_space<vmem>>, vector<1x256xf32>
    %add3A_56 = vector.broadcast %get3A_55 : vector<1x256xf32> to vector<256x256xf32>
    %add3A_57 = arith.addf %add3A_52, %add3A_56 : vector<256x256xf32>
    %slice3A_58 = vector.extract_strided_slice %add3A_57 {offsets = [0, 0], sizes = [256, 128], strides = [1, 1]} : vector<256x256xf32> to vector<256x128xf32>
    %swap3A = arith.constant 0 : index
    %swap3A_59 = arith.constant 0 : index
    %swap3A_60 = arith.constant 0 : index
    %swap3A_61 = vector.load %arg8[%swap3A, %swap3A_59, %swap3A_60] : memref<2x256x128xf32, #tpu.memory_space<vmem>>, vector<1x256x128xf32>
    %swap3A_62 = vector.shape_cast %swap3A_61 : vector<1x256x128xf32> to vector<256x128xf32>
    %swap3A_63 = vector.shape_cast %slice3A_58 : vector<256x128xf32> to vector<1x256x128xf32>
    tpu.vector_store %arg8[%swap3A, %swap3A_59, %swap3A_60], %swap3A_63 {strides = array<i32>} : memref<2x256x128xf32, #tpu.memory_space<vmem>>, vector<1x256x128xf32>,
    %slice3A_64 = vector.extract_strided_slice %add3A_57 {offsets = [0, 128], sizes = [256, 128], strides = [1, 1]} : vector<256x256xf32> to vector<256x128xf32>
    %swap3A_65 = arith.constant 1 : index
    %swap3A_66 = arith.constant 0 : index
    %swap3A_67 = arith.constant 0 : index
    %swap3A_68 = vector.load %arg8[%swap3A_65, %swap3A_66, %swap3A_67] : memref<2x256x128xf32, #tpu.memory_space<vmem>>, vector<1x256x128xf32>
    %swap3A_69 = vector.shape_cast %swap3A_68 : vector<1x256x128xf32> to vector<256x128xf32>
    %swap3A_70 = vector.shape_cast %slice3A_64 : vector<256x128xf32> to vector<1x256x128xf32>
    tpu.vector_store %arg8[%swap3A_65, %swap3A_66, %swap3A_67], %swap3A_70 {strides = array<i32>} : memref<2x256x128xf32, #tpu.memory_space<vmem>>, vector<1x256x128xf32>,
    return
  }
  func.func @transform_0(%arg0: i32) -> (i32, i32, i32) {
    %c0_i32 = arith.constant 0 : i32
    %c0_i32_0 = arith.constant 0 : i32
    %c0_i32_1 = arith.constant 0 : i32
    return %c0_i32, %arg0, %c0_i32_0 : i32, i32, i32
  }
  func.func @transform_1(%arg0: i32) -> (i32, i32, i32) {
    %c0_i32 = arith.constant 0 : i32
    %c0_i32_0 = arith.constant 0 : i32
    %c0_i32_1 = arith.constant 0 : i32
    return %c0_i32, %arg0, %c0_i32_0 : i32, i32, i32
  }
  func.func @transform_2(%arg0: i32) -> (i32, i32) {
    %c0_i32 = arith.constant 0 : i32
    %c0_i32_0 = arith.constant 0 : i32
    return %arg0, %c0_i32 : i32, i32
  }
  func.func @transform_3(%arg0: i32) -> (i32, i32) {
    %c0_i32 = arith.constant 0 : i32
    %c0_i32_0 = arith.constant 0 : i32
    %c0_i32_1 = arith.constant 0 : i32
    return %c0_i32, %c0_i32_0 : i32, i32
  }
  func.func @transform_4(%arg0: i32) -> (i32, i32) {
    %c0_i32 = arith.constant 0 : i32
    %c0_i32_0 = arith.constant 0 : i32
    %c0_i32_1 = arith.constant 0 : i32
    return %c0_i32, %c0_i32_0 : i32, i32
  }
  func.func @transform_5(%arg0: i32) -> (i32, i32) {
    %c0_i32 = arith.constant 0 : i32
    %c0_i32_0 = arith.constant 0 : i32
    %c0_i32_1 = arith.constant 0 : i32
    return %c0_i32, %c0_i32_0 : i32, i32
  }
  func.func @transform_6(%arg0: i32) -> (i32, i32) {
    %c0_i32 = arith.constant 0 : i32
    %c0_i32_0 = arith.constant 0 : i32
    %c0_i32_1 = arith.constant 0 : i32
    return %c0_i32, %c0_i32_0 : i32, i32
  }
  func.func @transform_7(%arg0: i32) -> (i32, i32, i32) {
    %c0_i32 = arith.constant 0 : i32
    %c0_i32_0 = arith.constant 0 : i32
    %c0_i32_1 = arith.constant 0 : i32
    return %c0_i32, %arg0, %c0_i32_0 : i32, i32, i32
  }
}

module attributes {stable_mosaic.version = 14 : i64} {
  func.func @_attn_body(%arg0: i32, %arg1: memref<768x128xf32, #tpu.memory_space<vmem>>, %arg2: memref<256xi32, #tpu.memory_space<smem>>, %arg3: memref<256xi32, #tpu.memory_space<smem>>, %arg4: memref<128x64xf32, #tpu.memory_space<vmem>>, %arg5: memref<1x64xf32, #tpu.memory_space<vmem>>, %arg6: memref<64x64xf32, #tpu.memory_space<vmem>>, %arg7: memref<1x64xf32, #tpu.memory_space<vmem>>, %arg8: memref<8x1x128xf32, #tpu.memory_space<vmem>>) attributes {dimension_semantics = [#tpu.dimension_semantics<arbitrary>], iteration_bounds = array<i64: 32>, scalar_prefetch = 0 : i64, scratch_operands = 0 : i64, tpu.core_type = #tpu.core_type<tc>, window_params = [{transform_indices = @transform_0, window_bounds = array<i64: 768, 128>}, {transform_indices = @transform_1, window_bounds = array<i64: 256>}, {transform_indices = @transform_2, window_bounds = array<i64: 256>}, {pipeline_mode = #tpu.pipeline_mode<synchronous>, transform_indices = @transform_3, window_bounds = array<i64: 128, 64>}, {pipeline_mode = #tpu.pipeline_mode<synchronous>, transform_indices = @transform_4, window_bounds = array<i64: 1, 64>}, {pipeline_mode = #tpu.pipeline_mode<synchronous>, transform_indices = @transform_5, window_bounds = array<i64: 64, 64>}, {pipeline_mode = #tpu.pipeline_mode<synchronous>, transform_indices = @transform_6, window_bounds = array<i64: 1, 64>}, {transform_indices = @transform_7, window_bounds = array<i64: 8, 1, 128>}]} {
    %mul3A = arith.constant 8 : i32
    %mul3A_0 = arith.muli %arg0, %mul3A : i32
    %broadcast_in_dim3A = arith.constant 0.000000e+00 : f32
    %broadcast_in_dim3A_1 = vector.broadcast %broadcast_in_dim3A : f32 to vector<16x128xf32>
    %iota3A = tpu.iota {dimensions = array<i32: 0>} : vector<64x1xi32>
    %get3A = arith.constant 0 : index
    %get3A_2 = arith.constant 0 : index
    %get3A_3 = vector.load %arg1[%get3A, %get3A_2] : memref<768x128xf32, #tpu.memory_space<vmem>>, vector<48x128xf32>
    %concatenate3A = tpu.concatenate %get3A_3, %broadcast_in_dim3A_1 in 0 : vector<48x128xf32>, vector<16x128xf32> -> vector<64x128xf32>
    %get3A_4 = arith.constant 48 : index
    %get3A_5 = arith.constant 0 : index
    %get3A_6 = vector.load %arg1[%get3A_4, %get3A_5] : memref<768x128xf32, #tpu.memory_space<vmem>>, vector<48x128xf32>
    %concatenate3A_7 = tpu.concatenate %get3A_6, %broadcast_in_dim3A_1 in 0 : vector<48x128xf32>, vector<16x128xf32> -> vector<64x128xf32>
    %add3A = arith.constant 0 : i32
    %add3A_8 = arith.addi %mul3A_0, %add3A : i32
    %get3A_9 = arith.index_cast %add3A_8 : i32 to index
    %get3A_10 = memref.load %arg2[%get3A_9] : memref<256xi32, #tpu.memory_space<smem>>
    %add3A_11 = arith.constant 0 : i32
    %add3A_12 = arith.addi %mul3A_0, %add3A_11 : i32
    %get3A_13 = arith.index_cast %add3A_12 : i32 to index
    %get3A_14 = memref.load %arg3[%get3A_13] : memref<256xi32, #tpu.memory_space<smem>>
    %lt3A = vector.broadcast %get3A_10 : i32 to vector<64x1xi32>
    %lt3A_15 = arith.cmpi slt, %iota3A, %lt3A : vector<64x1xi32>
    %convert_element_type3A = arith.extui %lt3A_15 : vector<64x1xi1> to vector<64x1xi32>
    %convert_element_type3A_16 = arith.sitofp %convert_element_type3A : vector<64x1xi32> to vector<64x1xf32>
    %lt3A_17 = vector.broadcast %get3A_14 : i32 to vector<64x1xi32>
    %lt3A_18 = arith.cmpi slt, %iota3A, %lt3A_17 : vector<64x1xi32>
    %convert_element_type3A_19 = arith.extui %lt3A_18 : vector<64x1xi1> to vector<64x1xi32>
    %convert_element_type3A_20 = arith.sitofp %convert_element_type3A_19 : vector<64x1xi32> to vector<64x1xf32>
    %get3A_21 = arith.constant 0 : index
    %get3A_22 = arith.constant 0 : index
    %get3A_23 = vector.load %arg4[%get3A_21, %get3A_22] : memref<128x64xf32, #tpu.memory_space<vmem>>, vector<128x64xf32>
    %dot_general3A = arith.constant dense<0.000000e+00> : vector<64x64xf32>
    %dot_general3A_24 = tpu.matmul %concatenate3A, %get3A_23, %dot_general3A {dimension_numbers = #tpu.dot_dimension_numbers<[1], [0], [0], [1], [0, 0, 1, 1], [], []>, transpose_lhs_hint = false} : vector<64x128xf32>, vector<128x64xf32>, vector<64x64xf32> -> vector<64x64xf32>
    %get3A_25 = arith.constant 0 : index
    %get3A_26 = arith.constant 0 : index
    %get3A_27 = vector.load %arg5[%get3A_25, %get3A_26] : memref<1x64xf32, #tpu.memory_space<vmem>>, vector<1x64xf32>
    %add3A_28 = vector.broadcast %get3A_27 : vector<1x64xf32> to vector<64x64xf32>
    %add3A_29 = arith.addf %dot_general3A_24, %add3A_28 : vector<64x64xf32>
    %max3A = arith.constant 0.000000e+00 : f32
    %max3A_30 = vector.broadcast %max3A : f32 to vector<64x64xf32>
    %max3A_31 = arith.maximumf %add3A_29, %max3A_30 : vector<64x64xf32>
    %get3A_32 = arith.constant 0 : index
    %get3A_33 = arith.constant 0 : index
    %get3A_34 = vector.load %arg6[%get3A_32, %get3A_33] : memref<64x64xf32, #tpu.memory_space<vmem>>, vector<64x64xf32>
    %dot_general3A_35 = arith.constant dense<0.000000e+00> : vector<64x64xf32>
    %dot_general3A_36 = tpu.matmul %max3A_31, %get3A_34, %dot_general3A_35 {dimension_numbers = #tpu.dot_dimension_numbers<[1], [0], [0], [1], [0, 0, 1, 1], [], []>, transpose_lhs_hint = false} : vector<64x64xf32>, vector<64x64xf32>, vector<64x64xf32> -> vector<64x64xf32>
    %get3A_37 = arith.constant 0 : index
    %get3A_38 = arith.constant 0 : index
    %get3A_39 = vector.load %arg7[%get3A_37, %get3A_38] : memref<1x64xf32, #tpu.memory_space<vmem>>, vector<1x64xf32>
    %add3A_40 = vector.broadcast %get3A_39 : vector<1x64xf32> to vector<64x64xf32>
    %add3A_41 = arith.addf %dot_general3A_36, %add3A_40 : vector<64x64xf32>
    %mul3A_42 = vector.broadcast %convert_element_type3A_16 : vector<64x1xf32> to vector<64x64xf32>
    %mul3A_43 = arith.mulf %add3A_41, %mul3A_42 : vector<64x64xf32>
    %get3A_44 = arith.constant 0 : index
    %get3A_45 = arith.constant 0 : index
    %get3A_46 = vector.load %arg4[%get3A_44, %get3A_45] : memref<128x64xf32, #tpu.memory_space<vmem>>, vector<128x64xf32>
    %dot_general3A_47 = arith.constant dense<0.000000e+00> : vector<64x64xf32>
    %dot_general3A_48 = tpu.matmul %concatenate3A_7, %get3A_46, %dot_general3A_47 {dimension_numbers = #tpu.dot_dimension_numbers<[1], [0], [0], [1], [0, 0, 1, 1], [], []>, transpose_lhs_hint = false} : vector<64x128xf32>, vector<128x64xf32>, vector<64x64xf32> -> vector<64x64xf32>
    %get3A_49 = arith.constant 0 : index
    %get3A_50 = arith.constant 0 : index
    %get3A_51 = vector.load %arg5[%get3A_49, %get3A_50] : memref<1x64xf32, #tpu.memory_space<vmem>>, vector<1x64xf32>
    %add3A_52 = vector.broadcast %get3A_51 : vector<1x64xf32> to vector<64x64xf32>
    %add3A_53 = arith.addf %dot_general3A_48, %add3A_52 : vector<64x64xf32>
    %max3A_54 = arith.constant 0.000000e+00 : f32
    %max3A_55 = vector.broadcast %max3A_54 : f32 to vector<64x64xf32>
    %max3A_56 = arith.maximumf %add3A_53, %max3A_55 : vector<64x64xf32>
    %get3A_57 = arith.constant 0 : index
    %get3A_58 = arith.constant 0 : index
    %get3A_59 = vector.load %arg6[%get3A_57, %get3A_58] : memref<64x64xf32, #tpu.memory_space<vmem>>, vector<64x64xf32>
    %dot_general3A_60 = arith.constant dense<0.000000e+00> : vector<64x64xf32>
    %dot_general3A_61 = tpu.matmul %max3A_56, %get3A_59, %dot_general3A_60 {dimension_numbers = #tpu.dot_dimension_numbers<[1], [0], [0], [1], [0, 0, 1, 1], [], []>, transpose_lhs_hint = false} : vector<64x64xf32>, vector<64x64xf32>, vector<64x64xf32> -> vector<64x64xf32>
    %get3A_62 = arith.constant 0 : index
    %get3A_63 = arith.constant 0 : index
    %get3A_64 = vector.load %arg7[%get3A_62, %get3A_63] : memref<1x64xf32, #tpu.memory_space<vmem>>, vector<1x64xf32>
    %add3A_65 = vector.broadcast %get3A_64 : vector<1x64xf32> to vector<64x64xf32>
    %add3A_66 = arith.addf %dot_general3A_61, %add3A_65 : vector<64x64xf32>
    %mul3A_67 = vector.broadcast %convert_element_type3A_20 : vector<64x1xf32> to vector<64x64xf32>
    %mul3A_68 = arith.mulf %add3A_66, %mul3A_67 : vector<64x64xf32>
    %dot_general3A_69 = arith.constant dense<0.000000e+00> : vector<64x64xf32>
    %dot_general3A_70 = tpu.matmul %mul3A_43, %mul3A_68, %dot_general3A_69 {dimension_numbers = #tpu.dot_dimension_numbers<[1], [1], [0], [0], [0, 0, 1, 0], [], []>, transpose_lhs_hint = false} : vector<64x64xf32>, vector<64x64xf32>, vector<64x64xf32> -> vector<64x64xf32>
    %reshape3A = vector.shape_cast %convert_element_type3A_20 : vector<64x1xf32> to vector<1x64xf32>
    %mul3A_71 = vector.broadcast %convert_element_type3A_16 : vector<64x1xf32> to vector<64x64xf32>
    %mul3A_72 = vector.broadcast %reshape3A : vector<1x64xf32> to vector<64x64xf32>
    %mul3A_73 = arith.mulf %mul3A_71, %mul3A_72 : vector<64x64xf32>
    %gt3A = arith.constant 0.000000e+00 : f32
    %gt3A_74 = vector.broadcast %gt3A : f32 to vector<64x64xf32>
    %gt3A_75 = arith.cmpf ogt, %mul3A_73, %gt3A_74 : vector<64x64xf32>
    %mul3A_76 = arith.constant 1.000000e+01 : f32
    %mul3A_77 = vector.broadcast %mul3A_76 : f32 to vector<64x64xf32>
    %mul3A_78 = arith.mulf %dot_general3A_70, %mul3A_77 : vector<64x64xf32>
    %jit3A = arith.constant -1.000000e+10 : f32
    %broadcast_in_dim3A_79 = vector.broadcast %jit3A : f32 to vector<64x64xf32>
    %select_n3A = arith.select %gt3A_75, %mul3A_78, %broadcast_in_dim3A_79 : vector<64x64xi1>, vector<64x64xf32>
    %reduce_max3A = arith.constant dense<0xFF800000> : vector<64xf32>
    %reduce_max3A_80 = vector.multi_reduction <maximumf>, %select_n3A, %reduce_max3A [1] : vector<64x64xf32> to vector<64xf32>
    %broadcast_in_dim3A_81 = vector.shape_cast %reduce_max3A_80 : vector<64xf32> to vector<64x1xf32>
    %sub3A = vector.broadcast %broadcast_in_dim3A_81 : vector<64x1xf32> to vector<64x64xf32>
    %sub3A_82 = arith.subf %select_n3A, %sub3A : vector<64x64xf32>
    %exp3A = math.exp %sub3A_82 : vector<64x64xf32>
    %reduce_sum3A = arith.constant dense<0.000000e+00> : vector<64xf32>
    %reduce_sum3A_83 = vector.multi_reduction <add>, %exp3A, %reduce_sum3A [1] : vector<64x64xf32> to vector<64xf32>
    %broadcast_in_dim3A_84 = vector.shape_cast %reduce_sum3A_83 : vector<64xf32> to vector<64x1xf32>
    %div3A = vector.broadcast %broadcast_in_dim3A_84 : vector<64x1xf32> to vector<64x64xf32>
    %div3A_85 = arith.divf %exp3A, %div3A : vector<64x64xf32>
    %reduce_max3A_86 = arith.constant dense<0xFF800000> : vector<64xf32>
    %reduce_max3A_87 = vector.multi_reduction <maximumf>, %select_n3A, %reduce_max3A_86 [0] : vector<64x64xf32> to vector<64xf32>
    %broadcast_in_dim3A_88 = vector.shape_cast %reduce_max3A_87 : vector<64xf32> to vector<1x64xf32>
    %sub3A_89 = vector.broadcast %broadcast_in_dim3A_88 : vector<1x64xf32> to vector<64x64xf32>
    %sub3A_90 = arith.subf %select_n3A, %sub3A_89 : vector<64x64xf32>
    %exp3A_91 = math.exp %sub3A_90 : vector<64x64xf32>
    %reduce_sum3A_92 = arith.constant dense<0.000000e+00> : vector<64xf32>
    %reduce_sum3A_93 = vector.multi_reduction <add>, %exp3A_91, %reduce_sum3A_92 [0] : vector<64x64xf32> to vector<64xf32>
    %broadcast_in_dim3A_94 = vector.shape_cast %reduce_sum3A_93 : vector<64xf32> to vector<1x64xf32>
    %div3A_95 = vector.broadcast %broadcast_in_dim3A_94 : vector<1x64xf32> to vector<64x64xf32>
    %div3A_96 = arith.divf %exp3A_91, %div3A_95 : vector<64x64xf32>
    %dot_general3A_97 = arith.constant dense<0.000000e+00> : vector<64x128xf32>
    %dot_general3A_98 = tpu.matmul %div3A_85, %concatenate3A_7, %dot_general3A_97 {dimension_numbers = #tpu.dot_dimension_numbers<[1], [0], [0], [1], [0, 0, 1, 1], [], []>, transpose_lhs_hint = false} : vector<64x64xf32>, vector<64x128xf32>, vector<64x128xf32> -> vector<64x128xf32>
    %sub3A_99 = arith.subf %concatenate3A, %dot_general3A_98 : vector<64x128xf32>
    %mul3A_100 = arith.mulf %sub3A_99, %sub3A_99 : vector<64x128xf32>
    %reduce_sum3A_101 = arith.constant dense<0.000000e+00> : vector<64xf32>
    %reduce_sum3A_102 = vector.multi_reduction <add>, %mul3A_100, %reduce_sum3A_101 [1] : vector<64x128xf32> to vector<64xf32>
    %add3A_103 = arith.constant 9.99999996E-13 : f32
    %add3A_104 = vector.broadcast %add3A_103 : f32 to vector<64xf32>
    %add3A_105 = arith.addf %reduce_sum3A_102, %add3A_104 : vector<64xf32>
    %sqrt3A = math.sqrt %add3A_105 : vector<64xf32>
    %reduce_sum3A_106 = vector.shape_cast %sqrt3A : vector<64xf32> to vector<1x64xf32>
    %reduce_sum3A_107 = arith.constant dense<0.000000e+00> : vector<1xf32>
    %reduce_sum3A_108 = vector.multi_reduction <add>, %reduce_sum3A_106, %reduce_sum3A_107 [1] : vector<1x64xf32> to vector<1xf32>
    %reduce_sum3A_109 = vector.shape_cast %reduce_sum3A_108 : vector<1xf32> to vector<1x1xf32>
    %reduce_sum3A_110 = vector.extract %reduce_sum3A_109[0, 0] : f32 from vector<1x1xf32>
    %neg3A = arith.constant 0.000000e+00 : f32
    %neg3A_111 = arith.subf %neg3A, %reduce_sum3A_110 : f32
    %dot_general3A_112 = arith.constant dense<0.000000e+00> : vector<64x128xf32>
    %dot_general3A_113 = tpu.matmul %div3A_96, %concatenate3A, %dot_general3A_112 {dimension_numbers = #tpu.dot_dimension_numbers<[0], [0], [1], [1], [0, 1, 1, 1], [], []>, transpose_lhs_hint = false} : vector<64x64xf32>, vector<64x128xf32>, vector<64x128xf32> -> vector<64x128xf32>
    %sub3A_114 = arith.subf %concatenate3A_7, %dot_general3A_113 : vector<64x128xf32>
    %mul3A_115 = arith.mulf %sub3A_114, %sub3A_114 : vector<64x128xf32>
    %reduce_sum3A_116 = arith.constant dense<0.000000e+00> : vector<64xf32>
    %reduce_sum3A_117 = vector.multi_reduction <add>, %mul3A_115, %reduce_sum3A_116 [1] : vector<64x128xf32> to vector<64xf32>
    %add3A_118 = arith.constant 9.99999996E-13 : f32
    %add3A_119 = vector.broadcast %add3A_118 : f32 to vector<64xf32>
    %add3A_120 = arith.addf %reduce_sum3A_117, %add3A_119 : vector<64xf32>
    %sqrt3A_121 = math.sqrt %add3A_120 : vector<64xf32>
    %reduce_sum3A_122 = vector.shape_cast %sqrt3A_121 : vector<64xf32> to vector<1x64xf32>
    %reduce_sum3A_123 = arith.constant dense<0.000000e+00> : vector<1xf32>
    %reduce_sum3A_124 = vector.multi_reduction <add>, %reduce_sum3A_122, %reduce_sum3A_123 [1] : vector<1x64xf32> to vector<1xf32>
    %reduce_sum3A_125 = vector.shape_cast %reduce_sum3A_124 : vector<1xf32> to vector<1x1xf32>
    %reduce_sum3A_126 = vector.extract %reduce_sum3A_125[0, 0] : f32 from vector<1x1xf32>
    %neg3A_127 = arith.constant 0.000000e+00 : f32
    %neg3A_128 = arith.subf %neg3A_127, %reduce_sum3A_126 : f32
    %max3A_129 = arith.maximumf %neg3A_111, %neg3A_128 : f32
    %broadcast_in_dim3A_130 = vector.broadcast %max3A_129 : f32 to vector<128xf32>
    %swap3A = arith.constant 0 : index
    %swap3A_131 = arith.constant 0 : index
    %swap3A_132 = arith.constant 0 : index
    %swap3A_133 = vector.load %arg8[%swap3A, %swap3A_131, %swap3A_132] : memref<8x1x128xf32, #tpu.memory_space<vmem>>, vector<1x1x128xf32>
    %swap3A_134 = vector.shape_cast %swap3A_133 : vector<1x1x128xf32> to vector<128xf32>
    %swap3A_135 = vector.shape_cast %broadcast_in_dim3A_130 : vector<128xf32> to vector<1x1x128xf32>
    tpu.vector_store %arg8[%swap3A, %swap3A_131, %swap3A_132], %swap3A_135 {strides = array<i32>} : memref<8x1x128xf32, #tpu.memory_space<vmem>>, vector<1x1x128xf32>,
    %get3A_136 = arith.constant 96 : index
    %get3A_137 = arith.constant 0 : index
    %get3A_138 = vector.load %arg1[%get3A_136, %get3A_137] : memref<768x128xf32, #tpu.memory_space<vmem>>, vector<48x128xf32>
    %concatenate3A_139 = tpu.concatenate %get3A_138, %broadcast_in_dim3A_1 in 0 : vector<48x128xf32>, vector<16x128xf32> -> vector<64x128xf32>
    %get3A_140 = arith.constant 144 : index
    %get3A_141 = arith.constant 0 : index
    %get3A_142 = vector.load %arg1[%get3A_140, %get3A_141] : memref<768x128xf32, #tpu.memory_space<vmem>>, vector<48x128xf32>
    %concatenate3A_143 = tpu.concatenate %get3A_142, %broadcast_in_dim3A_1 in 0 : vector<48x128xf32>, vector<16x128xf32> -> vector<64x128xf32>
    %add3A_144 = arith.constant 1 : i32
    %add3A_145 = arith.addi %mul3A_0, %add3A_144 : i32
    %get3A_146 = arith.index_cast %add3A_145 : i32 to index
    %get3A_147 = memref.load %arg2[%get3A_146] : memref<256xi32, #tpu.memory_space<smem>>
    %add3A_148 = arith.constant 1 : i32
    %add3A_149 = arith.addi %mul3A_0, %add3A_148 : i32
    %get3A_150 = arith.index_cast %add3A_149 : i32 to index
    %get3A_151 = memref.load %arg3[%get3A_150] : memref<256xi32, #tpu.memory_space<smem>>
    %lt3A_152 = vector.broadcast %get3A_147 : i32 to vector<64x1xi32>
    %lt3A_153 = arith.cmpi slt, %iota3A, %lt3A_152 : vector<64x1xi32>
    %convert_element_type3A_154 = arith.extui %lt3A_153 : vector<64x1xi1> to vector<64x1xi32>
    %convert_element_type3A_155 = arith.sitofp %convert_element_type3A_154 : vector<64x1xi32> to vector<64x1xf32>
    %lt3A_156 = vector.broadcast %get3A_151 : i32 to vector<64x1xi32>
    %lt3A_157 = arith.cmpi slt, %iota3A, %lt3A_156 : vector<64x1xi32>
    %convert_element_type3A_158 = arith.extui %lt3A_157 : vector<64x1xi1> to vector<64x1xi32>
    %convert_element_type3A_159 = arith.sitofp %convert_element_type3A_158 : vector<64x1xi32> to vector<64x1xf32>
    %get3A_160 = arith.constant 0 : index
    %get3A_161 = arith.constant 0 : index
    %get3A_162 = vector.load %arg4[%get3A_160, %get3A_161] : memref<128x64xf32, #tpu.memory_space<vmem>>, vector<128x64xf32>
    %dot_general3A_163 = arith.constant dense<0.000000e+00> : vector<64x64xf32>
    %dot_general3A_164 = tpu.matmul %concatenate3A_139, %get3A_162, %dot_general3A_163 {dimension_numbers = #tpu.dot_dimension_numbers<[1], [0], [0], [1], [0, 0, 1, 1], [], []>, transpose_lhs_hint = false} : vector<64x128xf32>, vector<128x64xf32>, vector<64x64xf32> -> vector<64x64xf32>
    %get3A_165 = arith.constant 0 : index
    %get3A_166 = arith.constant 0 : index
    %get3A_167 = vector.load %arg5[%get3A_165, %get3A_166] : memref<1x64xf32, #tpu.memory_space<vmem>>, vector<1x64xf32>
    %add3A_168 = vector.broadcast %get3A_167 : vector<1x64xf32> to vector<64x64xf32>
    %add3A_169 = arith.addf %dot_general3A_164, %add3A_168 : vector<64x64xf32>
    %max3A_170 = arith.constant 0.000000e+00 : f32
    %max3A_171 = vector.broadcast %max3A_170 : f32 to vector<64x64xf32>
    %max3A_172 = arith.maximumf %add3A_169, %max3A_171 : vector<64x64xf32>
    %get3A_173 = arith.constant 0 : index
    %get3A_174 = arith.constant 0 : index
    %get3A_175 = vector.load %arg6[%get3A_173, %get3A_174] : memref<64x64xf32, #tpu.memory_space<vmem>>, vector<64x64xf32>
    %dot_general3A_176 = arith.constant dense<0.000000e+00> : vector<64x64xf32>
    %dot_general3A_177 = tpu.matmul %max3A_172, %get3A_175, %dot_general3A_176 {dimension_numbers = #tpu.dot_dimension_numbers<[1], [0], [0], [1], [0, 0, 1, 1], [], []>, transpose_lhs_hint = false} : vector<64x64xf32>, vector<64x64xf32>, vector<64x64xf32> -> vector<64x64xf32>
    %get3A_178 = arith.constant 0 : index
    %get3A_179 = arith.constant 0 : index
    %get3A_180 = vector.load %arg7[%get3A_178, %get3A_179] : memref<1x64xf32, #tpu.memory_space<vmem>>, vector<1x64xf32>
    %add3A_181 = vector.broadcast %get3A_180 : vector<1x64xf32> to vector<64x64xf32>
    %add3A_182 = arith.addf %dot_general3A_177, %add3A_181 : vector<64x64xf32>
    %mul3A_183 = vector.broadcast %convert_element_type3A_155 : vector<64x1xf32> to vector<64x64xf32>
    %mul3A_184 = arith.mulf %add3A_182, %mul3A_183 : vector<64x64xf32>
    %get3A_185 = arith.constant 0 : index
    %get3A_186 = arith.constant 0 : index
    %get3A_187 = vector.load %arg4[%get3A_185, %get3A_186] : memref<128x64xf32, #tpu.memory_space<vmem>>, vector<128x64xf32>
    %dot_general3A_188 = arith.constant dense<0.000000e+00> : vector<64x64xf32>
    %dot_general3A_189 = tpu.matmul %concatenate3A_143, %get3A_187, %dot_general3A_188 {dimension_numbers = #tpu.dot_dimension_numbers<[1], [0], [0], [1], [0, 0, 1, 1], [], []>, transpose_lhs_hint = false} : vector<64x128xf32>, vector<128x64xf32>, vector<64x64xf32> -> vector<64x64xf32>
    %get3A_190 = arith.constant 0 : index
    %get3A_191 = arith.constant 0 : index
    %get3A_192 = vector.load %arg5[%get3A_190, %get3A_191] : memref<1x64xf32, #tpu.memory_space<vmem>>, vector<1x64xf32>
    %add3A_193 = vector.broadcast %get3A_192 : vector<1x64xf32> to vector<64x64xf32>
    %add3A_194 = arith.addf %dot_general3A_189, %add3A_193 : vector<64x64xf32>
    %max3A_195 = arith.constant 0.000000e+00 : f32
    %max3A_196 = vector.broadcast %max3A_195 : f32 to vector<64x64xf32>
    %max3A_197 = arith.maximumf %add3A_194, %max3A_196 : vector<64x64xf32>
    %get3A_198 = arith.constant 0 : index
    %get3A_199 = arith.constant 0 : index
    %get3A_200 = vector.load %arg6[%get3A_198, %get3A_199] : memref<64x64xf32, #tpu.memory_space<vmem>>, vector<64x64xf32>
    %dot_general3A_201 = arith.constant dense<0.000000e+00> : vector<64x64xf32>
    %dot_general3A_202 = tpu.matmul %max3A_197, %get3A_200, %dot_general3A_201 {dimension_numbers = #tpu.dot_dimension_numbers<[1], [0], [0], [1], [0, 0, 1, 1], [], []>, transpose_lhs_hint = false} : vector<64x64xf32>, vector<64x64xf32>, vector<64x64xf32> -> vector<64x64xf32>
    %get3A_203 = arith.constant 0 : index
    %get3A_204 = arith.constant 0 : index
    %get3A_205 = vector.load %arg7[%get3A_203, %get3A_204] : memref<1x64xf32, #tpu.memory_space<vmem>>, vector<1x64xf32>
    %add3A_206 = vector.broadcast %get3A_205 : vector<1x64xf32> to vector<64x64xf32>
    %add3A_207 = arith.addf %dot_general3A_202, %add3A_206 : vector<64x64xf32>
    %mul3A_208 = vector.broadcast %convert_element_type3A_159 : vector<64x1xf32> to vector<64x64xf32>
    %mul3A_209 = arith.mulf %add3A_207, %mul3A_208 : vector<64x64xf32>
    %dot_general3A_210 = arith.constant dense<0.000000e+00> : vector<64x64xf32>
    %dot_general3A_211 = tpu.matmul %mul3A_184, %mul3A_209, %dot_general3A_210 {dimension_numbers = #tpu.dot_dimension_numbers<[1], [1], [0], [0], [0, 0, 1, 0], [], []>, transpose_lhs_hint = false} : vector<64x64xf32>, vector<64x64xf32>, vector<64x64xf32> -> vector<64x64xf32>
    %reshape3A_212 = vector.shape_cast %convert_element_type3A_159 : vector<64x1xf32> to vector<1x64xf32>
    %mul3A_213 = vector.broadcast %convert_element_type3A_155 : vector<64x1xf32> to vector<64x64xf32>
    %mul3A_214 = vector.broadcast %reshape3A_212 : vector<1x64xf32> to vector<64x64xf32>
    %mul3A_215 = arith.mulf %mul3A_213, %mul3A_214 : vector<64x64xf32>
    %gt3A_216 = arith.constant 0.000000e+00 : f32
    %gt3A_217 = vector.broadcast %gt3A_216 : f32 to vector<64x64xf32>
    %gt3A_218 = arith.cmpf ogt, %mul3A_215, %gt3A_217 : vector<64x64xf32>
    %mul3A_219 = arith.constant 1.000000e+01 : f32
    %mul3A_220 = vector.broadcast %mul3A_219 : f32 to vector<64x64xf32>
    %mul3A_221 = arith.mulf %dot_general3A_211, %mul3A_220 : vector<64x64xf32>
    %jit3A_222 = arith.constant -1.000000e+10 : f32
    %broadcast_in_dim3A_223 = vector.broadcast %jit3A_222 : f32 to vector<64x64xf32>
    %select_n3A_224 = arith.select %gt3A_218, %mul3A_221, %broadcast_in_dim3A_223 : vector<64x64xi1>, vector<64x64xf32>
    %reduce_max3A_225 = arith.constant dense<0xFF800000> : vector<64xf32>
    %reduce_max3A_226 = vector.multi_reduction <maximumf>, %select_n3A_224, %reduce_max3A_225 [1] : vector<64x64xf32> to vector<64xf32>
    %broadcast_in_dim3A_227 = vector.shape_cast %reduce_max3A_226 : vector<64xf32> to vector<64x1xf32>
    %sub3A_228 = vector.broadcast %broadcast_in_dim3A_227 : vector<64x1xf32> to vector<64x64xf32>
    %sub3A_229 = arith.subf %select_n3A_224, %sub3A_228 : vector<64x64xf32>
    %exp3A_230 = math.exp %sub3A_229 : vector<64x64xf32>
    %reduce_sum3A_231 = arith.constant dense<0.000000e+00> : vector<64xf32>
    %reduce_sum3A_232 = vector.multi_reduction <add>, %exp3A_230, %reduce_sum3A_231 [1] : vector<64x64xf32> to vector<64xf32>
    %broadcast_in_dim3A_233 = vector.shape_cast %reduce_sum3A_232 : vector<64xf32> to vector<64x1xf32>
    %div3A_234 = vector.broadcast %broadcast_in_dim3A_233 : vector<64x1xf32> to vector<64x64xf32>
    %div3A_235 = arith.divf %exp3A_230, %div3A_234 : vector<64x64xf32>
    %reduce_max3A_236 = arith.constant dense<0xFF800000> : vector<64xf32>
    %reduce_max3A_237 = vector.multi_reduction <maximumf>, %select_n3A_224, %reduce_max3A_236 [0] : vector<64x64xf32> to vector<64xf32>
    %broadcast_in_dim3A_238 = vector.shape_cast %reduce_max3A_237 : vector<64xf32> to vector<1x64xf32>
    %sub3A_239 = vector.broadcast %broadcast_in_dim3A_238 : vector<1x64xf32> to vector<64x64xf32>
    %sub3A_240 = arith.subf %select_n3A_224, %sub3A_239 : vector<64x64xf32>
    %exp3A_241 = math.exp %sub3A_240 : vector<64x64xf32>
    %reduce_sum3A_242 = arith.constant dense<0.000000e+00> : vector<64xf32>
    %reduce_sum3A_243 = vector.multi_reduction <add>, %exp3A_241, %reduce_sum3A_242 [0] : vector<64x64xf32> to vector<64xf32>
    %broadcast_in_dim3A_244 = vector.shape_cast %reduce_sum3A_243 : vector<64xf32> to vector<1x64xf32>
    %div3A_245 = vector.broadcast %broadcast_in_dim3A_244 : vector<1x64xf32> to vector<64x64xf32>
    %div3A_246 = arith.divf %exp3A_241, %div3A_245 : vector<64x64xf32>
    %dot_general3A_247 = arith.constant dense<0.000000e+00> : vector<64x128xf32>
    %dot_general3A_248 = tpu.matmul %div3A_235, %concatenate3A_143, %dot_general3A_247 {dimension_numbers = #tpu.dot_dimension_numbers<[1], [0], [0], [1], [0, 0, 1, 1], [], []>, transpose_lhs_hint = false} : vector<64x64xf32>, vector<64x128xf32>, vector<64x128xf32> -> vector<64x128xf32>
    %sub3A_249 = arith.subf %concatenate3A_139, %dot_general3A_248 : vector<64x128xf32>
    %mul3A_250 = arith.mulf %sub3A_249, %sub3A_249 : vector<64x128xf32>
    %reduce_sum3A_251 = arith.constant dense<0.000000e+00> : vector<64xf32>
    %reduce_sum3A_252 = vector.multi_reduction <add>, %mul3A_250, %reduce_sum3A_251 [1] : vector<64x128xf32> to vector<64xf32>
    %add3A_253 = arith.constant 9.99999996E-13 : f32
    %add3A_254 = vector.broadcast %add3A_253 : f32 to vector<64xf32>
    %add3A_255 = arith.addf %reduce_sum3A_252, %add3A_254 : vector<64xf32>
    %sqrt3A_256 = math.sqrt %add3A_255 : vector<64xf32>
    %reduce_sum3A_257 = vector.shape_cast %sqrt3A_256 : vector<64xf32> to vector<1x64xf32>
    %reduce_sum3A_258 = arith.constant dense<0.000000e+00> : vector<1xf32>
    %reduce_sum3A_259 = vector.multi_reduction <add>, %reduce_sum3A_257, %reduce_sum3A_258 [1] : vector<1x64xf32> to vector<1xf32>
    %reduce_sum3A_260 = vector.shape_cast %reduce_sum3A_259 : vector<1xf32> to vector<1x1xf32>
    %reduce_sum3A_261 = vector.extract %reduce_sum3A_260[0, 0] : f32 from vector<1x1xf32>
    %neg3A_262 = arith.constant 0.000000e+00 : f32
    %neg3A_263 = arith.subf %neg3A_262, %reduce_sum3A_261 : f32
    %dot_general3A_264 = arith.constant dense<0.000000e+00> : vector<64x128xf32>
    %dot_general3A_265 = tpu.matmul %div3A_246, %concatenate3A_139, %dot_general3A_264 {dimension_numbers = #tpu.dot_dimension_numbers<[0], [0], [1], [1], [0, 1, 1, 1], [], []>, transpose_lhs_hint = false} : vector<64x64xf32>, vector<64x128xf32>, vector<64x128xf32> -> vector<64x128xf32>
    %sub3A_266 = arith.subf %concatenate3A_143, %dot_general3A_265 : vector<64x128xf32>
    %mul3A_267 = arith.mulf %sub3A_266, %sub3A_266 : vector<64x128xf32>
    %reduce_sum3A_268 = arith.constant dense<0.000000e+00> : vector<64xf32>
    %reduce_sum3A_269 = vector.multi_reduction <add>, %mul3A_267, %reduce_sum3A_268 [1] : vector<64x128xf32> to vector<64xf32>
    %add3A_270 = arith.constant 9.99999996E-13 : f32
    %add3A_271 = vector.broadcast %add3A_270 : f32 to vector<64xf32>
    %add3A_272 = arith.addf %reduce_sum3A_269, %add3A_271 : vector<64xf32>
    %sqrt3A_273 = math.sqrt %add3A_272 : vector<64xf32>
    %reduce_sum3A_274 = vector.shape_cast %sqrt3A_273 : vector<64xf32> to vector<1x64xf32>
    %reduce_sum3A_275 = arith.constant dense<0.000000e+00> : vector<1xf32>
    %reduce_sum3A_276 = vector.multi_reduction <add>, %reduce_sum3A_274, %reduce_sum3A_275 [1] : vector<1x64xf32> to vector<1xf32>
    %reduce_sum3A_277 = vector.shape_cast %reduce_sum3A_276 : vector<1xf32> to vector<1x1xf32>
    %reduce_sum3A_278 = vector.extract %reduce_sum3A_277[0, 0] : f32 from vector<1x1xf32>
    %neg3A_279 = arith.constant 0.000000e+00 : f32
    %neg3A_280 = arith.subf %neg3A_279, %reduce_sum3A_278 : f32
    %max3A_281 = arith.maximumf %neg3A_263, %neg3A_280 : f32
    %broadcast_in_dim3A_282 = vector.broadcast %max3A_281 : f32 to vector<128xf32>
    %swap3A_283 = arith.constant 1 : index
    %swap3A_284 = arith.constant 0 : index
    %swap3A_285 = arith.constant 0 : index
    %swap3A_286 = vector.load %arg8[%swap3A_283, %swap3A_284, %swap3A_285] : memref<8x1x128xf32, #tpu.memory_space<vmem>>, vector<1x1x128xf32>
    %swap3A_287 = vector.shape_cast %swap3A_286 : vector<1x1x128xf32> to vector<128xf32>
    %swap3A_288 = vector.shape_cast %broadcast_in_dim3A_282 : vector<128xf32> to vector<1x1x128xf32>
    tpu.vector_store %arg8[%swap3A_283, %swap3A_284, %swap3A_285], %swap3A_288 {strides = array<i32>} : memref<8x1x128xf32, #tpu.memory_space<vmem>>, vector<1x1x128xf32>,
    %get3A_289 = arith.constant 192 : index
    %get3A_290 = arith.constant 0 : index
    %get3A_291 = vector.load %arg1[%get3A_289, %get3A_290] : memref<768x128xf32, #tpu.memory_space<vmem>>, vector<48x128xf32>
    %concatenate3A_292 = tpu.concatenate %get3A_291, %broadcast_in_dim3A_1 in 0 : vector<48x128xf32>, vector<16x128xf32> -> vector<64x128xf32>
    %get3A_293 = arith.constant 240 : index
    %get3A_294 = arith.constant 0 : index
    %get3A_295 = vector.load %arg1[%get3A_293, %get3A_294] : memref<768x128xf32, #tpu.memory_space<vmem>>, vector<48x128xf32>
    %concatenate3A_296 = tpu.concatenate %get3A_295, %broadcast_in_dim3A_1 in 0 : vector<48x128xf32>, vector<16x128xf32> -> vector<64x128xf32>
    %add3A_297 = arith.constant 2 : i32
    %add3A_298 = arith.addi %mul3A_0, %add3A_297 : i32
    %get3A_299 = arith.index_cast %add3A_298 : i32 to index
    %get3A_300 = memref.load %arg2[%get3A_299] : memref<256xi32, #tpu.memory_space<smem>>
    %add3A_301 = arith.constant 2 : i32
    %add3A_302 = arith.addi %mul3A_0, %add3A_301 : i32
    %get3A_303 = arith.index_cast %add3A_302 : i32 to index
    %get3A_304 = memref.load %arg3[%get3A_303] : memref<256xi32, #tpu.memory_space<smem>>
    %lt3A_305 = vector.broadcast %get3A_300 : i32 to vector<64x1xi32>
    %lt3A_306 = arith.cmpi slt, %iota3A, %lt3A_305 : vector<64x1xi32>
    %convert_element_type3A_307 = arith.extui %lt3A_306 : vector<64x1xi1> to vector<64x1xi32>
    %convert_element_type3A_308 = arith.sitofp %convert_element_type3A_307 : vector<64x1xi32> to vector<64x1xf32>
    %lt3A_309 = vector.broadcast %get3A_304 : i32 to vector<64x1xi32>
    %lt3A_310 = arith.cmpi slt, %iota3A, %lt3A_309 : vector<64x1xi32>
    %convert_element_type3A_311 = arith.extui %lt3A_310 : vector<64x1xi1> to vector<64x1xi32>
    %convert_element_type3A_312 = arith.sitofp %convert_element_type3A_311 : vector<64x1xi32> to vector<64x1xf32>
    %get3A_313 = arith.constant 0 : index
    %get3A_314 = arith.constant 0 : index
    %get3A_315 = vector.load %arg4[%get3A_313, %get3A_314] : memref<128x64xf32, #tpu.memory_space<vmem>>, vector<128x64xf32>
    %dot_general3A_316 = arith.constant dense<0.000000e+00> : vector<64x64xf32>
    %dot_general3A_317 = tpu.matmul %concatenate3A_292, %get3A_315, %dot_general3A_316 {dimension_numbers = #tpu.dot_dimension_numbers<[1], [0], [0], [1], [0, 0, 1, 1], [], []>, transpose_lhs_hint = false} : vector<64x128xf32>, vector<128x64xf32>, vector<64x64xf32> -> vector<64x64xf32>
    %get3A_318 = arith.constant 0 : index
    %get3A_319 = arith.constant 0 : index
    %get3A_320 = vector.load %arg5[%get3A_318, %get3A_319] : memref<1x64xf32, #tpu.memory_space<vmem>>, vector<1x64xf32>
    %add3A_321 = vector.broadcast %get3A_320 : vector<1x64xf32> to vector<64x64xf32>
    %add3A_322 = arith.addf %dot_general3A_317, %add3A_321 : vector<64x64xf32>
    %max3A_323 = arith.constant 0.000000e+00 : f32
    %max3A_324 = vector.broadcast %max3A_323 : f32 to vector<64x64xf32>
    %max3A_325 = arith.maximumf %add3A_322, %max3A_324 : vector<64x64xf32>
    %get3A_326 = arith.constant 0 : index
    %get3A_327 = arith.constant 0 : index
    %get3A_328 = vector.load %arg6[%get3A_326, %get3A_327] : memref<64x64xf32, #tpu.memory_space<vmem>>, vector<64x64xf32>
    %dot_general3A_329 = arith.constant dense<0.000000e+00> : vector<64x64xf32>
    %dot_general3A_330 = tpu.matmul %max3A_325, %get3A_328, %dot_general3A_329 {dimension_numbers = #tpu.dot_dimension_numbers<[1], [0], [0], [1], [0, 0, 1, 1], [], []>, transpose_lhs_hint = false} : vector<64x64xf32>, vector<64x64xf32>, vector<64x64xf32> -> vector<64x64xf32>
    %get3A_331 = arith.constant 0 : index
    %get3A_332 = arith.constant 0 : index
    %get3A_333 = vector.load %arg7[%get3A_331, %get3A_332] : memref<1x64xf32, #tpu.memory_space<vmem>>, vector<1x64xf32>
    %add3A_334 = vector.broadcast %get3A_333 : vector<1x64xf32> to vector<64x64xf32>
    %add3A_335 = arith.addf %dot_general3A_330, %add3A_334 : vector<64x64xf32>
    %mul3A_336 = vector.broadcast %convert_element_type3A_308 : vector<64x1xf32> to vector<64x64xf32>
    %mul3A_337 = arith.mulf %add3A_335, %mul3A_336 : vector<64x64xf32>
    %get3A_338 = arith.constant 0 : index
    %get3A_339 = arith.constant 0 : index
    %get3A_340 = vector.load %arg4[%get3A_338, %get3A_339] : memref<128x64xf32, #tpu.memory_space<vmem>>, vector<128x64xf32>
    %dot_general3A_341 = arith.constant dense<0.000000e+00> : vector<64x64xf32>
    %dot_general3A_342 = tpu.matmul %concatenate3A_296, %get3A_340, %dot_general3A_341 {dimension_numbers = #tpu.dot_dimension_numbers<[1], [0], [0], [1], [0, 0, 1, 1], [], []>, transpose_lhs_hint = false} : vector<64x128xf32>, vector<128x64xf32>, vector<64x64xf32> -> vector<64x64xf32>
    %get3A_343 = arith.constant 0 : index
    %get3A_344 = arith.constant 0 : index
    %get3A_345 = vector.load %arg5[%get3A_343, %get3A_344] : memref<1x64xf32, #tpu.memory_space<vmem>>, vector<1x64xf32>
    %add3A_346 = vector.broadcast %get3A_345 : vector<1x64xf32> to vector<64x64xf32>
    %add3A_347 = arith.addf %dot_general3A_342, %add3A_346 : vector<64x64xf32>
    %max3A_348 = arith.constant 0.000000e+00 : f32
    %max3A_349 = vector.broadcast %max3A_348 : f32 to vector<64x64xf32>
    %max3A_350 = arith.maximumf %add3A_347, %max3A_349 : vector<64x64xf32>
    %get3A_351 = arith.constant 0 : index
    %get3A_352 = arith.constant 0 : index
    %get3A_353 = vector.load %arg6[%get3A_351, %get3A_352] : memref<64x64xf32, #tpu.memory_space<vmem>>, vector<64x64xf32>
    %dot_general3A_354 = arith.constant dense<0.000000e+00> : vector<64x64xf32>
    %dot_general3A_355 = tpu.matmul %max3A_350, %get3A_353, %dot_general3A_354 {dimension_numbers = #tpu.dot_dimension_numbers<[1], [0], [0], [1], [0, 0, 1, 1], [], []>, transpose_lhs_hint = false} : vector<64x64xf32>, vector<64x64xf32>, vector<64x64xf32> -> vector<64x64xf32>
    %get3A_356 = arith.constant 0 : index
    %get3A_357 = arith.constant 0 : index
    %get3A_358 = vector.load %arg7[%get3A_356, %get3A_357] : memref<1x64xf32, #tpu.memory_space<vmem>>, vector<1x64xf32>
    %add3A_359 = vector.broadcast %get3A_358 : vector<1x64xf32> to vector<64x64xf32>
    %add3A_360 = arith.addf %dot_general3A_355, %add3A_359 : vector<64x64xf32>
    %mul3A_361 = vector.broadcast %convert_element_type3A_312 : vector<64x1xf32> to vector<64x64xf32>
    %mul3A_362 = arith.mulf %add3A_360, %mul3A_361 : vector<64x64xf32>
    %dot_general3A_363 = arith.constant dense<0.000000e+00> : vector<64x64xf32>
    %dot_general3A_364 = tpu.matmul %mul3A_337, %mul3A_362, %dot_general3A_363 {dimension_numbers = #tpu.dot_dimension_numbers<[1], [1], [0], [0], [0, 0, 1, 0], [], []>, transpose_lhs_hint = false} : vector<64x64xf32>, vector<64x64xf32>, vector<64x64xf32> -> vector<64x64xf32>
    %reshape3A_365 = vector.shape_cast %convert_element_type3A_312 : vector<64x1xf32> to vector<1x64xf32>
    %mul3A_366 = vector.broadcast %convert_element_type3A_308 : vector<64x1xf32> to vector<64x64xf32>
    %mul3A_367 = vector.broadcast %reshape3A_365 : vector<1x64xf32> to vector<64x64xf32>
    %mul3A_368 = arith.mulf %mul3A_366, %mul3A_367 : vector<64x64xf32>
    %gt3A_369 = arith.constant 0.000000e+00 : f32
    %gt3A_370 = vector.broadcast %gt3A_369 : f32 to vector<64x64xf32>
    %gt3A_371 = arith.cmpf ogt, %mul3A_368, %gt3A_370 : vector<64x64xf32>
    %mul3A_372 = arith.constant 1.000000e+01 : f32
    %mul3A_373 = vector.broadcast %mul3A_372 : f32 to vector<64x64xf32>
    %mul3A_374 = arith.mulf %dot_general3A_364, %mul3A_373 : vector<64x64xf32>
    %jit3A_375 = arith.constant -1.000000e+10 : f32
    %broadcast_in_dim3A_376 = vector.broadcast %jit3A_375 : f32 to vector<64x64xf32>
    %select_n3A_377 = arith.select %gt3A_371, %mul3A_374, %broadcast_in_dim3A_376 : vector<64x64xi1>, vector<64x64xf32>
    %reduce_max3A_378 = arith.constant dense<0xFF800000> : vector<64xf32>
    %reduce_max3A_379 = vector.multi_reduction <maximumf>, %select_n3A_377, %reduce_max3A_378 [1] : vector<64x64xf32> to vector<64xf32>
    %broadcast_in_dim3A_380 = vector.shape_cast %reduce_max3A_379 : vector<64xf32> to vector<64x1xf32>
    %sub3A_381 = vector.broadcast %broadcast_in_dim3A_380 : vector<64x1xf32> to vector<64x64xf32>
    %sub3A_382 = arith.subf %select_n3A_377, %sub3A_381 : vector<64x64xf32>
    %exp3A_383 = math.exp %sub3A_382 : vector<64x64xf32>
    %reduce_sum3A_384 = arith.constant dense<0.000000e+00> : vector<64xf32>
    %reduce_sum3A_385 = vector.multi_reduction <add>, %exp3A_383, %reduce_sum3A_384 [1] : vector<64x64xf32> to vector<64xf32>
    %broadcast_in_dim3A_386 = vector.shape_cast %reduce_sum3A_385 : vector<64xf32> to vector<64x1xf32>
    %div3A_387 = vector.broadcast %broadcast_in_dim3A_386 : vector<64x1xf32> to vector<64x64xf32>
    %div3A_388 = arith.divf %exp3A_383, %div3A_387 : vector<64x64xf32>
    %reduce_max3A_389 = arith.constant dense<0xFF800000> : vector<64xf32>
    %reduce_max3A_390 = vector.multi_reduction <maximumf>, %select_n3A_377, %reduce_max3A_389 [0] : vector<64x64xf32> to vector<64xf32>
    %broadcast_in_dim3A_391 = vector.shape_cast %reduce_max3A_390 : vector<64xf32> to vector<1x64xf32>
    %sub3A_392 = vector.broadcast %broadcast_in_dim3A_391 : vector<1x64xf32> to vector<64x64xf32>
    %sub3A_393 = arith.subf %select_n3A_377, %sub3A_392 : vector<64x64xf32>
    %exp3A_394 = math.exp %sub3A_393 : vector<64x64xf32>
    %reduce_sum3A_395 = arith.constant dense<0.000000e+00> : vector<64xf32>
    %reduce_sum3A_396 = vector.multi_reduction <add>, %exp3A_394, %reduce_sum3A_395 [0] : vector<64x64xf32> to vector<64xf32>
    %broadcast_in_dim3A_397 = vector.shape_cast %reduce_sum3A_396 : vector<64xf32> to vector<1x64xf32>
    %div3A_398 = vector.broadcast %broadcast_in_dim3A_397 : vector<1x64xf32> to vector<64x64xf32>
    %div3A_399 = arith.divf %exp3A_394, %div3A_398 : vector<64x64xf32>
    %dot_general3A_400 = arith.constant dense<0.000000e+00> : vector<64x128xf32>
    %dot_general3A_401 = tpu.matmul %div3A_388, %concatenate3A_296, %dot_general3A_400 {dimension_numbers = #tpu.dot_dimension_numbers<[1], [0], [0], [1], [0, 0, 1, 1], [], []>, transpose_lhs_hint = false} : vector<64x64xf32>, vector<64x128xf32>, vector<64x128xf32> -> vector<64x128xf32>
    %sub3A_402 = arith.subf %concatenate3A_292, %dot_general3A_401 : vector<64x128xf32>
    %mul3A_403 = arith.mulf %sub3A_402, %sub3A_402 : vector<64x128xf32>
    %reduce_sum3A_404 = arith.constant dense<0.000000e+00> : vector<64xf32>
    %reduce_sum3A_405 = vector.multi_reduction <add>, %mul3A_403, %reduce_sum3A_404 [1] : vector<64x128xf32> to vector<64xf32>
    %add3A_406 = arith.constant 9.99999996E-13 : f32
    %add3A_407 = vector.broadcast %add3A_406 : f32 to vector<64xf32>
    %add3A_408 = arith.addf %reduce_sum3A_405, %add3A_407 : vector<64xf32>
    %sqrt3A_409 = math.sqrt %add3A_408 : vector<64xf32>
    %reduce_sum3A_410 = vector.shape_cast %sqrt3A_409 : vector<64xf32> to vector<1x64xf32>
    %reduce_sum3A_411 = arith.constant dense<0.000000e+00> : vector<1xf32>
    %reduce_sum3A_412 = vector.multi_reduction <add>, %reduce_sum3A_410, %reduce_sum3A_411 [1] : vector<1x64xf32> to vector<1xf32>
    %reduce_sum3A_413 = vector.shape_cast %reduce_sum3A_412 : vector<1xf32> to vector<1x1xf32>
    %reduce_sum3A_414 = vector.extract %reduce_sum3A_413[0, 0] : f32 from vector<1x1xf32>
    %neg3A_415 = arith.constant 0.000000e+00 : f32
    %neg3A_416 = arith.subf %neg3A_415, %reduce_sum3A_414 : f32
    %dot_general3A_417 = arith.constant dense<0.000000e+00> : vector<64x128xf32>
    %dot_general3A_418 = tpu.matmul %div3A_399, %concatenate3A_292, %dot_general3A_417 {dimension_numbers = #tpu.dot_dimension_numbers<[0], [0], [1], [1], [0, 1, 1, 1], [], []>, transpose_lhs_hint = false} : vector<64x64xf32>, vector<64x128xf32>, vector<64x128xf32> -> vector<64x128xf32>
    %sub3A_419 = arith.subf %concatenate3A_296, %dot_general3A_418 : vector<64x128xf32>
    %mul3A_420 = arith.mulf %sub3A_419, %sub3A_419 : vector<64x128xf32>
    %reduce_sum3A_421 = arith.constant dense<0.000000e+00> : vector<64xf32>
    %reduce_sum3A_422 = vector.multi_reduction <add>, %mul3A_420, %reduce_sum3A_421 [1] : vector<64x128xf32> to vector<64xf32>
    %add3A_423 = arith.constant 9.99999996E-13 : f32
    %add3A_424 = vector.broadcast %add3A_423 : f32 to vector<64xf32>
    %add3A_425 = arith.addf %reduce_sum3A_422, %add3A_424 : vector<64xf32>
    %sqrt3A_426 = math.sqrt %add3A_425 : vector<64xf32>
    %reduce_sum3A_427 = vector.shape_cast %sqrt3A_426 : vector<64xf32> to vector<1x64xf32>
    %reduce_sum3A_428 = arith.constant dense<0.000000e+00> : vector<1xf32>
    %reduce_sum3A_429 = vector.multi_reduction <add>, %reduce_sum3A_427, %reduce_sum3A_428 [1] : vector<1x64xf32> to vector<1xf32>
    %reduce_sum3A_430 = vector.shape_cast %reduce_sum3A_429 : vector<1xf32> to vector<1x1xf32>
    %reduce_sum3A_431 = vector.extract %reduce_sum3A_430[0, 0] : f32 from vector<1x1xf32>
    %neg3A_432 = arith.constant 0.000000e+00 : f32
    %neg3A_433 = arith.subf %neg3A_432, %reduce_sum3A_431 : f32
    %max3A_434 = arith.maximumf %neg3A_416, %neg3A_433 : f32
    %broadcast_in_dim3A_435 = vector.broadcast %max3A_434 : f32 to vector<128xf32>
    %swap3A_436 = arith.constant 2 : index
    %swap3A_437 = arith.constant 0 : index
    %swap3A_438 = arith.constant 0 : index
    %swap3A_439 = vector.load %arg8[%swap3A_436, %swap3A_437, %swap3A_438] : memref<8x1x128xf32, #tpu.memory_space<vmem>>, vector<1x1x128xf32>
    %swap3A_440 = vector.shape_cast %swap3A_439 : vector<1x1x128xf32> to vector<128xf32>
    %swap3A_441 = vector.shape_cast %broadcast_in_dim3A_435 : vector<128xf32> to vector<1x1x128xf32>
    tpu.vector_store %arg8[%swap3A_436, %swap3A_437, %swap3A_438], %swap3A_441 {strides = array<i32>} : memref<8x1x128xf32, #tpu.memory_space<vmem>>, vector<1x1x128xf32>,
    %get3A_442 = arith.constant 288 : index
    %get3A_443 = arith.constant 0 : index
    %get3A_444 = vector.load %arg1[%get3A_442, %get3A_443] : memref<768x128xf32, #tpu.memory_space<vmem>>, vector<48x128xf32>
    %concatenate3A_445 = tpu.concatenate %get3A_444, %broadcast_in_dim3A_1 in 0 : vector<48x128xf32>, vector<16x128xf32> -> vector<64x128xf32>
    %get3A_446 = arith.constant 336 : index
    %get3A_447 = arith.constant 0 : index
    %get3A_448 = vector.load %arg1[%get3A_446, %get3A_447] : memref<768x128xf32, #tpu.memory_space<vmem>>, vector<48x128xf32>
    %concatenate3A_449 = tpu.concatenate %get3A_448, %broadcast_in_dim3A_1 in 0 : vector<48x128xf32>, vector<16x128xf32> -> vector<64x128xf32>
    %add3A_450 = arith.constant 3 : i32
    %add3A_451 = arith.addi %mul3A_0, %add3A_450 : i32
    %get3A_452 = arith.index_cast %add3A_451 : i32 to index
    %get3A_453 = memref.load %arg2[%get3A_452] : memref<256xi32, #tpu.memory_space<smem>>
    %add3A_454 = arith.constant 3 : i32
    %add3A_455 = arith.addi %mul3A_0, %add3A_454 : i32
    %get3A_456 = arith.index_cast %add3A_455 : i32 to index
    %get3A_457 = memref.load %arg3[%get3A_456] : memref<256xi32, #tpu.memory_space<smem>>
    %lt3A_458 = vector.broadcast %get3A_453 : i32 to vector<64x1xi32>
    %lt3A_459 = arith.cmpi slt, %iota3A, %lt3A_458 : vector<64x1xi32>
    %convert_element_type3A_460 = arith.extui %lt3A_459 : vector<64x1xi1> to vector<64x1xi32>
    %convert_element_type3A_461 = arith.sitofp %convert_element_type3A_460 : vector<64x1xi32> to vector<64x1xf32>
    %lt3A_462 = vector.broadcast %get3A_457 : i32 to vector<64x1xi32>
    %lt3A_463 = arith.cmpi slt, %iota3A, %lt3A_462 : vector<64x1xi32>
    %convert_element_type3A_464 = arith.extui %lt3A_463 : vector<64x1xi1> to vector<64x1xi32>
    %convert_element_type3A_465 = arith.sitofp %convert_element_type3A_464 : vector<64x1xi32> to vector<64x1xf32>
    %get3A_466 = arith.constant 0 : index
    %get3A_467 = arith.constant 0 : index
    %get3A_468 = vector.load %arg4[%get3A_466, %get3A_467] : memref<128x64xf32, #tpu.memory_space<vmem>>, vector<128x64xf32>
    %dot_general3A_469 = arith.constant dense<0.000000e+00> : vector<64x64xf32>
    %dot_general3A_470 = tpu.matmul %concatenate3A_445, %get3A_468, %dot_general3A_469 {dimension_numbers = #tpu.dot_dimension_numbers<[1], [0], [0], [1], [0, 0, 1, 1], [], []>, transpose_lhs_hint = false} : vector<64x128xf32>, vector<128x64xf32>, vector<64x64xf32> -> vector<64x64xf32>
    %get3A_471 = arith.constant 0 : index
    %get3A_472 = arith.constant 0 : index
    %get3A_473 = vector.load %arg5[%get3A_471, %get3A_472] : memref<1x64xf32, #tpu.memory_space<vmem>>, vector<1x64xf32>
    %add3A_474 = vector.broadcast %get3A_473 : vector<1x64xf32> to vector<64x64xf32>
    %add3A_475 = arith.addf %dot_general3A_470, %add3A_474 : vector<64x64xf32>
    %max3A_476 = arith.constant 0.000000e+00 : f32
    %max3A_477 = vector.broadcast %max3A_476 : f32 to vector<64x64xf32>
    %max3A_478 = arith.maximumf %add3A_475, %max3A_477 : vector<64x64xf32>
    %get3A_479 = arith.constant 0 : index
    %get3A_480 = arith.constant 0 : index
    %get3A_481 = vector.load %arg6[%get3A_479, %get3A_480] : memref<64x64xf32, #tpu.memory_space<vmem>>, vector<64x64xf32>
    %dot_general3A_482 = arith.constant dense<0.000000e+00> : vector<64x64xf32>
    %dot_general3A_483 = tpu.matmul %max3A_478, %get3A_481, %dot_general3A_482 {dimension_numbers = #tpu.dot_dimension_numbers<[1], [0], [0], [1], [0, 0, 1, 1], [], []>, transpose_lhs_hint = false} : vector<64x64xf32>, vector<64x64xf32>, vector<64x64xf32> -> vector<64x64xf32>
    %get3A_484 = arith.constant 0 : index
    %get3A_485 = arith.constant 0 : index
    %get3A_486 = vector.load %arg7[%get3A_484, %get3A_485] : memref<1x64xf32, #tpu.memory_space<vmem>>, vector<1x64xf32>
    %add3A_487 = vector.broadcast %get3A_486 : vector<1x64xf32> to vector<64x64xf32>
    %add3A_488 = arith.addf %dot_general3A_483, %add3A_487 : vector<64x64xf32>
    %mul3A_489 = vector.broadcast %convert_element_type3A_461 : vector<64x1xf32> to vector<64x64xf32>
    %mul3A_490 = arith.mulf %add3A_488, %mul3A_489 : vector<64x64xf32>
    %get3A_491 = arith.constant 0 : index
    %get3A_492 = arith.constant 0 : index
    %get3A_493 = vector.load %arg4[%get3A_491, %get3A_492] : memref<128x64xf32, #tpu.memory_space<vmem>>, vector<128x64xf32>
    %dot_general3A_494 = arith.constant dense<0.000000e+00> : vector<64x64xf32>
    %dot_general3A_495 = tpu.matmul %concatenate3A_449, %get3A_493, %dot_general3A_494 {dimension_numbers = #tpu.dot_dimension_numbers<[1], [0], [0], [1], [0, 0, 1, 1], [], []>, transpose_lhs_hint = false} : vector<64x128xf32>, vector<128x64xf32>, vector<64x64xf32> -> vector<64x64xf32>
    %get3A_496 = arith.constant 0 : index
    %get3A_497 = arith.constant 0 : index
    %get3A_498 = vector.load %arg5[%get3A_496, %get3A_497] : memref<1x64xf32, #tpu.memory_space<vmem>>, vector<1x64xf32>
    %add3A_499 = vector.broadcast %get3A_498 : vector<1x64xf32> to vector<64x64xf32>
    %add3A_500 = arith.addf %dot_general3A_495, %add3A_499 : vector<64x64xf32>
    %max3A_501 = arith.constant 0.000000e+00 : f32
    %max3A_502 = vector.broadcast %max3A_501 : f32 to vector<64x64xf32>
    %max3A_503 = arith.maximumf %add3A_500, %max3A_502 : vector<64x64xf32>
    %get3A_504 = arith.constant 0 : index
    %get3A_505 = arith.constant 0 : index
    %get3A_506 = vector.load %arg6[%get3A_504, %get3A_505] : memref<64x64xf32, #tpu.memory_space<vmem>>, vector<64x64xf32>
    %dot_general3A_507 = arith.constant dense<0.000000e+00> : vector<64x64xf32>
    %dot_general3A_508 = tpu.matmul %max3A_503, %get3A_506, %dot_general3A_507 {dimension_numbers = #tpu.dot_dimension_numbers<[1], [0], [0], [1], [0, 0, 1, 1], [], []>, transpose_lhs_hint = false} : vector<64x64xf32>, vector<64x64xf32>, vector<64x64xf32> -> vector<64x64xf32>
    %get3A_509 = arith.constant 0 : index
    %get3A_510 = arith.constant 0 : index
    %get3A_511 = vector.load %arg7[%get3A_509, %get3A_510] : memref<1x64xf32, #tpu.memory_space<vmem>>, vector<1x64xf32>
    %add3A_512 = vector.broadcast %get3A_511 : vector<1x64xf32> to vector<64x64xf32>
    %add3A_513 = arith.addf %dot_general3A_508, %add3A_512 : vector<64x64xf32>
    %mul3A_514 = vector.broadcast %convert_element_type3A_465 : vector<64x1xf32> to vector<64x64xf32>
    %mul3A_515 = arith.mulf %add3A_513, %mul3A_514 : vector<64x64xf32>
    %dot_general3A_516 = arith.constant dense<0.000000e+00> : vector<64x64xf32>
    %dot_general3A_517 = tpu.matmul %mul3A_490, %mul3A_515, %dot_general3A_516 {dimension_numbers = #tpu.dot_dimension_numbers<[1], [1], [0], [0], [0, 0, 1, 0], [], []>, transpose_lhs_hint = false} : vector<64x64xf32>, vector<64x64xf32>, vector<64x64xf32> -> vector<64x64xf32>
    %reshape3A_518 = vector.shape_cast %convert_element_type3A_465 : vector<64x1xf32> to vector<1x64xf32>
    %mul3A_519 = vector.broadcast %convert_element_type3A_461 : vector<64x1xf32> to vector<64x64xf32>
    %mul3A_520 = vector.broadcast %reshape3A_518 : vector<1x64xf32> to vector<64x64xf32>
    %mul3A_521 = arith.mulf %mul3A_519, %mul3A_520 : vector<64x64xf32>
    %gt3A_522 = arith.constant 0.000000e+00 : f32
    %gt3A_523 = vector.broadcast %gt3A_522 : f32 to vector<64x64xf32>
    %gt3A_524 = arith.cmpf ogt, %mul3A_521, %gt3A_523 : vector<64x64xf32>
    %mul3A_525 = arith.constant 1.000000e+01 : f32
    %mul3A_526 = vector.broadcast %mul3A_525 : f32 to vector<64x64xf32>
    %mul3A_527 = arith.mulf %dot_general3A_517, %mul3A_526 : vector<64x64xf32>
    %jit3A_528 = arith.constant -1.000000e+10 : f32
    %broadcast_in_dim3A_529 = vector.broadcast %jit3A_528 : f32 to vector<64x64xf32>
    %select_n3A_530 = arith.select %gt3A_524, %mul3A_527, %broadcast_in_dim3A_529 : vector<64x64xi1>, vector<64x64xf32>
    %reduce_max3A_531 = arith.constant dense<0xFF800000> : vector<64xf32>
    %reduce_max3A_532 = vector.multi_reduction <maximumf>, %select_n3A_530, %reduce_max3A_531 [1] : vector<64x64xf32> to vector<64xf32>
    %broadcast_in_dim3A_533 = vector.shape_cast %reduce_max3A_532 : vector<64xf32> to vector<64x1xf32>
    %sub3A_534 = vector.broadcast %broadcast_in_dim3A_533 : vector<64x1xf32> to vector<64x64xf32>
    %sub3A_535 = arith.subf %select_n3A_530, %sub3A_534 : vector<64x64xf32>
    %exp3A_536 = math.exp %sub3A_535 : vector<64x64xf32>
    %reduce_sum3A_537 = arith.constant dense<0.000000e+00> : vector<64xf32>
    %reduce_sum3A_538 = vector.multi_reduction <add>, %exp3A_536, %reduce_sum3A_537 [1] : vector<64x64xf32> to vector<64xf32>
    %broadcast_in_dim3A_539 = vector.shape_cast %reduce_sum3A_538 : vector<64xf32> to vector<64x1xf32>
    %div3A_540 = vector.broadcast %broadcast_in_dim3A_539 : vector<64x1xf32> to vector<64x64xf32>
    %div3A_541 = arith.divf %exp3A_536, %div3A_540 : vector<64x64xf32>
    %reduce_max3A_542 = arith.constant dense<0xFF800000> : vector<64xf32>
    %reduce_max3A_543 = vector.multi_reduction <maximumf>, %select_n3A_530, %reduce_max3A_542 [0] : vector<64x64xf32> to vector<64xf32>
    %broadcast_in_dim3A_544 = vector.shape_cast %reduce_max3A_543 : vector<64xf32> to vector<1x64xf32>
    %sub3A_545 = vector.broadcast %broadcast_in_dim3A_544 : vector<1x64xf32> to vector<64x64xf32>
    %sub3A_546 = arith.subf %select_n3A_530, %sub3A_545 : vector<64x64xf32>
    %exp3A_547 = math.exp %sub3A_546 : vector<64x64xf32>
    %reduce_sum3A_548 = arith.constant dense<0.000000e+00> : vector<64xf32>
    %reduce_sum3A_549 = vector.multi_reduction <add>, %exp3A_547, %reduce_sum3A_548 [0] : vector<64x64xf32> to vector<64xf32>
    %broadcast_in_dim3A_550 = vector.shape_cast %reduce_sum3A_549 : vector<64xf32> to vector<1x64xf32>
    %div3A_551 = vector.broadcast %broadcast_in_dim3A_550 : vector<1x64xf32> to vector<64x64xf32>
    %div3A_552 = arith.divf %exp3A_547, %div3A_551 : vector<64x64xf32>
    %dot_general3A_553 = arith.constant dense<0.000000e+00> : vector<64x128xf32>
    %dot_general3A_554 = tpu.matmul %div3A_541, %concatenate3A_449, %dot_general3A_553 {dimension_numbers = #tpu.dot_dimension_numbers<[1], [0], [0], [1], [0, 0, 1, 1], [], []>, transpose_lhs_hint = false} : vector<64x64xf32>, vector<64x128xf32>, vector<64x128xf32> -> vector<64x128xf32>
    %sub3A_555 = arith.subf %concatenate3A_445, %dot_general3A_554 : vector<64x128xf32>
    %mul3A_556 = arith.mulf %sub3A_555, %sub3A_555 : vector<64x128xf32>
    %reduce_sum3A_557 = arith.constant dense<0.000000e+00> : vector<64xf32>
    %reduce_sum3A_558 = vector.multi_reduction <add>, %mul3A_556, %reduce_sum3A_557 [1] : vector<64x128xf32> to vector<64xf32>
    %add3A_559 = arith.constant 9.99999996E-13 : f32
    %add3A_560 = vector.broadcast %add3A_559 : f32 to vector<64xf32>
    %add3A_561 = arith.addf %reduce_sum3A_558, %add3A_560 : vector<64xf32>
    %sqrt3A_562 = math.sqrt %add3A_561 : vector<64xf32>
    %reduce_sum3A_563 = vector.shape_cast %sqrt3A_562 : vector<64xf32> to vector<1x64xf32>
    %reduce_sum3A_564 = arith.constant dense<0.000000e+00> : vector<1xf32>
    %reduce_sum3A_565 = vector.multi_reduction <add>, %reduce_sum3A_563, %reduce_sum3A_564 [1] : vector<1x64xf32> to vector<1xf32>
    %reduce_sum3A_566 = vector.shape_cast %reduce_sum3A_565 : vector<1xf32> to vector<1x1xf32>
    %reduce_sum3A_567 = vector.extract %reduce_sum3A_566[0, 0] : f32 from vector<1x1xf32>
    %neg3A_568 = arith.constant 0.000000e+00 : f32
    %neg3A_569 = arith.subf %neg3A_568, %reduce_sum3A_567 : f32
    %dot_general3A_570 = arith.constant dense<0.000000e+00> : vector<64x128xf32>
    %dot_general3A_571 = tpu.matmul %div3A_552, %concatenate3A_445, %dot_general3A_570 {dimension_numbers = #tpu.dot_dimension_numbers<[0], [0], [1], [1], [0, 1, 1, 1], [], []>, transpose_lhs_hint = false} : vector<64x64xf32>, vector<64x128xf32>, vector<64x128xf32> -> vector<64x128xf32>
    %sub3A_572 = arith.subf %concatenate3A_449, %dot_general3A_571 : vector<64x128xf32>
    %mul3A_573 = arith.mulf %sub3A_572, %sub3A_572 : vector<64x128xf32>
    %reduce_sum3A_574 = arith.constant dense<0.000000e+00> : vector<64xf32>
    %reduce_sum3A_575 = vector.multi_reduction <add>, %mul3A_573, %reduce_sum3A_574 [1] : vector<64x128xf32> to vector<64xf32>
    %add3A_576 = arith.constant 9.99999996E-13 : f32
    %add3A_577 = vector.broadcast %add3A_576 : f32 to vector<64xf32>
    %add3A_578 = arith.addf %reduce_sum3A_575, %add3A_577 : vector<64xf32>
    %sqrt3A_579 = math.sqrt %add3A_578 : vector<64xf32>
    %reduce_sum3A_580 = vector.shape_cast %sqrt3A_579 : vector<64xf32> to vector<1x64xf32>
    %reduce_sum3A_581 = arith.constant dense<0.000000e+00> : vector<1xf32>
    %reduce_sum3A_582 = vector.multi_reduction <add>, %reduce_sum3A_580, %reduce_sum3A_581 [1] : vector<1x64xf32> to vector<1xf32>
    %reduce_sum3A_583 = vector.shape_cast %reduce_sum3A_582 : vector<1xf32> to vector<1x1xf32>
    %reduce_sum3A_584 = vector.extract %reduce_sum3A_583[0, 0] : f32 from vector<1x1xf32>
    %neg3A_585 = arith.constant 0.000000e+00 : f32
    %neg3A_586 = arith.subf %neg3A_585, %reduce_sum3A_584 : f32
    %max3A_587 = arith.maximumf %neg3A_569, %neg3A_586 : f32
    %broadcast_in_dim3A_588 = vector.broadcast %max3A_587 : f32 to vector<128xf32>
    %swap3A_589 = arith.constant 3 : index
    %swap3A_590 = arith.constant 0 : index
    %swap3A_591 = arith.constant 0 : index
    %swap3A_592 = vector.load %arg8[%swap3A_589, %swap3A_590, %swap3A_591] : memref<8x1x128xf32, #tpu.memory_space<vmem>>, vector<1x1x128xf32>
    %swap3A_593 = vector.shape_cast %swap3A_592 : vector<1x1x128xf32> to vector<128xf32>
    %swap3A_594 = vector.shape_cast %broadcast_in_dim3A_588 : vector<128xf32> to vector<1x1x128xf32>
    tpu.vector_store %arg8[%swap3A_589, %swap3A_590, %swap3A_591], %swap3A_594 {strides = array<i32>} : memref<8x1x128xf32, #tpu.memory_space<vmem>>, vector<1x1x128xf32>,
    %get3A_595 = arith.constant 384 : index
    %get3A_596 = arith.constant 0 : index
    %get3A_597 = vector.load %arg1[%get3A_595, %get3A_596] : memref<768x128xf32, #tpu.memory_space<vmem>>, vector<48x128xf32>
    %concatenate3A_598 = tpu.concatenate %get3A_597, %broadcast_in_dim3A_1 in 0 : vector<48x128xf32>, vector<16x128xf32> -> vector<64x128xf32>
    %get3A_599 = arith.constant 432 : index
    %get3A_600 = arith.constant 0 : index
    %get3A_601 = vector.load %arg1[%get3A_599, %get3A_600] : memref<768x128xf32, #tpu.memory_space<vmem>>, vector<48x128xf32>
    %concatenate3A_602 = tpu.concatenate %get3A_601, %broadcast_in_dim3A_1 in 0 : vector<48x128xf32>, vector<16x128xf32> -> vector<64x128xf32>
    %add3A_603 = arith.constant 4 : i32
    %add3A_604 = arith.addi %mul3A_0, %add3A_603 : i32
    %get3A_605 = arith.index_cast %add3A_604 : i32 to index
    %get3A_606 = memref.load %arg2[%get3A_605] : memref<256xi32, #tpu.memory_space<smem>>
    %add3A_607 = arith.constant 4 : i32
    %add3A_608 = arith.addi %mul3A_0, %add3A_607 : i32
    %get3A_609 = arith.index_cast %add3A_608 : i32 to index
    %get3A_610 = memref.load %arg3[%get3A_609] : memref<256xi32, #tpu.memory_space<smem>>
    %lt3A_611 = vector.broadcast %get3A_606 : i32 to vector<64x1xi32>
    %lt3A_612 = arith.cmpi slt, %iota3A, %lt3A_611 : vector<64x1xi32>
    %convert_element_type3A_613 = arith.extui %lt3A_612 : vector<64x1xi1> to vector<64x1xi32>
    %convert_element_type3A_614 = arith.sitofp %convert_element_type3A_613 : vector<64x1xi32> to vector<64x1xf32>
    %lt3A_615 = vector.broadcast %get3A_610 : i32 to vector<64x1xi32>
    %lt3A_616 = arith.cmpi slt, %iota3A, %lt3A_615 : vector<64x1xi32>
    %convert_element_type3A_617 = arith.extui %lt3A_616 : vector<64x1xi1> to vector<64x1xi32>
    %convert_element_type3A_618 = arith.sitofp %convert_element_type3A_617 : vector<64x1xi32> to vector<64x1xf32>
    %get3A_619 = arith.constant 0 : index
    %get3A_620 = arith.constant 0 : index
    %get3A_621 = vector.load %arg4[%get3A_619, %get3A_620] : memref<128x64xf32, #tpu.memory_space<vmem>>, vector<128x64xf32>
    %dot_general3A_622 = arith.constant dense<0.000000e+00> : vector<64x64xf32>
    %dot_general3A_623 = tpu.matmul %concatenate3A_598, %get3A_621, %dot_general3A_622 {dimension_numbers = #tpu.dot_dimension_numbers<[1], [0], [0], [1], [0, 0, 1, 1], [], []>, transpose_lhs_hint = false} : vector<64x128xf32>, vector<128x64xf32>, vector<64x64xf32> -> vector<64x64xf32>
    %get3A_624 = arith.constant 0 : index
    %get3A_625 = arith.constant 0 : index
    %get3A_626 = vector.load %arg5[%get3A_624, %get3A_625] : memref<1x64xf32, #tpu.memory_space<vmem>>, vector<1x64xf32>
    %add3A_627 = vector.broadcast %get3A_626 : vector<1x64xf32> to vector<64x64xf32>
    %add3A_628 = arith.addf %dot_general3A_623, %add3A_627 : vector<64x64xf32>
    %max3A_629 = arith.constant 0.000000e+00 : f32
    %max3A_630 = vector.broadcast %max3A_629 : f32 to vector<64x64xf32>
    %max3A_631 = arith.maximumf %add3A_628, %max3A_630 : vector<64x64xf32>
    %get3A_632 = arith.constant 0 : index
    %get3A_633 = arith.constant 0 : index
    %get3A_634 = vector.load %arg6[%get3A_632, %get3A_633] : memref<64x64xf32, #tpu.memory_space<vmem>>, vector<64x64xf32>
    %dot_general3A_635 = arith.constant dense<0.000000e+00> : vector<64x64xf32>
    %dot_general3A_636 = tpu.matmul %max3A_631, %get3A_634, %dot_general3A_635 {dimension_numbers = #tpu.dot_dimension_numbers<[1], [0], [0], [1], [0, 0, 1, 1], [], []>, transpose_lhs_hint = false} : vector<64x64xf32>, vector<64x64xf32>, vector<64x64xf32> -> vector<64x64xf32>
    %get3A_637 = arith.constant 0 : index
    %get3A_638 = arith.constant 0 : index
    %get3A_639 = vector.load %arg7[%get3A_637, %get3A_638] : memref<1x64xf32, #tpu.memory_space<vmem>>, vector<1x64xf32>
    %add3A_640 = vector.broadcast %get3A_639 : vector<1x64xf32> to vector<64x64xf32>
    %add3A_641 = arith.addf %dot_general3A_636, %add3A_640 : vector<64x64xf32>
    %mul3A_642 = vector.broadcast %convert_element_type3A_614 : vector<64x1xf32> to vector<64x64xf32>
    %mul3A_643 = arith.mulf %add3A_641, %mul3A_642 : vector<64x64xf32>
    %get3A_644 = arith.constant 0 : index
    %get3A_645 = arith.constant 0 : index
    %get3A_646 = vector.load %arg4[%get3A_644, %get3A_645] : memref<128x64xf32, #tpu.memory_space<vmem>>, vector<128x64xf32>
    %dot_general3A_647 = arith.constant dense<0.000000e+00> : vector<64x64xf32>
    %dot_general3A_648 = tpu.matmul %concatenate3A_602, %get3A_646, %dot_general3A_647 {dimension_numbers = #tpu.dot_dimension_numbers<[1], [0], [0], [1], [0, 0, 1, 1], [], []>, transpose_lhs_hint = false} : vector<64x128xf32>, vector<128x64xf32>, vector<64x64xf32> -> vector<64x64xf32>
    %get3A_649 = arith.constant 0 : index
    %get3A_650 = arith.constant 0 : index
    %get3A_651 = vector.load %arg5[%get3A_649, %get3A_650] : memref<1x64xf32, #tpu.memory_space<vmem>>, vector<1x64xf32>
    %add3A_652 = vector.broadcast %get3A_651 : vector<1x64xf32> to vector<64x64xf32>
    %add3A_653 = arith.addf %dot_general3A_648, %add3A_652 : vector<64x64xf32>
    %max3A_654 = arith.constant 0.000000e+00 : f32
    %max3A_655 = vector.broadcast %max3A_654 : f32 to vector<64x64xf32>
    %max3A_656 = arith.maximumf %add3A_653, %max3A_655 : vector<64x64xf32>
    %get3A_657 = arith.constant 0 : index
    %get3A_658 = arith.constant 0 : index
    %get3A_659 = vector.load %arg6[%get3A_657, %get3A_658] : memref<64x64xf32, #tpu.memory_space<vmem>>, vector<64x64xf32>
    %dot_general3A_660 = arith.constant dense<0.000000e+00> : vector<64x64xf32>
    %dot_general3A_661 = tpu.matmul %max3A_656, %get3A_659, %dot_general3A_660 {dimension_numbers = #tpu.dot_dimension_numbers<[1], [0], [0], [1], [0, 0, 1, 1], [], []>, transpose_lhs_hint = false} : vector<64x64xf32>, vector<64x64xf32>, vector<64x64xf32> -> vector<64x64xf32>
    %get3A_662 = arith.constant 0 : index
    %get3A_663 = arith.constant 0 : index
    %get3A_664 = vector.load %arg7[%get3A_662, %get3A_663] : memref<1x64xf32, #tpu.memory_space<vmem>>, vector<1x64xf32>
    %add3A_665 = vector.broadcast %get3A_664 : vector<1x64xf32> to vector<64x64xf32>
    %add3A_666 = arith.addf %dot_general3A_661, %add3A_665 : vector<64x64xf32>
    %mul3A_667 = vector.broadcast %convert_element_type3A_618 : vector<64x1xf32> to vector<64x64xf32>
    %mul3A_668 = arith.mulf %add3A_666, %mul3A_667 : vector<64x64xf32>
    %dot_general3A_669 = arith.constant dense<0.000000e+00> : vector<64x64xf32>
    %dot_general3A_670 = tpu.matmul %mul3A_643, %mul3A_668, %dot_general3A_669 {dimension_numbers = #tpu.dot_dimension_numbers<[1], [1], [0], [0], [0, 0, 1, 0], [], []>, transpose_lhs_hint = false} : vector<64x64xf32>, vector<64x64xf32>, vector<64x64xf32> -> vector<64x64xf32>
    %reshape3A_671 = vector.shape_cast %convert_element_type3A_618 : vector<64x1xf32> to vector<1x64xf32>
    %mul3A_672 = vector.broadcast %convert_element_type3A_614 : vector<64x1xf32> to vector<64x64xf32>
    %mul3A_673 = vector.broadcast %reshape3A_671 : vector<1x64xf32> to vector<64x64xf32>
    %mul3A_674 = arith.mulf %mul3A_672, %mul3A_673 : vector<64x64xf32>
    %gt3A_675 = arith.constant 0.000000e+00 : f32
    %gt3A_676 = vector.broadcast %gt3A_675 : f32 to vector<64x64xf32>
    %gt3A_677 = arith.cmpf ogt, %mul3A_674, %gt3A_676 : vector<64x64xf32>
    %mul3A_678 = arith.constant 1.000000e+01 : f32
    %mul3A_679 = vector.broadcast %mul3A_678 : f32 to vector<64x64xf32>
    %mul3A_680 = arith.mulf %dot_general3A_670, %mul3A_679 : vector<64x64xf32>
    %jit3A_681 = arith.constant -1.000000e+10 : f32
    %broadcast_in_dim3A_682 = vector.broadcast %jit3A_681 : f32 to vector<64x64xf32>
    %select_n3A_683 = arith.select %gt3A_677, %mul3A_680, %broadcast_in_dim3A_682 : vector<64x64xi1>, vector<64x64xf32>
    %reduce_max3A_684 = arith.constant dense<0xFF800000> : vector<64xf32>
    %reduce_max3A_685 = vector.multi_reduction <maximumf>, %select_n3A_683, %reduce_max3A_684 [1] : vector<64x64xf32> to vector<64xf32>
    %broadcast_in_dim3A_686 = vector.shape_cast %reduce_max3A_685 : vector<64xf32> to vector<64x1xf32>
    %sub3A_687 = vector.broadcast %broadcast_in_dim3A_686 : vector<64x1xf32> to vector<64x64xf32>
    %sub3A_688 = arith.subf %select_n3A_683, %sub3A_687 : vector<64x64xf32>
    %exp3A_689 = math.exp %sub3A_688 : vector<64x64xf32>
    %reduce_sum3A_690 = arith.constant dense<0.000000e+00> : vector<64xf32>
    %reduce_sum3A_691 = vector.multi_reduction <add>, %exp3A_689, %reduce_sum3A_690 [1] : vector<64x64xf32> to vector<64xf32>
    %broadcast_in_dim3A_692 = vector.shape_cast %reduce_sum3A_691 : vector<64xf32> to vector<64x1xf32>
    %div3A_693 = vector.broadcast %broadcast_in_dim3A_692 : vector<64x1xf32> to vector<64x64xf32>
    %div3A_694 = arith.divf %exp3A_689, %div3A_693 : vector<64x64xf32>
    %reduce_max3A_695 = arith.constant dense<0xFF800000> : vector<64xf32>
    %reduce_max3A_696 = vector.multi_reduction <maximumf>, %select_n3A_683, %reduce_max3A_695 [0] : vector<64x64xf32> to vector<64xf32>
    %broadcast_in_dim3A_697 = vector.shape_cast %reduce_max3A_696 : vector<64xf32> to vector<1x64xf32>
    %sub3A_698 = vector.broadcast %broadcast_in_dim3A_697 : vector<1x64xf32> to vector<64x64xf32>
    %sub3A_699 = arith.subf %select_n3A_683, %sub3A_698 : vector<64x64xf32>
    %exp3A_700 = math.exp %sub3A_699 : vector<64x64xf32>
    %reduce_sum3A_701 = arith.constant dense<0.000000e+00> : vector<64xf32>
    %reduce_sum3A_702 = vector.multi_reduction <add>, %exp3A_700, %reduce_sum3A_701 [0] : vector<64x64xf32> to vector<64xf32>
    %broadcast_in_dim3A_703 = vector.shape_cast %reduce_sum3A_702 : vector<64xf32> to vector<1x64xf32>
    %div3A_704 = vector.broadcast %broadcast_in_dim3A_703 : vector<1x64xf32> to vector<64x64xf32>
    %div3A_705 = arith.divf %exp3A_700, %div3A_704 : vector<64x64xf32>
    %dot_general3A_706 = arith.constant dense<0.000000e+00> : vector<64x128xf32>
    %dot_general3A_707 = tpu.matmul %div3A_694, %concatenate3A_602, %dot_general3A_706 {dimension_numbers = #tpu.dot_dimension_numbers<[1], [0], [0], [1], [0, 0, 1, 1], [], []>, transpose_lhs_hint = false} : vector<64x64xf32>, vector<64x128xf32>, vector<64x128xf32> -> vector<64x128xf32>
    %sub3A_708 = arith.subf %concatenate3A_598, %dot_general3A_707 : vector<64x128xf32>
    %mul3A_709 = arith.mulf %sub3A_708, %sub3A_708 : vector<64x128xf32>
    %reduce_sum3A_710 = arith.constant dense<0.000000e+00> : vector<64xf32>
    %reduce_sum3A_711 = vector.multi_reduction <add>, %mul3A_709, %reduce_sum3A_710 [1] : vector<64x128xf32> to vector<64xf32>
    %add3A_712 = arith.constant 9.99999996E-13 : f32
    %add3A_713 = vector.broadcast %add3A_712 : f32 to vector<64xf32>
    %add3A_714 = arith.addf %reduce_sum3A_711, %add3A_713 : vector<64xf32>
    %sqrt3A_715 = math.sqrt %add3A_714 : vector<64xf32>
    %reduce_sum3A_716 = vector.shape_cast %sqrt3A_715 : vector<64xf32> to vector<1x64xf32>
    %reduce_sum3A_717 = arith.constant dense<0.000000e+00> : vector<1xf32>
    %reduce_sum3A_718 = vector.multi_reduction <add>, %reduce_sum3A_716, %reduce_sum3A_717 [1] : vector<1x64xf32> to vector<1xf32>
    %reduce_sum3A_719 = vector.shape_cast %reduce_sum3A_718 : vector<1xf32> to vector<1x1xf32>
    %reduce_sum3A_720 = vector.extract %reduce_sum3A_719[0, 0] : f32 from vector<1x1xf32>
    %neg3A_721 = arith.constant 0.000000e+00 : f32
    %neg3A_722 = arith.subf %neg3A_721, %reduce_sum3A_720 : f32
    %dot_general3A_723 = arith.constant dense<0.000000e+00> : vector<64x128xf32>
    %dot_general3A_724 = tpu.matmul %div3A_705, %concatenate3A_598, %dot_general3A_723 {dimension_numbers = #tpu.dot_dimension_numbers<[0], [0], [1], [1], [0, 1, 1, 1], [], []>, transpose_lhs_hint = false} : vector<64x64xf32>, vector<64x128xf32>, vector<64x128xf32> -> vector<64x128xf32>
    %sub3A_725 = arith.subf %concatenate3A_602, %dot_general3A_724 : vector<64x128xf32>
    %mul3A_726 = arith.mulf %sub3A_725, %sub3A_725 : vector<64x128xf32>
    %reduce_sum3A_727 = arith.constant dense<0.000000e+00> : vector<64xf32>
    %reduce_sum3A_728 = vector.multi_reduction <add>, %mul3A_726, %reduce_sum3A_727 [1] : vector<64x128xf32> to vector<64xf32>
    %add3A_729 = arith.constant 9.99999996E-13 : f32
    %add3A_730 = vector.broadcast %add3A_729 : f32 to vector<64xf32>
    %add3A_731 = arith.addf %reduce_sum3A_728, %add3A_730 : vector<64xf32>
    %sqrt3A_732 = math.sqrt %add3A_731 : vector<64xf32>
    %reduce_sum3A_733 = vector.shape_cast %sqrt3A_732 : vector<64xf32> to vector<1x64xf32>
    %reduce_sum3A_734 = arith.constant dense<0.000000e+00> : vector<1xf32>
    %reduce_sum3A_735 = vector.multi_reduction <add>, %reduce_sum3A_733, %reduce_sum3A_734 [1] : vector<1x64xf32> to vector<1xf32>
    %reduce_sum3A_736 = vector.shape_cast %reduce_sum3A_735 : vector<1xf32> to vector<1x1xf32>
    %reduce_sum3A_737 = vector.extract %reduce_sum3A_736[0, 0] : f32 from vector<1x1xf32>
    %neg3A_738 = arith.constant 0.000000e+00 : f32
    %neg3A_739 = arith.subf %neg3A_738, %reduce_sum3A_737 : f32
    %max3A_740 = arith.maximumf %neg3A_722, %neg3A_739 : f32
    %broadcast_in_dim3A_741 = vector.broadcast %max3A_740 : f32 to vector<128xf32>
    %swap3A_742 = arith.constant 4 : index
    %swap3A_743 = arith.constant 0 : index
    %swap3A_744 = arith.constant 0 : index
    %swap3A_745 = vector.load %arg8[%swap3A_742, %swap3A_743, %swap3A_744] : memref<8x1x128xf32, #tpu.memory_space<vmem>>, vector<1x1x128xf32>
    %swap3A_746 = vector.shape_cast %swap3A_745 : vector<1x1x128xf32> to vector<128xf32>
    %swap3A_747 = vector.shape_cast %broadcast_in_dim3A_741 : vector<128xf32> to vector<1x1x128xf32>
    tpu.vector_store %arg8[%swap3A_742, %swap3A_743, %swap3A_744], %swap3A_747 {strides = array<i32>} : memref<8x1x128xf32, #tpu.memory_space<vmem>>, vector<1x1x128xf32>,
    %get3A_748 = arith.constant 480 : index
    %get3A_749 = arith.constant 0 : index
    %get3A_750 = vector.load %arg1[%get3A_748, %get3A_749] : memref<768x128xf32, #tpu.memory_space<vmem>>, vector<48x128xf32>
    %concatenate3A_751 = tpu.concatenate %get3A_750, %broadcast_in_dim3A_1 in 0 : vector<48x128xf32>, vector<16x128xf32> -> vector<64x128xf32>
    %get3A_752 = arith.constant 528 : index
    %get3A_753 = arith.constant 0 : index
    %get3A_754 = vector.load %arg1[%get3A_752, %get3A_753] : memref<768x128xf32, #tpu.memory_space<vmem>>, vector<48x128xf32>
    %concatenate3A_755 = tpu.concatenate %get3A_754, %broadcast_in_dim3A_1 in 0 : vector<48x128xf32>, vector<16x128xf32> -> vector<64x128xf32>
    %add3A_756 = arith.constant 5 : i32
    %add3A_757 = arith.addi %mul3A_0, %add3A_756 : i32
    %get3A_758 = arith.index_cast %add3A_757 : i32 to index
    %get3A_759 = memref.load %arg2[%get3A_758] : memref<256xi32, #tpu.memory_space<smem>>
    %add3A_760 = arith.constant 5 : i32
    %add3A_761 = arith.addi %mul3A_0, %add3A_760 : i32
    %get3A_762 = arith.index_cast %add3A_761 : i32 to index
    %get3A_763 = memref.load %arg3[%get3A_762] : memref<256xi32, #tpu.memory_space<smem>>
    %lt3A_764 = vector.broadcast %get3A_759 : i32 to vector<64x1xi32>
    %lt3A_765 = arith.cmpi slt, %iota3A, %lt3A_764 : vector<64x1xi32>
    %convert_element_type3A_766 = arith.extui %lt3A_765 : vector<64x1xi1> to vector<64x1xi32>
    %convert_element_type3A_767 = arith.sitofp %convert_element_type3A_766 : vector<64x1xi32> to vector<64x1xf32>
    %lt3A_768 = vector.broadcast %get3A_763 : i32 to vector<64x1xi32>
    %lt3A_769 = arith.cmpi slt, %iota3A, %lt3A_768 : vector<64x1xi32>
    %convert_element_type3A_770 = arith.extui %lt3A_769 : vector<64x1xi1> to vector<64x1xi32>
    %convert_element_type3A_771 = arith.sitofp %convert_element_type3A_770 : vector<64x1xi32> to vector<64x1xf32>
    %get3A_772 = arith.constant 0 : index
    %get3A_773 = arith.constant 0 : index
    %get3A_774 = vector.load %arg4[%get3A_772, %get3A_773] : memref<128x64xf32, #tpu.memory_space<vmem>>, vector<128x64xf32>
    %dot_general3A_775 = arith.constant dense<0.000000e+00> : vector<64x64xf32>
    %dot_general3A_776 = tpu.matmul %concatenate3A_751, %get3A_774, %dot_general3A_775 {dimension_numbers = #tpu.dot_dimension_numbers<[1], [0], [0], [1], [0, 0, 1, 1], [], []>, transpose_lhs_hint = false} : vector<64x128xf32>, vector<128x64xf32>, vector<64x64xf32> -> vector<64x64xf32>
    %get3A_777 = arith.constant 0 : index
    %get3A_778 = arith.constant 0 : index
    %get3A_779 = vector.load %arg5[%get3A_777, %get3A_778] : memref<1x64xf32, #tpu.memory_space<vmem>>, vector<1x64xf32>
    %add3A_780 = vector.broadcast %get3A_779 : vector<1x64xf32> to vector<64x64xf32>
    %add3A_781 = arith.addf %dot_general3A_776, %add3A_780 : vector<64x64xf32>
    %max3A_782 = arith.constant 0.000000e+00 : f32
    %max3A_783 = vector.broadcast %max3A_782 : f32 to vector<64x64xf32>
    %max3A_784 = arith.maximumf %add3A_781, %max3A_783 : vector<64x64xf32>
    %get3A_785 = arith.constant 0 : index
    %get3A_786 = arith.constant 0 : index
    %get3A_787 = vector.load %arg6[%get3A_785, %get3A_786] : memref<64x64xf32, #tpu.memory_space<vmem>>, vector<64x64xf32>
    %dot_general3A_788 = arith.constant dense<0.000000e+00> : vector<64x64xf32>
    %dot_general3A_789 = tpu.matmul %max3A_784, %get3A_787, %dot_general3A_788 {dimension_numbers = #tpu.dot_dimension_numbers<[1], [0], [0], [1], [0, 0, 1, 1], [], []>, transpose_lhs_hint = false} : vector<64x64xf32>, vector<64x64xf32>, vector<64x64xf32> -> vector<64x64xf32>
    %get3A_790 = arith.constant 0 : index
    %get3A_791 = arith.constant 0 : index
    %get3A_792 = vector.load %arg7[%get3A_790, %get3A_791] : memref<1x64xf32, #tpu.memory_space<vmem>>, vector<1x64xf32>
    %add3A_793 = vector.broadcast %get3A_792 : vector<1x64xf32> to vector<64x64xf32>
    %add3A_794 = arith.addf %dot_general3A_789, %add3A_793 : vector<64x64xf32>
    %mul3A_795 = vector.broadcast %convert_element_type3A_767 : vector<64x1xf32> to vector<64x64xf32>
    %mul3A_796 = arith.mulf %add3A_794, %mul3A_795 : vector<64x64xf32>
    %get3A_797 = arith.constant 0 : index
    %get3A_798 = arith.constant 0 : index
    %get3A_799 = vector.load %arg4[%get3A_797, %get3A_798] : memref<128x64xf32, #tpu.memory_space<vmem>>, vector<128x64xf32>
    %dot_general3A_800 = arith.constant dense<0.000000e+00> : vector<64x64xf32>
    %dot_general3A_801 = tpu.matmul %concatenate3A_755, %get3A_799, %dot_general3A_800 {dimension_numbers = #tpu.dot_dimension_numbers<[1], [0], [0], [1], [0, 0, 1, 1], [], []>, transpose_lhs_hint = false} : vector<64x128xf32>, vector<128x64xf32>, vector<64x64xf32> -> vector<64x64xf32>
    %get3A_802 = arith.constant 0 : index
    %get3A_803 = arith.constant 0 : index
    %get3A_804 = vector.load %arg5[%get3A_802, %get3A_803] : memref<1x64xf32, #tpu.memory_space<vmem>>, vector<1x64xf32>
    %add3A_805 = vector.broadcast %get3A_804 : vector<1x64xf32> to vector<64x64xf32>
    %add3A_806 = arith.addf %dot_general3A_801, %add3A_805 : vector<64x64xf32>
    %max3A_807 = arith.constant 0.000000e+00 : f32
    %max3A_808 = vector.broadcast %max3A_807 : f32 to vector<64x64xf32>
    %max3A_809 = arith.maximumf %add3A_806, %max3A_808 : vector<64x64xf32>
    %get3A_810 = arith.constant 0 : index
    %get3A_811 = arith.constant 0 : index
    %get3A_812 = vector.load %arg6[%get3A_810, %get3A_811] : memref<64x64xf32, #tpu.memory_space<vmem>>, vector<64x64xf32>
    %dot_general3A_813 = arith.constant dense<0.000000e+00> : vector<64x64xf32>
    %dot_general3A_814 = tpu.matmul %max3A_809, %get3A_812, %dot_general3A_813 {dimension_numbers = #tpu.dot_dimension_numbers<[1], [0], [0], [1], [0, 0, 1, 1], [], []>, transpose_lhs_hint = false} : vector<64x64xf32>, vector<64x64xf32>, vector<64x64xf32> -> vector<64x64xf32>
    %get3A_815 = arith.constant 0 : index
    %get3A_816 = arith.constant 0 : index
    %get3A_817 = vector.load %arg7[%get3A_815, %get3A_816] : memref<1x64xf32, #tpu.memory_space<vmem>>, vector<1x64xf32>
    %add3A_818 = vector.broadcast %get3A_817 : vector<1x64xf32> to vector<64x64xf32>
    %add3A_819 = arith.addf %dot_general3A_814, %add3A_818 : vector<64x64xf32>
    %mul3A_820 = vector.broadcast %convert_element_type3A_771 : vector<64x1xf32> to vector<64x64xf32>
    %mul3A_821 = arith.mulf %add3A_819, %mul3A_820 : vector<64x64xf32>
    %dot_general3A_822 = arith.constant dense<0.000000e+00> : vector<64x64xf32>
    %dot_general3A_823 = tpu.matmul %mul3A_796, %mul3A_821, %dot_general3A_822 {dimension_numbers = #tpu.dot_dimension_numbers<[1], [1], [0], [0], [0, 0, 1, 0], [], []>, transpose_lhs_hint = false} : vector<64x64xf32>, vector<64x64xf32>, vector<64x64xf32> -> vector<64x64xf32>
    %reshape3A_824 = vector.shape_cast %convert_element_type3A_771 : vector<64x1xf32> to vector<1x64xf32>
    %mul3A_825 = vector.broadcast %convert_element_type3A_767 : vector<64x1xf32> to vector<64x64xf32>
    %mul3A_826 = vector.broadcast %reshape3A_824 : vector<1x64xf32> to vector<64x64xf32>
    %mul3A_827 = arith.mulf %mul3A_825, %mul3A_826 : vector<64x64xf32>
    %gt3A_828 = arith.constant 0.000000e+00 : f32
    %gt3A_829 = vector.broadcast %gt3A_828 : f32 to vector<64x64xf32>
    %gt3A_830 = arith.cmpf ogt, %mul3A_827, %gt3A_829 : vector<64x64xf32>
    %mul3A_831 = arith.constant 1.000000e+01 : f32
    %mul3A_832 = vector.broadcast %mul3A_831 : f32 to vector<64x64xf32>
    %mul3A_833 = arith.mulf %dot_general3A_823, %mul3A_832 : vector<64x64xf32>
    %jit3A_834 = arith.constant -1.000000e+10 : f32
    %broadcast_in_dim3A_835 = vector.broadcast %jit3A_834 : f32 to vector<64x64xf32>
    %select_n3A_836 = arith.select %gt3A_830, %mul3A_833, %broadcast_in_dim3A_835 : vector<64x64xi1>, vector<64x64xf32>
    %reduce_max3A_837 = arith.constant dense<0xFF800000> : vector<64xf32>
    %reduce_max3A_838 = vector.multi_reduction <maximumf>, %select_n3A_836, %reduce_max3A_837 [1] : vector<64x64xf32> to vector<64xf32>
    %broadcast_in_dim3A_839 = vector.shape_cast %reduce_max3A_838 : vector<64xf32> to vector<64x1xf32>
    %sub3A_840 = vector.broadcast %broadcast_in_dim3A_839 : vector<64x1xf32> to vector<64x64xf32>
    %sub3A_841 = arith.subf %select_n3A_836, %sub3A_840 : vector<64x64xf32>
    %exp3A_842 = math.exp %sub3A_841 : vector<64x64xf32>
    %reduce_sum3A_843 = arith.constant dense<0.000000e+00> : vector<64xf32>
    %reduce_sum3A_844 = vector.multi_reduction <add>, %exp3A_842, %reduce_sum3A_843 [1] : vector<64x64xf32> to vector<64xf32>
    %broadcast_in_dim3A_845 = vector.shape_cast %reduce_sum3A_844 : vector<64xf32> to vector<64x1xf32>
    %div3A_846 = vector.broadcast %broadcast_in_dim3A_845 : vector<64x1xf32> to vector<64x64xf32>
    %div3A_847 = arith.divf %exp3A_842, %div3A_846 : vector<64x64xf32>
    %reduce_max3A_848 = arith.constant dense<0xFF800000> : vector<64xf32>
    %reduce_max3A_849 = vector.multi_reduction <maximumf>, %select_n3A_836, %reduce_max3A_848 [0] : vector<64x64xf32> to vector<64xf32>
    %broadcast_in_dim3A_850 = vector.shape_cast %reduce_max3A_849 : vector<64xf32> to vector<1x64xf32>
    %sub3A_851 = vector.broadcast %broadcast_in_dim3A_850 : vector<1x64xf32> to vector<64x64xf32>
    %sub3A_852 = arith.subf %select_n3A_836, %sub3A_851 : vector<64x64xf32>
    %exp3A_853 = math.exp %sub3A_852 : vector<64x64xf32>
    %reduce_sum3A_854 = arith.constant dense<0.000000e+00> : vector<64xf32>
    %reduce_sum3A_855 = vector.multi_reduction <add>, %exp3A_853, %reduce_sum3A_854 [0] : vector<64x64xf32> to vector<64xf32>
    %broadcast_in_dim3A_856 = vector.shape_cast %reduce_sum3A_855 : vector<64xf32> to vector<1x64xf32>
    %div3A_857 = vector.broadcast %broadcast_in_dim3A_856 : vector<1x64xf32> to vector<64x64xf32>
    %div3A_858 = arith.divf %exp3A_853, %div3A_857 : vector<64x64xf32>
    %dot_general3A_859 = arith.constant dense<0.000000e+00> : vector<64x128xf32>
    %dot_general3A_860 = tpu.matmul %div3A_847, %concatenate3A_755, %dot_general3A_859 {dimension_numbers = #tpu.dot_dimension_numbers<[1], [0], [0], [1], [0, 0, 1, 1], [], []>, transpose_lhs_hint = false} : vector<64x64xf32>, vector<64x128xf32>, vector<64x128xf32> -> vector<64x128xf32>
    %sub3A_861 = arith.subf %concatenate3A_751, %dot_general3A_860 : vector<64x128xf32>
    %mul3A_862 = arith.mulf %sub3A_861, %sub3A_861 : vector<64x128xf32>
    %reduce_sum3A_863 = arith.constant dense<0.000000e+00> : vector<64xf32>
    %reduce_sum3A_864 = vector.multi_reduction <add>, %mul3A_862, %reduce_sum3A_863 [1] : vector<64x128xf32> to vector<64xf32>
    %add3A_865 = arith.constant 9.99999996E-13 : f32
    %add3A_866 = vector.broadcast %add3A_865 : f32 to vector<64xf32>
    %add3A_867 = arith.addf %reduce_sum3A_864, %add3A_866 : vector<64xf32>
    %sqrt3A_868 = math.sqrt %add3A_867 : vector<64xf32>
    %reduce_sum3A_869 = vector.shape_cast %sqrt3A_868 : vector<64xf32> to vector<1x64xf32>
    %reduce_sum3A_870 = arith.constant dense<0.000000e+00> : vector<1xf32>
    %reduce_sum3A_871 = vector.multi_reduction <add>, %reduce_sum3A_869, %reduce_sum3A_870 [1] : vector<1x64xf32> to vector<1xf32>
    %reduce_sum3A_872 = vector.shape_cast %reduce_sum3A_871 : vector<1xf32> to vector<1x1xf32>
    %reduce_sum3A_873 = vector.extract %reduce_sum3A_872[0, 0] : f32 from vector<1x1xf32>
    %neg3A_874 = arith.constant 0.000000e+00 : f32
    %neg3A_875 = arith.subf %neg3A_874, %reduce_sum3A_873 : f32
    %dot_general3A_876 = arith.constant dense<0.000000e+00> : vector<64x128xf32>
    %dot_general3A_877 = tpu.matmul %div3A_858, %concatenate3A_751, %dot_general3A_876 {dimension_numbers = #tpu.dot_dimension_numbers<[0], [0], [1], [1], [0, 1, 1, 1], [], []>, transpose_lhs_hint = false} : vector<64x64xf32>, vector<64x128xf32>, vector<64x128xf32> -> vector<64x128xf32>
    %sub3A_878 = arith.subf %concatenate3A_755, %dot_general3A_877 : vector<64x128xf32>
    %mul3A_879 = arith.mulf %sub3A_878, %sub3A_878 : vector<64x128xf32>
    %reduce_sum3A_880 = arith.constant dense<0.000000e+00> : vector<64xf32>
    %reduce_sum3A_881 = vector.multi_reduction <add>, %mul3A_879, %reduce_sum3A_880 [1] : vector<64x128xf32> to vector<64xf32>
    %add3A_882 = arith.constant 9.99999996E-13 : f32
    %add3A_883 = vector.broadcast %add3A_882 : f32 to vector<64xf32>
    %add3A_884 = arith.addf %reduce_sum3A_881, %add3A_883 : vector<64xf32>
    %sqrt3A_885 = math.sqrt %add3A_884 : vector<64xf32>
    %reduce_sum3A_886 = vector.shape_cast %sqrt3A_885 : vector<64xf32> to vector<1x64xf32>
    %reduce_sum3A_887 = arith.constant dense<0.000000e+00> : vector<1xf32>
    %reduce_sum3A_888 = vector.multi_reduction <add>, %reduce_sum3A_886, %reduce_sum3A_887 [1] : vector<1x64xf32> to vector<1xf32>
    %reduce_sum3A_889 = vector.shape_cast %reduce_sum3A_888 : vector<1xf32> to vector<1x1xf32>
    %reduce_sum3A_890 = vector.extract %reduce_sum3A_889[0, 0] : f32 from vector<1x1xf32>
    %neg3A_891 = arith.constant 0.000000e+00 : f32
    %neg3A_892 = arith.subf %neg3A_891, %reduce_sum3A_890 : f32
    %max3A_893 = arith.maximumf %neg3A_875, %neg3A_892 : f32
    %broadcast_in_dim3A_894 = vector.broadcast %max3A_893 : f32 to vector<128xf32>
    %swap3A_895 = arith.constant 5 : index
    %swap3A_896 = arith.constant 0 : index
    %swap3A_897 = arith.constant 0 : index
    %swap3A_898 = vector.load %arg8[%swap3A_895, %swap3A_896, %swap3A_897] : memref<8x1x128xf32, #tpu.memory_space<vmem>>, vector<1x1x128xf32>
    %swap3A_899 = vector.shape_cast %swap3A_898 : vector<1x1x128xf32> to vector<128xf32>
    %swap3A_900 = vector.shape_cast %broadcast_in_dim3A_894 : vector<128xf32> to vector<1x1x128xf32>
    tpu.vector_store %arg8[%swap3A_895, %swap3A_896, %swap3A_897], %swap3A_900 {strides = array<i32>} : memref<8x1x128xf32, #tpu.memory_space<vmem>>, vector<1x1x128xf32>,
    %get3A_901 = arith.constant 576 : index
    %get3A_902 = arith.constant 0 : index
    %get3A_903 = vector.load %arg1[%get3A_901, %get3A_902] : memref<768x128xf32, #tpu.memory_space<vmem>>, vector<48x128xf32>
    %concatenate3A_904 = tpu.concatenate %get3A_903, %broadcast_in_dim3A_1 in 0 : vector<48x128xf32>, vector<16x128xf32> -> vector<64x128xf32>
    %get3A_905 = arith.constant 624 : index
    %get3A_906 = arith.constant 0 : index
    %get3A_907 = vector.load %arg1[%get3A_905, %get3A_906] : memref<768x128xf32, #tpu.memory_space<vmem>>, vector<48x128xf32>
    %concatenate3A_908 = tpu.concatenate %get3A_907, %broadcast_in_dim3A_1 in 0 : vector<48x128xf32>, vector<16x128xf32> -> vector<64x128xf32>
    %add3A_909 = arith.constant 6 : i32
    %add3A_910 = arith.addi %mul3A_0, %add3A_909 : i32
    %get3A_911 = arith.index_cast %add3A_910 : i32 to index
    %get3A_912 = memref.load %arg2[%get3A_911] : memref<256xi32, #tpu.memory_space<smem>>
    %add3A_913 = arith.constant 6 : i32
    %add3A_914 = arith.addi %mul3A_0, %add3A_913 : i32
    %get3A_915 = arith.index_cast %add3A_914 : i32 to index
    %get3A_916 = memref.load %arg3[%get3A_915] : memref<256xi32, #tpu.memory_space<smem>>
    %lt3A_917 = vector.broadcast %get3A_912 : i32 to vector<64x1xi32>
    %lt3A_918 = arith.cmpi slt, %iota3A, %lt3A_917 : vector<64x1xi32>
    %convert_element_type3A_919 = arith.extui %lt3A_918 : vector<64x1xi1> to vector<64x1xi32>
    %convert_element_type3A_920 = arith.sitofp %convert_element_type3A_919 : vector<64x1xi32> to vector<64x1xf32>
    %lt3A_921 = vector.broadcast %get3A_916 : i32 to vector<64x1xi32>
    %lt3A_922 = arith.cmpi slt, %iota3A, %lt3A_921 : vector<64x1xi32>
    %convert_element_type3A_923 = arith.extui %lt3A_922 : vector<64x1xi1> to vector<64x1xi32>
    %convert_element_type3A_924 = arith.sitofp %convert_element_type3A_923 : vector<64x1xi32> to vector<64x1xf32>
    %get3A_925 = arith.constant 0 : index
    %get3A_926 = arith.constant 0 : index
    %get3A_927 = vector.load %arg4[%get3A_925, %get3A_926] : memref<128x64xf32, #tpu.memory_space<vmem>>, vector<128x64xf32>
    %dot_general3A_928 = arith.constant dense<0.000000e+00> : vector<64x64xf32>
    %dot_general3A_929 = tpu.matmul %concatenate3A_904, %get3A_927, %dot_general3A_928 {dimension_numbers = #tpu.dot_dimension_numbers<[1], [0], [0], [1], [0, 0, 1, 1], [], []>, transpose_lhs_hint = false} : vector<64x128xf32>, vector<128x64xf32>, vector<64x64xf32> -> vector<64x64xf32>
    %get3A_930 = arith.constant 0 : index
    %get3A_931 = arith.constant 0 : index
    %get3A_932 = vector.load %arg5[%get3A_930, %get3A_931] : memref<1x64xf32, #tpu.memory_space<vmem>>, vector<1x64xf32>
    %add3A_933 = vector.broadcast %get3A_932 : vector<1x64xf32> to vector<64x64xf32>
    %add3A_934 = arith.addf %dot_general3A_929, %add3A_933 : vector<64x64xf32>
    %max3A_935 = arith.constant 0.000000e+00 : f32
    %max3A_936 = vector.broadcast %max3A_935 : f32 to vector<64x64xf32>
    %max3A_937 = arith.maximumf %add3A_934, %max3A_936 : vector<64x64xf32>
    %get3A_938 = arith.constant 0 : index
    %get3A_939 = arith.constant 0 : index
    %get3A_940 = vector.load %arg6[%get3A_938, %get3A_939] : memref<64x64xf32, #tpu.memory_space<vmem>>, vector<64x64xf32>
    %dot_general3A_941 = arith.constant dense<0.000000e+00> : vector<64x64xf32>
    %dot_general3A_942 = tpu.matmul %max3A_937, %get3A_940, %dot_general3A_941 {dimension_numbers = #tpu.dot_dimension_numbers<[1], [0], [0], [1], [0, 0, 1, 1], [], []>, transpose_lhs_hint = false} : vector<64x64xf32>, vector<64x64xf32>, vector<64x64xf32> -> vector<64x64xf32>
    %get3A_943 = arith.constant 0 : index
    %get3A_944 = arith.constant 0 : index
    %get3A_945 = vector.load %arg7[%get3A_943, %get3A_944] : memref<1x64xf32, #tpu.memory_space<vmem>>, vector<1x64xf32>
    %add3A_946 = vector.broadcast %get3A_945 : vector<1x64xf32> to vector<64x64xf32>
    %add3A_947 = arith.addf %dot_general3A_942, %add3A_946 : vector<64x64xf32>
    %mul3A_948 = vector.broadcast %convert_element_type3A_920 : vector<64x1xf32> to vector<64x64xf32>
    %mul3A_949 = arith.mulf %add3A_947, %mul3A_948 : vector<64x64xf32>
    %get3A_950 = arith.constant 0 : index
    %get3A_951 = arith.constant 0 : index
    %get3A_952 = vector.load %arg4[%get3A_950, %get3A_951] : memref<128x64xf32, #tpu.memory_space<vmem>>, vector<128x64xf32>
    %dot_general3A_953 = arith.constant dense<0.000000e+00> : vector<64x64xf32>
    %dot_general3A_954 = tpu.matmul %concatenate3A_908, %get3A_952, %dot_general3A_953 {dimension_numbers = #tpu.dot_dimension_numbers<[1], [0], [0], [1], [0, 0, 1, 1], [], []>, transpose_lhs_hint = false} : vector<64x128xf32>, vector<128x64xf32>, vector<64x64xf32> -> vector<64x64xf32>
    %get3A_955 = arith.constant 0 : index
    %get3A_956 = arith.constant 0 : index
    %get3A_957 = vector.load %arg5[%get3A_955, %get3A_956] : memref<1x64xf32, #tpu.memory_space<vmem>>, vector<1x64xf32>
    %add3A_958 = vector.broadcast %get3A_957 : vector<1x64xf32> to vector<64x64xf32>
    %add3A_959 = arith.addf %dot_general3A_954, %add3A_958 : vector<64x64xf32>
    %max3A_960 = arith.constant 0.000000e+00 : f32
    %max3A_961 = vector.broadcast %max3A_960 : f32 to vector<64x64xf32>
    %max3A_962 = arith.maximumf %add3A_959, %max3A_961 : vector<64x64xf32>
    %get3A_963 = arith.constant 0 : index
    %get3A_964 = arith.constant 0 : index
    %get3A_965 = vector.load %arg6[%get3A_963, %get3A_964] : memref<64x64xf32, #tpu.memory_space<vmem>>, vector<64x64xf32>
    %dot_general3A_966 = arith.constant dense<0.000000e+00> : vector<64x64xf32>
    %dot_general3A_967 = tpu.matmul %max3A_962, %get3A_965, %dot_general3A_966 {dimension_numbers = #tpu.dot_dimension_numbers<[1], [0], [0], [1], [0, 0, 1, 1], [], []>, transpose_lhs_hint = false} : vector<64x64xf32>, vector<64x64xf32>, vector<64x64xf32> -> vector<64x64xf32>
    %get3A_968 = arith.constant 0 : index
    %get3A_969 = arith.constant 0 : index
    %get3A_970 = vector.load %arg7[%get3A_968, %get3A_969] : memref<1x64xf32, #tpu.memory_space<vmem>>, vector<1x64xf32>
    %add3A_971 = vector.broadcast %get3A_970 : vector<1x64xf32> to vector<64x64xf32>
    %add3A_972 = arith.addf %dot_general3A_967, %add3A_971 : vector<64x64xf32>
    %mul3A_973 = vector.broadcast %convert_element_type3A_924 : vector<64x1xf32> to vector<64x64xf32>
    %mul3A_974 = arith.mulf %add3A_972, %mul3A_973 : vector<64x64xf32>
    %dot_general3A_975 = arith.constant dense<0.000000e+00> : vector<64x64xf32>
    %dot_general3A_976 = tpu.matmul %mul3A_949, %mul3A_974, %dot_general3A_975 {dimension_numbers = #tpu.dot_dimension_numbers<[1], [1], [0], [0], [0, 0, 1, 0], [], []>, transpose_lhs_hint = false} : vector<64x64xf32>, vector<64x64xf32>, vector<64x64xf32> -> vector<64x64xf32>
    %reshape3A_977 = vector.shape_cast %convert_element_type3A_924 : vector<64x1xf32> to vector<1x64xf32>
    %mul3A_978 = vector.broadcast %convert_element_type3A_920 : vector<64x1xf32> to vector<64x64xf32>
    %mul3A_979 = vector.broadcast %reshape3A_977 : vector<1x64xf32> to vector<64x64xf32>
    %mul3A_980 = arith.mulf %mul3A_978, %mul3A_979 : vector<64x64xf32>
    %gt3A_981 = arith.constant 0.000000e+00 : f32
    %gt3A_982 = vector.broadcast %gt3A_981 : f32 to vector<64x64xf32>
    %gt3A_983 = arith.cmpf ogt, %mul3A_980, %gt3A_982 : vector<64x64xf32>
    %mul3A_984 = arith.constant 1.000000e+01 : f32
    %mul3A_985 = vector.broadcast %mul3A_984 : f32 to vector<64x64xf32>
    %mul3A_986 = arith.mulf %dot_general3A_976, %mul3A_985 : vector<64x64xf32>
    %jit3A_987 = arith.constant -1.000000e+10 : f32
    %broadcast_in_dim3A_988 = vector.broadcast %jit3A_987 : f32 to vector<64x64xf32>
    %select_n3A_989 = arith.select %gt3A_983, %mul3A_986, %broadcast_in_dim3A_988 : vector<64x64xi1>, vector<64x64xf32>
    %reduce_max3A_990 = arith.constant dense<0xFF800000> : vector<64xf32>
    %reduce_max3A_991 = vector.multi_reduction <maximumf>, %select_n3A_989, %reduce_max3A_990 [1] : vector<64x64xf32> to vector<64xf32>
    %broadcast_in_dim3A_992 = vector.shape_cast %reduce_max3A_991 : vector<64xf32> to vector<64x1xf32>
    %sub3A_993 = vector.broadcast %broadcast_in_dim3A_992 : vector<64x1xf32> to vector<64x64xf32>
    %sub3A_994 = arith.subf %select_n3A_989, %sub3A_993 : vector<64x64xf32>
    %exp3A_995 = math.exp %sub3A_994 : vector<64x64xf32>
    %reduce_sum3A_996 = arith.constant dense<0.000000e+00> : vector<64xf32>
    %reduce_sum3A_997 = vector.multi_reduction <add>, %exp3A_995, %reduce_sum3A_996 [1] : vector<64x64xf32> to vector<64xf32>
    %broadcast_in_dim3A_998 = vector.shape_cast %reduce_sum3A_997 : vector<64xf32> to vector<64x1xf32>
    %div3A_999 = vector.broadcast %broadcast_in_dim3A_998 : vector<64x1xf32> to vector<64x64xf32>
    %div3A_1000 = arith.divf %exp3A_995, %div3A_999 : vector<64x64xf32>
    %reduce_max3A_1001 = arith.constant dense<0xFF800000> : vector<64xf32>
    %reduce_max3A_1002 = vector.multi_reduction <maximumf>, %select_n3A_989, %reduce_max3A_1001 [0] : vector<64x64xf32> to vector<64xf32>
    %broadcast_in_dim3A_1003 = vector.shape_cast %reduce_max3A_1002 : vector<64xf32> to vector<1x64xf32>
    %sub3A_1004 = vector.broadcast %broadcast_in_dim3A_1003 : vector<1x64xf32> to vector<64x64xf32>
    %sub3A_1005 = arith.subf %select_n3A_989, %sub3A_1004 : vector<64x64xf32>
    %exp3A_1006 = math.exp %sub3A_1005 : vector<64x64xf32>
    %reduce_sum3A_1007 = arith.constant dense<0.000000e+00> : vector<64xf32>
    %reduce_sum3A_1008 = vector.multi_reduction <add>, %exp3A_1006, %reduce_sum3A_1007 [0] : vector<64x64xf32> to vector<64xf32>
    %broadcast_in_dim3A_1009 = vector.shape_cast %reduce_sum3A_1008 : vector<64xf32> to vector<1x64xf32>
    %div3A_1010 = vector.broadcast %broadcast_in_dim3A_1009 : vector<1x64xf32> to vector<64x64xf32>
    %div3A_1011 = arith.divf %exp3A_1006, %div3A_1010 : vector<64x64xf32>
    %dot_general3A_1012 = arith.constant dense<0.000000e+00> : vector<64x128xf32>
    %dot_general3A_1013 = tpu.matmul %div3A_1000, %concatenate3A_908, %dot_general3A_1012 {dimension_numbers = #tpu.dot_dimension_numbers<[1], [0], [0], [1], [0, 0, 1, 1], [], []>, transpose_lhs_hint = false} : vector<64x64xf32>, vector<64x128xf32>, vector<64x128xf32> -> vector<64x128xf32>
    %sub3A_1014 = arith.subf %concatenate3A_904, %dot_general3A_1013 : vector<64x128xf32>
    %mul3A_1015 = arith.mulf %sub3A_1014, %sub3A_1014 : vector<64x128xf32>
    %reduce_sum3A_1016 = arith.constant dense<0.000000e+00> : vector<64xf32>
    %reduce_sum3A_1017 = vector.multi_reduction <add>, %mul3A_1015, %reduce_sum3A_1016 [1] : vector<64x128xf32> to vector<64xf32>
    %add3A_1018 = arith.constant 9.99999996E-13 : f32
    %add3A_1019 = vector.broadcast %add3A_1018 : f32 to vector<64xf32>
    %add3A_1020 = arith.addf %reduce_sum3A_1017, %add3A_1019 : vector<64xf32>
    %sqrt3A_1021 = math.sqrt %add3A_1020 : vector<64xf32>
    %reduce_sum3A_1022 = vector.shape_cast %sqrt3A_1021 : vector<64xf32> to vector<1x64xf32>
    %reduce_sum3A_1023 = arith.constant dense<0.000000e+00> : vector<1xf32>
    %reduce_sum3A_1024 = vector.multi_reduction <add>, %reduce_sum3A_1022, %reduce_sum3A_1023 [1] : vector<1x64xf32> to vector<1xf32>
    %reduce_sum3A_1025 = vector.shape_cast %reduce_sum3A_1024 : vector<1xf32> to vector<1x1xf32>
    %reduce_sum3A_1026 = vector.extract %reduce_sum3A_1025[0, 0] : f32 from vector<1x1xf32>
    %neg3A_1027 = arith.constant 0.000000e+00 : f32
    %neg3A_1028 = arith.subf %neg3A_1027, %reduce_sum3A_1026 : f32
    %dot_general3A_1029 = arith.constant dense<0.000000e+00> : vector<64x128xf32>
    %dot_general3A_1030 = tpu.matmul %div3A_1011, %concatenate3A_904, %dot_general3A_1029 {dimension_numbers = #tpu.dot_dimension_numbers<[0], [0], [1], [1], [0, 1, 1, 1], [], []>, transpose_lhs_hint = false} : vector<64x64xf32>, vector<64x128xf32>, vector<64x128xf32> -> vector<64x128xf32>
    %sub3A_1031 = arith.subf %concatenate3A_908, %dot_general3A_1030 : vector<64x128xf32>
    %mul3A_1032 = arith.mulf %sub3A_1031, %sub3A_1031 : vector<64x128xf32>
    %reduce_sum3A_1033 = arith.constant dense<0.000000e+00> : vector<64xf32>
    %reduce_sum3A_1034 = vector.multi_reduction <add>, %mul3A_1032, %reduce_sum3A_1033 [1] : vector<64x128xf32> to vector<64xf32>
    %add3A_1035 = arith.constant 9.99999996E-13 : f32
    %add3A_1036 = vector.broadcast %add3A_1035 : f32 to vector<64xf32>
    %add3A_1037 = arith.addf %reduce_sum3A_1034, %add3A_1036 : vector<64xf32>
    %sqrt3A_1038 = math.sqrt %add3A_1037 : vector<64xf32>
    %reduce_sum3A_1039 = vector.shape_cast %sqrt3A_1038 : vector<64xf32> to vector<1x64xf32>
    %reduce_sum3A_1040 = arith.constant dense<0.000000e+00> : vector<1xf32>
    %reduce_sum3A_1041 = vector.multi_reduction <add>, %reduce_sum3A_1039, %reduce_sum3A_1040 [1] : vector<1x64xf32> to vector<1xf32>
    %reduce_sum3A_1042 = vector.shape_cast %reduce_sum3A_1041 : vector<1xf32> to vector<1x1xf32>
    %reduce_sum3A_1043 = vector.extract %reduce_sum3A_1042[0, 0] : f32 from vector<1x1xf32>
    %neg3A_1044 = arith.constant 0.000000e+00 : f32
    %neg3A_1045 = arith.subf %neg3A_1044, %reduce_sum3A_1043 : f32
    %max3A_1046 = arith.maximumf %neg3A_1028, %neg3A_1045 : f32
    %broadcast_in_dim3A_1047 = vector.broadcast %max3A_1046 : f32 to vector<128xf32>
    %swap3A_1048 = arith.constant 6 : index
    %swap3A_1049 = arith.constant 0 : index
    %swap3A_1050 = arith.constant 0 : index
    %swap3A_1051 = vector.load %arg8[%swap3A_1048, %swap3A_1049, %swap3A_1050] : memref<8x1x128xf32, #tpu.memory_space<vmem>>, vector<1x1x128xf32>
    %swap3A_1052 = vector.shape_cast %swap3A_1051 : vector<1x1x128xf32> to vector<128xf32>
    %swap3A_1053 = vector.shape_cast %broadcast_in_dim3A_1047 : vector<128xf32> to vector<1x1x128xf32>
    tpu.vector_store %arg8[%swap3A_1048, %swap3A_1049, %swap3A_1050], %swap3A_1053 {strides = array<i32>} : memref<8x1x128xf32, #tpu.memory_space<vmem>>, vector<1x1x128xf32>,
    %get3A_1054 = arith.constant 672 : index
    %get3A_1055 = arith.constant 0 : index
    %get3A_1056 = vector.load %arg1[%get3A_1054, %get3A_1055] : memref<768x128xf32, #tpu.memory_space<vmem>>, vector<48x128xf32>
    %concatenate3A_1057 = tpu.concatenate %get3A_1056, %broadcast_in_dim3A_1 in 0 : vector<48x128xf32>, vector<16x128xf32> -> vector<64x128xf32>
    %get3A_1058 = arith.constant 720 : index
    %get3A_1059 = arith.constant 0 : index
    %get3A_1060 = vector.load %arg1[%get3A_1058, %get3A_1059] : memref<768x128xf32, #tpu.memory_space<vmem>>, vector<48x128xf32>
    %concatenate3A_1061 = tpu.concatenate %get3A_1060, %broadcast_in_dim3A_1 in 0 : vector<48x128xf32>, vector<16x128xf32> -> vector<64x128xf32>
    %add3A_1062 = arith.constant 7 : i32
    %add3A_1063 = arith.addi %mul3A_0, %add3A_1062 : i32
    %get3A_1064 = arith.index_cast %add3A_1063 : i32 to index
    %get3A_1065 = memref.load %arg2[%get3A_1064] : memref<256xi32, #tpu.memory_space<smem>>
    %add3A_1066 = arith.constant 7 : i32
    %add3A_1067 = arith.addi %mul3A_0, %add3A_1066 : i32
    %get3A_1068 = arith.index_cast %add3A_1067 : i32 to index
    %get3A_1069 = memref.load %arg3[%get3A_1068] : memref<256xi32, #tpu.memory_space<smem>>
    %lt3A_1070 = vector.broadcast %get3A_1065 : i32 to vector<64x1xi32>
    %lt3A_1071 = arith.cmpi slt, %iota3A, %lt3A_1070 : vector<64x1xi32>
    %convert_element_type3A_1072 = arith.extui %lt3A_1071 : vector<64x1xi1> to vector<64x1xi32>
    %convert_element_type3A_1073 = arith.sitofp %convert_element_type3A_1072 : vector<64x1xi32> to vector<64x1xf32>
    %lt3A_1074 = vector.broadcast %get3A_1069 : i32 to vector<64x1xi32>
    %lt3A_1075 = arith.cmpi slt, %iota3A, %lt3A_1074 : vector<64x1xi32>
    %convert_element_type3A_1076 = arith.extui %lt3A_1075 : vector<64x1xi1> to vector<64x1xi32>
    %convert_element_type3A_1077 = arith.sitofp %convert_element_type3A_1076 : vector<64x1xi32> to vector<64x1xf32>
    %get3A_1078 = arith.constant 0 : index
    %get3A_1079 = arith.constant 0 : index
    %get3A_1080 = vector.load %arg4[%get3A_1078, %get3A_1079] : memref<128x64xf32, #tpu.memory_space<vmem>>, vector<128x64xf32>
    %dot_general3A_1081 = arith.constant dense<0.000000e+00> : vector<64x64xf32>
    %dot_general3A_1082 = tpu.matmul %concatenate3A_1057, %get3A_1080, %dot_general3A_1081 {dimension_numbers = #tpu.dot_dimension_numbers<[1], [0], [0], [1], [0, 0, 1, 1], [], []>, transpose_lhs_hint = false} : vector<64x128xf32>, vector<128x64xf32>, vector<64x64xf32> -> vector<64x64xf32>
    %get3A_1083 = arith.constant 0 : index
    %get3A_1084 = arith.constant 0 : index
    %get3A_1085 = vector.load %arg5[%get3A_1083, %get3A_1084] : memref<1x64xf32, #tpu.memory_space<vmem>>, vector<1x64xf32>
    %add3A_1086 = vector.broadcast %get3A_1085 : vector<1x64xf32> to vector<64x64xf32>
    %add3A_1087 = arith.addf %dot_general3A_1082, %add3A_1086 : vector<64x64xf32>
    %max3A_1088 = arith.constant 0.000000e+00 : f32
    %max3A_1089 = vector.broadcast %max3A_1088 : f32 to vector<64x64xf32>
    %max3A_1090 = arith.maximumf %add3A_1087, %max3A_1089 : vector<64x64xf32>
    %get3A_1091 = arith.constant 0 : index
    %get3A_1092 = arith.constant 0 : index
    %get3A_1093 = vector.load %arg6[%get3A_1091, %get3A_1092] : memref<64x64xf32, #tpu.memory_space<vmem>>, vector<64x64xf32>
    %dot_general3A_1094 = arith.constant dense<0.000000e+00> : vector<64x64xf32>
    %dot_general3A_1095 = tpu.matmul %max3A_1090, %get3A_1093, %dot_general3A_1094 {dimension_numbers = #tpu.dot_dimension_numbers<[1], [0], [0], [1], [0, 0, 1, 1], [], []>, transpose_lhs_hint = false} : vector<64x64xf32>, vector<64x64xf32>, vector<64x64xf32> -> vector<64x64xf32>
    %get3A_1096 = arith.constant 0 : index
    %get3A_1097 = arith.constant 0 : index
    %get3A_1098 = vector.load %arg7[%get3A_1096, %get3A_1097] : memref<1x64xf32, #tpu.memory_space<vmem>>, vector<1x64xf32>
    %add3A_1099 = vector.broadcast %get3A_1098 : vector<1x64xf32> to vector<64x64xf32>
    %add3A_1100 = arith.addf %dot_general3A_1095, %add3A_1099 : vector<64x64xf32>
    %mul3A_1101 = vector.broadcast %convert_element_type3A_1073 : vector<64x1xf32> to vector<64x64xf32>
    %mul3A_1102 = arith.mulf %add3A_1100, %mul3A_1101 : vector<64x64xf32>
    %get3A_1103 = arith.constant 0 : index
    %get3A_1104 = arith.constant 0 : index
    %get3A_1105 = vector.load %arg4[%get3A_1103, %get3A_1104] : memref<128x64xf32, #tpu.memory_space<vmem>>, vector<128x64xf32>
    %dot_general3A_1106 = arith.constant dense<0.000000e+00> : vector<64x64xf32>
    %dot_general3A_1107 = tpu.matmul %concatenate3A_1061, %get3A_1105, %dot_general3A_1106 {dimension_numbers = #tpu.dot_dimension_numbers<[1], [0], [0], [1], [0, 0, 1, 1], [], []>, transpose_lhs_hint = false} : vector<64x128xf32>, vector<128x64xf32>, vector<64x64xf32> -> vector<64x64xf32>
    %get3A_1108 = arith.constant 0 : index
    %get3A_1109 = arith.constant 0 : index
    %get3A_1110 = vector.load %arg5[%get3A_1108, %get3A_1109] : memref<1x64xf32, #tpu.memory_space<vmem>>, vector<1x64xf32>
    %add3A_1111 = vector.broadcast %get3A_1110 : vector<1x64xf32> to vector<64x64xf32>
    %add3A_1112 = arith.addf %dot_general3A_1107, %add3A_1111 : vector<64x64xf32>
    %max3A_1113 = arith.constant 0.000000e+00 : f32
    %max3A_1114 = vector.broadcast %max3A_1113 : f32 to vector<64x64xf32>
    %max3A_1115 = arith.maximumf %add3A_1112, %max3A_1114 : vector<64x64xf32>
    %get3A_1116 = arith.constant 0 : index
    %get3A_1117 = arith.constant 0 : index
    %get3A_1118 = vector.load %arg6[%get3A_1116, %get3A_1117] : memref<64x64xf32, #tpu.memory_space<vmem>>, vector<64x64xf32>
    %dot_general3A_1119 = arith.constant dense<0.000000e+00> : vector<64x64xf32>
    %dot_general3A_1120 = tpu.matmul %max3A_1115, %get3A_1118, %dot_general3A_1119 {dimension_numbers = #tpu.dot_dimension_numbers<[1], [0], [0], [1], [0, 0, 1, 1], [], []>, transpose_lhs_hint = false} : vector<64x64xf32>, vector<64x64xf32>, vector<64x64xf32> -> vector<64x64xf32>
    %get3A_1121 = arith.constant 0 : index
    %get3A_1122 = arith.constant 0 : index
    %get3A_1123 = vector.load %arg7[%get3A_1121, %get3A_1122] : memref<1x64xf32, #tpu.memory_space<vmem>>, vector<1x64xf32>
    %add3A_1124 = vector.broadcast %get3A_1123 : vector<1x64xf32> to vector<64x64xf32>
    %add3A_1125 = arith.addf %dot_general3A_1120, %add3A_1124 : vector<64x64xf32>
    %mul3A_1126 = vector.broadcast %convert_element_type3A_1077 : vector<64x1xf32> to vector<64x64xf32>
    %mul3A_1127 = arith.mulf %add3A_1125, %mul3A_1126 : vector<64x64xf32>
    %dot_general3A_1128 = arith.constant dense<0.000000e+00> : vector<64x64xf32>
    %dot_general3A_1129 = tpu.matmul %mul3A_1102, %mul3A_1127, %dot_general3A_1128 {dimension_numbers = #tpu.dot_dimension_numbers<[1], [1], [0], [0], [0, 0, 1, 0], [], []>, transpose_lhs_hint = false} : vector<64x64xf32>, vector<64x64xf32>, vector<64x64xf32> -> vector<64x64xf32>
    %reshape3A_1130 = vector.shape_cast %convert_element_type3A_1077 : vector<64x1xf32> to vector<1x64xf32>
    %mul3A_1131 = vector.broadcast %convert_element_type3A_1073 : vector<64x1xf32> to vector<64x64xf32>
    %mul3A_1132 = vector.broadcast %reshape3A_1130 : vector<1x64xf32> to vector<64x64xf32>
    %mul3A_1133 = arith.mulf %mul3A_1131, %mul3A_1132 : vector<64x64xf32>
    %gt3A_1134 = arith.constant 0.000000e+00 : f32
    %gt3A_1135 = vector.broadcast %gt3A_1134 : f32 to vector<64x64xf32>
    %gt3A_1136 = arith.cmpf ogt, %mul3A_1133, %gt3A_1135 : vector<64x64xf32>
    %mul3A_1137 = arith.constant 1.000000e+01 : f32
    %mul3A_1138 = vector.broadcast %mul3A_1137 : f32 to vector<64x64xf32>
    %mul3A_1139 = arith.mulf %dot_general3A_1129, %mul3A_1138 : vector<64x64xf32>
    %jit3A_1140 = arith.constant -1.000000e+10 : f32
    %broadcast_in_dim3A_1141 = vector.broadcast %jit3A_1140 : f32 to vector<64x64xf32>
    %select_n3A_1142 = arith.select %gt3A_1136, %mul3A_1139, %broadcast_in_dim3A_1141 : vector<64x64xi1>, vector<64x64xf32>
    %reduce_max3A_1143 = arith.constant dense<0xFF800000> : vector<64xf32>
    %reduce_max3A_1144 = vector.multi_reduction <maximumf>, %select_n3A_1142, %reduce_max3A_1143 [1] : vector<64x64xf32> to vector<64xf32>
    %broadcast_in_dim3A_1145 = vector.shape_cast %reduce_max3A_1144 : vector<64xf32> to vector<64x1xf32>
    %sub3A_1146 = vector.broadcast %broadcast_in_dim3A_1145 : vector<64x1xf32> to vector<64x64xf32>
    %sub3A_1147 = arith.subf %select_n3A_1142, %sub3A_1146 : vector<64x64xf32>
    %exp3A_1148 = math.exp %sub3A_1147 : vector<64x64xf32>
    %reduce_sum3A_1149 = arith.constant dense<0.000000e+00> : vector<64xf32>
    %reduce_sum3A_1150 = vector.multi_reduction <add>, %exp3A_1148, %reduce_sum3A_1149 [1] : vector<64x64xf32> to vector<64xf32>
    %broadcast_in_dim3A_1151 = vector.shape_cast %reduce_sum3A_1150 : vector<64xf32> to vector<64x1xf32>
    %div3A_1152 = vector.broadcast %broadcast_in_dim3A_1151 : vector<64x1xf32> to vector<64x64xf32>
    %div3A_1153 = arith.divf %exp3A_1148, %div3A_1152 : vector<64x64xf32>
    %reduce_max3A_1154 = arith.constant dense<0xFF800000> : vector<64xf32>
    %reduce_max3A_1155 = vector.multi_reduction <maximumf>, %select_n3A_1142, %reduce_max3A_1154 [0] : vector<64x64xf32> to vector<64xf32>
    %broadcast_in_dim3A_1156 = vector.shape_cast %reduce_max3A_1155 : vector<64xf32> to vector<1x64xf32>
    %sub3A_1157 = vector.broadcast %broadcast_in_dim3A_1156 : vector<1x64xf32> to vector<64x64xf32>
    %sub3A_1158 = arith.subf %select_n3A_1142, %sub3A_1157 : vector<64x64xf32>
    %exp3A_1159 = math.exp %sub3A_1158 : vector<64x64xf32>
    %reduce_sum3A_1160 = arith.constant dense<0.000000e+00> : vector<64xf32>
    %reduce_sum3A_1161 = vector.multi_reduction <add>, %exp3A_1159, %reduce_sum3A_1160 [0] : vector<64x64xf32> to vector<64xf32>
    %broadcast_in_dim3A_1162 = vector.shape_cast %reduce_sum3A_1161 : vector<64xf32> to vector<1x64xf32>
    %div3A_1163 = vector.broadcast %broadcast_in_dim3A_1162 : vector<1x64xf32> to vector<64x64xf32>
    %div3A_1164 = arith.divf %exp3A_1159, %div3A_1163 : vector<64x64xf32>
    %dot_general3A_1165 = arith.constant dense<0.000000e+00> : vector<64x128xf32>
    %dot_general3A_1166 = tpu.matmul %div3A_1153, %concatenate3A_1061, %dot_general3A_1165 {dimension_numbers = #tpu.dot_dimension_numbers<[1], [0], [0], [1], [0, 0, 1, 1], [], []>, transpose_lhs_hint = false} : vector<64x64xf32>, vector<64x128xf32>, vector<64x128xf32> -> vector<64x128xf32>
    %sub3A_1167 = arith.subf %concatenate3A_1057, %dot_general3A_1166 : vector<64x128xf32>
    %mul3A_1168 = arith.mulf %sub3A_1167, %sub3A_1167 : vector<64x128xf32>
    %reduce_sum3A_1169 = arith.constant dense<0.000000e+00> : vector<64xf32>
    %reduce_sum3A_1170 = vector.multi_reduction <add>, %mul3A_1168, %reduce_sum3A_1169 [1] : vector<64x128xf32> to vector<64xf32>
    %add3A_1171 = arith.constant 9.99999996E-13 : f32
    %add3A_1172 = vector.broadcast %add3A_1171 : f32 to vector<64xf32>
    %add3A_1173 = arith.addf %reduce_sum3A_1170, %add3A_1172 : vector<64xf32>
    %sqrt3A_1174 = math.sqrt %add3A_1173 : vector<64xf32>
    %reduce_sum3A_1175 = vector.shape_cast %sqrt3A_1174 : vector<64xf32> to vector<1x64xf32>
    %reduce_sum3A_1176 = arith.constant dense<0.000000e+00> : vector<1xf32>
    %reduce_sum3A_1177 = vector.multi_reduction <add>, %reduce_sum3A_1175, %reduce_sum3A_1176 [1] : vector<1x64xf32> to vector<1xf32>
    %reduce_sum3A_1178 = vector.shape_cast %reduce_sum3A_1177 : vector<1xf32> to vector<1x1xf32>
    %reduce_sum3A_1179 = vector.extract %reduce_sum3A_1178[0, 0] : f32 from vector<1x1xf32>
    %neg3A_1180 = arith.constant 0.000000e+00 : f32
    %neg3A_1181 = arith.subf %neg3A_1180, %reduce_sum3A_1179 : f32
    %dot_general3A_1182 = arith.constant dense<0.000000e+00> : vector<64x128xf32>
    %dot_general3A_1183 = tpu.matmul %div3A_1164, %concatenate3A_1057, %dot_general3A_1182 {dimension_numbers = #tpu.dot_dimension_numbers<[0], [0], [1], [1], [0, 1, 1, 1], [], []>, transpose_lhs_hint = false} : vector<64x64xf32>, vector<64x128xf32>, vector<64x128xf32> -> vector<64x128xf32>
    %sub3A_1184 = arith.subf %concatenate3A_1061, %dot_general3A_1183 : vector<64x128xf32>
    %mul3A_1185 = arith.mulf %sub3A_1184, %sub3A_1184 : vector<64x128xf32>
    %reduce_sum3A_1186 = arith.constant dense<0.000000e+00> : vector<64xf32>
    %reduce_sum3A_1187 = vector.multi_reduction <add>, %mul3A_1185, %reduce_sum3A_1186 [1] : vector<64x128xf32> to vector<64xf32>
    %add3A_1188 = arith.constant 9.99999996E-13 : f32
    %add3A_1189 = vector.broadcast %add3A_1188 : f32 to vector<64xf32>
    %add3A_1190 = arith.addf %reduce_sum3A_1187, %add3A_1189 : vector<64xf32>
    %sqrt3A_1191 = math.sqrt %add3A_1190 : vector<64xf32>
    %reduce_sum3A_1192 = vector.shape_cast %sqrt3A_1191 : vector<64xf32> to vector<1x64xf32>
    %reduce_sum3A_1193 = arith.constant dense<0.000000e+00> : vector<1xf32>
    %reduce_sum3A_1194 = vector.multi_reduction <add>, %reduce_sum3A_1192, %reduce_sum3A_1193 [1] : vector<1x64xf32> to vector<1xf32>
    %reduce_sum3A_1195 = vector.shape_cast %reduce_sum3A_1194 : vector<1xf32> to vector<1x1xf32>
    %reduce_sum3A_1196 = vector.extract %reduce_sum3A_1195[0, 0] : f32 from vector<1x1xf32>
    %neg3A_1197 = arith.constant 0.000000e+00 : f32
    %neg3A_1198 = arith.subf %neg3A_1197, %reduce_sum3A_1196 : f32
    %max3A_1199 = arith.maximumf %neg3A_1181, %neg3A_1198 : f32
    %broadcast_in_dim3A_1200 = vector.broadcast %max3A_1199 : f32 to vector<128xf32>
    %swap3A_1201 = arith.constant 7 : index
    %swap3A_1202 = arith.constant 0 : index
    %swap3A_1203 = arith.constant 0 : index
    %swap3A_1204 = vector.load %arg8[%swap3A_1201, %swap3A_1202, %swap3A_1203] : memref<8x1x128xf32, #tpu.memory_space<vmem>>, vector<1x1x128xf32>
    %swap3A_1205 = vector.shape_cast %swap3A_1204 : vector<1x1x128xf32> to vector<128xf32>
    %swap3A_1206 = vector.shape_cast %broadcast_in_dim3A_1200 : vector<128xf32> to vector<1x1x128xf32>
    tpu.vector_store %arg8[%swap3A_1201, %swap3A_1202, %swap3A_1203], %swap3A_1206 {strides = array<i32>} : memref<8x1x128xf32, #tpu.memory_space<vmem>>, vector<1x1x128xf32>,
    return
  }
  func.func @transform_0(%arg0: i32) -> (i32, i32) {
    %c0_i32 = arith.constant 0 : i32
    %c0_i32_0 = arith.constant 0 : i32
    return %arg0, %c0_i32 : i32, i32
  }
  func.func @transform_1(%arg0: i32) -> i32 {
    %c0_i32 = arith.constant 0 : i32
    %c0_i32_0 = arith.constant 0 : i32
    return %c0_i32 : i32
  }
  func.func @transform_2(%arg0: i32) -> i32 {
    %c0_i32 = arith.constant 0 : i32
    %c0_i32_0 = arith.constant 0 : i32
    return %c0_i32 : i32
  }
  func.func @transform_3(%arg0: i32) -> (i32, i32) {
    %c0_i32 = arith.constant 0 : i32
    %c0_i32_0 = arith.constant 0 : i32
    %c0_i32_1 = arith.constant 0 : i32
    return %c0_i32, %c0_i32_0 : i32, i32
  }
  func.func @transform_4(%arg0: i32) -> (i32, i32) {
    %c0_i32 = arith.constant 0 : i32
    %c0_i32_0 = arith.constant 0 : i32
    %c0_i32_1 = arith.constant 0 : i32
    return %c0_i32, %c0_i32_0 : i32, i32
  }
  func.func @transform_5(%arg0: i32) -> (i32, i32) {
    %c0_i32 = arith.constant 0 : i32
    %c0_i32_0 = arith.constant 0 : i32
    %c0_i32_1 = arith.constant 0 : i32
    return %c0_i32, %c0_i32_0 : i32, i32
  }
  func.func @transform_6(%arg0: i32) -> (i32, i32) {
    %c0_i32 = arith.constant 0 : i32
    %c0_i32_0 = arith.constant 0 : i32
    %c0_i32_1 = arith.constant 0 : i32
    return %c0_i32, %c0_i32_0 : i32, i32
  }
  func.func @transform_7(%arg0: i32) -> (i32, i32, i32) {
    %c0_i32 = arith.constant 0 : i32
    %c0_i32_0 = arith.constant 0 : i32
    %c0_i32_1 = arith.constant 0 : i32
    return %arg0, %c0_i32, %c0_i32_0 : i32, i32, i32
  }
}

</mosaic_0001>

<sc_bundles>
// kernel: kernel.13.cloned.1.call-start
scs
__scs_entry_jumppad:
0x0: {  	(pc) =	sbr.rel $0x88, $3  }
0x1: {  	(tag) =	ssettag $0x0;
	lr =	simm.s32 $0x1  }
0x2: {  	[smem:$0x3F8F] =	sst lr;
	_ =	strace $0xD0000000  }
0x3: {  	_ = 	snop  }
0x4: {  	_ = 	snop  }
0x5: {  	_ = 	snop  }
0x6: {  	_ = 	snop  }
0x7: {  	_ = 	snop  }
__scs_overlays_trampoline_lowered:
0x8: {  	[smem:$0x3F9E] =	sst s0  }
0x9: {  	[smem:$0x3F9F] =	sst s1  }
0xa: {  	[smem:$0x3FA0] =	sst s2  }
0xb: {  	[smem:$0x3FA1] =	sst s3  }
0xc: {  	[smem:$0x3FA2] =	sst s4  }
0xd: {  	[smem:$0x3FA3] =	sst s5  }
0xe: {  	[smem:$0x3FA4] =	sst s6  }
0xf: {  	[smem:$0x3FA5] =	sst s7  }
0x10: {  	[smem:$0x3FA6] =	sst s8  }
0x11: {  	[smem:$0x3FA7] =	sst s9;
	s0 =	simm.s32 @!p0 $0x0  }
0x12: {  	s1 =	sld [smem:$0x3F8D];
	s0 =	simm.s32 @p0 $0x1  }
0x13: {  	[smem:$0x3FA8] =	sst s0;
	s0 =	simm.s32 @!p1 $0x0  }
0x14: {  	s2 =	sld [smem:$0x3F8C];
	s0 =	simm.s32 @p1 $0x1  }
0x15: {  	[smem:$0x3FA9] =	sst s0;
	s0 =	simm.s32 @!p2 $0x0  }
0x16: {  	s3 =	sld [smem:$0x3FDB];
	s0 =	simm.s32 @p2 $0x1  }
0x17: {  	s4 =	simm.s32 $0x1BF5;
	[smem:$0x3FAB] =	sst s0  }
0x18: {  	s0 =	sld [smem:$0x3F8E];
	_ =	swait.ge [sflag:s4], $0x0  }
0x19: {  	s7 =	sld [smem:$0x3F8F]  }
0x1a: {  	s8 =	sadd.s32 $0xFFFFE003, lr  }
0x1b: {  	s9 =	sadd.s32 $0xFFFFFEF7, lr;
	s5 =	simm.s32 $0xFFFFFFFF;
	p2 =	slt.u32 s8, $0xFFFFF086  }
0x1c: {  	p1 =	slt.u32 s9, $0xF7A;
	s5 =	simm.s32 @!p2 $0x0  }
0x1d: {  	s5 =	simm.s32 @p1 $0x1;
	p0 =	seq.s32 s7, s2  }
0x1e: {  	s7 =	smul.u32 @!p0 $0xF7A, s2;
	p2 =	seq.s32 @!p0 s5, $0x0  }
0x1f: {  	s9 =	smul.u32 $0xF7A, s1;
	s8 =	simm.s32 @!p0 $0x1BF5;
	p2 =	por !p2, p0  }
0x20: {  	[sflag:s8] =	ssyncset.s32 @!p0 $0xFFFFF086;
	s6 =	sadd.s32 @!p0 s3, s7;
	s7 =	simm.s32 @!p0 $0x108  }
0x21: {  	s3 =	sadd.s32 s3, s9;
	s6 =	sadd.s32 @!p0 $0x88, s6;
	s7 =	simm.s32 @p2 $0x1082  }
0x22: {  	[simem:s7], [sflag:s8] =	dma.local @!p0 [hbm:s6], $0xF7A  }
0x23: {  	s9 =	sor.u32 $0xD0000000, s2;
	s6 =	simm.s32 $0x108;
	_ =	swait.ge @!p0 [sflag:s8], $0x0  }
0x24: {  	s3 =	sadd.s32 $0x88, s3;
	s6 =	simm.s32 @!p1 $0x1082;
	[sflag:s4] =	ssyncset.s32 $0xFFFFF086  }
0x25: {  	[simem:s6], [sflag:s4] =	dma.local [hbm:s3], $0xF7A  }
0x26: {  	[smem:$0x3F8F] =	sst s1;
	(tag) =	ssettag s2;
	_ =	strace s9  }
0x27: {  	s1 =	sld [smem:$0x3F9F]  }
0x28: {  	s2 =	sld [smem:$0x3FA0]  }
0x29: {  	s4 =	sld [smem:$0x3FA2]  }
0x2a: {  	p0 =	seq.s32 s5, $0x0;
	s5 =	sld [smem:$0x3FA3]  }
0x2b: {  	s6 =	sld [smem:$0x3FA4]  }
0x2c: {  	s7 =	sld [smem:$0x3FA5]  }
0x2d: {  	s3 =	simm.s32 $0x108;
	s8 =	sld [smem:$0x3FA6]  }
0x2e: {  	s3 =	simm.s32 @!p0 $0x1082;
	s9 =	sld [smem:$0x3FA7]  }
0x2f: {  	lr =	sadd.s32 s0, s3;
	s0 =	sld [smem:$0x3F9E]  }
0x30: {  	s3 =	sld [smem:$0x3FA1]  }
0x31: {  	[smem:$0x3FAA] =	sst s10  }
0x32: {  	s10 =	sld [smem:$0x3FA8];
	_ =	sdelay $0x3  }
0x33: {  	p0 =	seq.s32 s10, $0x1;
	s10 =	sld [smem:$0x3FAA];
	_ =	sdelay $0x3  }
0x34: {  	[smem:$0x3FAA] =	sst s10  }
0x35: {  	s10 =	sld [smem:$0x3FA9];
	_ =	sdelay $0x3  }
0x36: {  	p1 =	seq.s32 s10, $0x1;
	s10 =	sld [smem:$0x3FAA];
	_ =	sdelay $0x3  }
0x37: {  	[smem:$0x3FAA] =	sst s10  }
0x38: {  	s10 =	sld [smem:$0x3FAB]  }
0x39: {  	_ = 	snop;
	(pc) =	sbr.ind lr, $3  }
0x3a: {  	_ = 	snop  }
0x3b: {  	_ = 	snop  }
0x3c: {  	p2 =	seq.s32 s10, $0x1;
	s10 =	sld [smem:$0x3FAA]  }
0x3d: {  	_ =	shalt  }
0x3e: {  	_ =	shalt  }
0x3f: {  	_ =	shalt  }
0x40: {  	_ =	shalt  }
0x41: {  	_ =	shalt  }
0x42: {  	_ =	shalt  }
0x43: {  	_ =	shalt  }
0x44: {  	_ =	shalt  }
0x45: {  	_ =	shalt  }
0x46: {  	_ =	shalt  }
0x47: {  	_ =	shalt  }
0x48: {  	_ =	shalt  }
0x49: {  	_ =	shalt  }
0x4a: {  	_ =	shalt  }
0x4b: {  	_ =	shalt  }
0x4c: {  	_ =	shalt  }
0x4d: {  	_ =	shalt  }
0x4e: {  	_ =	shalt  }
0x4f: {  	_ =	shalt  }
0x50: {  	_ =	shalt  }
0x51: {  	_ =	shalt  }
0x52: {  	_ =	shalt  }
0x53: {  	_ =	shalt  }
0x54: {  	_ =	shalt  }
0x55: {  	_ =	shalt  }
0x56: {  	_ =	shalt  }
0x57: {  	_ =	shalt  }
0x58: {  	_ =	shalt  }
0x59: {  	_ =	shalt  }
0x5a: {  	_ =	shalt  }
0x5b: {  	_ =	shalt  }
0x5c: {  	_ =	shalt  }
0x5d: {  	_ =	shalt  }
0x5e: {  	_ =	shalt  }
0x5f: {  	_ =	shalt  }
0x60: {  	_ =	shalt  }
0x61: {  	_ =	shalt  }
0x62: {  	_ =	shalt  }
0x63: {  	_ =	shalt  }
0x64: {  	_ =	shalt  }
0x65: {  	_ =	shalt  }
0x66: {  	_ =	shalt  }
0x67: {  	_ =	shalt  }
0x68: {  	_ =	shalt  }
0x69: {  	_ =	shalt  }
0x6a: {  	_ =	shalt  }
0x6b: {  	_ =	shalt  }
0x6c: {  	_ =	shalt  }
0x6d: {  	_ =	shalt  }
0x6e: {  	_ =	shalt  }
0x6f: {  	_ =	shalt  }
0x70: {  	_ =	shalt  }
0x71: {  	_ =	shalt  }
0x72: {  	_ =	shalt  }
0x73: {  	_ =	shalt  }
0x74: {  	_ =	shalt  }
0x75: {  	_ =	shalt  }
0x76: {  	_ =	shalt  }
0x77: {  	_ =	shalt  }
0x78: {  	_ =	shalt  }
0x79: {  	_ =	shalt  }
0x7a: {  	_ =	shalt  }
0x7b: {  	_ =	shalt  }
0x7c: {  	_ =	shalt  }
0x7d: {  	_ =	shalt  }
0x7e: {  	_ =	shalt  }
0x7f: {  	_ =	shalt  }
0x80: {  	_ =	shalt  }
0x81: {  	_ =	shalt  }
0x82: {  	_ =	shalt  }
0x83: {  	_ =	shalt  }
0x84: {  	_ =	shalt  }
0x85: {  	_ =	shalt  }
0x86: {  	_ =	shalt  }
0x87: {  	_ =	shalt  }
.Lfunc_end0:
.L_simem_size_0:
called_computation_lowered:
.L_overlay_start_0:
0x88: {  	s2 =	sld [smem:$0x3FD9]  }
0x89: {  	s3 =	sld [smem:$0x3FFE];
	_ =	sdelay $0x1  }
0x8a: {  	s1 =	srdreg.scid  }
0x8b: {  	s0 =	sand.u32 $0x1, s1  }
0x8c: {  	s17 =	sshll.u32 s0, $0xA;
	s2 =	sadd.s32 s3, s2  }
0x8d: {  	s2 =	sadd.s32 s2, s17  }
0x8e: {  	[smem:$0x3FB6] =	sst s2  }
0x8f: {  	_ = 	snop  }
0x90: {  	s2 =	sld [smem:$0x3FC8]  }
0x91: {  	s18 =	sld [smem:$0x3FC6];
	(tm) =	ssettm $0x1  }
0x92: {  	s4 =	sld [smem:$0x3FFB];
	_ =	sdelay $0x3  }
0x93: {  	_ =	strace s4  }
0x94: {  	s4 =	sld [smem:$0x3FFC];
	_ =	sdelay $0x3  }
0x95: {  	_ =	strace s4  }
0x96: {  	s4 =	sld [smem:$0x3FFD];
	_ =	sdelay $0x3  }
0x97: {  	_ =	strace s4  }
0x98: {  	_ =	strace $0x8FFFFFFF  }
0x99: {  	s19 =	sld [smem:$0x3FDB];
	_ =	sdelay $0x1  }
0x9a: {  	s5 =	simm.s32 $_scs_section_size  }
0x9b: {  	s6 =	simm.s32 $_size__tile_overlayer_lowered;
	s7 =	simm.s32 $_tile_overlayer_lowered  }
0x9c: {  	s22 =	simm.s32 $0x1BFF;
	s21 =	sshll.u32 s7, $0x1;
	s4 =	sadd.s32 s5, s19  }
0x9d: {  	s8 =	simm.s32 $0x0;
	s20 =	sshll.u32 s6, $0x1;
	s6 =	sadd.s32 s21, s4  }
0x9e: {  	[timem:s8], [sflag:s22] =	dma.local [hbm:s6], s20  }
0x9f: {  	_ =	swait.ge [sflag:s22], s20  }
0xa0: {  	s5 =	ssub.s32 $0x0, s20;
	[sflag:s22] =	ssyncset.done $0x0  }
0xa1: {  	[sflag:s22] =	ssyncadd.s32 s5;
	_ =	sdelay $0x1  }
0xa2: {  	s23 =	simm.s32 $0x1B8B  }
0xa3: {  	_ =	swait.ge [sflag:s23], $0x1  }
0xa4: {  	[sflag:s23] =	ssyncset.done $0x0  }
0xa5: {  	s25 =	simm.s32 $0x1B8E;
	s24 =	sld [smem:$0x3FFE];
	[sflag:s23] =	ssyncadd.s32 $0xFFFFFFFF  }
0xa6: {  	s26 =	simm.s32 $execute0_lowered;
	[smem:$0x3FD2] =	sst s25  }
0xa7: {  	s6 =	sshll.u32 s26, $0x1;
	_ =	strace $0x80000046;
	[dreg:$0x1] =	wrdreg $0xFFFFFFFF  }
0xa8: {  	s28 =	simm.s32 $_size_execute0_lowered;
	s4 =	sadd.s32 s4, s6;
	[dreg:$0x0] =	wrdreg $0x0  }
0xa9: {  	s6 =	sshll.u32 s28, $0x1;
	[dreg:$0x2] =	wrdreg s4  }
0xaa: {  	[dreg:$0x3] =	wrdreg s6  }
0xab: {  	[dreg:$0x4] =	wrdreg $0xC0  }
0xac: {  	_ =	task [dreg:s8], $0x5FFFF  }
0xad: {  	[dreg:$0x1] =	wrdreg $0xFFFFFFFF  }
0xae: {  	[dreg:$0x0] =	wrdreg $0x60  }
0xaf: {  	[dreg:$0x2] =	wrdreg s2  }
0xb0: {  	[dreg:$0x3] =	wrdreg s18  }
0xb1: {  	[dreg:$0x4] =	wrdreg s24  }
0xb2: {  	[dreg:$0x5] =	wrdreg $0xF4000  }
0xb3: {  	[dreg:$0x6] =	wrdreg $0x9  }
0xb4: {  	_ =	task.clear_ibuf [dreg:s8], $0x7FFFF;
	_ =	strace $0x90000046  }
0xb5: {  	s29 =	simm.s32 $0x9;
	_ =	strace $0x80000048  }
0xb6: {  	_ =	swait.ge [sflag:s29], $0x1  }
0xb7: {  	[sflag:s29] =	ssyncadd.s32 $0xFFFFFFFF  }
0xb8: {  	_ =	strace $0x90000048  }
0xb9: {  	_ =	sfence  }
0xba: {  	s30 =	sld [smem:$0x0];
	_ =	sdelay $0x2  }
0xbb: {  	s31 =	sshll.u32 s1, $0xD;
	s1 =	sshrl.u32 s1, $0x2  }
0xbc: {  	s3 =	sand.u32 $0x4000, s31;
	s1 =	sadd.s32 s1, s30  }
0xbd: {  	s0 =	sor.u32 s3, s0;
	s1 =	sshll.u32 s1, $0x11  }
0xbe: {  	s0 =	sor.u32 s1, s0  }
0xbf: {  	s0 =	sadd.s32 $0x8F2B, s0  }
0xc0: {  	[sflag:s0] =	ssyncadd.remote.s32 $0x1  }
0xc1: {  	_ =	sfence.sel $0xFFFF  }
0xc2: {  	[dreg:$0x0] =	wrdreg $0xFFFFFFFF;
	(pc) =	sbr.abs _section_cstart, $3  }
0xc3: {  	[dreg:$0x1] =	wrdreg $0xFFFFFFFF  }
0xc4: {  	_ =	task.clear_ibuf [dreg:s8], $0x2FFFF;
	_ =	strace $0x9FFFFFFF  }
0xc5: {  	(tm) =	ssettm $0x7FFFFFFF  }
tec
execute0_lowered:
.L_overlay_start_1:
0x0: {  	(tag) =	ssettag $0x1  }
0x1: {  	v0 =	vlaneseq.u32  }
0x2: {  	s8 =	rddreg [dreg:$0x0];
	v0 =	vmul.u32 $0x8, v0  }
0x3: {  	s7 =	rddreg [dreg:$0x1];
	v2 =	vimm.f32 $1.000000000e+00  }
0x4: {  	s6 =	rddreg [dreg:$0x2];
	s2 =	srdreg.scid;
	v1 =	vor.u32 $0x4, v0;
	v3 =	vor.u32 $0x84, v0;
	v4 =	vor.u32 $0x104, v0  }
0x5: {  	s1 =	rddreg [dreg:$0x3];
	s4 =	sand.u32 $0x1, s2;
	v5 =	vor.u32 $0x184, v0;
	v6 =	vor.u32 $0x204, v0;
	v7 =	vor.u32 $0x284, v0  }
0x6: {  	s3 =	simm.s32 $0x0;
	s2 =	stileid.u32;
	s9 =	smul.u32 $0x6000, s4;
	v8 =	vor.u32 $0x304, v0;
	v9 =	vor.u32 $0x384, v0;
	v10 =	vor.u32 $0x80, v0  }
0x7: {  	[smem:$0x7FF] =	sst s3;
	s5 =	sadd.s32 $0x3400, s6;
	s10 =	smul.u32 $0x3000, s2;
	v11 =	vor.u32 $0x100, v0;
	v12 =	vor.u32 $0x180, v0;
	v13 =	vor.u32 $0x200, v0  }
0x8: {  	s0 =	rddreg [dreg:$0x4];
	_ =	strace $0x80000047;
	s12 =	smul.u32 $0x600, s4;
	v14 =	vor.u32 $0x280, v0;
	v15 =	vor.u32 $0x300, v0;
	v16 =	vor.u32 $0x380, v0  }
0x9: {  	s11 =	ssub.s32 $0x2, s4;
	s4 =	sadd.s32 $0x3200, s6;
	s14 =	smul.u32 $0x60, s2;
	v17 =	vor.u32 $0x1, v0;
	v18 =	vor.u32 $0x81, v0;
	v19 =	vor.u32 $0x101, v0  }
0xa: {  	s31 =	sshll.u32 s2, $0x6;
	s13 =	sshrl.u32 s11, $0x1;
	v20 =	vor.u32 $0x181, v0;
	v21 =	vor.u32 $0x201, v0;
	v22 =	vor.u32 $0x281, v0;
	s9 =	sadd.s32 s9, s6  }
0xb: {  	v23 =	vor.u32 $0x301, v0;
	v24 =	vor.u32 $0x381, v0;
	v25 =	vor.u32 $0x2, v0;
	s11 =	ssub.s32 s11, s13;
	s30 =	sadd.s32 s10, s1;
	s12 =	sadd.s32 s14, s12  }
0xc: {  	v26 =	vor.u32 $0x82, v0;
	v27 =	vor.u32 $0x102, v0;
	v28 =	vor.u32 $0x182, v0;
	s6 =	sor.u32 $0x1C01, s31;
	s16 =	sshrl.u32 s10, $0x3;
	s13 =	simm.s32 $0x3000  }
0xd: {  	v29 =	vor.u32 $0x202, v0;
	v30 =	vor.u32 $0x282, v0;
	v31 =	vor.u32 $0x302, v0;
	s14 =	sshll.u32 s12, $0x4;
	s12 =	sshll.u32 s12, $0x6;
	s15 =	sadd.s32 $0x3A00, s9  }
0xe: {  	v32 =	vor.u32 $0x382, v0;
	v33 =	vor.u32 $0x3, v0;
	v34 =	vor.u32 $0x83, v0;
	s9 =	smax.u32 s11, $0x1;
	s10 =	sshrl.u32 s30, $0x3;
	s11 =	simm.s32 $0x1  }
0xf: {  	v35 =	vor.u32 $0x103, v0;
	v36 =	vor.u32 $0x183, v0;
	v37 =	vor.u32 $0x203, v0;
	s7 =	sadd.s32 s7, s14;
	s8 =	sadd.s32 s8, s12;
	s12 =	simm.s32 $0xF000  }
0x10: {  	v38 =	vor.u32 $0x283, v0;
	v39 =	vor.u32 $0x303, v0;
	v40 =	vor.u32 $0x383, v0;
	s14 =	simm.s32 $0x80;
	s15 =	sadd.s32 s16, s15;
	s16 =	simm.s32 $0x0  }
.LBB2_1:
0x11: {  	[spmem:s10], [sflag:s6] =	dma.local [hbm:s5], $0x600  }
0x12: {  	_ =	swait.ge [sflag:s11], $0x600  }
0x13: {  	[sflag:s11] =	ssyncset.done $0x0  }
0x14: {  	[sflag:s11] =	ssyncadd.s32 $0xFFFFFA00  }
0x15: {  	[tilespmem:s12], [sflag:$0x1] =	stream.linear.gather [hbm4b:s4+s3], $0x400, $0x38;
	[tilespmem:$0x12400] =	vst v63  }
0x16: {  	_ =	swait.ge [sflag:s11], $0x400  }
0x17: {  	[sflag:s11] =	ssyncset.done $0x0  }
0x18: {  	[sflag:s11] =	ssyncadd.s32 $0xFFFFFC00  }
0x19: {  	[tilespmem:v1+s12+$0x0] =	vst.idx.msk $0xffff, v2  }
0x1a: {  	[tilespmem:v3+s12+$0x0] =	vst.idx.msk $0xffff, v2  }
0x1b: {  	[tilespmem:v4+s12+$0x0] =	vst.idx.msk $0xffff, v2  }
0x1c: {  	[tilespmem:v5+s12+$0x0] =	vst.idx.msk $0xffff, v2  }
0x1d: {  	[tilespmem:v6+s12+$0x0] =	vst.idx.msk $0xffff, v2  }
0x1e: {  	[tilespmem:v7+s12+$0x0] =	vst.idx.msk $0xffff, v2  }
0x1f: {  	[tilespmem:v8+s12+$0x0] =	vst.idx.msk $0xffff, v2  }
0x20: {  	[tilespmem:v9+s12+$0x0] =	vst.idx.msk $0xffff, v2  }
0x21: {  	[tilespmem:s3], [sflag:$0x1] =	stream.linear.gather [hbm4b:s7+s3], $0x3000, $0x38;
	[tilespmem:$0x12400] =	vst v63  }
0x22: {  	_ =	swait.ge [sflag:s11], $0x3000  }
0x23: {  	[sflag:s11] =	ssyncset.done $0x0  }
0x24: {  	[sflag:s11] =	ssyncadd.s32 $0xFFFFD000  }
0x25: {  	[tilespmem:s13], [sflag:$0x1] =	stream.linear.gather [hbm4b:s8+s3], $0xC000, $0x38;
	[tilespmem:$0x12400] =	vst v63  }
0x26: {  	_ =	swait.ge [sflag:s11], $0xC000  }
0x27: {  	[sflag:s11] =	ssyncset.done $0x0  }
0x28: {  	[sflag:s11] =	ssyncadd.s32 $0xFFFF4000  }
0x29: {  	s17 =	simm.s32 $0x3100;
	[bflag:$0x0] =	sbarrier.arrive $0xFFFF  }
0x2a: {  	v41 =	vld [tilespmem:s17+$0xFFFFFF00];
	_ =	sdelay $0x4  }
0x2b: {  	[tilespmem:v0+s12+$0x0] =	vst.idx.msk $0xffff, v41  }
0x2c: {  	v41 =	vld [tilespmem:s17+$0xFFFFFF10];
	_ =	sdelay $0x4  }
0x2d: {  	[tilespmem:v10+s12+$0x0] =	vst.idx.msk $0xffff, v41  }
0x2e: {  	v41 =	vld [tilespmem:s17+$0xFFFFFF20];
	_ =	sdelay $0x4  }
0x2f: {  	[tilespmem:v11+s12+$0x0] =	vst.idx.msk $0xffff, v41  }
0x30: {  	v41 =	vld [tilespmem:s17+$0xFFFFFF30];
	_ =	sdelay $0x4  }
0x31: {  	[tilespmem:v12+s12+$0x0] =	vst.idx.msk $0xffff, v41  }
0x32: {  	v41 =	vld [tilespmem:s17+$0xFFFFFF40];
	_ =	sdelay $0x4  }
0x33: {  	[tilespmem:v13+s12+$0x0] =	vst.idx.msk $0xffff, v41  }
0x34: {  	v41 =	vld [tilespmem:s17+$0xFFFFFF50];
	_ =	sdelay $0x4  }
0x35: {  	[tilespmem:v14+s12+$0x0] =	vst.idx.msk $0xffff, v41  }
0x36: {  	v41 =	vld [tilespmem:s17+$0xFFFFFF60];
	_ =	sdelay $0x4  }
0x37: {  	[tilespmem:v15+s12+$0x0] =	vst.idx.msk $0xffff, v41  }
0x38: {  	v41 =	vld [tilespmem:s17+$0xFFFFFF70];
	_ =	sdelay $0x4  }
0x39: {  	[tilespmem:v16+s12+$0x0] =	vst.idx.msk $0xffff, v41  }
0x3a: {  	v41 =	vld [tilespmem:s17+$0xFFFFFF80];
	_ =	sdelay $0x4  }
0x3b: {  	[tilespmem:v17+s12+$0x0] =	vst.idx.msk $0xffff, v41  }
0x3c: {  	v41 =	vld [tilespmem:s17+$0xFFFFFF90];
	_ =	sdelay $0x4  }
0x3d: {  	[tilespmem:v18+s12+$0x0] =	vst.idx.msk $0xffff, v41  }
0x3e: {  	v41 =	vld [tilespmem:s17+$0xFFFFFFA0];
	_ =	sdelay $0x4  }
0x3f: {  	[tilespmem:v19+s12+$0x0] =	vst.idx.msk $0xffff, v41  }
0x40: {  	v41 =	vld [tilespmem:s17+$0xFFFFFFB0];
	_ =	sdelay $0x4  }
0x41: {  	[tilespmem:v20+s12+$0x0] =	vst.idx.msk $0xffff, v41  }
0x42: {  	v41 =	vld [tilespmem:s17+$0xFFFFFFC0];
	_ =	sdelay $0x4  }
0x43: {  	[tilespmem:v21+s12+$0x0] =	vst.idx.msk $0xffff, v41  }
0x44: {  	v41 =	vld [tilespmem:s17+$0xFFFFFFD0];
	_ =	sdelay $0x4  }
0x45: {  	[tilespmem:v22+s12+$0x0] =	vst.idx.msk $0xffff, v41  }
0x46: {  	v41 =	vld [tilespmem:s17+$0xFFFFFFE0];
	_ =	sdelay $0x4  }
0x47: {  	[tilespmem:v23+s12+$0x0] =	vst.idx.msk $0xffff, v41  }
0x48: {  	v41 =	vld [tilespmem:s17+$0xFFFFFFF0];
	_ =	sdelay $0x4  }
0x49: {  	[tilespmem:v24+s12+$0x0] =	vst.idx.msk $0xffff, v41  }
0x4a: {  	v41 =	vld [tilespmem:s17+$0x0];
	_ =	sdelay $0x4  }
0x4b: {  	[tilespmem:v25+s12+$0x0] =	vst.idx.msk $0xffff, v41  }
0x4c: {  	v41 =	vld [tilespmem:s17+$0x10];
	_ =	sdelay $0x4  }
0x4d: {  	[tilespmem:v26+s12+$0x0] =	vst.idx.msk $0xffff, v41  }
0x4e: {  	v41 =	vld [tilespmem:s17+$0x20];
	_ =	sdelay $0x4  }
0x4f: {  	[tilespmem:v27+s12+$0x0] =	vst.idx.msk $0xffff, v41  }
0x50: {  	v41 =	vld [tilespmem:s17+$0x30];
	_ =	sdelay $0x4  }
0x51: {  	[tilespmem:v28+s12+$0x0] =	vst.idx.msk $0xffff, v41  }
0x52: {  	v41 =	vld [tilespmem:s17+$0x40];
	_ =	sdelay $0x4  }
0x53: {  	[tilespmem:v29+s12+$0x0] =	vst.idx.msk $0xffff, v41  }
0x54: {  	v41 =	vld [tilespmem:s17+$0x50];
	_ =	sdelay $0x4  }
0x55: {  	[tilespmem:v30+s12+$0x0] =	vst.idx.msk $0xffff, v41  }
0x56: {  	v41 =	vld [tilespmem:s17+$0x60];
	_ =	sdelay $0x4  }
0x57: {  	[tilespmem:v31+s12+$0x0] =	vst.idx.msk $0xffff, v41  }
0x58: {  	v41 =	vld [tilespmem:s17+$0x70];
	_ =	sdelay $0x4  }
0x59: {  	[tilespmem:v32+s12+$0x0] =	vst.idx.msk $0xffff, v41  }
0x5a: {  	v41 =	vld [tilespmem:s17+$0x80];
	_ =	sdelay $0x4  }
0x5b: {  	[tilespmem:v33+s12+$0x0] =	vst.idx.msk $0xffff, v41  }
0x5c: {  	v41 =	vld [tilespmem:s17+$0x90];
	_ =	sdelay $0x4  }
0x5d: {  	[tilespmem:v34+s12+$0x0] =	vst.idx.msk $0xffff, v41  }
0x5e: {  	v41 =	vld [tilespmem:s17+$0xA0];
	_ =	sdelay $0x4  }
0x5f: {  	[tilespmem:v35+s12+$0x0] =	vst.idx.msk $0xffff, v41  }
0x60: {  	v41 =	vld [tilespmem:s17+$0xB0];
	_ =	sdelay $0x4  }
0x61: {  	[tilespmem:v36+s12+$0x0] =	vst.idx.msk $0xffff, v41  }
0x62: {  	v41 =	vld [tilespmem:s17+$0xC0];
	_ =	sdelay $0x4  }
0x63: {  	[tilespmem:v37+s12+$0x0] =	vst.idx.msk $0xffff, v41  }
0x64: {  	v41 =	vld [tilespmem:s17+$0xD0];
	_ =	sdelay $0x4  }
0x65: {  	[tilespmem:v38+s12+$0x0] =	vst.idx.msk $0xffff, v41  }
0x66: {  	v41 =	vld [tilespmem:s17+$0xE0];
	_ =	sdelay $0x4  }
0x67: {  	[tilespmem:v39+s12+$0x0] =	vst.idx.msk $0xffff, v41  }
0x68: {  	v41 =	vld [tilespmem:s17+$0xF0];
	_ =	sdelay $0x4  }
0x69: {  	s18 =	simm.s32 $0x0;
	[tilespmem:v40+s12+$0x0] =	vst.idx.msk $0xffff, v41  }
0x6a: {  	[spmem:s1] =	stream.indirect.scatter.add.f32 [tilespmem:s12], [sflag:$0x1], $0x8, s18, s14, $0xb8;
	[tilespmem:$0x12400] =	vst v63  }
0x6b: {  	_ =	swait.ge [sflag:s11], $0x400  }
0x6c: {  	s18 =	simm.s32 $0x200;
	[sflag:s11] =	ssyncset.done $0x0  }
.LBB2_2:
0x6d: {  	p0 =	sne.s32 s18, $0xBE00;
	[sflag:s11] =	ssyncadd.s32 $0xFFFFFC00;
	s17 =	sadd.s32 $0x200, s17  }
0x6e: {  	s19 =	smov.u32 s18;
	s18 =	sadd.s32 $0x200, s18;
	v41 =	vld [tilespmem:s17+$0xFFFFFF00];
	_ =	sdelay $0x4  }
0x6f: {  	[tilespmem:v0+s12+$0x0] =	vst.idx.msk $0xffff, v41  }
0x70: {  	v41 =	vld [tilespmem:s17+$0xFFFFFF10];
	_ =	sdelay $0x4  }
0x71: {  	[tilespmem:v10+s12+$0x0] =	vst.idx.msk $0xffff, v41  }
0x72: {  	v41 =	vld [tilespmem:s17+$0xFFFFFF20];
	_ =	sdelay $0x4  }
0x73: {  	[tilespmem:v11+s12+$0x0] =	vst.idx.msk $0xffff, v41  }
0x74: {  	v41 =	vld [tilespmem:s17+$0xFFFFFF30];
	_ =	sdelay $0x4  }
0x75: {  	[tilespmem:v12+s12+$0x0] =	vst.idx.msk $0xffff, v41  }
0x76: {  	v41 =	vld [tilespmem:s17+$0xFFFFFF40];
	_ =	sdelay $0x4  }
0x77: {  	[tilespmem:v13+s12+$0x0] =	vst.idx.msk $0xffff, v41  }
0x78: {  	v41 =	vld [tilespmem:s17+$0xFFFFFF50];
	_ =	sdelay $0x4  }
0x79: {  	[tilespmem:v14+s12+$0x0] =	vst.idx.msk $0xffff, v41  }
0x7a: {  	v41 =	vld [tilespmem:s17+$0xFFFFFF60];
	_ =	sdelay $0x4  }
0x7b: {  	[tilespmem:v15+s12+$0x0] =	vst.idx.msk $0xffff, v41  }
0x7c: {  	v41 =	vld [tilespmem:s17+$0xFFFFFF70];
	_ =	sdelay $0x4  }
0x7d: {  	[tilespmem:v16+s12+$0x0] =	vst.idx.msk $0xffff, v41  }
0x7e: {  	v41 =	vld [tilespmem:s17+$0xFFFFFF80];
	_ =	sdelay $0x4  }
0x7f: {  	[tilespmem:v17+s12+$0x0] =	vst.idx.msk $0xffff, v41  }
0x80: {  	v41 =	vld [tilespmem:s17+$0xFFFFFF90];
	_ =	sdelay $0x4  }
0x81: {  	[tilespmem:v18+s12+$0x0] =	vst.idx.msk $0xffff, v41  }
0x82: {  	v41 =	vld [tilespmem:s17+$0xFFFFFFA0];
	_ =	sdelay $0x4  }
0x83: {  	[tilespmem:v19+s12+$0x0] =	vst.idx.msk $0xffff, v41  }
0x84: {  	v41 =	vld [tilespmem:s17+$0xFFFFFFB0];
	_ =	sdelay $0x4  }
0x85: {  	[tilespmem:v20+s12+$0x0] =	vst.idx.msk $0xffff, v41  }
0x86: {  	v41 =	vld [tilespmem:s17+$0xFFFFFFC0];
	_ =	sdelay $0x4  }
0x87: {  	[tilespmem:v21+s12+$0x0] =	vst.idx.msk $0xffff, v41  }
0x88: {  	v41 =	vld [tilespmem:s17+$0xFFFFFFD0];
	_ =	sdelay $0x4  }
0x89: {  	[tilespmem:v22+s12+$0x0] =	vst.idx.msk $0xffff, v41  }
0x8a: {  	v41 =	vld [tilespmem:s17+$0xFFFFFFE0];
	_ =	sdelay $0x4  }
0x8b: {  	[tilespmem:v23+s12+$0x0] =	vst.idx.msk $0xffff, v41  }
0x8c: {  	v41 =	vld [tilespmem:s17+$0xFFFFFFF0];
	_ =	sdelay $0x4  }
0x8d: {  	[tilespmem:v24+s12+$0x0] =	vst.idx.msk $0xffff, v41  }
0x8e: {  	v41 =	vld [tilespmem:s17+$0x0];
	_ =	sdelay $0x4  }
0x8f: {  	[tilespmem:v25+s12+$0x0] =	vst.idx.msk $0xffff, v41  }
0x90: {  	v41 =	vld [tilespmem:s17+$0x10];
	_ =	sdelay $0x4  }
0x91: {  	[tilespmem:v26+s12+$0x0] =	vst.idx.msk $0xffff, v41  }
0x92: {  	v41 =	vld [tilespmem:s17+$0x20];
	_ =	sdelay $0x4  }
0x93: {  	[tilespmem:v27+s12+$0x0] =	vst.idx.msk $0xffff, v41  }
0x94: {  	v41 =	vld [tilespmem:s17+$0x30];
	_ =	sdelay $0x4  }
0x95: {  	[tilespmem:v28+s12+$0x0] =	vst.idx.msk $0xffff, v41  }
0x96: {  	v41 =	vld [tilespmem:s17+$0x40];
	_ =	sdelay $0x4  }
0x97: {  	[tilespmem:v29+s12+$0x0] =	vst.idx.msk $0xffff, v41  }
0x98: {  	v41 =	vld [tilespmem:s17+$0x50];
	_ =	sdelay $0x4  }
0x99: {  	[tilespmem:v30+s12+$0x0] =	vst.idx.msk $0xffff, v41  }
0x9a: {  	v41 =	vld [tilespmem:s17+$0x60];
	_ =	sdelay $0x4  }
0x9b: {  	[tilespmem:v31+s12+$0x0] =	vst.idx.msk $0xffff, v41  }
0x9c: {  	v41 =	vld [tilespmem:s17+$0x70];
	_ =	sdelay $0x4  }
0x9d: {  	[tilespmem:v32+s12+$0x0] =	vst.idx.msk $0xffff, v41  }
0x9e: {  	v41 =	vld [tilespmem:s17+$0x80];
	_ =	sdelay $0x4  }
0x9f: {  	[tilespmem:v33+s12+$0x0] =	vst.idx.msk $0xffff, v41  }
0xa0: {  	v41 =	vld [tilespmem:s17+$0x90];
	_ =	sdelay $0x4  }
0xa1: {  	[tilespmem:v34+s12+$0x0] =	vst.idx.msk $0xffff, v41  }
0xa2: {  	v41 =	vld [tilespmem:s17+$0xA0];
	_ =	sdelay $0x4  }
0xa3: {  	[tilespmem:v35+s12+$0x0] =	vst.idx.msk $0xffff, v41  }
0xa4: {  	v41 =	vld [tilespmem:s17+$0xB0];
	_ =	sdelay $0x4  }
0xa5: {  	[tilespmem:v36+s12+$0x0] =	vst.idx.msk $0xffff, v41  }
0xa6: {  	v41 =	vld [tilespmem:s17+$0xC0];
	_ =	sdelay $0x4  }
0xa7: {  	[tilespmem:v37+s12+$0x0] =	vst.idx.msk $0xffff, v41  }
0xa8: {  	v41 =	vld [tilespmem:s17+$0xD0];
	_ =	sdelay $0x4  }
0xa9: {  	[tilespmem:v38+s12+$0x0] =	vst.idx.msk $0xffff, v41  }
0xaa: {  	v41 =	vld [tilespmem:s17+$0xE0];
	_ =	sdelay $0x4  }
0xab: {  	[tilespmem:v39+s12+$0x0] =	vst.idx.msk $0xffff, v41  }
0xac: {  	v41 =	vld [tilespmem:s17+$0xF0];
	_ =	sdelay $0x3  }
.Ltmp0:
0xad: {  	(pc) =	sbr.rel @p0 .LBB2_2-.Ltmp0, $4  }
0xae: {  	s19 =	sshra.s32 s19, $0x2;
	[tilespmem:v40+s12+$0x0] =	vst.idx.msk $0xffff, v41  }
0xaf: {  	[spmem:s1] =	stream.indirect.scatter.add.f32 [tilespmem:s12], [sflag:$0x1], $0x8, s19, s14, $0xb8;
	[tilespmem:$0x12400] =	vst v63  }
0xb0: {  	_ =	swait.ge [sflag:s11], $0x400  }
0xb1: {  	[sflag:s11] =	ssyncset.done $0x0  }
0xb2: {  	s16 =	sadd.s32 $0x1, s16  }
0xb3: {  	[sflag:s11] =	ssyncadd.s32 $0xFFFFFC00;
	p0 =	sne.s32 s16, s9  }
.Ltmp1:
0xb4: {  	[bflag:$0x0] =	sbarrier.arrive $0xFFFF;
	(pc) =	sbr.rel @p0 .LBB2_1-.Ltmp1, $4  }
0xb5: {  	[hbm:s15], [sflag:s6] =	dma.local [spmem:s10], $0x600  }
0xb6: {  	_ =	swait.ge [sflag:s11], $0x600  }
0xb7: {  	[sflag:s11] =	ssyncset.done $0x0  }
0xb8: {  	[sflag:s11] =	ssyncadd.s32 $0xFFFFFA00  }
0xb9: {  	_ =	sfence.sel $0x180000  }
0xba: {  	[bflag:$0x0] =	sbarrier.arrive $0xFFFF  }
0xbb: {  	p0 =	sne.s32 s2, $0x0;
	_ =	strace $0x90000047  }
0xbc: {  	s0 =	sadd.s32 @!p0 $0x100000, s0;
	[bflag:$0x2] =	sbarrier.arrive $0xFFFF  }
0xbd: {  	[sflag:s0] =	ssyncadd.tile.s32 @!p0 $0x1;
	_ =	shalt  }
.Lfunc_end2:
_tile_overlayer_lowered:
.L_overlay_start_2:
0xbe: {  	(tag) =	ssettag $0x2  }
0xbf: {  	s0 =	rddreg [dreg:$0x0];
	s2 =	stileid.u32  }
0xc0: {  	s1 =	rddreg [dreg:$0x1];
	p0 =	sne.s32 s2, $0x0  }
0xc1: {  	s3 =	rddreg [dreg:$0x2];
	[bflag:$0x3] =	sbarrier.arrive $0xFFFF;
	s2 =	simm.s32 @!p0 $0x1C01  }
0xc2: {  	[timem:s3], [sflag:s2] =	dma.local @!p0 [hbm:s0], s1  }
0xc3: {  	s0 =	simm.s32 @!p0 $0x1  }
0xc4: {  	_ =	swait.ge @!p0 [sflag:s0], s1  }
0xc5: {  	s1 =	ssub.s32 @!p0 $0x0, s1;
	[sflag:s0] =	ssyncset.done @!p0 $0x0  }
0xc6: {  	[sflag:s0] =	ssyncadd.s32 @!p0 s1  }
0xc7: {  	[bflag:$0x3] =	sbarrier.arrive $0xFFFF  }
0xc8: {  	_ =	shalt  }

// kernel: kernel.16.cloned.1.call-start
scs
__scs_entry_jumppad:
0x0: {  	(pc) =	sbr.rel $0x88, $3  }
0x1: {  	(tag) =	ssettag $0x0;
	lr =	simm.s32 $0x1  }
0x2: {  	[smem:$0x3F8F] =	sst lr;
	_ =	strace $0xD0000000  }
0x3: {  	_ = 	snop  }
0x4: {  	_ = 	snop  }
0x5: {  	_ = 	snop  }
0x6: {  	_ = 	snop  }
0x7: {  	_ = 	snop  }
__scs_overlays_trampoline_lowered:
0x8: {  	[smem:$0x3F9E] =	sst s0  }
0x9: {  	[smem:$0x3F9F] =	sst s1  }
0xa: {  	[smem:$0x3FA0] =	sst s2  }
0xb: {  	[smem:$0x3FA1] =	sst s3  }
0xc: {  	[smem:$0x3FA2] =	sst s4  }
0xd: {  	[smem:$0x3FA3] =	sst s5  }
0xe: {  	[smem:$0x3FA4] =	sst s6  }
0xf: {  	[smem:$0x3FA5] =	sst s7  }
0x10: {  	[smem:$0x3FA6] =	sst s8  }
0x11: {  	[smem:$0x3FA7] =	sst s9;
	s0 =	simm.s32 @!p0 $0x0  }
0x12: {  	s1 =	sld [smem:$0x3F8D];
	s0 =	simm.s32 @p0 $0x1  }
0x13: {  	[smem:$0x3FA8] =	sst s0;
	s0 =	simm.s32 @!p1 $0x0  }
0x14: {  	s2 =	sld [smem:$0x3F8C];
	s0 =	simm.s32 @p1 $0x1  }
0x15: {  	[smem:$0x3FA9] =	sst s0;
	s0 =	simm.s32 @!p2 $0x0  }
0x16: {  	s3 =	sld [smem:$0x3FDB];
	s0 =	simm.s32 @p2 $0x1  }
0x17: {  	s4 =	simm.s32 $0x1BF5;
	[smem:$0x3FAB] =	sst s0  }
0x18: {  	s0 =	sld [smem:$0x3F8E];
	_ =	swait.ge [sflag:s4], $0x0  }
0x19: {  	s7 =	sld [smem:$0x3F8F]  }
0x1a: {  	s8 =	sadd.s32 $0xFFFFE003, lr  }
0x1b: {  	s9 =	sadd.s32 $0xFFFFFEF7, lr;
	s5 =	simm.s32 $0xFFFFFFFF;
	p2 =	slt.u32 s8, $0xFFFFF086  }
0x1c: {  	p1 =	slt.u32 s9, $0xF7A;
	s5 =	simm.s32 @!p2 $0x0  }
0x1d: {  	s5 =	simm.s32 @p1 $0x1;
	p0 =	seq.s32 s7, s2  }
0x1e: {  	s7 =	smul.u32 @!p0 $0xF7A, s2;
	p2 =	seq.s32 @!p0 s5, $0x0  }
0x1f: {  	s9 =	smul.u32 $0xF7A, s1;
	s8 =	simm.s32 @!p0 $0x1BF5;
	p2 =	por !p2, p0  }
0x20: {  	[sflag:s8] =	ssyncset.s32 @!p0 $0xFFFFF086;
	s6 =	sadd.s32 @!p0 s3, s7;
	s7 =	simm.s32 @!p0 $0x108  }
0x21: {  	s3 =	sadd.s32 s3, s9;
	s6 =	sadd.s32 @!p0 $0x88, s6;
	s7 =	simm.s32 @p2 $0x1082  }
0x22: {  	[simem:s7], [sflag:s8] =	dma.local @!p0 [hbm:s6], $0xF7A  }
0x23: {  	s9 =	sor.u32 $0xD0000000, s2;
	s6 =	simm.s32 $0x108;
	_ =	swait.ge @!p0 [sflag:s8], $0x0  }
0x24: {  	s3 =	sadd.s32 $0x88, s3;
	s6 =	simm.s32 @!p1 $0x1082;
	[sflag:s4] =	ssyncset.s32 $0xFFFFF086  }
0x25: {  	[simem:s6], [sflag:s4] =	dma.local [hbm:s3], $0xF7A  }
0x26: {  	[smem:$0x3F8F] =	sst s1;
	(tag) =	ssettag s2;
	_ =	strace s9  }
0x27: {  	s1 =	sld [smem:$0x3F9F]  }
0x28: {  	s2 =	sld [smem:$0x3FA0]  }
0x29: {  	s4 =	sld [smem:$0x3FA2]  }
0x2a: {  	p0 =	seq.s32 s5, $0x0;
	s5 =	sld [smem:$0x3FA3]  }
0x2b: {  	s6 =	sld [smem:$0x3FA4]  }
0x2c: {  	s7 =	sld [smem:$0x3FA5]  }
0x2d: {  	s3 =	simm.s32 $0x108;
	s8 =	sld [smem:$0x3FA6]  }
0x2e: {  	s3 =	simm.s32 @!p0 $0x1082;
	s9 =	sld [smem:$0x3FA7]  }
0x2f: {  	lr =	sadd.s32 s0, s3;
	s0 =	sld [smem:$0x3F9E]  }
0x30: {  	s3 =	sld [smem:$0x3FA1]  }
0x31: {  	[smem:$0x3FAA] =	sst s10  }
0x32: {  	s10 =	sld [smem:$0x3FA8];
	_ =	sdelay $0x3  }
0x33: {  	p0 =	seq.s32 s10, $0x1;
	s10 =	sld [smem:$0x3FAA];
	_ =	sdelay $0x3  }
0x34: {  	[smem:$0x3FAA] =	sst s10  }
0x35: {  	s10 =	sld [smem:$0x3FA9];
	_ =	sdelay $0x3  }
0x36: {  	p1 =	seq.s32 s10, $0x1;
	s10 =	sld [smem:$0x3FAA];
	_ =	sdelay $0x3  }
0x37: {  	[smem:$0x3FAA] =	sst s10  }
0x38: {  	s10 =	sld [smem:$0x3FAB]  }
0x39: {  	_ = 	snop;
	(pc) =	sbr.ind lr, $3  }
0x3a: {  	_ = 	snop  }
0x3b: {  	_ = 	snop  }
0x3c: {  	p2 =	seq.s32 s10, $0x1;
	s10 =	sld [smem:$0x3FAA]  }
0x3d: {  	_ =	shalt  }
0x3e: {  	_ =	shalt  }
0x3f: {  	_ =	shalt  }
0x40: {  	_ =	shalt  }
0x41: {  	_ =	shalt  }
0x42: {  	_ =	shalt  }
0x43: {  	_ =	shalt  }
0x44: {  	_ =	shalt  }
0x45: {  	_ =	shalt  }
0x46: {  	_ =	shalt  }
0x47: {  	_ =	shalt  }
0x48: {  	_ =	shalt  }
0x49: {  	_ =	shalt  }
0x4a: {  	_ =	shalt  }
0x4b: {  	_ =	shalt  }
0x4c: {  	_ =	shalt  }
0x4d: {  	_ =	shalt  }
0x4e: {  	_ =	shalt  }
0x4f: {  	_ =	shalt  }
0x50: {  	_ =	shalt  }
0x51: {  	_ =	shalt  }
0x52: {  	_ =	shalt  }
0x53: {  	_ =	shalt  }
0x54: {  	_ =	shalt  }
0x55: {  	_ =	shalt  }
0x56: {  	_ =	shalt  }
0x57: {  	_ =	shalt  }
0x58: {  	_ =	shalt  }
0x59: {  	_ =	shalt  }
0x5a: {  	_ =	shalt  }
0x5b: {  	_ =	shalt  }
0x5c: {  	_ =	shalt  }
0x5d: {  	_ =	shalt  }
0x5e: {  	_ =	shalt  }
0x5f: {  	_ =	shalt  }
0x60: {  	_ =	shalt  }
0x61: {  	_ =	shalt  }
0x62: {  	_ =	shalt  }
0x63: {  	_ =	shalt  }
0x64: {  	_ =	shalt  }
0x65: {  	_ =	shalt  }
0x66: {  	_ =	shalt  }
0x67: {  	_ =	shalt  }
0x68: {  	_ =	shalt  }
0x69: {  	_ =	shalt  }
0x6a: {  	_ =	shalt  }
0x6b: {  	_ =	shalt  }
0x6c: {  	_ =	shalt  }
0x6d: {  	_ =	shalt  }
0x6e: {  	_ =	shalt  }
0x6f: {  	_ =	shalt  }
0x70: {  	_ =	shalt  }
0x71: {  	_ =	shalt  }
0x72: {  	_ =	shalt  }
0x73: {  	_ =	shalt  }
0x74: {  	_ =	shalt  }
0x75: {  	_ =	shalt  }
0x76: {  	_ =	shalt  }
0x77: {  	_ =	shalt  }
0x78: {  	_ =	shalt  }
0x79: {  	_ =	shalt  }
0x7a: {  	_ =	shalt  }
0x7b: {  	_ =	shalt  }
0x7c: {  	_ =	shalt  }
0x7d: {  	_ =	shalt  }
0x7e: {  	_ =	shalt  }
0x7f: {  	_ =	shalt  }
0x80: {  	_ =	shalt  }
0x81: {  	_ =	shalt  }
0x82: {  	_ =	shalt  }
0x83: {  	_ =	shalt  }
0x84: {  	_ =	shalt  }
0x85: {  	_ =	shalt  }
0x86: {  	_ =	shalt  }
0x87: {  	_ =	shalt  }
.Lfunc_end0:
.L_simem_size_0:
called_computation.1_lowered:
.L_overlay_start_0:
0x88: {  	s2 =	sld [smem:$0x3FD9]  }
0x89: {  	s3 =	sld [smem:$0x3FFE];
	_ =	sdelay $0x1  }
0x8a: {  	s1 =	srdreg.scid  }
0x8b: {  	s0 =	sand.u32 $0x1, s1  }
0x8c: {  	s17 =	sshll.u32 s0, $0xA;
	s2 =	sadd.s32 s3, s2  }
0x8d: {  	s2 =	sadd.s32 s2, s17  }
0x8e: {  	[smem:$0x3FB6] =	sst s2  }
0x8f: {  	_ = 	snop  }
0x90: {  	s18 =	sld [smem:$0x3FC7]  }
0x91: {  	s4 =	sld [smem:$0x3FC6];
	(tm) =	ssettm $0x1  }
0x92: {  	s19 =	sld [smem:$0x3FFB];
	_ =	sdelay $0x3  }
0x93: {  	_ =	strace s19  }
0x94: {  	s2 =	sld [smem:$0x3FFC];
	_ =	sdelay $0x3  }
0x95: {  	_ =	strace s2  }
0x96: {  	s2 =	sld [smem:$0x3FFD];
	_ =	sdelay $0x3  }
0x97: {  	_ =	strace s2  }
0x98: {  	_ =	strace $0x8FFFFFFF  }
0x99: {  	s20 =	sld [smem:$0x3FDB];
	_ =	sdelay $0x1  }
0x9a: {  	s5 =	simm.s32 $_scs_section_size  }
0x9b: {  	s6 =	simm.s32 $_size__tile_overlayer_lowered;
	s7 =	simm.s32 $_tile_overlayer_lowered  }
0x9c: {  	s8 =	simm.s32 $0x1BFF;
	s21 =	sshll.u32 s7, $0x1;
	s5 =	sadd.s32 s5, s20  }
0x9d: {  	s22 =	simm.s32 $0x0;
	s6 =	sshll.u32 s6, $0x1;
	s7 =	sadd.s32 s21, s5  }
0x9e: {  	[timem:s22], [sflag:s8] =	dma.local [hbm:s7], s6  }
0x9f: {  	_ =	swait.ge [sflag:s8], s6  }
0xa0: {  	s6 =	ssub.s32 $0x0, s6;
	[sflag:s8] =	ssyncset.done $0x0  }
0xa1: {  	[sflag:s8] =	ssyncadd.s32 s6;
	_ =	sdelay $0x1  }
0xa2: {  	s23 =	simm.s32 $0x1B8B  }
0xa3: {  	_ =	swait.ge [sflag:s23], $0x1  }
0xa4: {  	[sflag:s23] =	ssyncset.done $0x0  }
0xa5: {  	[sflag:s23] =	ssyncadd.s32 $0xFFFFFFFF  }
0xa6: {  	s6 =	sld [smem:$0x0]  }
0xa7: {  	s7 =	sand.u32 $0xFFFFFFFE, s1  }
0xa8: {  	p0 =	sne.s32 s1, s7  }
0xa9: {  	s7 =	sshll.u32 @p0 s7, $0xE  }
0xaa: {  	s7 =	sadd.s32 @p0 $0x11B8D, s7;
	s8 =	sshll.u32 @p0 s6, $0x11  }
0xab: {  	s7 =	sor.u32 @p0 s8, s7  }
0xac: {  	[sflag:s7] =	ssyncadd.remote.s32 @p0 $0x1;
	_ =	sdelay $0x1  }
0xad: {  	s7 =	simm.s32 @p0 $0x1B8D  }
0xae: {  	_ =	swait.eq @p0 [sflag:s7], $0x1  }
0xaf: {  	[sflag:s7] =	ssyncadd.s32 @p0 $0xFFFFFFFF  }
0xb0: {  	s8 =	sshll.u32 @!p0 s1, $0xE  }
0xb1: {  	s8 =	sor.u32 @!p0 $0x4000, s8;
	s7 =	simm.s32 @!p0 $0x1B8D  }
0xb2: {  	s6 =	sshll.u32 @!p0 s6, $0x11;
	s8 =	sadd.s32 @!p0 $0x11B8D, s8;
	_ =	swait.eq @!p0 [sflag:s7], $0x1  }
0xb3: {  	s6 =	sor.u32 @!p0 s6, s8;
	[sflag:s7] =	ssyncadd.s32 @!p0 $0xFFFFFFFF  }
0xb4: {  	s25 =	simm.s32 $0x1B8E;
	s24 =	sld [smem:$0x3FFE];
	[sflag:s6] =	ssyncadd.remote.s32 @!p0 $0x1  }
0xb5: {  	s26 =	simm.s32 $execute0_lowered;
	[smem:$0x3FD2] =	sst s25  }
0xb6: {  	s7 =	sshll.u32 s26, $0x1;
	_ =	strace $0x80000049;
	[dreg:$0x1] =	wrdreg $0xFFFFFFFF  }
0xb7: {  	s28 =	simm.s32 $_size_execute0_lowered;
	s5 =	sadd.s32 s5, s7;
	[dreg:$0x0] =	wrdreg $0x0  }
0xb8: {  	s7 =	sshll.u32 s28, $0x1;
	[dreg:$0x2] =	wrdreg s5  }
0xb9: {  	[dreg:$0x3] =	wrdreg s7  }
0xba: {  	[dreg:$0x4] =	wrdreg $0xC0  }
0xbb: {  	_ =	task [dreg:s22], $0x5FFFF  }
0xbc: {  	[dreg:$0x1] =	wrdreg $0xFFFFFFFF  }
0xbd: {  	[dreg:$0x0] =	wrdreg $0x60  }
0xbe: {  	[dreg:$0x2] =	wrdreg s24  }
0xbf: {  	[dreg:$0x3] =	wrdreg s18  }
0xc0: {  	[dreg:$0x4] =	wrdreg s4  }
0xc1: {  	[dreg:$0x5] =	wrdreg $0x78000  }
0xc2: {  	[dreg:$0x6] =	wrdreg $0xA  }
0xc3: {  	_ =	task.clear_ibuf [dreg:s22], $0x7FFFF;
	_ =	strace $0x90000049  }
0xc4: {  	s29 =	simm.s32 $0xA;
	_ =	strace $0x8000004B  }
0xc5: {  	_ =	swait.ge [sflag:s29], $0x1  }
0xc6: {  	[sflag:s29] =	ssyncadd.s32 $0xFFFFFFFF  }
0xc7: {  	_ =	strace $0x9000004B  }
0xc8: {  	_ =	sfence  }
0xc9: {  	s30 =	sld [smem:$0x0];
	_ =	sdelay $0x2  }
0xca: {  	s31 =	sshll.u32 s1, $0xD;
	s1 =	sshrl.u32 s1, $0x2  }
0xcb: {  	s4 =	sand.u32 $0x4000, s31;
	s1 =	sadd.s32 s1, s30  }
0xcc: {  	s0 =	sor.u32 s4, s0;
	s1 =	sshll.u32 s1, $0x11  }
0xcd: {  	s0 =	sor.u32 s1, s0  }
0xce: {  	s0 =	sadd.s32 $0x8F2B, s0  }
0xcf: {  	[sflag:s0] =	ssyncadd.remote.s32 $0x1  }
0xd0: {  	_ =	sfence.sel $0xFFFF  }
0xd1: {  	[dreg:$0x0] =	wrdreg $0xFFFFFFFF;
	(pc) =	sbr.abs _section_cstart, $3  }
0xd2: {  	[dreg:$0x1] =	wrdreg $0xFFFFFFFF  }
0xd3: {  	_ =	task.clear_ibuf [dreg:s22], $0x2FFFF;
	_ =	strace $0x9FFFFFFF  }
0xd4: {  	(tm) =	ssettm $0x7FFFFFFF  }
0xd5: {  	_ =	shalt  }
tec
execute0_lowered:
.L_overlay_start_1:
0x0: {  	(tag) =	ssettag $0x1  }
0x1: {  	s7 =	rddreg [dreg:$0x0]  }
0x2: {  	s1 =	rddreg [dreg:$0x1]  }
0x3: {  	s2 =	rddreg [dreg:$0x2]  }
0x4: {  	s3 =	rddreg [dreg:$0x3]  }
0x5: {  	s0 =	rddreg [dreg:$0x4];
	s4 =	simm.s32 $0x0;
	s5 =	srdreg.scid  }
0x6: {  	s14 =	simm.s32 $0x1800;
	s15 =	simm.s32 $0x3800;
	s16 =	simm.s32 $0x100  }
0x7: {  	s17 =	simm.s32 $0x5800;
	[smem:$0x7FF] =	sst s4;
	s6 =	sand.u32 $0x1, s5  }
0x8: {  	s5 =	stileid.u32;
	_ =	strace $0x8000004A;
	s8 =	smul.u32 $0x30000, s6  }
0x9: {  	s9 =	ssub.s32 $0x2, s6;
	s6 =	sadd.s32 $0x6FC00, s7;
	s11 =	smul.u32 $0x18000, s5  }
0xa: {  	s31 =	sshll.u32 s5, $0x6;
	s10 =	sshrl.u32 s9, $0x1;
	s12 =	sadd.s32 s8, s7  }
0xb: {  	s10 =	ssub.s32 s9, s10;
	s13 =	sadd.s32 s11, s3;
	s7 =	sor.u32 $0x1C04, s31  }
0xc: {  	s8 =	smul.u32 $0xC0, s5;
	s19 =	sshrl.u32 s11, $0x3;
	s9 =	sadd.s32 $0xFA00, s12  }
0xd: {  	s18 =	sadd.s32 $0x72C00, s12;
	s10 =	smax.u32 s10, $0x1;
	s11 =	sshrl.u32 s13, $0x3  }
0xe: {  	s12 =	simm.s32 $0x4;
	s13 =	simm.s32 $0x80;
	s18 =	sadd.s32 s19, s18  }
.LBB2_1:
0xf: {  	[spmem:s11], [sflag:s7] =	dma.local [hbm:s6], $0x3000  }
0x10: {  	_ =	swait.ge [sflag:s12], $0x3000  }
0x11: {  	[sflag:s12] =	ssyncset.done $0x0  }
0x12: {  	[sflag:s12] =	ssyncadd.s32 $0xFFFFD000  }
0x13: {  	s19 =	simm.s32 $0x0;
	[bflag:$0x0] =	sbarrier.arrive $0xFFFF  }
.LBB2_2:
0x14: {  	s20 =	smul.u32 $0x18, s19;
	_ =	sdelay $0x1  }
0x15: {  	s20 =	sadd.s32 s8, s20  }
0x16: {  	s20 =	sshll.u32 s20, $0x4  }
0x17: {  	s22 =	simm.s32 $0x0;
	s21 =	sadd.s32 s1, s20  }
0x18: {  	[tilespmem:s22], [sflag:$0x4] =	stream.linear.gather [hbm4b:s21+s22], $0xC00, $0x38;
	[tilespmem:$0x1F800] =	vst v63  }
0x19: {  	_ =	swait.ge [sflag:s12], $0xC00  }
0x1a: {  	s23 =	simm.s32 $0xC00;
	[sflag:s12] =	ssyncset.done $0x0  }
0x1b: {  	s30 =	smul.u32 $0xAB, s22;
	s20 =	sadd.s32 s2, s20;
	[sflag:s12] =	ssyncadd.s32 $0xFFFFF400  }
0x1c: {  	[tilespmem:s23], [sflag:$0x4] =	stream.linear.gather [hbm4b:s20+s22], $0xC00, $0x38;
	[tilespmem:$0x1F800] =	vst v63  }
0x1d: {  	s20 =	sshrl.u32 s30, $0x9;
	_ =	swait.ge [sflag:s12], $0xC00  }
0x1e: {  	s20 =	sand.u32 $0x7F, s20;
	[sflag:s12] =	ssyncset.done $0x0  }
0x1f: {  	s20 =	smul.u32 $0x3, s20;
	[sflag:s12] =	ssyncadd.s32 $0xFFFFF400  }
0x20: {  	[tilespmem:s14], [sflag:$0x1] =	stream.indirect.gather [hbm4b:s9+s13], $0x40, s22, s13, $0xb8;
	[tilespmem:$0x1F800] =	vst v63  }
0x21: {  	s31 =	ssub.s32 $0x0, s20  }
0x22: {  	p0 =	por $0x0, $0x0;
	s20 =	simm.s32 $0x1;
	s24 =	sand.u32 $0xFF, s31  }
0x23: {  	[tilespmem:s15], [sflag:$0x2] =	stream.indirect.gather [hbm4b:s9+s13], $0x40, s13, s13, $0xb8;
	[tilespmem:$0x1F800] =	vst v63  }
0x24: {  	s21 =	simm.s32 $0x180;
	s25 =	smul.u32 $0xAB, s20;
	s22 =	sadd.s32 $0x1, s24  }
0x25: {  	[tilespmem:s17], [sflag:$0x3] =	stream.indirect.gather [hbm4b:s9+s13], $0x40, s16, s13, $0xb8;
	[tilespmem:$0x1F800] =	vst v63  }
0x26: {  	s24 =	sshll.u32 s24, $0xD;
	s25 =	sshrl.u32 s25, $0x9;
	_ =	swait.ge [sflag:s22], $0x2000  }
0x27: {  	s26 =	sor.u32 $0x1800, s24;
	s25 =	sand.u32 $0x7F, s25;
	[sflag:s22] =	ssyncset.done $0x0  }
0x28: {  	s24 =	simm.s32 $0x2;
	s28 =	smul.u32 $0x3, s25;
	[sflag:s22] =	ssyncadd.s32 $0xFFFFE000  }
0x29: {  	[spmem:s3] =	stream.indirect.scatter.add.f32 [tilespmem:s26], [sflag:$0x4], $0x40, s23, s13, $0xb8;
	[tilespmem:$0x1F800] =	vst v63  }
0x2a: {  	s25 =	simm.s32 $0x180;
	s23 =	simm.s32 $0xC80;
	_ =	swait.ge [sflag:s12], $0x2000  }
.LBB2_3:
0x2b: {  	[sflag:s12] =	ssyncset.done $0x0;
	s21 =	sadd.s32 $0x80, s21  }
0x2c: {  	s29 =	smov.u32 s20;
	s20 =	smov.u32 s24;
	s24 =	sadd.s32 $0x1, s24  }
0x2d: {  	p1 =	sne.s32 s24, $0x18;
	s28 =	ssub.s32 s29, s28;
	[sflag:s12] =	ssyncadd.s32 $0xFFFFE000  }
0x2e: {  	s30 =	simm.s32 @!p0 $0x80;
	s28 =	sand.u32 $0xFF, s28  }
0x2f: {  	s31 =	sshll.u32 s28, $0xD;
	s28 =	sadd.s32 $0x1, s28  }
0x30: {  	[tilespmem:s26], [sflag:s22] =	stream.indirect.gather @!p0 [hbm4b:s9+s30], $0x40, s25, s30, $0xb8;
	[tilespmem:$0x1F800] =	vst v63  }
0x31: {  	s26 =	smul.u32 $0xAB, s20;
	s25 =	smov.u32 s21;
	s22 =	smov.u32 s28  }
.Ltmp0:
0x32: {  	_ =	swait.ge [sflag:s22], $0x2000;
	(pc) =	sbr.rel @p1 .LBB2_3-.Ltmp0, $4  }
0x33: {  	p0 =	sgt.u32 s29, $0x14;
	s26 =	sshrl.u32 s26, $0x9;
	[sflag:s22] =	ssyncset.done $0x0  }
0x34: {  	s28 =	sand.u32 $0x7F, s26;
	s26 =	sor.u32 $0x1800, s31;
	[sflag:s22] =	ssyncadd.s32 $0xFFFFE000  }
0x35: {  	[spmem:s3] =	stream.indirect.scatter.add.f32 [tilespmem:s26], [sflag:$0x4], $0x40, s23, s13, $0xb8;
	[tilespmem:$0x1F800] =	vst v63  }
0x36: {  	s28 =	smul.u32 $0x3, s28;
	s23 =	sadd.s32 $0x80, s23;
	_ =	swait.ge [sflag:s12], $0x2000  }
0x37: {  	_ = 	snop  }
0x38: {  	[sflag:s12] =	ssyncset.done $0x0;
	s24 =	ssub.s32 s20, s28  }
0x39: {  	[sflag:s12] =	ssyncadd.s32 $0xFFFFE000;
	s28 =	simm.s32 @!p0 $0x80;
	s24 =	sand.u32 $0xFF, s24  }
0x3a: {  	[tilespmem:s26], [sflag:s22] =	stream.indirect.gather @!p0 [hbm4b:s9+s28], $0x40, s25, s28, $0xb8;
	[tilespmem:$0x1F800] =	vst v63  }
0x3b: {  	s29 =	sadd.s32 $0x1, s24  }
0x3c: {  	_ =	swait.ge [sflag:s29], $0x2000  }
0x3d: {  	s31 =	sshll.u32 s24, $0xD;
	[sflag:s29] =	ssyncset.done $0x0  }
0x3e: {  	s22 =	sor.u32 $0x1800, s31;
	[sflag:s29] =	ssyncadd.s32 $0xFFFFE000  }
0x3f: {  	[spmem:s3] =	stream.indirect.scatter.add.f32 [tilespmem:s22], [sflag:$0x4], $0x40, s23, s13, $0xb8;
	[tilespmem:$0x1F800] =	vst v63  }
0x40: {  	_ =	swait.ge [sflag:s12], $0x2000  }
0x41: {  	s19 =	sadd.s32 $0x1, s19;
	p0 =	sgt.u32 s20, $0x14;
	[sflag:s12] =	ssyncset.done $0x0  }
0x42: {  	s20 =	sadd.s32 $0x80, s21;
	s21 =	simm.s32 @!p0 $0x80;
	[sflag:s12] =	ssyncadd.s32 $0xFFFFE000  }
0x43: {  	[tilespmem:s22], [sflag:s29] =	stream.indirect.gather @!p0 [hbm4b:s9+s21], $0x40, s20, s21, $0xb8;
	[tilespmem:$0x1F800] =	vst v63  }
0x44: {  	p0 =	sne.s32 s19, $0x8  }
.Ltmp1:
0x45: {  	_ = 	snop;
	(pc) =	sbr.rel @p0 .LBB2_2-.Ltmp1, $1  }
0x46: {  	_ =	sdelay $0x3  }
0x47: {  	s4 =	sadd.s32 $0x1, s4  }
0x48: {  	p0 =	sne.s32 s4, s10  }
.Ltmp2:
0x49: {  	[bflag:$0x0] =	sbarrier.arrive $0xFFFF;
	(pc) =	sbr.rel @p0 .LBB2_1-.Ltmp2, $4  }
0x4a: {  	[hbm:s18], [sflag:s7] =	dma.local [spmem:s11], $0x3000  }
0x4b: {  	_ =	swait.ge [sflag:s12], $0x3000  }
0x4c: {  	[sflag:s12] =	ssyncset.done $0x0  }
0x4d: {  	[sflag:s12] =	ssyncadd.s32 $0xFFFFD000  }
0x4e: {  	_ =	sfence.sel $0x180000  }
0x4f: {  	[bflag:$0x0] =	sbarrier.arrive $0xFFFF  }
0x50: {  	p0 =	sne.s32 s5, $0x0;
	_ =	strace $0x9000004A  }
0x51: {  	s0 =	sadd.s32 @!p0 $0x100000, s0;
	[bflag:$0x2] =	sbarrier.arrive $0xFFFF  }
0x52: {  	[sflag:s0] =	ssyncadd.tile.s32 @!p0 $0x1;
	_ =	shalt  }
.Lfunc_end2:
_tile_overlayer_lowered:
.L_overlay_start_2:
0x53: {  	(tag) =	ssettag $0x2  }
0x54: {  	s0 =	rddreg [dreg:$0x0];
	s2 =	stileid.u32  }
0x55: {  	s1 =	rddreg [dreg:$0x1];
	p0 =	sne.s32 s2, $0x0  }
0x56: {  	s3 =	rddreg [dreg:$0x2];
	[bflag:$0x3] =	sbarrier.arrive $0xFFFF;
	s2 =	simm.s32 @!p0 $0x1C04  }
0x57: {  	[timem:s3], [sflag:s2] =	dma.local @!p0 [hbm:s0], s1  }
0x58: {  	s0 =	simm.s32 @!p0 $0x4  }
0x59: {  	_ =	swait.ge @!p0 [sflag:s0], s1  }
0x5a: {  	s1 =	ssub.s32 @!p0 $0x0, s1;
	[sflag:s0] =	ssyncset.done @!p0 $0x0  }
0x5b: {  	[sflag:s0] =	ssyncadd.s32 @!p0 s1  }
0x5c: {  	[bflag:$0x3] =	sbarrier.arrive $0xFFFF  }
0x5d: {  	_ =	shalt  }

// kernel: kernel.19.cloned.1.call-start
scs
__scs_entry_jumppad:
0x0: {  	(pc) =	sbr.rel $0x88, $3  }
0x1: {  	(tag) =	ssettag $0x0;
	lr =	simm.s32 $0x1  }
0x2: {  	[smem:$0x3F8F] =	sst lr;
	_ =	strace $0xD0000000  }
0x3: {  	_ = 	snop  }
0x4: {  	_ = 	snop  }
0x5: {  	_ = 	snop  }
0x6: {  	_ = 	snop  }
0x7: {  	_ = 	snop  }
__scs_overlays_trampoline_lowered:
0x8: {  	[smem:$0x3F9E] =	sst s0  }
0x9: {  	[smem:$0x3F9F] =	sst s1  }
0xa: {  	[smem:$0x3FA0] =	sst s2  }
0xb: {  	[smem:$0x3FA1] =	sst s3  }
0xc: {  	[smem:$0x3FA2] =	sst s4  }
0xd: {  	[smem:$0x3FA3] =	sst s5  }
0xe: {  	[smem:$0x3FA4] =	sst s6  }
0xf: {  	[smem:$0x3FA5] =	sst s7  }
0x10: {  	[smem:$0x3FA6] =	sst s8  }
0x11: {  	[smem:$0x3FA7] =	sst s9;
	s0 =	simm.s32 @!p0 $0x0  }
0x12: {  	s1 =	sld [smem:$0x3F8D];
	s0 =	simm.s32 @p0 $0x1  }
0x13: {  	[smem:$0x3FA8] =	sst s0;
	s0 =	simm.s32 @!p1 $0x0  }
0x14: {  	s2 =	sld [smem:$0x3F8C];
	s0 =	simm.s32 @p1 $0x1  }
0x15: {  	[smem:$0x3FA9] =	sst s0;
	s0 =	simm.s32 @!p2 $0x0  }
0x16: {  	s3 =	sld [smem:$0x3FDB];
	s0 =	simm.s32 @p2 $0x1  }
0x17: {  	s4 =	simm.s32 $0x1BF5;
	[smem:$0x3FAB] =	sst s0  }
0x18: {  	s0 =	sld [smem:$0x3F8E];
	_ =	swait.ge [sflag:s4], $0x0  }
0x19: {  	s7 =	sld [smem:$0x3F8F]  }
0x1a: {  	s8 =	sadd.s32 $0xFFFFE003, lr  }
0x1b: {  	s9 =	sadd.s32 $0xFFFFFEF7, lr;
	s5 =	simm.s32 $0xFFFFFFFF;
	p2 =	slt.u32 s8, $0xFFFFF086  }
0x1c: {  	p1 =	slt.u32 s9, $0xF7A;
	s5 =	simm.s32 @!p2 $0x0  }
0x1d: {  	s5 =	simm.s32 @p1 $0x1;
	p0 =	seq.s32 s7, s2  }
0x1e: {  	s7 =	smul.u32 @!p0 $0xF7A, s2;
	p2 =	seq.s32 @!p0 s5, $0x0  }
0x1f: {  	s9 =	smul.u32 $0xF7A, s1;
	s8 =	simm.s32 @!p0 $0x1BF5;
	p2 =	por !p2, p0  }
0x20: {  	[sflag:s8] =	ssyncset.s32 @!p0 $0xFFFFF086;
	s6 =	sadd.s32 @!p0 s3, s7;
	s7 =	simm.s32 @!p0 $0x108  }
0x21: {  	s3 =	sadd.s32 s3, s9;
	s6 =	sadd.s32 @!p0 $0x88, s6;
	s7 =	simm.s32 @p2 $0x1082  }
0x22: {  	[simem:s7], [sflag:s8] =	dma.local @!p0 [hbm:s6], $0xF7A  }
0x23: {  	s9 =	sor.u32 $0xD0000000, s2;
	s6 =	simm.s32 $0x108;
	_ =	swait.ge @!p0 [sflag:s8], $0x0  }
0x24: {  	s3 =	sadd.s32 $0x88, s3;
	s6 =	simm.s32 @!p1 $0x1082;
	[sflag:s4] =	ssyncset.s32 $0xFFFFF086  }
0x25: {  	[simem:s6], [sflag:s4] =	dma.local [hbm:s3], $0xF7A  }
0x26: {  	[smem:$0x3F8F] =	sst s1;
	(tag) =	ssettag s2;
	_ =	strace s9  }
0x27: {  	s1 =	sld [smem:$0x3F9F]  }
0x28: {  	s2 =	sld [smem:$0x3FA0]  }
0x29: {  	s4 =	sld [smem:$0x3FA2]  }
0x2a: {  	p0 =	seq.s32 s5, $0x0;
	s5 =	sld [smem:$0x3FA3]  }
0x2b: {  	s6 =	sld [smem:$0x3FA4]  }
0x2c: {  	s7 =	sld [smem:$0x3FA5]  }
0x2d: {  	s3 =	simm.s32 $0x108;
	s8 =	sld [smem:$0x3FA6]  }
0x2e: {  	s3 =	simm.s32 @!p0 $0x1082;
	s9 =	sld [smem:$0x3FA7]  }
0x2f: {  	lr =	sadd.s32 s0, s3;
	s0 =	sld [smem:$0x3F9E]  }
0x30: {  	s3 =	sld [smem:$0x3FA1]  }
0x31: {  	[smem:$0x3FAA] =	sst s10  }
0x32: {  	s10 =	sld [smem:$0x3FA8];
	_ =	sdelay $0x3  }
0x33: {  	p0 =	seq.s32 s10, $0x1;
	s10 =	sld [smem:$0x3FAA];
	_ =	sdelay $0x3  }
0x34: {  	[smem:$0x3FAA] =	sst s10  }
0x35: {  	s10 =	sld [smem:$0x3FA9];
	_ =	sdelay $0x3  }
0x36: {  	p1 =	seq.s32 s10, $0x1;
	s10 =	sld [smem:$0x3FAA];
	_ =	sdelay $0x3  }
0x37: {  	[smem:$0x3FAA] =	sst s10  }
0x38: {  	s10 =	sld [smem:$0x3FAB]  }
0x39: {  	_ = 	snop;
	(pc) =	sbr.ind lr, $3  }
0x3a: {  	_ = 	snop  }
0x3b: {  	_ = 	snop  }
0x3c: {  	p2 =	seq.s32 s10, $0x1;
	s10 =	sld [smem:$0x3FAA]  }
0x3d: {  	_ =	shalt  }
0x3e: {  	_ =	shalt  }
0x3f: {  	_ =	shalt  }
0x40: {  	_ =	shalt  }
0x41: {  	_ =	shalt  }
0x42: {  	_ =	shalt  }
0x43: {  	_ =	shalt  }
0x44: {  	_ =	shalt  }
0x45: {  	_ =	shalt  }
0x46: {  	_ =	shalt  }
0x47: {  	_ =	shalt  }
0x48: {  	_ =	shalt  }
0x49: {  	_ =	shalt  }
0x4a: {  	_ =	shalt  }
0x4b: {  	_ =	shalt  }
0x4c: {  	_ =	shalt  }
0x4d: {  	_ =	shalt  }
0x4e: {  	_ =	shalt  }
0x4f: {  	_ =	shalt  }
0x50: {  	_ =	shalt  }
0x51: {  	_ =	shalt  }
0x52: {  	_ =	shalt  }
0x53: {  	_ =	shalt  }
0x54: {  	_ =	shalt  }
0x55: {  	_ =	shalt  }
0x56: {  	_ =	shalt  }
0x57: {  	_ =	shalt  }
0x58: {  	_ =	shalt  }
0x59: {  	_ =	shalt  }
0x5a: {  	_ =	shalt  }
0x5b: {  	_ =	shalt  }
0x5c: {  	_ =	shalt  }
0x5d: {  	_ =	shalt  }
0x5e: {  	_ =	shalt  }
0x5f: {  	_ =	shalt  }
0x60: {  	_ =	shalt  }
0x61: {  	_ =	shalt  }
0x62: {  	_ =	shalt  }
0x63: {  	_ =	shalt  }
0x64: {  	_ =	shalt  }
0x65: {  	_ =	shalt  }
0x66: {  	_ =	shalt  }
0x67: {  	_ =	shalt  }
0x68: {  	_ =	shalt  }
0x69: {  	_ =	shalt  }
0x6a: {  	_ =	shalt  }
0x6b: {  	_ =	shalt  }
0x6c: {  	_ =	shalt  }
0x6d: {  	_ =	shalt  }
0x6e: {  	_ =	shalt  }
0x6f: {  	_ =	shalt  }
0x70: {  	_ =	shalt  }
0x71: {  	_ =	shalt  }
0x72: {  	_ =	shalt  }
0x73: {  	_ =	shalt  }
0x74: {  	_ =	shalt  }
0x75: {  	_ =	shalt  }
0x76: {  	_ =	shalt  }
0x77: {  	_ =	shalt  }
0x78: {  	_ =	shalt  }
0x79: {  	_ =	shalt  }
0x7a: {  	_ =	shalt  }
0x7b: {  	_ =	shalt  }
0x7c: {  	_ =	shalt  }
0x7d: {  	_ =	shalt  }
0x7e: {  	_ =	shalt  }
0x7f: {  	_ =	shalt  }
0x80: {  	_ =	shalt  }
0x81: {  	_ =	shalt  }
0x82: {  	_ =	shalt  }
0x83: {  	_ =	shalt  }
0x84: {  	_ =	shalt  }
0x85: {  	_ =	shalt  }
0x86: {  	_ =	shalt  }
0x87: {  	_ =	shalt  }
.Lfunc_end0:
.L_simem_size_0:
called_computation.2_lowered:
.L_overlay_start_0:
0x88: {  	s2 =	sld [smem:$0x3FD9]  }
0x89: {  	s3 =	sld [smem:$0x3FFE];
	_ =	sdelay $0x1  }
0x8a: {  	s1 =	srdreg.scid  }
0x8b: {  	s0 =	sand.u32 $0x1, s1  }
0x8c: {  	s17 =	sshll.u32 s0, $0xA;
	s2 =	sadd.s32 s3, s2  }
0x8d: {  	s2 =	sadd.s32 s2, s17  }
0x8e: {  	[smem:$0x3FB6] =	sst s2  }
0x8f: {  	_ = 	snop  }
0x90: {  	s2 =	sld [smem:$0x3FC7]  }
0x91: {  	s18 =	sld [smem:$0x3FC6];
	(tm) =	ssettm $0x1  }
0x92: {  	s4 =	sld [smem:$0x3FFB];
	_ =	sdelay $0x3  }
0x93: {  	_ =	strace s4  }
0x94: {  	s4 =	sld [smem:$0x3FFC];
	_ =	sdelay $0x3  }
0x95: {  	_ =	strace s4  }
0x96: {  	s4 =	sld [smem:$0x3FFD];
	_ =	sdelay $0x3  }
0x97: {  	_ =	strace s4  }
0x98: {  	_ =	strace $0x8FFFFFFF  }
0x99: {  	s19 =	sld [smem:$0x3FDB];
	_ =	sdelay $0x1  }
0x9a: {  	s5 =	simm.s32 $_scs_section_size  }
0x9b: {  	s6 =	simm.s32 $_size__tile_overlayer_lowered;
	s7 =	simm.s32 $_tile_overlayer_lowered  }
0x9c: {  	s22 =	simm.s32 $0x1BFF;
	s21 =	sshll.u32 s7, $0x1;
	s4 =	sadd.s32 s5, s19  }
0x9d: {  	s8 =	simm.s32 $0x0;
	s20 =	sshll.u32 s6, $0x1;
	s6 =	sadd.s32 s21, s4  }
0x9e: {  	[timem:s8], [sflag:s22] =	dma.local [hbm:s6], s20  }
0x9f: {  	_ =	swait.ge [sflag:s22], s20  }
0xa0: {  	s5 =	ssub.s32 $0x0, s20;
	[sflag:s22] =	ssyncset.done $0x0  }
0xa1: {  	[sflag:s22] =	ssyncadd.s32 s5;
	_ =	sdelay $0x1  }
0xa2: {  	s23 =	simm.s32 $0x1B8B  }
0xa3: {  	_ =	swait.ge [sflag:s23], $0x1  }
0xa4: {  	[sflag:s23] =	ssyncset.done $0x0  }
0xa5: {  	s25 =	simm.s32 $0x1B8E;
	s24 =	sld [smem:$0x3FFE];
	[sflag:s23] =	ssyncadd.s32 $0xFFFFFFFF  }
0xa6: {  	s26 =	simm.s32 $execute0_lowered;
	[smem:$0x3FD2] =	sst s25  }
0xa7: {  	s6 =	sshll.u32 s26, $0x1;
	_ =	strace $0x8000004C;
	[dreg:$0x1] =	wrdreg $0xFFFFFFFF  }
0xa8: {  	s28 =	simm.s32 $_size_execute0_lowered;
	s4 =	sadd.s32 s4, s6;
	[dreg:$0x0] =	wrdreg $0x0  }
0xa9: {  	s6 =	sshll.u32 s28, $0x1;
	[dreg:$0x2] =	wrdreg s4  }
0xaa: {  	[dreg:$0x3] =	wrdreg s6  }
0xab: {  	[dreg:$0x4] =	wrdreg $0xC0  }
0xac: {  	_ =	task [dreg:s8], $0x5FFFF  }
0xad: {  	[dreg:$0x1] =	wrdreg $0xFFFFFFFF  }
0xae: {  	[dreg:$0x0] =	wrdreg $0x60  }
0xaf: {  	[dreg:$0x2] =	wrdreg s24  }
0xb0: {  	[dreg:$0x3] =	wrdreg s2  }
0xb1: {  	[dreg:$0x4] =	wrdreg s18  }
0xb2: {  	[dreg:$0x5] =	wrdreg $0x78000  }
0xb3: {  	[dreg:$0x6] =	wrdreg $0x9  }
0xb4: {  	_ =	task.clear_ibuf [dreg:s8], $0x7FFFF;
	_ =	strace $0x9000004C  }
0xb5: {  	s29 =	simm.s32 $0x9;
	_ =	strace $0x8000004E  }
0xb6: {  	_ =	swait.ge [sflag:s29], $0x1  }
0xb7: {  	[sflag:s29] =	ssyncadd.s32 $0xFFFFFFFF  }
0xb8: {  	_ =	strace $0x9000004E  }
0xb9: {  	_ =	sfence  }
0xba: {  	s30 =	sld [smem:$0x0];
	_ =	sdelay $0x2  }
0xbb: {  	s31 =	sshll.u32 s1, $0xD;
	s1 =	sshrl.u32 s1, $0x2  }
0xbc: {  	s3 =	sand.u32 $0x4000, s31;
	s1 =	sadd.s32 s1, s30  }
0xbd: {  	s0 =	sor.u32 s3, s0;
	s1 =	sshll.u32 s1, $0x11  }
0xbe: {  	s0 =	sor.u32 s1, s0  }
0xbf: {  	s0 =	sadd.s32 $0x8F2B, s0  }
0xc0: {  	[sflag:s0] =	ssyncadd.remote.s32 $0x1  }
0xc1: {  	_ =	sfence.sel $0xFFFF  }
0xc2: {  	[dreg:$0x0] =	wrdreg $0xFFFFFFFF;
	(pc) =	sbr.abs _section_cstart, $3  }
0xc3: {  	[dreg:$0x1] =	wrdreg $0xFFFFFFFF  }
0xc4: {  	_ =	task.clear_ibuf [dreg:s8], $0x2FFFF;
	_ =	strace $0x9FFFFFFF  }
0xc5: {  	(tm) =	ssettm $0x7FFFFFFF  }
tec
execute0_lowered:
.L_overlay_start_1:
0x0: {  	(tag) =	ssettag $0x1  }
0x1: {  	s7 =	rddreg [dreg:$0x0]  }
0x2: {  	s1 =	rddreg [dreg:$0x1]  }
0x3: {  	s2 =	rddreg [dreg:$0x2]  }
0x4: {  	s3 =	rddreg [dreg:$0x3]  }
0x5: {  	s0 =	rddreg [dreg:$0x4];
	s4 =	simm.s32 $0x0;
	s5 =	srdreg.scid  }
0x6: {  	s14 =	simm.s32 $0x1800;
	s15 =	simm.s32 $0x3800;
	s16 =	simm.s32 $0x100  }
0x7: {  	s17 =	simm.s32 $0x5800;
	[smem:$0x7FF] =	sst s4;
	s6 =	sand.u32 $0x1, s5  }
0x8: {  	s5 =	stileid.u32;
	_ =	strace $0x8000004D;
	s8 =	smul.u32 $0x30000, s6  }
0x9: {  	s9 =	ssub.s32 $0x2, s6;
	s6 =	sadd.s32 $0x6FC00, s7;
	s11 =	smul.u32 $0x18000, s5  }
0xa: {  	s31 =	sshll.u32 s5, $0x6;
	s10 =	sshrl.u32 s9, $0x1;
	s12 =	sadd.s32 s8, s7  }
0xb: {  	s10 =	ssub.s32 s9, s10;
	s13 =	sadd.s32 s11, s3;
	s7 =	sor.u32 $0x1C04, s31  }
0xc: {  	s8 =	smul.u32 $0xC0, s5;
	s19 =	sshrl.u32 s11, $0x3;
	s9 =	sadd.s32 $0x3200, s12  }
0xd: {  	s18 =	sadd.s32 $0x72C00, s12;
	s10 =	smax.u32 s10, $0x1;
	s11 =	sshrl.u32 s13, $0x3  }
0xe: {  	s12 =	simm.s32 $0x4;
	s13 =	simm.s32 $0x80;
	s18 =	sadd.s32 s19, s18  }
.LBB2_1:
0xf: {  	[spmem:s11], [sflag:s7] =	dma.local [hbm:s6], $0x3000  }
0x10: {  	_ =	swait.ge [sflag:s12], $0x3000  }
0x11: {  	[sflag:s12] =	ssyncset.done $0x0  }
0x12: {  	[sflag:s12] =	ssyncadd.s32 $0xFFFFD000  }
0x13: {  	s19 =	simm.s32 $0x0;
	[bflag:$0x0] =	sbarrier.arrive $0xFFFF  }
.LBB2_2:
0x14: {  	s20 =	smul.u32 $0x18, s19;
	_ =	sdelay $0x1  }
0x15: {  	s20 =	sadd.s32 s8, s20  }
0x16: {  	s20 =	sshll.u32 s20, $0x4  }
0x17: {  	s22 =	simm.s32 $0x0;
	s21 =	sadd.s32 s1, s20  }
0x18: {  	[tilespmem:s22], [sflag:$0x4] =	stream.linear.gather [hbm4b:s21+s22], $0xC00, $0x38;
	[tilespmem:$0x1F800] =	vst v63  }
0x19: {  	_ =	swait.ge [sflag:s12], $0xC00  }
0x1a: {  	s23 =	simm.s32 $0xC00;
	[sflag:s12] =	ssyncset.done $0x0  }
0x1b: {  	s30 =	smul.u32 $0xAB, s22;
	s20 =	sadd.s32 s2, s20;
	[sflag:s12] =	ssyncadd.s32 $0xFFFFF400  }
0x1c: {  	[tilespmem:s23], [sflag:$0x4] =	stream.linear.gather [hbm4b:s20+s22], $0xC00, $0x38;
	[tilespmem:$0x1F800] =	vst v63  }
0x1d: {  	s20 =	sshrl.u32 s30, $0x9;
	_ =	swait.ge [sflag:s12], $0xC00  }
0x1e: {  	s20 =	sand.u32 $0x7F, s20;
	[sflag:s12] =	ssyncset.done $0x0  }
0x1f: {  	s20 =	smul.u32 $0x3, s20;
	[sflag:s12] =	ssyncadd.s32 $0xFFFFF400  }
0x20: {  	[tilespmem:s14], [sflag:$0x1] =	stream.indirect.gather [hbm4b:s9+s13], $0x40, s22, s13, $0xb8;
	[tilespmem:$0x1F800] =	vst v63  }
0x21: {  	s31 =	ssub.s32 $0x0, s20  }
0x22: {  	p0 =	por $0x0, $0x0;
	s20 =	simm.s32 $0x1;
	s24 =	sand.u32 $0xFF, s31  }
0x23: {  	[tilespmem:s15], [sflag:$0x2] =	stream.indirect.gather [hbm4b:s9+s13], $0x40, s13, s13, $0xb8;
	[tilespmem:$0x1F800] =	vst v63  }
0x24: {  	s21 =	simm.s32 $0x180;
	s25 =	smul.u32 $0xAB, s20;
	s22 =	sadd.s32 $0x1, s24  }
0x25: {  	[tilespmem:s17], [sflag:$0x3] =	stream.indirect.gather [hbm4b:s9+s13], $0x40, s16, s13, $0xb8;
	[tilespmem:$0x1F800] =	vst v63  }
0x26: {  	s24 =	sshll.u32 s24, $0xD;
	s25 =	sshrl.u32 s25, $0x9;
	_ =	swait.ge [sflag:s22], $0x2000  }
0x27: {  	s26 =	sor.u32 $0x1800, s24;
	s25 =	sand.u32 $0x7F, s25;
	[sflag:s22] =	ssyncset.done $0x0  }
0x28: {  	s24 =	simm.s32 $0x2;
	s28 =	smul.u32 $0x3, s25;
	[sflag:s22] =	ssyncadd.s32 $0xFFFFE000  }
0x29: {  	[spmem:s3] =	stream.indirect.scatter.add.f32 [tilespmem:s26], [sflag:$0x4], $0x40, s23, s13, $0xb8;
	[tilespmem:$0x1F800] =	vst v63  }
0x2a: {  	s25 =	simm.s32 $0x180;
	s23 =	simm.s32 $0xC80;
	_ =	swait.ge [sflag:s12], $0x2000  }
.LBB2_3:
0x2b: {  	[sflag:s12] =	ssyncset.done $0x0;
	s21 =	sadd.s32 $0x80, s21  }
0x2c: {  	s29 =	smov.u32 s20;
	s20 =	smov.u32 s24;
	s24 =	sadd.s32 $0x1, s24  }
0x2d: {  	p1 =	sne.s32 s24, $0x18;
	s28 =	ssub.s32 s29, s28;
	[sflag:s12] =	ssyncadd.s32 $0xFFFFE000  }
0x2e: {  	s30 =	simm.s32 @!p0 $0x80;
	s28 =	sand.u32 $0xFF, s28  }
0x2f: {  	s31 =	sshll.u32 s28, $0xD;
	s28 =	sadd.s32 $0x1, s28  }
0x30: {  	[tilespmem:s26], [sflag:s22] =	stream.indirect.gather @!p0 [hbm4b:s9+s30], $0x40, s25, s30, $0xb8;
	[tilespmem:$0x1F800] =	vst v63  }
0x31: {  	s26 =	smul.u32 $0xAB, s20;
	s25 =	smov.u32 s21;
	s22 =	smov.u32 s28  }
.Ltmp0:
0x32: {  	_ =	swait.ge [sflag:s22], $0x2000;
	(pc) =	sbr.rel @p1 .LBB2_3-.Ltmp0, $4  }
0x33: {  	p0 =	sgt.u32 s29, $0x14;
	s26 =	sshrl.u32 s26, $0x9;
	[sflag:s22] =	ssyncset.done $0x0  }
0x34: {  	s28 =	sand.u32 $0x7F, s26;
	s26 =	sor.u32 $0x1800, s31;
	[sflag:s22] =	ssyncadd.s32 $0xFFFFE000  }
0x35: {  	[spmem:s3] =	stream.indirect.scatter.add.f32 [tilespmem:s26], [sflag:$0x4], $0x40, s23, s13, $0xb8;
	[tilespmem:$0x1F800] =	vst v63  }
0x36: {  	s28 =	smul.u32 $0x3, s28;
	s23 =	sadd.s32 $0x80, s23;
	_ =	swait.ge [sflag:s12], $0x2000  }
0x37: {  	_ = 	snop  }
0x38: {  	[sflag:s12] =	ssyncset.done $0x0;
	s24 =	ssub.s32 s20, s28  }
0x39: {  	[sflag:s12] =	ssyncadd.s32 $0xFFFFE000;
	s28 =	simm.s32 @!p0 $0x80;
	s24 =	sand.u32 $0xFF, s24  }
0x3a: {  	[tilespmem:s26], [sflag:s22] =	stream.indirect.gather @!p0 [hbm4b:s9+s28], $0x40, s25, s28, $0xb8;
	[tilespmem:$0x1F800] =	vst v63  }
0x3b: {  	s29 =	sadd.s32 $0x1, s24  }
0x3c: {  	_ =	swait.ge [sflag:s29], $0x2000  }
0x3d: {  	s31 =	sshll.u32 s24, $0xD;
	[sflag:s29] =	ssyncset.done $0x0  }
0x3e: {  	s22 =	sor.u32 $0x1800, s31;
	[sflag:s29] =	ssyncadd.s32 $0xFFFFE000  }
0x3f: {  	[spmem:s3] =	stream.indirect.scatter.add.f32 [tilespmem:s22], [sflag:$0x4], $0x40, s23, s13, $0xb8;
	[tilespmem:$0x1F800] =	vst v63  }
0x40: {  	_ =	swait.ge [sflag:s12], $0x2000  }
0x41: {  	s19 =	sadd.s32 $0x1, s19;
	p0 =	sgt.u32 s20, $0x14;
	[sflag:s12] =	ssyncset.done $0x0  }
0x42: {  	s20 =	sadd.s32 $0x80, s21;
	s21 =	simm.s32 @!p0 $0x80;
	[sflag:s12] =	ssyncadd.s32 $0xFFFFE000  }
0x43: {  	[tilespmem:s22], [sflag:s29] =	stream.indirect.gather @!p0 [hbm4b:s9+s21], $0x40, s20, s21, $0xb8;
	[tilespmem:$0x1F800] =	vst v63  }
0x44: {  	p0 =	sne.s32 s19, $0x8  }
.Ltmp1:
0x45: {  	_ = 	snop;
	(pc) =	sbr.rel @p0 .LBB2_2-.Ltmp1, $1  }
0x46: {  	_ =	sdelay $0x3  }
0x47: {  	s4 =	sadd.s32 $0x1, s4  }
0x48: {  	p0 =	sne.s32 s4, s10  }
.Ltmp2:
0x49: {  	[bflag:$0x0] =	sbarrier.arrive $0xFFFF;
	(pc) =	sbr.rel @p0 .LBB2_1-.Ltmp2, $4  }
0x4a: {  	[hbm:s18], [sflag:s7] =	dma.local [spmem:s11], $0x3000  }
0x4b: {  	_ =	swait.ge [sflag:s12], $0x3000  }
0x4c: {  	[sflag:s12] =	ssyncset.done $0x0  }
0x4d: {  	[sflag:s12] =	ssyncadd.s32 $0xFFFFD000  }
0x4e: {  	_ =	sfence.sel $0x180000  }
0x4f: {  	[bflag:$0x0] =	sbarrier.arrive $0xFFFF  }
0x50: {  	p0 =	sne.s32 s5, $0x0;
	_ =	strace $0x9000004D  }
0x51: {  	s0 =	sadd.s32 @!p0 $0x100000, s0;
	[bflag:$0x2] =	sbarrier.arrive $0xFFFF  }
0x52: {  	[sflag:s0] =	ssyncadd.tile.s32 @!p0 $0x1;
	_ =	shalt  }
.Lfunc_end2:
_tile_overlayer_lowered:
.L_overlay_start_2:
0x53: {  	(tag) =	ssettag $0x2  }
0x54: {  	s0 =	rddreg [dreg:$0x0];
	s2 =	stileid.u32  }
0x55: {  	s1 =	rddreg [dreg:$0x1];
	p0 =	sne.s32 s2, $0x0  }
0x56: {  	s3 =	rddreg [dreg:$0x2];
	[bflag:$0x3] =	sbarrier.arrive $0xFFFF;
	s2 =	simm.s32 @!p0 $0x1C04  }
0x57: {  	[timem:s3], [sflag:s2] =	dma.local @!p0 [hbm:s0], s1  }
0x58: {  	s0 =	simm.s32 @!p0 $0x4  }
0x59: {  	_ =	swait.ge @!p0 [sflag:s0], s1  }
0x5a: {  	s1 =	ssub.s32 @!p0 $0x0, s1;
	[sflag:s0] =	ssyncset.done @!p0 $0x0  }
0x5b: {  	[sflag:s0] =	ssyncadd.s32 @!p0 s1  }
0x5c: {  	[bflag:$0x3] =	sbarrier.arrive $0xFFFF  }
0x5d: {  	_ =	shalt  }

// kernel: kernel.22.cloned.1.call-start
scs
__scs_entry_jumppad:
0x0: {  	(pc) =	sbr.rel $0x88, $3  }
0x1: {  	(tag) =	ssettag $0x0;
	lr =	simm.s32 $0x1  }
0x2: {  	[smem:$0x3F8F] =	sst lr;
	_ =	strace $0xD0000000  }
0x3: {  	_ = 	snop  }
0x4: {  	_ = 	snop  }
0x5: {  	_ = 	snop  }
0x6: {  	_ = 	snop  }
0x7: {  	_ = 	snop  }
__scs_overlays_trampoline_lowered:
0x8: {  	[smem:$0x3F9E] =	sst s0  }
0x9: {  	[smem:$0x3F9F] =	sst s1  }
0xa: {  	[smem:$0x3FA0] =	sst s2  }
0xb: {  	[smem:$0x3FA1] =	sst s3  }
0xc: {  	[smem:$0x3FA2] =	sst s4  }
0xd: {  	[smem:$0x3FA3] =	sst s5  }
0xe: {  	[smem:$0x3FA4] =	sst s6  }
0xf: {  	[smem:$0x3FA5] =	sst s7  }
0x10: {  	[smem:$0x3FA6] =	sst s8  }
0x11: {  	[smem:$0x3FA7] =	sst s9;
	s0 =	simm.s32 @!p0 $0x0  }
0x12: {  	s1 =	sld [smem:$0x3F8D];
	s0 =	simm.s32 @p0 $0x1  }
0x13: {  	[smem:$0x3FA8] =	sst s0;
	s0 =	simm.s32 @!p1 $0x0  }
0x14: {  	s2 =	sld [smem:$0x3F8C];
	s0 =	simm.s32 @p1 $0x1  }
0x15: {  	[smem:$0x3FA9] =	sst s0;
	s0 =	simm.s32 @!p2 $0x0  }
0x16: {  	s3 =	sld [smem:$0x3FDB];
	s0 =	simm.s32 @p2 $0x1  }
0x17: {  	s4 =	simm.s32 $0x1BF5;
	[smem:$0x3FAB] =	sst s0  }
0x18: {  	s0 =	sld [smem:$0x3F8E];
	_ =	swait.ge [sflag:s4], $0x0  }
0x19: {  	s7 =	sld [smem:$0x3F8F]  }
0x1a: {  	s8 =	sadd.s32 $0xFFFFE003, lr  }
0x1b: {  	s9 =	sadd.s32 $0xFFFFFEF7, lr;
	s5 =	simm.s32 $0xFFFFFFFF;
	p2 =	slt.u32 s8, $0xFFFFF086  }
0x1c: {  	p1 =	slt.u32 s9, $0xF7A;
	s5 =	simm.s32 @!p2 $0x0  }
0x1d: {  	s5 =	simm.s32 @p1 $0x1;
	p0 =	seq.s32 s7, s2  }
0x1e: {  	s7 =	smul.u32 @!p0 $0xF7A, s2;
	p2 =	seq.s32 @!p0 s5, $0x0  }
0x1f: {  	s9 =	smul.u32 $0xF7A, s1;
	s8 =	simm.s32 @!p0 $0x1BF5;
	p2 =	por !p2, p0  }
0x20: {  	[sflag:s8] =	ssyncset.s32 @!p0 $0xFFFFF086;
	s6 =	sadd.s32 @!p0 s3, s7;
	s7 =	simm.s32 @!p0 $0x108  }
0x21: {  	s3 =	sadd.s32 s3, s9;
	s6 =	sadd.s32 @!p0 $0x88, s6;
	s7 =	simm.s32 @p2 $0x1082  }
0x22: {  	[simem:s7], [sflag:s8] =	dma.local @!p0 [hbm:s6], $0xF7A  }
0x23: {  	s9 =	sor.u32 $0xD0000000, s2;
	s6 =	simm.s32 $0x108;
	_ =	swait.ge @!p0 [sflag:s8], $0x0  }
0x24: {  	s3 =	sadd.s32 $0x88, s3;
	s6 =	simm.s32 @!p1 $0x1082;
	[sflag:s4] =	ssyncset.s32 $0xFFFFF086  }
0x25: {  	[simem:s6], [sflag:s4] =	dma.local [hbm:s3], $0xF7A  }
0x26: {  	[smem:$0x3F8F] =	sst s1;
	(tag) =	ssettag s2;
	_ =	strace s9  }
0x27: {  	s1 =	sld [smem:$0x3F9F]  }
0x28: {  	s2 =	sld [smem:$0x3FA0]  }
0x29: {  	s4 =	sld [smem:$0x3FA2]  }
0x2a: {  	p0 =	seq.s32 s5, $0x0;
	s5 =	sld [smem:$0x3FA3]  }
0x2b: {  	s6 =	sld [smem:$0x3FA4]  }
0x2c: {  	s7 =	sld [smem:$0x3FA5]  }
0x2d: {  	s3 =	simm.s32 $0x108;
	s8 =	sld [smem:$0x3FA6]  }
0x2e: {  	s3 =	simm.s32 @!p0 $0x1082;
	s9 =	sld [smem:$0x3FA7]  }
0x2f: {  	lr =	sadd.s32 s0, s3;
	s0 =	sld [smem:$0x3F9E]  }
0x30: {  	s3 =	sld [smem:$0x3FA1]  }
0x31: {  	[smem:$0x3FAA] =	sst s10  }
0x32: {  	s10 =	sld [smem:$0x3FA8];
	_ =	sdelay $0x3  }
0x33: {  	p0 =	seq.s32 s10, $0x1;
	s10 =	sld [smem:$0x3FAA];
	_ =	sdelay $0x3  }
0x34: {  	[smem:$0x3FAA] =	sst s10  }
0x35: {  	s10 =	sld [smem:$0x3FA9];
	_ =	sdelay $0x3  }
0x36: {  	p1 =	seq.s32 s10, $0x1;
	s10 =	sld [smem:$0x3FAA];
	_ =	sdelay $0x3  }
0x37: {  	[smem:$0x3FAA] =	sst s10  }
0x38: {  	s10 =	sld [smem:$0x3FAB]  }
0x39: {  	_ = 	snop;
	(pc) =	sbr.ind lr, $3  }
0x3a: {  	_ = 	snop  }
0x3b: {  	_ = 	snop  }
0x3c: {  	p2 =	seq.s32 s10, $0x1;
	s10 =	sld [smem:$0x3FAA]  }
0x3d: {  	_ =	shalt  }
0x3e: {  	_ =	shalt  }
0x3f: {  	_ =	shalt  }
0x40: {  	_ =	shalt  }
0x41: {  	_ =	shalt  }
0x42: {  	_ =	shalt  }
0x43: {  	_ =	shalt  }
0x44: {  	_ =	shalt  }
0x45: {  	_ =	shalt  }
0x46: {  	_ =	shalt  }
0x47: {  	_ =	shalt  }
0x48: {  	_ =	shalt  }
0x49: {  	_ =	shalt  }
0x4a: {  	_ =	shalt  }
0x4b: {  	_ =	shalt  }
0x4c: {  	_ =	shalt  }
0x4d: {  	_ =	shalt  }
0x4e: {  	_ =	shalt  }
0x4f: {  	_ =	shalt  }
0x50: {  	_ =	shalt  }
0x51: {  	_ =	shalt  }
0x52: {  	_ =	shalt  }
0x53: {  	_ =	shalt  }
0x54: {  	_ =	shalt  }
0x55: {  	_ =	shalt  }
0x56: {  	_ =	shalt  }
0x57: {  	_ =	shalt  }
0x58: {  	_ =	shalt  }
0x59: {  	_ =	shalt  }
0x5a: {  	_ =	shalt  }
0x5b: {  	_ =	shalt  }
0x5c: {  	_ =	shalt  }
0x5d: {  	_ =	shalt  }
0x5e: {  	_ =	shalt  }
0x5f: {  	_ =	shalt  }
0x60: {  	_ =	shalt  }
0x61: {  	_ =	shalt  }
0x62: {  	_ =	shalt  }
0x63: {  	_ =	shalt  }
0x64: {  	_ =	shalt  }
0x65: {  	_ =	shalt  }
0x66: {  	_ =	shalt  }
0x67: {  	_ =	shalt  }
0x68: {  	_ =	shalt  }
0x69: {  	_ =	shalt  }
0x6a: {  	_ =	shalt  }
0x6b: {  	_ =	shalt  }
0x6c: {  	_ =	shalt  }
0x6d: {  	_ =	shalt  }
0x6e: {  	_ =	shalt  }
0x6f: {  	_ =	shalt  }
0x70: {  	_ =	shalt  }
0x71: {  	_ =	shalt  }
0x72: {  	_ =	shalt  }
0x73: {  	_ =	shalt  }
0x74: {  	_ =	shalt  }
0x75: {  	_ =	shalt  }
0x76: {  	_ =	shalt  }
0x77: {  	_ =	shalt  }
0x78: {  	_ =	shalt  }
0x79: {  	_ =	shalt  }
0x7a: {  	_ =	shalt  }
0x7b: {  	_ =	shalt  }
0x7c: {  	_ =	shalt  }
0x7d: {  	_ =	shalt  }
0x7e: {  	_ =	shalt  }
0x7f: {  	_ =	shalt  }
0x80: {  	_ =	shalt  }
0x81: {  	_ =	shalt  }
0x82: {  	_ =	shalt  }
0x83: {  	_ =	shalt  }
0x84: {  	_ =	shalt  }
0x85: {  	_ =	shalt  }
0x86: {  	_ =	shalt  }
0x87: {  	_ =	shalt  }
.Lfunc_end0:
.L_simem_size_0:
called_computation.3_lowered:
.L_overlay_start_0:
0x88: {  	s2 =	sld [smem:$0x3FD9]  }
0x89: {  	s3 =	sld [smem:$0x3FFE];
	_ =	sdelay $0x1  }
0x8a: {  	s1 =	srdreg.scid  }
0x8b: {  	s0 =	sand.u32 $0x1, s1  }
0x8c: {  	s17 =	sshll.u32 s0, $0xA;
	s2 =	sadd.s32 s3, s2  }
0x8d: {  	s2 =	sadd.s32 s2, s17  }
0x8e: {  	[smem:$0x3FB6] =	sst s2  }
0x8f: {  	_ = 	snop  }
0x90: {  	s2 =	sld [smem:$0x3FC7]  }
0x91: {  	s18 =	sld [smem:$0x3FC6];
	(tm) =	ssettm $0x1  }
0x92: {  	s4 =	sld [smem:$0x3FFB];
	_ =	sdelay $0x3  }
0x93: {  	_ =	strace s4  }
0x94: {  	s4 =	sld [smem:$0x3FFC];
	_ =	sdelay $0x3  }
0x95: {  	_ =	strace s4  }
0x96: {  	s4 =	sld [smem:$0x3FFD];
	_ =	sdelay $0x3  }
0x97: {  	_ =	strace s4  }
0x98: {  	_ =	strace $0x8FFFFFFF  }
0x99: {  	s19 =	sld [smem:$0x3FDB];
	_ =	sdelay $0x1  }
0x9a: {  	s5 =	simm.s32 $_scs_section_size  }
0x9b: {  	s6 =	simm.s32 $_size__tile_overlayer_lowered;
	s7 =	simm.s32 $_tile_overlayer_lowered  }
0x9c: {  	s22 =	simm.s32 $0x1BFF;
	s21 =	sshll.u32 s7, $0x1;
	s4 =	sadd.s32 s5, s19  }
0x9d: {  	s8 =	simm.s32 $0x0;
	s20 =	sshll.u32 s6, $0x1;
	s6 =	sadd.s32 s21, s4  }
0x9e: {  	[timem:s8], [sflag:s22] =	dma.local [hbm:s6], s20  }
0x9f: {  	_ =	swait.ge [sflag:s22], s20  }
0xa0: {  	s5 =	ssub.s32 $0x0, s20;
	[sflag:s22] =	ssyncset.done $0x0  }
0xa1: {  	[sflag:s22] =	ssyncadd.s32 s5;
	_ =	sdelay $0x1  }
0xa2: {  	s23 =	simm.s32 $0x1B8B  }
0xa3: {  	_ =	swait.ge [sflag:s23], $0x1  }
0xa4: {  	[sflag:s23] =	ssyncset.done $0x0  }
0xa5: {  	s25 =	simm.s32 $0x1B8E;
	s24 =	sld [smem:$0x3FFE];
	[sflag:s23] =	ssyncadd.s32 $0xFFFFFFFF  }
0xa6: {  	s26 =	simm.s32 $execute0_lowered;
	[smem:$0x3FD2] =	sst s25  }
0xa7: {  	s6 =	sshll.u32 s26, $0x1;
	_ =	strace $0x8000004F;
	[dreg:$0x1] =	wrdreg $0xFFFFFFFF  }
0xa8: {  	s28 =	simm.s32 $_size_execute0_lowered;
	s4 =	sadd.s32 s4, s6;
	[dreg:$0x0] =	wrdreg $0x0  }
0xa9: {  	s6 =	sshll.u32 s28, $0x1;
	[dreg:$0x2] =	wrdreg s4  }
0xaa: {  	[dreg:$0x3] =	wrdreg s6  }
0xab: {  	[dreg:$0x4] =	wrdreg $0xC0  }
0xac: {  	_ =	task [dreg:s8], $0x5FFFF  }
0xad: {  	[dreg:$0x1] =	wrdreg $0xFFFFFFFF  }
0xae: {  	[dreg:$0x0] =	wrdreg $0x60  }
0xaf: {  	[dreg:$0x2] =	wrdreg s24  }
0xb0: {  	[dreg:$0x3] =	wrdreg s2  }
0xb1: {  	[dreg:$0x4] =	wrdreg s18  }
0xb2: {  	[dreg:$0x5] =	wrdreg $0x78000  }
0xb3: {  	[dreg:$0x6] =	wrdreg $0x9  }
0xb4: {  	_ =	task.clear_ibuf [dreg:s8], $0x7FFFF;
	_ =	strace $0x9000004F  }
0xb5: {  	s29 =	simm.s32 $0x9;
	_ =	strace $0x80000051  }
0xb6: {  	_ =	swait.ge [sflag:s29], $0x1  }
0xb7: {  	[sflag:s29] =	ssyncadd.s32 $0xFFFFFFFF  }
0xb8: {  	_ =	strace $0x90000051  }
0xb9: {  	_ =	sfence  }
0xba: {  	s30 =	sld [smem:$0x0];
	_ =	sdelay $0x2  }
0xbb: {  	s31 =	sshll.u32 s1, $0xD;
	s1 =	sshrl.u32 s1, $0x2  }
0xbc: {  	s3 =	sand.u32 $0x4000, s31;
	s1 =	sadd.s32 s1, s30  }
0xbd: {  	s0 =	sor.u32 s3, s0;
	s1 =	sshll.u32 s1, $0x11  }
0xbe: {  	s0 =	sor.u32 s1, s0  }
0xbf: {  	s0 =	sadd.s32 $0x8F2B, s0  }
0xc0: {  	[sflag:s0] =	ssyncadd.remote.s32 $0x1  }
0xc1: {  	_ =	sfence.sel $0xFFFF  }
0xc2: {  	[dreg:$0x0] =	wrdreg $0xFFFFFFFF;
	(pc) =	sbr.abs _section_cstart, $3  }
0xc3: {  	[dreg:$0x1] =	wrdreg $0xFFFFFFFF  }
0xc4: {  	_ =	task.clear_ibuf [dreg:s8], $0x2FFFF;
	_ =	strace $0x9FFFFFFF  }
0xc5: {  	(tm) =	ssettm $0x7FFFFFFF  }
tec
execute0_lowered:
.L_overlay_start_1:
0x0: {  	(tag) =	ssettag $0x1  }
0x1: {  	s7 =	rddreg [dreg:$0x0]  }
0x2: {  	s1 =	rddreg [dreg:$0x1]  }
0x3: {  	s2 =	rddreg [dreg:$0x2]  }
0x4: {  	s3 =	rddreg [dreg:$0x3]  }
0x5: {  	s0 =	rddreg [dreg:$0x4];
	s4 =	simm.s32 $0x0;
	s5 =	srdreg.scid  }
0x6: {  	s14 =	simm.s32 $0x1800;
	s15 =	simm.s32 $0x3800;
	s16 =	simm.s32 $0x100  }
0x7: {  	s17 =	simm.s32 $0x5800;
	[smem:$0x7FF] =	sst s4;
	s6 =	sand.u32 $0x1, s5  }
0x8: {  	s5 =	stileid.u32;
	_ =	strace $0x80000050;
	s8 =	smul.u32 $0x30000, s6  }
0x9: {  	s9 =	ssub.s32 $0x2, s6;
	s6 =	sadd.s32 $0x6FC00, s7;
	s11 =	smul.u32 $0x18000, s5  }
0xa: {  	s31 =	sshll.u32 s5, $0x6;
	s10 =	sshrl.u32 s9, $0x1;
	s12 =	sadd.s32 s8, s7  }
0xb: {  	s10 =	ssub.s32 s9, s10;
	s13 =	sadd.s32 s11, s3;
	s7 =	sor.u32 $0x1C04, s31  }
0xc: {  	s8 =	smul.u32 $0xC0, s5;
	s19 =	sshrl.u32 s11, $0x3;
	s9 =	sadd.s32 $0x3200, s12  }
0xd: {  	s18 =	sadd.s32 $0x72C00, s12;
	s10 =	smax.u32 s10, $0x1;
	s11 =	sshrl.u32 s13, $0x3  }
0xe: {  	s12 =	simm.s32 $0x4;
	s13 =	simm.s32 $0x80;
	s18 =	sadd.s32 s19, s18  }
.LBB2_1:
0xf: {  	[spmem:s11], [sflag:s7] =	dma.local [hbm:s6], $0x3000  }
0x10: {  	_ =	swait.ge [sflag:s12], $0x3000  }
0x11: {  	[sflag:s12] =	ssyncset.done $0x0  }
0x12: {  	[sflag:s12] =	ssyncadd.s32 $0xFFFFD000  }
0x13: {  	s19 =	simm.s32 $0x0;
	[bflag:$0x0] =	sbarrier.arrive $0xFFFF  }
.LBB2_2:
0x14: {  	s20 =	smul.u32 $0x18, s19;
	_ =	sdelay $0x1  }
0x15: {  	s20 =	sadd.s32 s8, s20  }
0x16: {  	s20 =	sshll.u32 s20, $0x4  }
0x17: {  	s22 =	simm.s32 $0x0;
	s21 =	sadd.s32 s1, s20  }
0x18: {  	[tilespmem:s22], [sflag:$0x4] =	stream.linear.gather [hbm4b:s21+s22], $0xC00, $0x38;
	[tilespmem:$0x1F800] =	vst v63  }
0x19: {  	_ =	swait.ge [sflag:s12], $0xC00  }
0x1a: {  	s23 =	simm.s32 $0xC00;
	[sflag:s12] =	ssyncset.done $0x0  }
0x1b: {  	s30 =	smul.u32 $0xAB, s22;
	s20 =	sadd.s32 s2, s20;
	[sflag:s12] =	ssyncadd.s32 $0xFFFFF400  }
0x1c: {  	[tilespmem:s23], [sflag:$0x4] =	stream.linear.gather [hbm4b:s20+s22], $0xC00, $0x38;
	[tilespmem:$0x1F800] =	vst v63  }
0x1d: {  	s20 =	sshrl.u32 s30, $0x9;
	_ =	swait.ge [sflag:s12], $0xC00  }
0x1e: {  	s20 =	sand.u32 $0x7F, s20;
	[sflag:s12] =	ssyncset.done $0x0  }
0x1f: {  	s20 =	smul.u32 $0x3, s20;
	[sflag:s12] =	ssyncadd.s32 $0xFFFFF400  }
0x20: {  	[tilespmem:s14], [sflag:$0x1] =	stream.indirect.gather [hbm4b:s9+s13], $0x40, s22, s13, $0xb8;
	[tilespmem:$0x1F800] =	vst v63  }
0x21: {  	s31 =	ssub.s32 $0x0, s20  }
0x22: {  	p0 =	por $0x0, $0x0;
	s20 =	simm.s32 $0x1;
	s24 =	sand.u32 $0xFF, s31  }
0x23: {  	[tilespmem:s15], [sflag:$0x2] =	stream.indirect.gather [hbm4b:s9+s13], $0x40, s13, s13, $0xb8;
	[tilespmem:$0x1F800] =	vst v63  }
0x24: {  	s21 =	simm.s32 $0x180;
	s25 =	smul.u32 $0xAB, s20;
	s22 =	sadd.s32 $0x1, s24  }
0x25: {  	[tilespmem:s17], [sflag:$0x3] =	stream.indirect.gather [hbm4b:s9+s13], $0x40, s16, s13, $0xb8;
	[tilespmem:$0x1F800] =	vst v63  }
0x26: {  	s24 =	sshll.u32 s24, $0xD;
	s25 =	sshrl.u32 s25, $0x9;
	_ =	swait.ge [sflag:s22], $0x2000  }
0x27: {  	s26 =	sor.u32 $0x1800, s24;
	s25 =	sand.u32 $0x7F, s25;
	[sflag:s22] =	ssyncset.done $0x0  }
0x28: {  	s24 =	simm.s32 $0x2;
	s28 =	smul.u32 $0x3, s25;
	[sflag:s22] =	ssyncadd.s32 $0xFFFFE000  }
0x29: {  	[spmem:s3] =	stream.indirect.scatter.add.f32 [tilespmem:s26], [sflag:$0x4], $0x40, s23, s13, $0xb8;
	[tilespmem:$0x1F800] =	vst v63  }
0x2a: {  	s25 =	simm.s32 $0x180;
	s23 =	simm.s32 $0xC80;
	_ =	swait.ge [sflag:s12], $0x2000  }
.LBB2_3:
0x2b: {  	[sflag:s12] =	ssyncset.done $0x0;
	s21 =	sadd.s32 $0x80, s21  }
0x2c: {  	s29 =	smov.u32 s20;
	s20 =	smov.u32 s24;
	s24 =	sadd.s32 $0x1, s24  }
0x2d: {  	p1 =	sne.s32 s24, $0x18;
	s28 =	ssub.s32 s29, s28;
	[sflag:s12] =	ssyncadd.s32 $0xFFFFE000  }
0x2e: {  	s30 =	simm.s32 @!p0 $0x80;
	s28 =	sand.u32 $0xFF, s28  }
0x2f: {  	s31 =	sshll.u32 s28, $0xD;
	s28 =	sadd.s32 $0x1, s28  }
0x30: {  	[tilespmem:s26], [sflag:s22] =	stream.indirect.gather @!p0 [hbm4b:s9+s30], $0x40, s25, s30, $0xb8;
	[tilespmem:$0x1F800] =	vst v63  }
0x31: {  	s26 =	smul.u32 $0xAB, s20;
	s25 =	smov.u32 s21;
	s22 =	smov.u32 s28  }
.Ltmp0:
0x32: {  	_ =	swait.ge [sflag:s22], $0x2000;
	(pc) =	sbr.rel @p1 .LBB2_3-.Ltmp0, $4  }
0x33: {  	p0 =	sgt.u32 s29, $0x14;
	s26 =	sshrl.u32 s26, $0x9;
	[sflag:s22] =	ssyncset.done $0x0  }
0x34: {  	s28 =	sand.u32 $0x7F, s26;
	s26 =	sor.u32 $0x1800, s31;
	[sflag:s22] =	ssyncadd.s32 $0xFFFFE000  }
0x35: {  	[spmem:s3] =	stream.indirect.scatter.add.f32 [tilespmem:s26], [sflag:$0x4], $0x40, s23, s13, $0xb8;
	[tilespmem:$0x1F800] =	vst v63  }
0x36: {  	s28 =	smul.u32 $0x3, s28;
	s23 =	sadd.s32 $0x80, s23;
	_ =	swait.ge [sflag:s12], $0x2000  }
0x37: {  	_ = 	snop  }
0x38: {  	[sflag:s12] =	ssyncset.done $0x0;
	s24 =	ssub.s32 s20, s28  }
0x39: {  	[sflag:s12] =	ssyncadd.s32 $0xFFFFE000;
	s28 =	simm.s32 @!p0 $0x80;
	s24 =	sand.u32 $0xFF, s24  }
0x3a: {  	[tilespmem:s26], [sflag:s22] =	stream.indirect.gather @!p0 [hbm4b:s9+s28], $0x40, s25, s28, $0xb8;
	[tilespmem:$0x1F800] =	vst v63  }
0x3b: {  	s29 =	sadd.s32 $0x1, s24  }
0x3c: {  	_ =	swait.ge [sflag:s29], $0x2000  }
0x3d: {  	s31 =	sshll.u32 s24, $0xD;
	[sflag:s29] =	ssyncset.done $0x0  }
0x3e: {  	s22 =	sor.u32 $0x1800, s31;
	[sflag:s29] =	ssyncadd.s32 $0xFFFFE000  }
0x3f: {  	[spmem:s3] =	stream.indirect.scatter.add.f32 [tilespmem:s22], [sflag:$0x4], $0x40, s23, s13, $0xb8;
	[tilespmem:$0x1F800] =	vst v63  }
0x40: {  	_ =	swait.ge [sflag:s12], $0x2000  }
0x41: {  	s19 =	sadd.s32 $0x1, s19;
	p0 =	sgt.u32 s20, $0x14;
	[sflag:s12] =	ssyncset.done $0x0  }
0x42: {  	s20 =	sadd.s32 $0x80, s21;
	s21 =	simm.s32 @!p0 $0x80;
	[sflag:s12] =	ssyncadd.s32 $0xFFFFE000  }
0x43: {  	[tilespmem:s22], [sflag:s29] =	stream.indirect.gather @!p0 [hbm4b:s9+s21], $0x40, s20, s21, $0xb8;
	[tilespmem:$0x1F800] =	vst v63  }
0x44: {  	p0 =	sne.s32 s19, $0x8  }
.Ltmp1:
0x45: {  	_ = 	snop;
	(pc) =	sbr.rel @p0 .LBB2_2-.Ltmp1, $1  }
0x46: {  	_ =	sdelay $0x3  }
0x47: {  	s4 =	sadd.s32 $0x1, s4  }
0x48: {  	p0 =	sne.s32 s4, s10  }
.Ltmp2:
0x49: {  	[bflag:$0x0] =	sbarrier.arrive $0xFFFF;
	(pc) =	sbr.rel @p0 .LBB2_1-.Ltmp2, $4  }
0x4a: {  	[hbm:s18], [sflag:s7] =	dma.local [spmem:s11], $0x3000  }
0x4b: {  	_ =	swait.ge [sflag:s12], $0x3000  }
0x4c: {  	[sflag:s12] =	ssyncset.done $0x0  }
0x4d: {  	[sflag:s12] =	ssyncadd.s32 $0xFFFFD000  }
0x4e: {  	_ =	sfence.sel $0x180000  }
0x4f: {  	[bflag:$0x0] =	sbarrier.arrive $0xFFFF  }
0x50: {  	p0 =	sne.s32 s5, $0x0;
	_ =	strace $0x90000050  }
0x51: {  	s0 =	sadd.s32 @!p0 $0x100000, s0;
	[bflag:$0x2] =	sbarrier.arrive $0xFFFF  }
0x52: {  	[sflag:s0] =	ssyncadd.tile.s32 @!p0 $0x1;
	_ =	shalt  }
.Lfunc_end2:
_tile_overlayer_lowered:
.L_overlay_start_2:
0x53: {  	(tag) =	ssettag $0x2  }
0x54: {  	s0 =	rddreg [dreg:$0x0];
	s2 =	stileid.u32  }
0x55: {  	s1 =	rddreg [dreg:$0x1];
	p0 =	sne.s32 s2, $0x0  }
0x56: {  	s3 =	rddreg [dreg:$0x2];
	[bflag:$0x3] =	sbarrier.arrive $0xFFFF;
	s2 =	simm.s32 @!p0 $0x1C04  }
0x57: {  	[timem:s3], [sflag:s2] =	dma.local @!p0 [hbm:s0], s1  }
0x58: {  	s0 =	simm.s32 @!p0 $0x4  }
0x59: {  	_ =	swait.ge @!p0 [sflag:s0], s1  }
0x5a: {  	s1 =	ssub.s32 @!p0 $0x0, s1;
	[sflag:s0] =	ssyncset.done @!p0 $0x0  }
0x5b: {  	[sflag:s0] =	ssyncadd.s32 @!p0 s1  }
0x5c: {  	[bflag:$0x3] =	sbarrier.arrive $0xFFFF  }
0x5d: {  	_ =	shalt  }

</sc_bundles>
